<compile_context>
chip_gen: v7x
topology: tpu7x:2x2x1
jax: 0.10.2.dev20260603
libtpu: 0.0.44.dev20260713+nightly
codegen_flags: <defaults>
</compile_context>

<pallas_src>
import functools

import jax
import jax.numpy as jnp
from jax import lax
from jax.experimental import pallas as pl
from jax.experimental.pallas import tpu as pltpu
from jax.experimental.pallas import tpu_sc as plsc

N_REAL = 10000
NP = 10240
E_REAL = 320000
NC_SC = 2
NS_SC = 16
NW = NC_SC * NS_SC
CHUNK = 128
CPT = -(-E_REAL // (NW * CHUNK))
EP = NW * CHUNK * CPT
ROWS_PER_TILE = NP // NS_SC
RB_PER_TILE = ROWS_PER_TILE // CHUNK

NCP = 2048
BR = 256


def _make_mp(width):
    mesh = plsc.VectorSubcoreMesh(core_axis_name="c", subcore_axis_name="s")

    @functools.partial(
        pl.kernel, mesh=mesh,
        out_type=jax.ShapeDtypeStruct((NC_SC, NP, width), jnp.float32),
        scratch_types=[
            pltpu.VMEM((CHUNK,), jnp.int32),
            pltpu.VMEM((CHUNK,), jnp.int32),
            pltpu.VMEM((CHUNK, width), jnp.float32),
            pltpu.VMEM_SHARED((NP, width), jnp.float32),
            pltpu.SemaphoreType.DMA,
        ],
    )
    def mp(table_hbm, src_hbm, dst_hbm, zeros_hbm, acc_out,
           sidx, didx, rows, acc, sem):
        c = lax.axis_index("c")
        s = lax.axis_index("s")
        wid = s * NC_SC + c
        pltpu.sync_copy(zeros_hbm, rows)
        for k in range(RB_PER_TILE):
            off = s * ROWS_PER_TILE + k * CHUNK
            pltpu.sync_copy(rows, acc.at[pl.ds(off, CHUNK)])
        plsc.subcore_barrier()
        base0 = wid * (CHUNK * CPT)

        def body(g, carry):
            b = pl.multiple_of(base0 + g * CHUNK, CHUNK)
            pltpu.sync_copy(dst_hbm.at[pl.ds(b, CHUNK)], didx)
            pltpu.sync_copy(src_hbm.at[pl.ds(b, CHUNK)], sidx)
            pltpu.async_copy(table_hbm.at[sidx], rows, sem).wait()
            pltpu.sync_copy(rows, acc.at[didx], add=True)
            return carry

        lax.fori_loop(0, CPT, body, 0)
        plsc.subcore_barrier()
        for k in range(RB_PER_TILE):
            off = s * ROWS_PER_TILE + k * CHUNK
            pltpu.sync_copy(acc.at[pl.ds(off, CHUNK)], rows)
            pltpu.sync_copy(rows, acc_out.at[c, pl.ds(off, CHUNK)])

    return mp


def _make_deg():
    mesh = plsc.VectorSubcoreMesh(core_axis_name="c", subcore_axis_name="s")

    @functools.partial(
        pl.kernel, mesh=mesh,
        out_type=jax.ShapeDtypeStruct((NC_SC, NP), jnp.float32),
        scratch_types=[
            pltpu.VMEM((CHUNK,), jnp.int32),
            pltpu.VMEM((CHUNK,), jnp.float32),
            pltpu.VMEM((ROWS_PER_TILE,), jnp.float32),
            pltpu.VMEM_SHARED((NP,), jnp.float32),
        ],
    )
    def deg(ones_hbm, dst_hbm, zeros_hbm, acc_out, didx, ones_v, zbuf, acc):
        c = lax.axis_index("c")
        s = lax.axis_index("s")
        wid = s * NC_SC + c
        pltpu.sync_copy(zeros_hbm, zbuf)
        pltpu.sync_copy(zbuf, acc.at[pl.ds(s * ROWS_PER_TILE, ROWS_PER_TILE)])
        plsc.subcore_barrier()
        pltpu.sync_copy(ones_hbm, ones_v)
        base0 = wid * (CHUNK * CPT)

        def body(g, carry):
            b = pl.multiple_of(base0 + g * CHUNK, CHUNK)
            pltpu.sync_copy(dst_hbm.at[pl.ds(b, CHUNK)], didx)
            pltpu.sync_copy(ones_v, acc.at[didx], add=True)
            return carry

        lax.fori_loop(0, CPT, body, 0)
        plsc.subcore_barrier()
        pltpu.sync_copy(acc.at[pl.ds(s * ROWS_PER_TILE, ROWS_PER_TILE)], zbuf)
        pltpu.sync_copy(zbuf, acc_out.at[c, pl.ds(s * ROWS_PER_TILE, ROWS_PER_TILE)])

    return deg


def _k_first(dacc_ref, fx_ref, w_ref, dinv_ref, hp_ref):
    deg = dacc_ref[0, :, 0:1] + dacc_ref[1, :, 0:1] + 1.0
    dinv = lax.rsqrt(deg)
    dinv_ref[...] = dinv
    h = jnp.dot(fx_ref[...], w_ref[...], preferred_element_type=jnp.float32)
    hp_ref[...] = h * dinv


def _k_mid(acc_ref, hp_ref, dinv_ref, b_ref, w_ref, out_ref):
    dinv = dinv_ref[...]
    pre = dinv * (acc_ref[0] + acc_ref[1] + hp_ref[...]) + b_ref[...]
    act = jnp.maximum(pre, 0.0)
    h = jnp.dot(act, w_ref[...], preferred_element_type=jnp.float32)
    out_ref[...] = h * dinv


def _k_mid_y(acc_ref, hp_ref, dinv_ref, b_ref, wy_ref, wx_ref, y3_ref, out_ref):
    dinv = dinv_ref[...]
    pre = dinv * (acc_ref[0] + acc_ref[1] + hp_ref[...]) + b_ref[...]
    act = jnp.maximum(pre, 0.0)
    h = (jnp.dot(y3_ref[...], wy_ref[...], preferred_element_type=jnp.float32)
         + jnp.dot(act, wx_ref[...], preferred_element_type=jnp.float32))
    out_ref[...] = h * dinv


def _k_final(acc_ref, hp_ref, dinv_ref, b_ref, out_ref):
    out_ref[...] = (dinv_ref[...] * (acc_ref[0] + acc_ref[1] + hp_ref[...])
                    + b_ref[...])


def _k_knn(pf_ref, pcT_ref, cy_ref, out_ref):
    pf = pf_ref[...]
    pcx = pcT_ref[0:1, :]
    pcy = pcT_ref[1:2, :]
    dx = pf[:, 0:1] - pcx
    dy = pf[:, 1:2] - pcy
    d2 = dx * dx + dy * dy
    cols = lax.broadcasted_iota(jnp.int32, (BR, NCP), 1)
    num = jnp.zeros((BR, 3), jnp.float32)
    wsum = jnp.zeros((BR, 1), jnp.float32)
    rem = d2
    for _ in range(3):
        m = jnp.min(rem, axis=1, keepdims=True)
        first = jnp.min(jnp.where(rem == m, cols, NCP), axis=1, keepdims=True)
        sel = jnp.where(cols == first, 1.0, 0.0)
        w = 1.0 / jnp.maximum(m, 1e-16)
        num = num + w * jnp.dot(sel, cy_ref[...],
                                preferred_element_type=jnp.float32)
        wsum = wsum + w
        rem = jnp.where(cols == first, jnp.float32(3e38), rem)
    out_ref[...] = num / wsum


def kernel(x, sdf, edge_index, coarse_x, coarse_y,
           W_pre0, b_pre0, W_pre1, b_pre1, W_pre2, b_pre2,
           W_end0, b_end0, W_end1, b_end1, W_end2, b_end2):
    f32 = jnp.float32
    xp = jnp.pad(x, ((0, NP - N_REAL), (0, 0)))
    sdfp = jnp.pad(sdf, ((0, NP - N_REAL), (0, 0)))
    fx = jnp.concatenate([xp, sdfp], axis=1)
    pad = EP - E_REAL
    padi = jnp.arange(pad, dtype=jnp.int32)
    srcp = jnp.concatenate([edge_index[0], padi % N_REAL])
    dstp = jnp.concatenate([edge_index[1], N_REAL + padi % (NP - N_REAL)])
    zeros128 = jnp.zeros((CHUNK, 128), f32)
    zeros1d = jnp.zeros((ROWS_PER_TILE,), f32)
    ones1d = jnp.ones((CHUNK,), f32)
    pcT = jnp.pad(coarse_x[:, :2].T, ((0, 0), (0, NCP - coarse_x.shape[0])),
                  constant_values=1e9)
    cyp = jnp.pad(coarse_y[:, :3], ((0, NCP - coarse_y.shape[0]), (0, 0)))
    w_end2p = jnp.pad(W_end2, ((0, 0), (0, 128 - W_end2.shape[1])))
    b_end2p = jnp.pad(b_end2, (0, 128 - b_end2.shape[0]))[None, :]
    b2 = lambda b: b[None, :]

    mp128 = _make_mp(128)

    dacc = _make_deg()(ones1d, dstp, zeros1d)[:, :, None]

    dinv, hp = pl.pallas_call(
        _k_first,
        out_shape=[jax.ShapeDtypeStruct((NP, 1), f32),
                   jax.ShapeDtypeStruct((NP, 128), f32)],
    )(dacc, fx, W_pre0)

    y3 = pl.pallas_call(
        _k_knn,
        grid=(NP // BR,),
        in_specs=[pl.BlockSpec((BR, 2), lambda i: (i, 0)),
                  pl.BlockSpec((2, NCP), lambda i: (0, 0)),
                  pl.BlockSpec((NCP, 3), lambda i: (0, 0))],
        out_specs=pl.BlockSpec((BR, 3), lambda i: (i, 0)),
        out_shape=jax.ShapeDtypeStruct((NP, 3), f32),
    )(xp[:, :2], pcT, cyp)

    mid = pl.pallas_call(
        _k_mid,
        out_shape=jax.ShapeDtypeStruct((NP, 128), f32),
    )

    acc = mp128(hp, srcp, dstp, zeros128)
    hp = mid(acc, hp, dinv, b2(b_pre0), W_pre1)
    acc = mp128(hp, srcp, dstp, zeros128)
    hp = mid(acc, hp, dinv, b2(b_pre1), W_pre2)
    acc = mp128(hp, srcp, dstp, zeros128)
    hp = pl.pallas_call(
        _k_mid_y,
        out_shape=jax.ShapeDtypeStruct((NP, 128), f32),
    )(acc, hp, dinv, b2(b_pre2), W_end0[:3], W_end0[3:], y3)
    acc = mp128(hp, srcp, dstp, zeros128)
    hp = mid(acc, hp, dinv, b2(b_end0), W_end1)
    acc = mp128(hp, srcp, dstp, zeros128)
    hp = mid(acc, hp, dinv, b2(b_end1), w_end2p)
    acc = mp128(hp, srcp, dstp, zeros128)
    out = pl.pallas_call(
        _k_final,
        out_shape=jax.ShapeDtypeStruct((NP, 128), f32),
    )(acc, hp, dinv, b_end2p)
    return out[:N_REAL, :3]

# --- scband reference (transcript-rebuilt; emitter-appended) ---
"""Pipeline reference for scband-cfdgcn-86122684219973 (READ-ONLY COPY).

The authoritative reference and input builder live on the scoring server;
editing this copy changes nothing except your own understanding.
"""

import jax, jax.numpy as jnp
import numpy as np


def _gcn(x, src, dst, n, W, b):
    h = x @ W
    deg = jnp.zeros((n,), h.dtype).at[dst].add(1.0)
    dinv = jnp.where(deg > 0, 1.0 / jnp.sqrt(deg), 0.0)
    norm = dinv[src] * dinv[dst]
    out = jnp.zeros_like(h).at[dst].add(h[src] * norm[:, None])
    return out + b


def _knn_interp(y, pos_c, pos_f, k=3):
    d2 = jnp.sum((pos_f[:, None, :] - pos_c[None, :, :]) ** 2, axis=-1)
    nd, idx = jax.lax.top_k(-d2, k)
    w = 1.0 / jnp.clip(-nd, 1e-16)
    num = jnp.sum(y[idx] * w[..., None], axis=1)
    return num / jnp.sum(w, axis=1, keepdims=True)


def setup_inputs(seed: int = 0) -> dict:
    key = jax.random.key(seed)
    ks = jax.random.split(key, 16)
    N, E, NC, HID, OUT = 10000, 320000, 2000, 128, 3

    def glorot(k, shp):
        lim = float(np.sqrt(6.0 / (shp[0] + shp[1])))
        return jax.random.uniform(k, shp, jnp.float32, -lim, lim)

    inp = {}
    inp['x'] = jax.random.normal(ks[0], (N, 5), jnp.float32)
    inp['sdf'] = jax.random.uniform(ks[1], (N, 1), jnp.float32)
    inp['edge_index'] = jax.random.randint(ks[2], (2, E), 0, N, jnp.int32)
    inp['coarse_x'] = jax.random.normal(ks[3], (NC, 5), jnp.float32)
    inp['coarse_y'] = jax.random.normal(ks[4], (NC, 3), jnp.float32)
    inp['W_pre0'] = glorot(ks[5], (6, HID)); inp['b_pre0'] = jnp.zeros((HID,), jnp.float32)
    inp['W_pre1'] = glorot(ks[6], (HID, HID)); inp['b_pre1'] = jnp.zeros((HID,), jnp.float32)
    inp['W_pre2'] = glorot(ks[7], (HID, HID)); inp['b_pre2'] = jnp.zeros((HID,), jnp.float32)
    inp['W_end0'] = glorot(ks[8], (OUT + HID, HID)); inp['b_end0'] = jnp.zeros((HID,), jnp.float32)
    inp['W_end1'] = glorot(ks[9], (HID, HID)); inp['b_end1'] = jnp.zeros((HID,), jnp.float32)
    inp['W_end2'] = glorot(ks[10], (HID, OUT)); inp['b_end2'] = jnp.zeros((OUT,), jnp.float32)
    return inp


def reference(x, sdf, edge_index, coarse_x, coarse_y,
              W_pre0, b_pre0, W_pre1, b_pre1, W_pre2, b_pre2,
              W_end0, b_end0, W_end1, b_end1, W_end2, b_end2):
    N = x.shape[0]
    loop = jnp.arange(N, dtype=edge_index.dtype)
    src = jnp.concatenate([edge_index[0], loop])
    dst = jnp.concatenate([edge_index[1], loop])
    # pre convs: fine_x = cat([x, sdf])  (saf=0, dsdf=0 -> 5+1=6 channels)
    fine_x = jnp.concatenate([x, sdf], axis=1)
    fine_x = jax.nn.relu(_gcn(fine_x, src, dst, N, W_pre0, b_pre0))
    fine_x = jax.nn.relu(_gcn(fine_x, src, dst, N, W_pre1, b_pre1))
    fine_x = jax.nn.relu(_gcn(fine_x, src, dst, N, W_pre2, b_pre2))
    # upsample coarse solution onto fine mesh via 3-NN inverse-distance interpolation
    fine_y_orig = _knn_interp(coarse_y[:, :3], coarse_x[:, :2], x[:, :2], 3)
    fine_y = jnp.concatenate([fine_y_orig, fine_x], axis=1)
    fine_y = jax.nn.relu(_gcn(fine_y, src, dst, N, W_end0, b_end0))
    fine_y = jax.nn.relu(_gcn(fine_y, src, dst, N, W_end1, b_end1))
    fine_y = _gcn(fine_y, src, dst, N, W_end2, b_end2)
    return fine_y

if __name__ == "__main__":
    import jax
    _d = setup_inputs()
    print(jax.jit(kernel)(*tuple(_d.values())))

</pallas_src>

<mosaic_0001>
#map = affine_map<(d0, d1) -> (0, 0)>
#map1 = affine_map<(d0, d1) -> (0)>
#map2 = affine_map<(d0, d1) -> (0, 0, 0)>
module attributes {stable_mosaic.version = 14 : i64} {
  func.func @mp(%arg0: i32, %arg1: i32, %arg2: memref<10240x128xf32, #tpu.memory_space<hbm>>, %arg3: memref<323584xi32, #tpu.memory_space<hbm>>, %arg4: memref<323584xi32, #tpu.memory_space<hbm>>, %arg5: memref<128x128xf32, #tpu.memory_space<hbm>>, %arg6: memref<2x10240x128xf32, #tpu.memory_space<hbm>>, %arg7: memref<128xi32, #tpu.memory_space<vmem>>, %arg8: memref<128xi32, #tpu.memory_space<vmem>>, %arg9: memref<128x128xf32, #tpu.memory_space<vmem>>, %arg10: memref<10240x128xf32, #tpu.memory_space<vmem_shared>>, %arg11: memref<!tpu.dma_semaphore, #tpu.memory_space<semaphore_mem>>) attributes {dimension_semantics = [#tpu.dimension_semantics<core_parallel>, #tpu.dimension_semantics<subcore_parallel>], iteration_bounds = array<i64: 2, 16>, scalar_prefetch = 0 : i64, scratch_operands = 5 : i64, tpu.core_type = #tpu.core_type<sc_vector_subcore>, window_params = [{transform_indices = #map}, {transform_indices = #map1}, {transform_indices = #map1}, {transform_indices = #map}, {transform_indices = #map2}]} {
    %mul3A = arith.constant 2 : i32
    %mul3A_0 = arith.muli %arg1, %mul3A : i32
    %add3A = arith.addi %mul3A_0, %arg0 : i32
    "tpu.region"() ({
      %run_scoped3A = tpu.sem_alloc : memref<!tpu.dma_semaphore, #tpu.memory_space<semaphore_mem>>
      tpu.enqueue_dma source(%arg5 : memref<128x128xf32, #tpu.memory_space<hbm>>) target(%arg9 : memref<128x128xf32, #tpu.memory_space<vmem>>) target_semaphore(%run_scoped3A : memref<!tpu.dma_semaphore, #tpu.memory_space<semaphore_mem>>)
      tpu.wait_dma2 semaphore(%run_scoped3A : memref<!tpu.dma_semaphore, #tpu.memory_space<semaphore_mem>>) src(%arg5 : memref<128x128xf32, #tpu.memory_space<hbm>>) dst(%arg9 : memref<128x128xf32, #tpu.memory_space<vmem>>)
      tpu.yield
    }) : () -> ()
    %mul3A_1 = arith.constant 640 : i32
    %mul3A_2 = arith.muli %arg1, %mul3A_1 : i32
    %add3A_3 = arith.constant 0 : i32
    %add3A_4 = arith.addi %mul3A_2, %add3A_3 : i32
    "tpu.region"() ({
      %run_scoped3A = tpu.sem_alloc : memref<!tpu.dma_semaphore, #tpu.memory_space<semaphore_mem>>
      %dma_start3A = arith.constant 0 : i32
      %dma_start3A_49 = tpu.memref_slice %arg10[%add3A_4, %dma_start3A] : memref<10240x128xf32, #tpu.memory_space<vmem_shared>> -> memref<128x128xf32, #tpu.memory_space<vmem_shared>>
      %dma_start3A_50 = arith.constant 0 : i32
      %dma_start3A_51 = tpu.memref_slice %arg10[%add3A_4, %dma_start3A_50] : memref<10240x128xf32, #tpu.memory_space<vmem_shared>> -> memref<128x128xf32, #tpu.memory_space<vmem_shared>>
      tpu.enqueue_dma source(%arg9 : memref<128x128xf32, #tpu.memory_space<vmem>>) target(%dma_start3A_51 : memref<128x128xf32, #tpu.memory_space<vmem_shared>>) target_semaphore(%run_scoped3A : memref<!tpu.dma_semaphore, #tpu.memory_space<semaphore_mem>>)
      %dma_wait3A = arith.constant 0 : i32
      %dma_wait3A_52 = tpu.memref_slice %arg10[%add3A_4, %dma_wait3A] : memref<10240x128xf32, #tpu.memory_space<vmem_shared>> -> memref<128x128xf32, #tpu.memory_space<vmem_shared>>
      %dma_wait3A_53 = arith.constant 0 : i32
      %dma_wait3A_54 = tpu.memref_slice %arg10[%add3A_4, %dma_wait3A_53] : memref<10240x128xf32, #tpu.memory_space<vmem_shared>> -> memref<128x128xf32, #tpu.memory_space<vmem_shared>>
      tpu.wait_dma2 semaphore(%run_scoped3A : memref<!tpu.dma_semaphore, #tpu.memory_space<semaphore_mem>>) src(%arg9 : memref<128x128xf32, #tpu.memory_space<vmem>>) dst(%dma_wait3A_54 : memref<128x128xf32, #tpu.memory_space<vmem_shared>>)
      tpu.yield
    }) : () -> ()
    %mul3A_5 = arith.constant 640 : i32
    %mul3A_6 = arith.muli %arg1, %mul3A_5 : i32
    %add3A_7 = arith.constant 128 : i32
    %add3A_8 = arith.addi %mul3A_6, %add3A_7 : i32
    "tpu.region"() ({
      %run_scoped3A = tpu.sem_alloc : memref<!tpu.dma_semaphore, #tpu.memory_space<semaphore_mem>>
      %dma_start3A = arith.constant 0 : i32
      %dma_start3A_49 = tpu.memref_slice %arg10[%add3A_8, %dma_start3A] : memref<10240x128xf32, #tpu.memory_space<vmem_shared>> -> memref<128x128xf32, #tpu.memory_space<vmem_shared>>
      %dma_start3A_50 = arith.constant 0 : i32
      %dma_start3A_51 = tpu.memref_slice %arg10[%add3A_8, %dma_start3A_50] : memref<10240x128xf32, #tpu.memory_space<vmem_shared>> -> memref<128x128xf32, #tpu.memory_space<vmem_shared>>
      tpu.enqueue_dma source(%arg9 : memref<128x128xf32, #tpu.memory_space<vmem>>) target(%dma_start3A_51 : memref<128x128xf32, #tpu.memory_space<vmem_shared>>) target_semaphore(%run_scoped3A : memref<!tpu.dma_semaphore, #tpu.memory_space<semaphore_mem>>)
      %dma_wait3A = arith.constant 0 : i32
      %dma_wait3A_52 = tpu.memref_slice %arg10[%add3A_8, %dma_wait3A] : memref<10240x128xf32, #tpu.memory_space<vmem_shared>> -> memref<128x128xf32, #tpu.memory_space<vmem_shared>>
      %dma_wait3A_53 = arith.constant 0 : i32
      %dma_wait3A_54 = tpu.memref_slice %arg10[%add3A_8, %dma_wait3A_53] : memref<10240x128xf32, #tpu.memory_space<vmem_shared>> -> memref<128x128xf32, #tpu.memory_space<vmem_shared>>
      tpu.wait_dma2 semaphore(%run_scoped3A : memref<!tpu.dma_semaphore, #tpu.memory_space<semaphore_mem>>) src(%arg9 : memref<128x128xf32, #tpu.memory_space<vmem>>) dst(%dma_wait3A_54 : memref<128x128xf32, #tpu.memory_space<vmem_shared>>)
      tpu.yield
    }) : () -> ()
    %mul3A_9 = arith.constant 640 : i32
    %mul3A_10 = arith.muli %arg1, %mul3A_9 : i32
    %add3A_11 = arith.constant 256 : i32
    %add3A_12 = arith.addi %mul3A_10, %add3A_11 : i32
    "tpu.region"() ({
      %run_scoped3A = tpu.sem_alloc : memref<!tpu.dma_semaphore, #tpu.memory_space<semaphore_mem>>
      %dma_start3A = arith.constant 0 : i32
      %dma_start3A_49 = tpu.memref_slice %arg10[%add3A_12, %dma_start3A] : memref<10240x128xf32, #tpu.memory_space<vmem_shared>> -> memref<128x128xf32, #tpu.memory_space<vmem_shared>>
      %dma_start3A_50 = arith.constant 0 : i32
      %dma_start3A_51 = tpu.memref_slice %arg10[%add3A_12, %dma_start3A_50] : memref<10240x128xf32, #tpu.memory_space<vmem_shared>> -> memref<128x128xf32, #tpu.memory_space<vmem_shared>>
      tpu.enqueue_dma source(%arg9 : memref<128x128xf32, #tpu.memory_space<vmem>>) target(%dma_start3A_51 : memref<128x128xf32, #tpu.memory_space<vmem_shared>>) target_semaphore(%run_scoped3A : memref<!tpu.dma_semaphore, #tpu.memory_space<semaphore_mem>>)
      %dma_wait3A = arith.constant 0 : i32
      %dma_wait3A_52 = tpu.memref_slice %arg10[%add3A_12, %dma_wait3A] : memref<10240x128xf32, #tpu.memory_space<vmem_shared>> -> memref<128x128xf32, #tpu.memory_space<vmem_shared>>
      %dma_wait3A_53 = arith.constant 0 : i32
      %dma_wait3A_54 = tpu.memref_slice %arg10[%add3A_12, %dma_wait3A_53] : memref<10240x128xf32, #tpu.memory_space<vmem_shared>> -> memref<128x128xf32, #tpu.memory_space<vmem_shared>>
      tpu.wait_dma2 semaphore(%run_scoped3A : memref<!tpu.dma_semaphore, #tpu.memory_space<semaphore_mem>>) src(%arg9 : memref<128x128xf32, #tpu.memory_space<vmem>>) dst(%dma_wait3A_54 : memref<128x128xf32, #tpu.memory_space<vmem_shared>>)
      tpu.yield
    }) : () -> ()
    %mul3A_13 = arith.constant 640 : i32
    %mul3A_14 = arith.muli %arg1, %mul3A_13 : i32
    %add3A_15 = arith.constant 384 : i32
    %add3A_16 = arith.addi %mul3A_14, %add3A_15 : i32
    "tpu.region"() ({
      %run_scoped3A = tpu.sem_alloc : memref<!tpu.dma_semaphore, #tpu.memory_space<semaphore_mem>>
      %dma_start3A = arith.constant 0 : i32
      %dma_start3A_49 = tpu.memref_slice %arg10[%add3A_16, %dma_start3A] : memref<10240x128xf32, #tpu.memory_space<vmem_shared>> -> memref<128x128xf32, #tpu.memory_space<vmem_shared>>
      %dma_start3A_50 = arith.constant 0 : i32
      %dma_start3A_51 = tpu.memref_slice %arg10[%add3A_16, %dma_start3A_50] : memref<10240x128xf32, #tpu.memory_space<vmem_shared>> -> memref<128x128xf32, #tpu.memory_space<vmem_shared>>
      tpu.enqueue_dma source(%arg9 : memref<128x128xf32, #tpu.memory_space<vmem>>) target(%dma_start3A_51 : memref<128x128xf32, #tpu.memory_space<vmem_shared>>) target_semaphore(%run_scoped3A : memref<!tpu.dma_semaphore, #tpu.memory_space<semaphore_mem>>)
      %dma_wait3A = arith.constant 0 : i32
      %dma_wait3A_52 = tpu.memref_slice %arg10[%add3A_16, %dma_wait3A] : memref<10240x128xf32, #tpu.memory_space<vmem_shared>> -> memref<128x128xf32, #tpu.memory_space<vmem_shared>>
      %dma_wait3A_53 = arith.constant 0 : i32
      %dma_wait3A_54 = tpu.memref_slice %arg10[%add3A_16, %dma_wait3A_53] : memref<10240x128xf32, #tpu.memory_space<vmem_shared>> -> memref<128x128xf32, #tpu.memory_space<vmem_shared>>
      tpu.wait_dma2 semaphore(%run_scoped3A : memref<!tpu.dma_semaphore, #tpu.memory_space<semaphore_mem>>) src(%arg9 : memref<128x128xf32, #tpu.memory_space<vmem>>) dst(%dma_wait3A_54 : memref<128x128xf32, #tpu.memory_space<vmem_shared>>)
      tpu.yield
    }) : () -> ()
    %mul3A_17 = arith.constant 640 : i32
    %mul3A_18 = arith.muli %arg1, %mul3A_17 : i32
    %add3A_19 = arith.constant 512 : i32
    %add3A_20 = arith.addi %mul3A_18, %add3A_19 : i32
    "tpu.region"() ({
      %run_scoped3A = tpu.sem_alloc : memref<!tpu.dma_semaphore, #tpu.memory_space<semaphore_mem>>
      %dma_start3A = arith.constant 0 : i32
      %dma_start3A_49 = tpu.memref_slice %arg10[%add3A_20, %dma_start3A] : memref<10240x128xf32, #tpu.memory_space<vmem_shared>> -> memref<128x128xf32, #tpu.memory_space<vmem_shared>>
      %dma_start3A_50 = arith.constant 0 : i32
      %dma_start3A_51 = tpu.memref_slice %arg10[%add3A_20, %dma_start3A_50] : memref<10240x128xf32, #tpu.memory_space<vmem_shared>> -> memref<128x128xf32, #tpu.memory_space<vmem_shared>>
      tpu.enqueue_dma source(%arg9 : memref<128x128xf32, #tpu.memory_space<vmem>>) target(%dma_start3A_51 : memref<128x128xf32, #tpu.memory_space<vmem_shared>>) target_semaphore(%run_scoped3A : memref<!tpu.dma_semaphore, #tpu.memory_space<semaphore_mem>>)
      %dma_wait3A = arith.constant 0 : i32
      %dma_wait3A_52 = tpu.memref_slice %arg10[%add3A_20, %dma_wait3A] : memref<10240x128xf32, #tpu.memory_space<vmem_shared>> -> memref<128x128xf32, #tpu.memory_space<vmem_shared>>
      %dma_wait3A_53 = arith.constant 0 : i32
      %dma_wait3A_54 = tpu.memref_slice %arg10[%add3A_20, %dma_wait3A_53] : memref<10240x128xf32, #tpu.memory_space<vmem_shared>> -> memref<128x128xf32, #tpu.memory_space<vmem_shared>>
      tpu.wait_dma2 semaphore(%run_scoped3A : memref<!tpu.dma_semaphore, #tpu.memory_space<semaphore_mem>>) src(%arg9 : memref<128x128xf32, #tpu.memory_space<vmem>>) dst(%dma_wait3A_54 : memref<128x128xf32, #tpu.memory_space<vmem_shared>>)
      tpu.yield
    }) : () -> ()
    %barrier3A = arith.constant 0 : index
    tpu.barrier barrier_id(%barrier3A)
    %mul3A_21 = arith.constant 10112 : i32
    %mul3A_22 = arith.muli %add3A, %mul3A_21 : i32
    %scan3A = arith.constant 0 : i32
    %scan3A_23 = arith.constant 0 : i32
    %scan3A_24 = arith.constant 79 : i32
    %scan3A_25 = arith.addi %scan3A_23, %scan3A_24 : i32
    %scan3A_26 = arith.constant 1 : i32
    scf.for %scan3A_49 = %scan3A_23 to %scan3A_25 step %scan3A_26  : i32 {
      %mul3A_50 = arith.constant 128 : i32
      %mul3A_51 = arith.muli %scan3A_49, %mul3A_50 : i32
      %add3A_52 = arith.addi %mul3A_22, %mul3A_51 : i32
      %multiple_of3A = tpu.assume_multiple %add3A_52, 128 : i32
      "tpu.region"() ({
        %run_scoped3A = tpu.sem_alloc : memref<!tpu.dma_semaphore, #tpu.memory_space<semaphore_mem>>
        %dma_start3A_57 = tpu.memref_slice %arg4[%multiple_of3A] : memref<323584xi32, #tpu.memory_space<hbm>> -> memref<128xi32, #tpu.memory_space<hbm>>
        %dma_start3A_58 = tpu.memref_slice %arg4[%multiple_of3A] : memref<323584xi32, #tpu.memory_space<hbm>> -> memref<128xi32, #tpu.memory_space<hbm>>
        tpu.enqueue_dma source(%dma_start3A_58 : memref<128xi32, #tpu.memory_space<hbm>>) target(%arg8 : memref<128xi32, #tpu.memory_space<vmem>>) target_semaphore(%run_scoped3A : memref<!tpu.dma_semaphore, #tpu.memory_space<semaphore_mem>>)
        %dma_wait3A_59 = tpu.memref_slice %arg4[%multiple_of3A] : memref<323584xi32, #tpu.memory_space<hbm>> -> memref<128xi32, #tpu.memory_space<hbm>>
        %dma_wait3A_60 = tpu.memref_slice %arg4[%multiple_of3A] : memref<323584xi32, #tpu.memory_space<hbm>> -> memref<128xi32, #tpu.memory_space<hbm>>
        tpu.wait_dma2 semaphore(%run_scoped3A : memref<!tpu.dma_semaphore, #tpu.memory_space<semaphore_mem>>) src(%dma_wait3A_60 : memref<128xi32, #tpu.memory_space<hbm>>) dst(%arg8 : memref<128xi32, #tpu.memory_space<vmem>>)
        tpu.yield
      }) : () -> ()
      "tpu.region"() ({
        %run_scoped3A = tpu.sem_alloc : memref<!tpu.dma_semaphore, #tpu.memory_space<semaphore_mem>>
        %dma_start3A_57 = tpu.memref_slice %arg3[%multiple_of3A] : memref<323584xi32, #tpu.memory_space<hbm>> -> memref<128xi32, #tpu.memory_space<hbm>>
        %dma_start3A_58 = tpu.memref_slice %arg3[%multiple_of3A] : memref<323584xi32, #tpu.memory_space<hbm>> -> memref<128xi32, #tpu.memory_space<hbm>>
        tpu.enqueue_dma source(%dma_start3A_58 : memref<128xi32, #tpu.memory_space<hbm>>) target(%arg7 : memref<128xi32, #tpu.memory_space<vmem>>) target_semaphore(%run_scoped3A : memref<!tpu.dma_semaphore, #tpu.memory_space<semaphore_mem>>)
        %dma_wait3A_59 = tpu.memref_slice %arg3[%multiple_of3A] : memref<323584xi32, #tpu.memory_space<hbm>> -> memref<128xi32, #tpu.memory_space<hbm>>
        %dma_wait3A_60 = tpu.memref_slice %arg3[%multiple_of3A] : memref<323584xi32, #tpu.memory_space<hbm>> -> memref<128xi32, #tpu.memory_space<hbm>>
        tpu.wait_dma2 semaphore(%run_scoped3A : memref<!tpu.dma_semaphore, #tpu.memory_space<semaphore_mem>>) src(%dma_wait3A_60 : memref<128xi32, #tpu.memory_space<hbm>>) dst(%arg7 : memref<128xi32, #tpu.memory_space<vmem>>)
        tpu.yield
      }) : () -> ()
      %dma_start3A = arith.constant 0 : i32
      %dma_start3A_53 = arith.constant 0 : i32
      %dma_start3A_54 = tpu.memref_slice %arg2[%dma_start3A, %dma_start3A_53] : memref<10240x128xf32, #tpu.memory_space<hbm>> -> memref<10240x128xf32, #tpu.memory_space<hbm>>
      tpu.enqueue_indirect_dma source(%dma_start3A_54 : memref<10240x128xf32, #tpu.memory_space<hbm>>) target(%arg9 : memref<128x128xf32, #tpu.memory_space<vmem>>) offsets(%arg7 : memref<128xi32, #tpu.memory_space<vmem>>) semaphore(%arg11 : memref<!tpu.dma_semaphore, #tpu.memory_space<semaphore_mem>>)
      %dma_wait3A = arith.constant 0 : i32
      %dma_wait3A_55 = arith.constant 0 : i32
      %dma_wait3A_56 = tpu.memref_slice %arg2[%dma_wait3A, %dma_wait3A_55] : memref<10240x128xf32, #tpu.memory_space<hbm>> -> memref<10240x128xf32, #tpu.memory_space<hbm>>
      tpu.wait_indirect_dma semaphore(%arg11 : memref<!tpu.dma_semaphore, #tpu.memory_space<semaphore_mem>>) src(%dma_wait3A_56 : memref<10240x128xf32, #tpu.memory_space<hbm>>) dst(%arg9 : memref<128x128xf32, #tpu.memory_space<vmem>>)
      "tpu.region"() ({
        %run_scoped3A = tpu.sem_alloc : memref<!tpu.dma_semaphore, #tpu.memory_space<semaphore_mem>>
        %dma_start3A_57 = arith.constant 0 : i32
        %dma_start3A_58 = arith.constant 0 : i32
        %dma_start3A_59 = tpu.memref_slice %arg10[%dma_start3A_57, %dma_start3A_58] : memref<10240x128xf32, #tpu.memory_space<vmem_shared>> -> memref<10240x128xf32, #tpu.memory_space<vmem_shared>>
        tpu.enqueue_indirect_dma source(%arg9 : memref<128x128xf32, #tpu.memory_space<vmem>>) target(%dma_start3A_59 : memref<10240x128xf32, #tpu.memory_space<vmem_shared>>) offsets(%arg8 : memref<128xi32, #tpu.memory_space<vmem>>) semaphore(%run_scoped3A : memref<!tpu.dma_semaphore, #tpu.memory_space<semaphore_mem>>) {add = true}
        %dma_wait3A_60 = arith.constant 0 : i32
        %dma_wait3A_61 = arith.constant 0 : i32
        %dma_wait3A_62 = tpu.memref_slice %arg10[%dma_wait3A_60, %dma_wait3A_61] : memref<10240x128xf32, #tpu.memory_space<vmem_shared>> -> memref<10240x128xf32, #tpu.memory_space<vmem_shared>>
        tpu.wait_indirect_dma semaphore(%run_scoped3A : memref<!tpu.dma_semaphore, #tpu.memory_space<semaphore_mem>>) src(%arg9 : memref<128x128xf32, #tpu.memory_space<vmem>>) dst(%dma_wait3A_62 : memref<10240x128xf32, #tpu.memory_space<vmem_shared>>)
        tpu.yield
      }) : () -> ()
    }
    %scan3A_27 = arith.constant 79 : i32
    %barrier3A_28 = arith.constant 0 : index
    tpu.barrier barrier_id(%barrier3A_28)
    %mul3A_29 = arith.constant 640 : i32
    %mul3A_30 = arith.muli %arg1, %mul3A_29 : i32
    %add3A_31 = arith.constant 0 : i32
    %add3A_32 = arith.addi %mul3A_30, %add3A_31 : i32
    "tpu.region"() ({
      %run_scoped3A = tpu.sem_alloc : memref<!tpu.dma_semaphore, #tpu.memory_space<semaphore_mem>>
      %dma_start3A = arith.constant 0 : i32
      %dma_start3A_49 = tpu.memref_slice %arg10[%add3A_32, %dma_start3A] : memref<10240x128xf32, #tpu.memory_space<vmem_shared>> -> memref<128x128xf32, #tpu.memory_space<vmem_shared>>
      %dma_start3A_50 = arith.constant 0 : i32
      %dma_start3A_51 = tpu.memref_slice %arg10[%add3A_32, %dma_start3A_50] : memref<10240x128xf32, #tpu.memory_space<vmem_shared>> -> memref<128x128xf32, #tpu.memory_space<vmem_shared>>
      tpu.enqueue_dma source(%dma_start3A_51 : memref<128x128xf32, #tpu.memory_space<vmem_shared>>) target(%arg9 : memref<128x128xf32, #tpu.memory_space<vmem>>) target_semaphore(%run_scoped3A : memref<!tpu.dma_semaphore, #tpu.memory_space<semaphore_mem>>)
      %dma_wait3A = arith.constant 0 : i32
      %dma_wait3A_52 = tpu.memref_slice %arg10[%add3A_32, %dma_wait3A] : memref<10240x128xf32, #tpu.memory_space<vmem_shared>> -> memref<128x128xf32, #tpu.memory_space<vmem_shared>>
      %dma_wait3A_53 = arith.constant 0 : i32
      %dma_wait3A_54 = tpu.memref_slice %arg10[%add3A_32, %dma_wait3A_53] : memref<10240x128xf32, #tpu.memory_space<vmem_shared>> -> memref<128x128xf32, #tpu.memory_space<vmem_shared>>
      tpu.wait_dma2 semaphore(%run_scoped3A : memref<!tpu.dma_semaphore, #tpu.memory_space<semaphore_mem>>) src(%dma_wait3A_54 : memref<128x128xf32, #tpu.memory_space<vmem_shared>>) dst(%arg9 : memref<128x128xf32, #tpu.memory_space<vmem>>)
      tpu.yield
    }) : () -> ()
    "tpu.region"() ({
      %run_scoped3A = tpu.sem_alloc : memref<!tpu.dma_semaphore, #tpu.memory_space<semaphore_mem>>
      %dma_start3A = arith.constant 0 : i32
      %dma_start3A_49 = tpu.memref_slice %arg6[%arg0, %add3A_32, %dma_start3A] : memref<2x10240x128xf32, #tpu.memory_space<hbm>> -> memref<1x128x128xf32, #tpu.memory_space<hbm>>
      %dma_start3A_50 = tpu.memref_squeeze %dma_start3A_49 : memref<1x128x128xf32, #tpu.memory_space<hbm>> -> memref<128x128xf32, #tpu.memory_space<hbm>>
      %dma_start3A_51 = arith.constant 0 : i32
      %dma_start3A_52 = tpu.memref_slice %arg6[%arg0, %add3A_32, %dma_start3A_51] : memref<2x10240x128xf32, #tpu.memory_space<hbm>> -> memref<1x128x128xf32, #tpu.memory_space<hbm>>
      %dma_start3A_53 = tpu.memref_squeeze %dma_start3A_52 : memref<1x128x128xf32, #tpu.memory_space<hbm>> -> memref<128x128xf32, #tpu.memory_space<hbm>>
      tpu.enqueue_dma source(%arg9 : memref<128x128xf32, #tpu.memory_space<vmem>>) target(%dma_start3A_53 : memref<128x128xf32, #tpu.memory_space<hbm>>) target_semaphore(%run_scoped3A : memref<!tpu.dma_semaphore, #tpu.memory_space<semaphore_mem>>)
      %dma_wait3A = arith.constant 0 : i32
      %dma_wait3A_54 = tpu.memref_slice %arg6[%arg0, %add3A_32, %dma_wait3A] : memref<2x10240x128xf32, #tpu.memory_space<hbm>> -> memref<1x128x128xf32, #tpu.memory_space<hbm>>
      %dma_wait3A_55 = tpu.memref_squeeze %dma_wait3A_54 : memref<1x128x128xf32, #tpu.memory_space<hbm>> -> memref<128x128xf32, #tpu.memory_space<hbm>>
      %dma_wait3A_56 = arith.constant 0 : i32
      %dma_wait3A_57 = tpu.memref_slice %arg6[%arg0, %add3A_32, %dma_wait3A_56] : memref<2x10240x128xf32, #tpu.memory_space<hbm>> -> memref<1x128x128xf32, #tpu.memory_space<hbm>>
      %dma_wait3A_58 = tpu.memref_squeeze %dma_wait3A_57 : memref<1x128x128xf32, #tpu.memory_space<hbm>> -> memref<128x128xf32, #tpu.memory_space<hbm>>
      tpu.wait_dma2 semaphore(%run_scoped3A : memref<!tpu.dma_semaphore, #tpu.memory_space<semaphore_mem>>) src(%arg9 : memref<128x128xf32, #tpu.memory_space<vmem>>) dst(%dma_wait3A_58 : memref<128x128xf32, #tpu.memory_space<hbm>>)
      tpu.yield
    }) : () -> ()
    %mul3A_33 = arith.constant 640 : i32
    %mul3A_34 = arith.muli %arg1, %mul3A_33 : i32
    %add3A_35 = arith.constant 128 : i32
    %add3A_36 = arith.addi %mul3A_34, %add3A_35 : i32
    "tpu.region"() ({
      %run_scoped3A = tpu.sem_alloc : memref<!tpu.dma_semaphore, #tpu.memory_space<semaphore_mem>>
      %dma_start3A = arith.constant 0 : i32
      %dma_start3A_49 = tpu.memref_slice %arg10[%add3A_36, %dma_start3A] : memref<10240x128xf32, #tpu.memory_space<vmem_shared>> -> memref<128x128xf32, #tpu.memory_space<vmem_shared>>
      %dma_start3A_50 = arith.constant 0 : i32
      %dma_start3A_51 = tpu.memref_slice %arg10[%add3A_36, %dma_start3A_50] : memref<10240x128xf32, #tpu.memory_space<vmem_shared>> -> memref<128x128xf32, #tpu.memory_space<vmem_shared>>
      tpu.enqueue_dma source(%dma_start3A_51 : memref<128x128xf32, #tpu.memory_space<vmem_shared>>) target(%arg9 : memref<128x128xf32, #tpu.memory_space<vmem>>) target_semaphore(%run_scoped3A : memref<!tpu.dma_semaphore, #tpu.memory_space<semaphore_mem>>)
      %dma_wait3A = arith.constant 0 : i32
      %dma_wait3A_52 = tpu.memref_slice %arg10[%add3A_36, %dma_wait3A] : memref<10240x128xf32, #tpu.memory_space<vmem_shared>> -> memref<128x128xf32, #tpu.memory_space<vmem_shared>>
      %dma_wait3A_53 = arith.constant 0 : i32
      %dma_wait3A_54 = tpu.memref_slice %arg10[%add3A_36, %dma_wait3A_53] : memref<10240x128xf32, #tpu.memory_space<vmem_shared>> -> memref<128x128xf32, #tpu.memory_space<vmem_shared>>
      tpu.wait_dma2 semaphore(%run_scoped3A : memref<!tpu.dma_semaphore, #tpu.memory_space<semaphore_mem>>) src(%dma_wait3A_54 : memref<128x128xf32, #tpu.memory_space<vmem_shared>>) dst(%arg9 : memref<128x128xf32, #tpu.memory_space<vmem>>)
      tpu.yield
    }) : () -> ()
    "tpu.region"() ({
      %run_scoped3A = tpu.sem_alloc : memref<!tpu.dma_semaphore, #tpu.memory_space<semaphore_mem>>
      %dma_start3A = arith.constant 0 : i32
      %dma_start3A_49 = tpu.memref_slice %arg6[%arg0, %add3A_36, %dma_start3A] : memref<2x10240x128xf32, #tpu.memory_space<hbm>> -> memref<1x128x128xf32, #tpu.memory_space<hbm>>
      %dma_start3A_50 = tpu.memref_squeeze %dma_start3A_49 : memref<1x128x128xf32, #tpu.memory_space<hbm>> -> memref<128x128xf32, #tpu.memory_space<hbm>>
      %dma_start3A_51 = arith.constant 0 : i32
      %dma_start3A_52 = tpu.memref_slice %arg6[%arg0, %add3A_36, %dma_start3A_51] : memref<2x10240x128xf32, #tpu.memory_space<hbm>> -> memref<1x128x128xf32, #tpu.memory_space<hbm>>
      %dma_start3A_53 = tpu.memref_squeeze %dma_start3A_52 : memref<1x128x128xf32, #tpu.memory_space<hbm>> -> memref<128x128xf32, #tpu.memory_space<hbm>>
      tpu.enqueue_dma source(%arg9 : memref<128x128xf32, #tpu.memory_space<vmem>>) target(%dma_start3A_53 : memref<128x128xf32, #tpu.memory_space<hbm>>) target_semaphore(%run_scoped3A : memref<!tpu.dma_semaphore, #tpu.memory_space<semaphore_mem>>)
      %dma_wait3A = arith.constant 0 : i32
      %dma_wait3A_54 = tpu.memref_slice %arg6[%arg0, %add3A_36, %dma_wait3A] : memref<2x10240x128xf32, #tpu.memory_space<hbm>> -> memref<1x128x128xf32, #tpu.memory_space<hbm>>
      %dma_wait3A_55 = tpu.memref_squeeze %dma_wait3A_54 : memref<1x128x128xf32, #tpu.memory_space<hbm>> -> memref<128x128xf32, #tpu.memory_space<hbm>>
      %dma_wait3A_56 = arith.constant 0 : i32
      %dma_wait3A_57 = tpu.memref_slice %arg6[%arg0, %add3A_36, %dma_wait3A_56] : memref<2x10240x128xf32, #tpu.memory_space<hbm>> -> memref<1x128x128xf32, #tpu.memory_space<hbm>>
      %dma_wait3A_58 = tpu.memref_squeeze %dma_wait3A_57 : memref<1x128x128xf32, #tpu.memory_space<hbm>> -> memref<128x128xf32, #tpu.memory_space<hbm>>
      tpu.wait_dma2 semaphore(%run_scoped3A : memref<!tpu.dma_semaphore, #tpu.memory_space<semaphore_mem>>) src(%arg9 : memref<128x128xf32, #tpu.memory_space<vmem>>) dst(%dma_wait3A_58 : memref<128x128xf32, #tpu.memory_space<hbm>>)
      tpu.yield
    }) : () -> ()
    %mul3A_37 = arith.constant 640 : i32
    %mul3A_38 = arith.muli %arg1, %mul3A_37 : i32
    %add3A_39 = arith.constant 256 : i32
    %add3A_40 = arith.addi %mul3A_38, %add3A_39 : i32
    "tpu.region"() ({
      %run_scoped3A = tpu.sem_alloc : memref<!tpu.dma_semaphore, #tpu.memory_space<semaphore_mem>>
      %dma_start3A = arith.constant 0 : i32
      %dma_start3A_49 = tpu.memref_slice %arg10[%add3A_40, %dma_start3A] : memref<10240x128xf32, #tpu.memory_space<vmem_shared>> -> memref<128x128xf32, #tpu.memory_space<vmem_shared>>
      %dma_start3A_50 = arith.constant 0 : i32
      %dma_start3A_51 = tpu.memref_slice %arg10[%add3A_40, %dma_start3A_50] : memref<10240x128xf32, #tpu.memory_space<vmem_shared>> -> memref<128x128xf32, #tpu.memory_space<vmem_shared>>
      tpu.enqueue_dma source(%dma_start3A_51 : memref<128x128xf32, #tpu.memory_space<vmem_shared>>) target(%arg9 : memref<128x128xf32, #tpu.memory_space<vmem>>) target_semaphore(%run_scoped3A : memref<!tpu.dma_semaphore, #tpu.memory_space<semaphore_mem>>)
      %dma_wait3A = arith.constant 0 : i32
      %dma_wait3A_52 = tpu.memref_slice %arg10[%add3A_40, %dma_wait3A] : memref<10240x128xf32, #tpu.memory_space<vmem_shared>> -> memref<128x128xf32, #tpu.memory_space<vmem_shared>>
      %dma_wait3A_53 = arith.constant 0 : i32
      %dma_wait3A_54 = tpu.memref_slice %arg10[%add3A_40, %dma_wait3A_53] : memref<10240x128xf32, #tpu.memory_space<vmem_shared>> -> memref<128x128xf32, #tpu.memory_space<vmem_shared>>
      tpu.wait_dma2 semaphore(%run_scoped3A : memref<!tpu.dma_semaphore, #tpu.memory_space<semaphore_mem>>) src(%dma_wait3A_54 : memref<128x128xf32, #tpu.memory_space<vmem_shared>>) dst(%arg9 : memref<128x128xf32, #tpu.memory_space<vmem>>)
      tpu.yield
    }) : () -> ()
    "tpu.region"() ({
      %run_scoped3A = tpu.sem_alloc : memref<!tpu.dma_semaphore, #tpu.memory_space<semaphore_mem>>
      %dma_start3A = arith.constant 0 : i32
      %dma_start3A_49 = tpu.memref_slice %arg6[%arg0, %add3A_40, %dma_start3A] : memref<2x10240x128xf32, #tpu.memory_space<hbm>> -> memref<1x128x128xf32, #tpu.memory_space<hbm>>
      %dma_start3A_50 = tpu.memref_squeeze %dma_start3A_49 : memref<1x128x128xf32, #tpu.memory_space<hbm>> -> memref<128x128xf32, #tpu.memory_space<hbm>>
      %dma_start3A_51 = arith.constant 0 : i32
      %dma_start3A_52 = tpu.memref_slice %arg6[%arg0, %add3A_40, %dma_start3A_51] : memref<2x10240x128xf32, #tpu.memory_space<hbm>> -> memref<1x128x128xf32, #tpu.memory_space<hbm>>
      %dma_start3A_53 = tpu.memref_squeeze %dma_start3A_52 : memref<1x128x128xf32, #tpu.memory_space<hbm>> -> memref<128x128xf32, #tpu.memory_space<hbm>>
      tpu.enqueue_dma source(%arg9 : memref<128x128xf32, #tpu.memory_space<vmem>>) target(%dma_start3A_53 : memref<128x128xf32, #tpu.memory_space<hbm>>) target_semaphore(%run_scoped3A : memref<!tpu.dma_semaphore, #tpu.memory_space<semaphore_mem>>)
      %dma_wait3A = arith.constant 0 : i32
      %dma_wait3A_54 = tpu.memref_slice %arg6[%arg0, %add3A_40, %dma_wait3A] : memref<2x10240x128xf32, #tpu.memory_space<hbm>> -> memref<1x128x128xf32, #tpu.memory_space<hbm>>
      %dma_wait3A_55 = tpu.memref_squeeze %dma_wait3A_54 : memref<1x128x128xf32, #tpu.memory_space<hbm>> -> memref<128x128xf32, #tpu.memory_space<hbm>>
      %dma_wait3A_56 = arith.constant 0 : i32
      %dma_wait3A_57 = tpu.memref_slice %arg6[%arg0, %add3A_40, %dma_wait3A_56] : memref<2x10240x128xf32, #tpu.memory_space<hbm>> -> memref<1x128x128xf32, #tpu.memory_space<hbm>>
      %dma_wait3A_58 = tpu.memref_squeeze %dma_wait3A_57 : memref<1x128x128xf32, #tpu.memory_space<hbm>> -> memref<128x128xf32, #tpu.memory_space<hbm>>
      tpu.wait_dma2 semaphore(%run_scoped3A : memref<!tpu.dma_semaphore, #tpu.memory_space<semaphore_mem>>) src(%arg9 : memref<128x128xf32, #tpu.memory_space<vmem>>) dst(%dma_wait3A_58 : memref<128x128xf32, #tpu.memory_space<hbm>>)
      tpu.yield
    }) : () -> ()
    %mul3A_41 = arith.constant 640 : i32
    %mul3A_42 = arith.muli %arg1, %mul3A_41 : i32
    %add3A_43 = arith.constant 384 : i32
    %add3A_44 = arith.addi %mul3A_42, %add3A_43 : i32
    "tpu.region"() ({
      %run_scoped3A = tpu.sem_alloc : memref<!tpu.dma_semaphore, #tpu.memory_space<semaphore_mem>>
      %dma_start3A = arith.constant 0 : i32
      %dma_start3A_49 = tpu.memref_slice %arg10[%add3A_44, %dma_start3A] : memref<10240x128xf32, #tpu.memory_space<vmem_shared>> -> memref<128x128xf32, #tpu.memory_space<vmem_shared>>
      %dma_start3A_50 = arith.constant 0 : i32
      %dma_start3A_51 = tpu.memref_slice %arg10[%add3A_44, %dma_start3A_50] : memref<10240x128xf32, #tpu.memory_space<vmem_shared>> -> memref<128x128xf32, #tpu.memory_space<vmem_shared>>
      tpu.enqueue_dma source(%dma_start3A_51 : memref<128x128xf32, #tpu.memory_space<vmem_shared>>) target(%arg9 : memref<128x128xf32, #tpu.memory_space<vmem>>) target_semaphore(%run_scoped3A : memref<!tpu.dma_semaphore, #tpu.memory_space<semaphore_mem>>)
      %dma_wait3A = arith.constant 0 : i32
      %dma_wait3A_52 = tpu.memref_slice %arg10[%add3A_44, %dma_wait3A] : memref<10240x128xf32, #tpu.memory_space<vmem_shared>> -> memref<128x128xf32, #tpu.memory_space<vmem_shared>>
      %dma_wait3A_53 = arith.constant 0 : i32
      %dma_wait3A_54 = tpu.memref_slice %arg10[%add3A_44, %dma_wait3A_53] : memref<10240x128xf32, #tpu.memory_space<vmem_shared>> -> memref<128x128xf32, #tpu.memory_space<vmem_shared>>
      tpu.wait_dma2 semaphore(%run_scoped3A : memref<!tpu.dma_semaphore, #tpu.memory_space<semaphore_mem>>) src(%dma_wait3A_54 : memref<128x128xf32, #tpu.memory_space<vmem_shared>>) dst(%arg9 : memref<128x128xf32, #tpu.memory_space<vmem>>)
      tpu.yield
    }) : () -> ()
    "tpu.region"() ({
      %run_scoped3A = tpu.sem_alloc : memref<!tpu.dma_semaphore, #tpu.memory_space<semaphore_mem>>
      %dma_start3A = arith.constant 0 : i32
      %dma_start3A_49 = tpu.memref_slice %arg6[%arg0, %add3A_44, %dma_start3A] : memref<2x10240x128xf32, #tpu.memory_space<hbm>> -> memref<1x128x128xf32, #tpu.memory_space<hbm>>
      %dma_start3A_50 = tpu.memref_squeeze %dma_start3A_49 : memref<1x128x128xf32, #tpu.memory_space<hbm>> -> memref<128x128xf32, #tpu.memory_space<hbm>>
      %dma_start3A_51 = arith.constant 0 : i32
      %dma_start3A_52 = tpu.memref_slice %arg6[%arg0, %add3A_44, %dma_start3A_51] : memref<2x10240x128xf32, #tpu.memory_space<hbm>> -> memref<1x128x128xf32, #tpu.memory_space<hbm>>
      %dma_start3A_53 = tpu.memref_squeeze %dma_start3A_52 : memref<1x128x128xf32, #tpu.memory_space<hbm>> -> memref<128x128xf32, #tpu.memory_space<hbm>>
      tpu.enqueue_dma source(%arg9 : memref<128x128xf32, #tpu.memory_space<vmem>>) target(%dma_start3A_53 : memref<128x128xf32, #tpu.memory_space<hbm>>) target_semaphore(%run_scoped3A : memref<!tpu.dma_semaphore, #tpu.memory_space<semaphore_mem>>)
      %dma_wait3A = arith.constant 0 : i32
      %dma_wait3A_54 = tpu.memref_slice %arg6[%arg0, %add3A_44, %dma_wait3A] : memref<2x10240x128xf32, #tpu.memory_space<hbm>> -> memref<1x128x128xf32, #tpu.memory_space<hbm>>
      %dma_wait3A_55 = tpu.memref_squeeze %dma_wait3A_54 : memref<1x128x128xf32, #tpu.memory_space<hbm>> -> memref<128x128xf32, #tpu.memory_space<hbm>>
      %dma_wait3A_56 = arith.constant 0 : i32
      %dma_wait3A_57 = tpu.memref_slice %arg6[%arg0, %add3A_44, %dma_wait3A_56] : memref<2x10240x128xf32, #tpu.memory_space<hbm>> -> memref<1x128x128xf32, #tpu.memory_space<hbm>>
      %dma_wait3A_58 = tpu.memref_squeeze %dma_wait3A_57 : memref<1x128x128xf32, #tpu.memory_space<hbm>> -> memref<128x128xf32, #tpu.memory_space<hbm>>
      tpu.wait_dma2 semaphore(%run_scoped3A : memref<!tpu.dma_semaphore, #tpu.memory_space<semaphore_mem>>) src(%arg9 : memref<128x128xf32, #tpu.memory_space<vmem>>) dst(%dma_wait3A_58 : memref<128x128xf32, #tpu.memory_space<hbm>>)
      tpu.yield
    }) : () -> ()
    %mul3A_45 = arith.constant 640 : i32
    %mul3A_46 = arith.muli %arg1, %mul3A_45 : i32
    %add3A_47 = arith.constant 512 : i32
    %add3A_48 = arith.addi %mul3A_46, %add3A_47 : i32
    "tpu.region"() ({
      %run_scoped3A = tpu.sem_alloc : memref<!tpu.dma_semaphore, #tpu.memory_space<semaphore_mem>>
      %dma_start3A = arith.constant 0 : i32
      %dma_start3A_49 = tpu.memref_slice %arg10[%add3A_48, %dma_start3A] : memref<10240x128xf32, #tpu.memory_space<vmem_shared>> -> memref<128x128xf32, #tpu.memory_space<vmem_shared>>
      %dma_start3A_50 = arith.constant 0 : i32
      %dma_start3A_51 = tpu.memref_slice %arg10[%add3A_48, %dma_start3A_50] : memref<10240x128xf32, #tpu.memory_space<vmem_shared>> -> memref<128x128xf32, #tpu.memory_space<vmem_shared>>
      tpu.enqueue_dma source(%dma_start3A_51 : memref<128x128xf32, #tpu.memory_space<vmem_shared>>) target(%arg9 : memref<128x128xf32, #tpu.memory_space<vmem>>) target_semaphore(%run_scoped3A : memref<!tpu.dma_semaphore, #tpu.memory_space<semaphore_mem>>)
      %dma_wait3A = arith.constant 0 : i32
      %dma_wait3A_52 = tpu.memref_slice %arg10[%add3A_48, %dma_wait3A] : memref<10240x128xf32, #tpu.memory_space<vmem_shared>> -> memref<128x128xf32, #tpu.memory_space<vmem_shared>>
      %dma_wait3A_53 = arith.constant 0 : i32
      %dma_wait3A_54 = tpu.memref_slice %arg10[%add3A_48, %dma_wait3A_53] : memref<10240x128xf32, #tpu.memory_space<vmem_shared>> -> memref<128x128xf32, #tpu.memory_space<vmem_shared>>
      tpu.wait_dma2 semaphore(%run_scoped3A : memref<!tpu.dma_semaphore, #tpu.memory_space<semaphore_mem>>) src(%dma_wait3A_54 : memref<128x128xf32, #tpu.memory_space<vmem_shared>>) dst(%arg9 : memref<128x128xf32, #tpu.memory_space<vmem>>)
      tpu.yield
    }) : () -> ()
    "tpu.region"() ({
      %run_scoped3A = tpu.sem_alloc : memref<!tpu.dma_semaphore, #tpu.memory_space<semaphore_mem>>
      %dma_start3A = arith.constant 0 : i32
      %dma_start3A_49 = tpu.memref_slice %arg6[%arg0, %add3A_48, %dma_start3A] : memref<2x10240x128xf32, #tpu.memory_space<hbm>> -> memref<1x128x128xf32, #tpu.memory_space<hbm>>
      %dma_start3A_50 = tpu.memref_squeeze %dma_start3A_49 : memref<1x128x128xf32, #tpu.memory_space<hbm>> -> memref<128x128xf32, #tpu.memory_space<hbm>>
      %dma_start3A_51 = arith.constant 0 : i32
      %dma_start3A_52 = tpu.memref_slice %arg6[%arg0, %add3A_48, %dma_start3A_51] : memref<2x10240x128xf32, #tpu.memory_space<hbm>> -> memref<1x128x128xf32, #tpu.memory_space<hbm>>
      %dma_start3A_53 = tpu.memref_squeeze %dma_start3A_52 : memref<1x128x128xf32, #tpu.memory_space<hbm>> -> memref<128x128xf32, #tpu.memory_space<hbm>>
      tpu.enqueue_dma source(%arg9 : memref<128x128xf32, #tpu.memory_space<vmem>>) target(%dma_start3A_53 : memref<128x128xf32, #tpu.memory_space<hbm>>) target_semaphore(%run_scoped3A : memref<!tpu.dma_semaphore, #tpu.memory_space<semaphore_mem>>)
      %dma_wait3A = arith.constant 0 : i32
      %dma_wait3A_54 = tpu.memref_slice %arg6[%arg0, %add3A_48, %dma_wait3A] : memref<2x10240x128xf32, #tpu.memory_space<hbm>> -> memref<1x128x128xf32, #tpu.memory_space<hbm>>
      %dma_wait3A_55 = tpu.memref_squeeze %dma_wait3A_54 : memref<1x128x128xf32, #tpu.memory_space<hbm>> -> memref<128x128xf32, #tpu.memory_space<hbm>>
      %dma_wait3A_56 = arith.constant 0 : i32
      %dma_wait3A_57 = tpu.memref_slice %arg6[%arg0, %add3A_48, %dma_wait3A_56] : memref<2x10240x128xf32, #tpu.memory_space<hbm>> -> memref<1x128x128xf32, #tpu.memory_space<hbm>>
      %dma_wait3A_58 = tpu.memref_squeeze %dma_wait3A_57 : memref<1x128x128xf32, #tpu.memory_space<hbm>> -> memref<128x128xf32, #tpu.memory_space<hbm>>
      tpu.wait_dma2 semaphore(%run_scoped3A : memref<!tpu.dma_semaphore, #tpu.memory_space<semaphore_mem>>) src(%arg9 : memref<128x128xf32, #tpu.memory_space<vmem>>) dst(%dma_wait3A_58 : memref<128x128xf32, #tpu.memory_space<hbm>>)
      tpu.yield
    }) : () -> ()
    return
  }
}

#map = affine_map<(d0, d1) -> (0)>
#map1 = affine_map<(d0, d1) -> (0, 0)>
module attributes {stable_mosaic.version = 14 : i64} {
  func.func @deg(%arg0: i32, %arg1: i32, %arg2: memref<128xf32, #tpu.memory_space<hbm>>, %arg3: memref<323584xi32, #tpu.memory_space<hbm>>, %arg4: memref<640xf32, #tpu.memory_space<hbm>>, %arg5: memref<2x10240xf32, #tpu.memory_space<hbm>>, %arg6: memref<128xi32, #tpu.memory_space<vmem>>, %arg7: memref<128xf32, #tpu.memory_space<vmem>>, %arg8: memref<640xf32, #tpu.memory_space<vmem>>, %arg9: memref<10240xf32, #tpu.memory_space<vmem_shared>>) attributes {dimension_semantics = [#tpu.dimension_semantics<core_parallel>, #tpu.dimension_semantics<subcore_parallel>], iteration_bounds = array<i64: 2, 16>, scalar_prefetch = 0 : i64, scratch_operands = 4 : i64, tpu.core_type = #tpu.core_type<sc_vector_subcore>, window_params = [{transform_indices = #map}, {transform_indices = #map}, {transform_indices = #map}, {transform_indices = #map1}]} {
    %mul3A = arith.constant 2 : i32
    %mul3A_0 = arith.muli %arg1, %mul3A : i32
    %add3A = arith.addi %mul3A_0, %arg0 : i32
    "tpu.region"() ({
      %run_scoped3A = tpu.sem_alloc : memref<!tpu.dma_semaphore, #tpu.memory_space<semaphore_mem>>
      tpu.enqueue_dma source(%arg4 : memref<640xf32, #tpu.memory_space<hbm>>) target(%arg8 : memref<640xf32, #tpu.memory_space<vmem>>) target_semaphore(%run_scoped3A : memref<!tpu.dma_semaphore, #tpu.memory_space<semaphore_mem>>)
      tpu.wait_dma2 semaphore(%run_scoped3A : memref<!tpu.dma_semaphore, #tpu.memory_space<semaphore_mem>>) src(%arg4 : memref<640xf32, #tpu.memory_space<hbm>>) dst(%arg8 : memref<640xf32, #tpu.memory_space<vmem>>)
      tpu.yield
    }) : () -> ()
    %mul3A_1 = arith.constant 640 : i32
    %mul3A_2 = arith.muli %arg1, %mul3A_1 : i32
    "tpu.region"() ({
      %run_scoped3A = tpu.sem_alloc : memref<!tpu.dma_semaphore, #tpu.memory_space<semaphore_mem>>
      %dma_start3A = tpu.memref_slice %arg9[%mul3A_2] : memref<10240xf32, #tpu.memory_space<vmem_shared>> -> memref<640xf32, #tpu.memory_space<vmem_shared>>
      %dma_start3A_15 = tpu.memref_slice %arg9[%mul3A_2] : memref<10240xf32, #tpu.memory_space<vmem_shared>> -> memref<640xf32, #tpu.memory_space<vmem_shared>>
      tpu.enqueue_dma source(%arg8 : memref<640xf32, #tpu.memory_space<vmem>>) target(%dma_start3A_15 : memref<640xf32, #tpu.memory_space<vmem_shared>>) target_semaphore(%run_scoped3A : memref<!tpu.dma_semaphore, #tpu.memory_space<semaphore_mem>>)
      %dma_wait3A = tpu.memref_slice %arg9[%mul3A_2] : memref<10240xf32, #tpu.memory_space<vmem_shared>> -> memref<640xf32, #tpu.memory_space<vmem_shared>>
      %dma_wait3A_16 = tpu.memref_slice %arg9[%mul3A_2] : memref<10240xf32, #tpu.memory_space<vmem_shared>> -> memref<640xf32, #tpu.memory_space<vmem_shared>>
      tpu.wait_dma2 semaphore(%run_scoped3A : memref<!tpu.dma_semaphore, #tpu.memory_space<semaphore_mem>>) src(%arg8 : memref<640xf32, #tpu.memory_space<vmem>>) dst(%dma_wait3A_16 : memref<640xf32, #tpu.memory_space<vmem_shared>>)
      tpu.yield
    }) : () -> ()
    %barrier3A = arith.constant 0 : index
    tpu.barrier barrier_id(%barrier3A)
    "tpu.region"() ({
      %run_scoped3A = tpu.sem_alloc : memref<!tpu.dma_semaphore, #tpu.memory_space<semaphore_mem>>
      tpu.enqueue_dma source(%arg2 : memref<128xf32, #tpu.memory_space<hbm>>) target(%arg7 : memref<128xf32, #tpu.memory_space<vmem>>) target_semaphore(%run_scoped3A : memref<!tpu.dma_semaphore, #tpu.memory_space<semaphore_mem>>)
      tpu.wait_dma2 semaphore(%run_scoped3A : memref<!tpu.dma_semaphore, #tpu.memory_space<semaphore_mem>>) src(%arg2 : memref<128xf32, #tpu.memory_space<hbm>>) dst(%arg7 : memref<128xf32, #tpu.memory_space<vmem>>)
      tpu.yield
    }) : () -> ()
    %mul3A_3 = arith.constant 10112 : i32
    %mul3A_4 = arith.muli %add3A, %mul3A_3 : i32
    %scan3A = arith.constant 0 : i32
    %scan3A_5 = arith.constant 0 : i32
    %scan3A_6 = arith.constant 79 : i32
    %scan3A_7 = arith.addi %scan3A_5, %scan3A_6 : i32
    %scan3A_8 = arith.constant 1 : i32
    scf.for %scan3A_15 = %scan3A_5 to %scan3A_7 step %scan3A_8  : i32 {
      %mul3A_16 = arith.constant 128 : i32
      %mul3A_17 = arith.muli %scan3A_15, %mul3A_16 : i32
      %add3A_18 = arith.addi %mul3A_4, %mul3A_17 : i32
      %multiple_of3A = tpu.assume_multiple %add3A_18, 128 : i32
      "tpu.region"() ({
        %run_scoped3A = tpu.sem_alloc : memref<!tpu.dma_semaphore, #tpu.memory_space<semaphore_mem>>
        %dma_start3A = tpu.memref_slice %arg3[%multiple_of3A] : memref<323584xi32, #tpu.memory_space<hbm>> -> memref<128xi32, #tpu.memory_space<hbm>>
        %dma_start3A_19 = tpu.memref_slice %arg3[%multiple_of3A] : memref<323584xi32, #tpu.memory_space<hbm>> -> memref<128xi32, #tpu.memory_space<hbm>>
        tpu.enqueue_dma source(%dma_start3A_19 : memref<128xi32, #tpu.memory_space<hbm>>) target(%arg6 : memref<128xi32, #tpu.memory_space<vmem>>) target_semaphore(%run_scoped3A : memref<!tpu.dma_semaphore, #tpu.memory_space<semaphore_mem>>)
        %dma_wait3A = tpu.memref_slice %arg3[%multiple_of3A] : memref<323584xi32, #tpu.memory_space<hbm>> -> memref<128xi32, #tpu.memory_space<hbm>>
        %dma_wait3A_20 = tpu.memref_slice %arg3[%multiple_of3A] : memref<323584xi32, #tpu.memory_space<hbm>> -> memref<128xi32, #tpu.memory_space<hbm>>
        tpu.wait_dma2 semaphore(%run_scoped3A : memref<!tpu.dma_semaphore, #tpu.memory_space<semaphore_mem>>) src(%dma_wait3A_20 : memref<128xi32, #tpu.memory_space<hbm>>) dst(%arg6 : memref<128xi32, #tpu.memory_space<vmem>>)
        tpu.yield
      }) : () -> ()
      "tpu.region"() ({
        %run_scoped3A = tpu.sem_alloc : memref<!tpu.dma_semaphore, #tpu.memory_space<semaphore_mem>>
        %dma_start3A = arith.constant 0 : i32
        %dma_start3A_19 = tpu.memref_slice %arg9[%dma_start3A] : memref<10240xf32, #tpu.memory_space<vmem_shared>> -> memref<10240xf32, #tpu.memory_space<vmem_shared>>
        tpu.enqueue_indirect_dma source(%arg7 : memref<128xf32, #tpu.memory_space<vmem>>) target(%dma_start3A_19 : memref<10240xf32, #tpu.memory_space<vmem_shared>>) offsets(%arg6 : memref<128xi32, #tpu.memory_space<vmem>>) semaphore(%run_scoped3A : memref<!tpu.dma_semaphore, #tpu.memory_space<semaphore_mem>>) {add = true}
        %dma_wait3A = arith.constant 0 : i32
        %dma_wait3A_20 = tpu.memref_slice %arg9[%dma_wait3A] : memref<10240xf32, #tpu.memory_space<vmem_shared>> -> memref<10240xf32, #tpu.memory_space<vmem_shared>>
        tpu.wait_indirect_dma semaphore(%run_scoped3A : memref<!tpu.dma_semaphore, #tpu.memory_space<semaphore_mem>>) src(%arg7 : memref<128xf32, #tpu.memory_space<vmem>>) dst(%dma_wait3A_20 : memref<10240xf32, #tpu.memory_space<vmem_shared>>)
        tpu.yield
      }) : () -> ()
    }
    %scan3A_9 = arith.constant 79 : i32
    %barrier3A_10 = arith.constant 0 : index
    tpu.barrier barrier_id(%barrier3A_10)
    %mul3A_11 = arith.constant 640 : i32
    %mul3A_12 = arith.muli %arg1, %mul3A_11 : i32
    "tpu.region"() ({
      %run_scoped3A = tpu.sem_alloc : memref<!tpu.dma_semaphore, #tpu.memory_space<semaphore_mem>>
      %dma_start3A = tpu.memref_slice %arg9[%mul3A_12] : memref<10240xf32, #tpu.memory_space<vmem_shared>> -> memref<640xf32, #tpu.memory_space<vmem_shared>>
      %dma_start3A_15 = tpu.memref_slice %arg9[%mul3A_12] : memref<10240xf32, #tpu.memory_space<vmem_shared>> -> memref<640xf32, #tpu.memory_space<vmem_shared>>
      tpu.enqueue_dma source(%dma_start3A_15 : memref<640xf32, #tpu.memory_space<vmem_shared>>) target(%arg8 : memref<640xf32, #tpu.memory_space<vmem>>) target_semaphore(%run_scoped3A : memref<!tpu.dma_semaphore, #tpu.memory_space<semaphore_mem>>)
      %dma_wait3A = tpu.memref_slice %arg9[%mul3A_12] : memref<10240xf32, #tpu.memory_space<vmem_shared>> -> memref<640xf32, #tpu.memory_space<vmem_shared>>
      %dma_wait3A_16 = tpu.memref_slice %arg9[%mul3A_12] : memref<10240xf32, #tpu.memory_space<vmem_shared>> -> memref<640xf32, #tpu.memory_space<vmem_shared>>
      tpu.wait_dma2 semaphore(%run_scoped3A : memref<!tpu.dma_semaphore, #tpu.memory_space<semaphore_mem>>) src(%dma_wait3A_16 : memref<640xf32, #tpu.memory_space<vmem_shared>>) dst(%arg8 : memref<640xf32, #tpu.memory_space<vmem>>)
      tpu.yield
    }) : () -> ()
    %mul3A_13 = arith.constant 640 : i32
    %mul3A_14 = arith.muli %arg1, %mul3A_13 : i32
    "tpu.region"() ({
      %run_scoped3A = tpu.sem_alloc : memref<!tpu.dma_semaphore, #tpu.memory_space<semaphore_mem>>
      %dma_start3A = tpu.memref_slice %arg5[%arg0, %mul3A_14] : memref<2x10240xf32, #tpu.memory_space<hbm>> -> memref<1x640xf32, #tpu.memory_space<hbm>>
      %dma_start3A_15 = tpu.memref_squeeze %dma_start3A : memref<1x640xf32, #tpu.memory_space<hbm>> -> memref<640xf32, #tpu.memory_space<hbm>>
      %dma_start3A_16 = tpu.memref_slice %arg5[%arg0, %mul3A_14] : memref<2x10240xf32, #tpu.memory_space<hbm>> -> memref<1x640xf32, #tpu.memory_space<hbm>>
      %dma_start3A_17 = tpu.memref_squeeze %dma_start3A_16 : memref<1x640xf32, #tpu.memory_space<hbm>> -> memref<640xf32, #tpu.memory_space<hbm>>
      tpu.enqueue_dma source(%arg8 : memref<640xf32, #tpu.memory_space<vmem>>) target(%dma_start3A_17 : memref<640xf32, #tpu.memory_space<hbm>>) target_semaphore(%run_scoped3A : memref<!tpu.dma_semaphore, #tpu.memory_space<semaphore_mem>>)
      %dma_wait3A = tpu.memref_slice %arg5[%arg0, %mul3A_14] : memref<2x10240xf32, #tpu.memory_space<hbm>> -> memref<1x640xf32, #tpu.memory_space<hbm>>
      %dma_wait3A_18 = tpu.memref_squeeze %dma_wait3A : memref<1x640xf32, #tpu.memory_space<hbm>> -> memref<640xf32, #tpu.memory_space<hbm>>
      %dma_wait3A_19 = tpu.memref_slice %arg5[%arg0, %mul3A_14] : memref<2x10240xf32, #tpu.memory_space<hbm>> -> memref<1x640xf32, #tpu.memory_space<hbm>>
      %dma_wait3A_20 = tpu.memref_squeeze %dma_wait3A_19 : memref<1x640xf32, #tpu.memory_space<hbm>> -> memref<640xf32, #tpu.memory_space<hbm>>
      tpu.wait_dma2 semaphore(%run_scoped3A : memref<!tpu.dma_semaphore, #tpu.memory_space<semaphore_mem>>) src(%arg8 : memref<640xf32, #tpu.memory_space<vmem>>) dst(%dma_wait3A_20 : memref<640xf32, #tpu.memory_space<hbm>>)
      tpu.yield
    }) : () -> ()
    return
  }
}

#map = affine_map<(d0, d1) -> (0, 0)>
#map1 = affine_map<(d0, d1) -> (0)>
#map2 = affine_map<(d0, d1) -> (0, 0, 0)>
module attributes {stable_mosaic.version = 14 : i64} {
  func.func @mp(%arg0: i32, %arg1: i32, %arg2: memref<10240x128xf32, #tpu.memory_space<hbm>>, %arg3: memref<323584xi32, #tpu.memory_space<hbm>>, %arg4: memref<323584xi32, #tpu.memory_space<hbm>>, %arg5: memref<128x128xf32, #tpu.memory_space<hbm>>, %arg6: memref<2x10240x128xf32, #tpu.memory_space<hbm>>, %arg7: memref<128xi32, #tpu.memory_space<vmem>>, %arg8: memref<128xi32, #tpu.memory_space<vmem>>, %arg9: memref<128x128xf32, #tpu.memory_space<vmem>>, %arg10: memref<10240x128xf32, #tpu.memory_space<vmem_shared>>, %arg11: memref<!tpu.dma_semaphore, #tpu.memory_space<semaphore_mem>>) attributes {dimension_semantics = [#tpu.dimension_semantics<core_parallel>, #tpu.dimension_semantics<subcore_parallel>], iteration_bounds = array<i64: 2, 16>, scalar_prefetch = 0 : i64, scratch_operands = 5 : i64, tpu.core_type = #tpu.core_type<sc_vector_subcore>, window_params = [{transform_indices = #map}, {transform_indices = #map1}, {transform_indices = #map1}, {transform_indices = #map}, {transform_indices = #map2}]} {
    %mul3A = arith.constant 2 : i32
    %mul3A_0 = arith.muli %arg1, %mul3A : i32
    %add3A = arith.addi %mul3A_0, %arg0 : i32
    "tpu.region"() ({
      %run_scoped3A = tpu.sem_alloc : memref<!tpu.dma_semaphore, #tpu.memory_space<semaphore_mem>>
      tpu.enqueue_dma source(%arg5 : memref<128x128xf32, #tpu.memory_space<hbm>>) target(%arg9 : memref<128x128xf32, #tpu.memory_space<vmem>>) target_semaphore(%run_scoped3A : memref<!tpu.dma_semaphore, #tpu.memory_space<semaphore_mem>>)
      tpu.wait_dma2 semaphore(%run_scoped3A : memref<!tpu.dma_semaphore, #tpu.memory_space<semaphore_mem>>) src(%arg5 : memref<128x128xf32, #tpu.memory_space<hbm>>) dst(%arg9 : memref<128x128xf32, #tpu.memory_space<vmem>>)
      tpu.yield
    }) : () -> ()
    %mul3A_1 = arith.constant 640 : i32
    %mul3A_2 = arith.muli %arg1, %mul3A_1 : i32
    %add3A_3 = arith.constant 0 : i32
    %add3A_4 = arith.addi %mul3A_2, %add3A_3 : i32
    "tpu.region"() ({
      %run_scoped3A = tpu.sem_alloc : memref<!tpu.dma_semaphore, #tpu.memory_space<semaphore_mem>>
      %dma_start3A = arith.constant 0 : i32
      %dma_start3A_49 = tpu.memref_slice %arg10[%add3A_4, %dma_start3A] : memref<10240x128xf32, #tpu.memory_space<vmem_shared>> -> memref<128x128xf32, #tpu.memory_space<vmem_shared>>
      %dma_start3A_50 = arith.constant 0 : i32
      %dma_start3A_51 = tpu.memref_slice %arg10[%add3A_4, %dma_start3A_50] : memref<10240x128xf32, #tpu.memory_space<vmem_shared>> -> memref<128x128xf32, #tpu.memory_space<vmem_shared>>
      tpu.enqueue_dma source(%arg9 : memref<128x128xf32, #tpu.memory_space<vmem>>) target(%dma_start3A_51 : memref<128x128xf32, #tpu.memory_space<vmem_shared>>) target_semaphore(%run_scoped3A : memref<!tpu.dma_semaphore, #tpu.memory_space<semaphore_mem>>)
      %dma_wait3A = arith.constant 0 : i32
      %dma_wait3A_52 = tpu.memref_slice %arg10[%add3A_4, %dma_wait3A] : memref<10240x128xf32, #tpu.memory_space<vmem_shared>> -> memref<128x128xf32, #tpu.memory_space<vmem_shared>>
      %dma_wait3A_53 = arith.constant 0 : i32
      %dma_wait3A_54 = tpu.memref_slice %arg10[%add3A_4, %dma_wait3A_53] : memref<10240x128xf32, #tpu.memory_space<vmem_shared>> -> memref<128x128xf32, #tpu.memory_space<vmem_shared>>
      tpu.wait_dma2 semaphore(%run_scoped3A : memref<!tpu.dma_semaphore, #tpu.memory_space<semaphore_mem>>) src(%arg9 : memref<128x128xf32, #tpu.memory_space<vmem>>) dst(%dma_wait3A_54 : memref<128x128xf32, #tpu.memory_space<vmem_shared>>)
      tpu.yield
    }) : () -> ()
    %mul3A_5 = arith.constant 640 : i32
    %mul3A_6 = arith.muli %arg1, %mul3A_5 : i32
    %add3A_7 = arith.constant 128 : i32
    %add3A_8 = arith.addi %mul3A_6, %add3A_7 : i32
    "tpu.region"() ({
      %run_scoped3A = tpu.sem_alloc : memref<!tpu.dma_semaphore, #tpu.memory_space<semaphore_mem>>
      %dma_start3A = arith.constant 0 : i32
      %dma_start3A_49 = tpu.memref_slice %arg10[%add3A_8, %dma_start3A] : memref<10240x128xf32, #tpu.memory_space<vmem_shared>> -> memref<128x128xf32, #tpu.memory_space<vmem_shared>>
      %dma_start3A_50 = arith.constant 0 : i32
      %dma_start3A_51 = tpu.memref_slice %arg10[%add3A_8, %dma_start3A_50] : memref<10240x128xf32, #tpu.memory_space<vmem_shared>> -> memref<128x128xf32, #tpu.memory_space<vmem_shared>>
      tpu.enqueue_dma source(%arg9 : memref<128x128xf32, #tpu.memory_space<vmem>>) target(%dma_start3A_51 : memref<128x128xf32, #tpu.memory_space<vmem_shared>>) target_semaphore(%run_scoped3A : memref<!tpu.dma_semaphore, #tpu.memory_space<semaphore_mem>>)
      %dma_wait3A = arith.constant 0 : i32
      %dma_wait3A_52 = tpu.memref_slice %arg10[%add3A_8, %dma_wait3A] : memref<10240x128xf32, #tpu.memory_space<vmem_shared>> -> memref<128x128xf32, #tpu.memory_space<vmem_shared>>
      %dma_wait3A_53 = arith.constant 0 : i32
      %dma_wait3A_54 = tpu.memref_slice %arg10[%add3A_8, %dma_wait3A_53] : memref<10240x128xf32, #tpu.memory_space<vmem_shared>> -> memref<128x128xf32, #tpu.memory_space<vmem_shared>>
      tpu.wait_dma2 semaphore(%run_scoped3A : memref<!tpu.dma_semaphore, #tpu.memory_space<semaphore_mem>>) src(%arg9 : memref<128x128xf32, #tpu.memory_space<vmem>>) dst(%dma_wait3A_54 : memref<128x128xf32, #tpu.memory_space<vmem_shared>>)
      tpu.yield
    }) : () -> ()
    %mul3A_9 = arith.constant 640 : i32
    %mul3A_10 = arith.muli %arg1, %mul3A_9 : i32
    %add3A_11 = arith.constant 256 : i32
    %add3A_12 = arith.addi %mul3A_10, %add3A_11 : i32
    "tpu.region"() ({
      %run_scoped3A = tpu.sem_alloc : memref<!tpu.dma_semaphore, #tpu.memory_space<semaphore_mem>>
      %dma_start3A = arith.constant 0 : i32
      %dma_start3A_49 = tpu.memref_slice %arg10[%add3A_12, %dma_start3A] : memref<10240x128xf32, #tpu.memory_space<vmem_shared>> -> memref<128x128xf32, #tpu.memory_space<vmem_shared>>
      %dma_start3A_50 = arith.constant 0 : i32
      %dma_start3A_51 = tpu.memref_slice %arg10[%add3A_12, %dma_start3A_50] : memref<10240x128xf32, #tpu.memory_space<vmem_shared>> -> memref<128x128xf32, #tpu.memory_space<vmem_shared>>
      tpu.enqueue_dma source(%arg9 : memref<128x128xf32, #tpu.memory_space<vmem>>) target(%dma_start3A_51 : memref<128x128xf32, #tpu.memory_space<vmem_shared>>) target_semaphore(%run_scoped3A : memref<!tpu.dma_semaphore, #tpu.memory_space<semaphore_mem>>)
      %dma_wait3A = arith.constant 0 : i32
      %dma_wait3A_52 = tpu.memref_slice %arg10[%add3A_12, %dma_wait3A] : memref<10240x128xf32, #tpu.memory_space<vmem_shared>> -> memref<128x128xf32, #tpu.memory_space<vmem_shared>>
      %dma_wait3A_53 = arith.constant 0 : i32
      %dma_wait3A_54 = tpu.memref_slice %arg10[%add3A_12, %dma_wait3A_53] : memref<10240x128xf32, #tpu.memory_space<vmem_shared>> -> memref<128x128xf32, #tpu.memory_space<vmem_shared>>
      tpu.wait_dma2 semaphore(%run_scoped3A : memref<!tpu.dma_semaphore, #tpu.memory_space<semaphore_mem>>) src(%arg9 : memref<128x128xf32, #tpu.memory_space<vmem>>) dst(%dma_wait3A_54 : memref<128x128xf32, #tpu.memory_space<vmem_shared>>)
      tpu.yield
    }) : () -> ()
    %mul3A_13 = arith.constant 640 : i32
    %mul3A_14 = arith.muli %arg1, %mul3A_13 : i32
    %add3A_15 = arith.constant 384 : i32
    %add3A_16 = arith.addi %mul3A_14, %add3A_15 : i32
    "tpu.region"() ({
      %run_scoped3A = tpu.sem_alloc : memref<!tpu.dma_semaphore, #tpu.memory_space<semaphore_mem>>
      %dma_start3A = arith.constant 0 : i32
      %dma_start3A_49 = tpu.memref_slice %arg10[%add3A_16, %dma_start3A] : memref<10240x128xf32, #tpu.memory_space<vmem_shared>> -> memref<128x128xf32, #tpu.memory_space<vmem_shared>>
      %dma_start3A_50 = arith.constant 0 : i32
      %dma_start3A_51 = tpu.memref_slice %arg10[%add3A_16, %dma_start3A_50] : memref<10240x128xf32, #tpu.memory_space<vmem_shared>> -> memref<128x128xf32, #tpu.memory_space<vmem_shared>>
      tpu.enqueue_dma source(%arg9 : memref<128x128xf32, #tpu.memory_space<vmem>>) target(%dma_start3A_51 : memref<128x128xf32, #tpu.memory_space<vmem_shared>>) target_semaphore(%run_scoped3A : memref<!tpu.dma_semaphore, #tpu.memory_space<semaphore_mem>>)
      %dma_wait3A = arith.constant 0 : i32
      %dma_wait3A_52 = tpu.memref_slice %arg10[%add3A_16, %dma_wait3A] : memref<10240x128xf32, #tpu.memory_space<vmem_shared>> -> memref<128x128xf32, #tpu.memory_space<vmem_shared>>
      %dma_wait3A_53 = arith.constant 0 : i32
      %dma_wait3A_54 = tpu.memref_slice %arg10[%add3A_16, %dma_wait3A_53] : memref<10240x128xf32, #tpu.memory_space<vmem_shared>> -> memref<128x128xf32, #tpu.memory_space<vmem_shared>>
      tpu.wait_dma2 semaphore(%run_scoped3A : memref<!tpu.dma_semaphore, #tpu.memory_space<semaphore_mem>>) src(%arg9 : memref<128x128xf32, #tpu.memory_space<vmem>>) dst(%dma_wait3A_54 : memref<128x128xf32, #tpu.memory_space<vmem_shared>>)
      tpu.yield
    }) : () -> ()
    %mul3A_17 = arith.constant 640 : i32
    %mul3A_18 = arith.muli %arg1, %mul3A_17 : i32
    %add3A_19 = arith.constant 512 : i32
    %add3A_20 = arith.addi %mul3A_18, %add3A_19 : i32
    "tpu.region"() ({
      %run_scoped3A = tpu.sem_alloc : memref<!tpu.dma_semaphore, #tpu.memory_space<semaphore_mem>>
      %dma_start3A = arith.constant 0 : i32
      %dma_start3A_49 = tpu.memref_slice %arg10[%add3A_20, %dma_start3A] : memref<10240x128xf32, #tpu.memory_space<vmem_shared>> -> memref<128x128xf32, #tpu.memory_space<vmem_shared>>
      %dma_start3A_50 = arith.constant 0 : i32
      %dma_start3A_51 = tpu.memref_slice %arg10[%add3A_20, %dma_start3A_50] : memref<10240x128xf32, #tpu.memory_space<vmem_shared>> -> memref<128x128xf32, #tpu.memory_space<vmem_shared>>
      tpu.enqueue_dma source(%arg9 : memref<128x128xf32, #tpu.memory_space<vmem>>) target(%dma_start3A_51 : memref<128x128xf32, #tpu.memory_space<vmem_shared>>) target_semaphore(%run_scoped3A : memref<!tpu.dma_semaphore, #tpu.memory_space<semaphore_mem>>)
      %dma_wait3A = arith.constant 0 : i32
      %dma_wait3A_52 = tpu.memref_slice %arg10[%add3A_20, %dma_wait3A] : memref<10240x128xf32, #tpu.memory_space<vmem_shared>> -> memref<128x128xf32, #tpu.memory_space<vmem_shared>>
      %dma_wait3A_53 = arith.constant 0 : i32
      %dma_wait3A_54 = tpu.memref_slice %arg10[%add3A_20, %dma_wait3A_53] : memref<10240x128xf32, #tpu.memory_space<vmem_shared>> -> memref<128x128xf32, #tpu.memory_space<vmem_shared>>
      tpu.wait_dma2 semaphore(%run_scoped3A : memref<!tpu.dma_semaphore, #tpu.memory_space<semaphore_mem>>) src(%arg9 : memref<128x128xf32, #tpu.memory_space<vmem>>) dst(%dma_wait3A_54 : memref<128x128xf32, #tpu.memory_space<vmem_shared>>)
      tpu.yield
    }) : () -> ()
    %barrier3A = arith.constant 0 : index
    tpu.barrier barrier_id(%barrier3A)
    %mul3A_21 = arith.constant 10112 : i32
    %mul3A_22 = arith.muli %add3A, %mul3A_21 : i32
    %scan3A = arith.constant 0 : i32
    %scan3A_23 = arith.constant 0 : i32
    %scan3A_24 = arith.constant 79 : i32
    %scan3A_25 = arith.addi %scan3A_23, %scan3A_24 : i32
    %scan3A_26 = arith.constant 1 : i32
    scf.for %scan3A_49 = %scan3A_23 to %scan3A_25 step %scan3A_26  : i32 {
      %mul3A_50 = arith.constant 128 : i32
      %mul3A_51 = arith.muli %scan3A_49, %mul3A_50 : i32
      %add3A_52 = arith.addi %mul3A_22, %mul3A_51 : i32
      %multiple_of3A = tpu.assume_multiple %add3A_52, 128 : i32
      "tpu.region"() ({
        %run_scoped3A = tpu.sem_alloc : memref<!tpu.dma_semaphore, #tpu.memory_space<semaphore_mem>>
        %dma_start3A_57 = tpu.memref_slice %arg4[%multiple_of3A] : memref<323584xi32, #tpu.memory_space<hbm>> -> memref<128xi32, #tpu.memory_space<hbm>>
        %dma_start3A_58 = tpu.memref_slice %arg4[%multiple_of3A] : memref<323584xi32, #tpu.memory_space<hbm>> -> memref<128xi32, #tpu.memory_space<hbm>>
        tpu.enqueue_dma source(%dma_start3A_58 : memref<128xi32, #tpu.memory_space<hbm>>) target(%arg8 : memref<128xi32, #tpu.memory_space<vmem>>) target_semaphore(%run_scoped3A : memref<!tpu.dma_semaphore, #tpu.memory_space<semaphore_mem>>)
        %dma_wait3A_59 = tpu.memref_slice %arg4[%multiple_of3A] : memref<323584xi32, #tpu.memory_space<hbm>> -> memref<128xi32, #tpu.memory_space<hbm>>
        %dma_wait3A_60 = tpu.memref_slice %arg4[%multiple_of3A] : memref<323584xi32, #tpu.memory_space<hbm>> -> memref<128xi32, #tpu.memory_space<hbm>>
        tpu.wait_dma2 semaphore(%run_scoped3A : memref<!tpu.dma_semaphore, #tpu.memory_space<semaphore_mem>>) src(%dma_wait3A_60 : memref<128xi32, #tpu.memory_space<hbm>>) dst(%arg8 : memref<128xi32, #tpu.memory_space<vmem>>)
        tpu.yield
      }) : () -> ()
      "tpu.region"() ({
        %run_scoped3A = tpu.sem_alloc : memref<!tpu.dma_semaphore, #tpu.memory_space<semaphore_mem>>
        %dma_start3A_57 = tpu.memref_slice %arg3[%multiple_of3A] : memref<323584xi32, #tpu.memory_space<hbm>> -> memref<128xi32, #tpu.memory_space<hbm>>
        %dma_start3A_58 = tpu.memref_slice %arg3[%multiple_of3A] : memref<323584xi32, #tpu.memory_space<hbm>> -> memref<128xi32, #tpu.memory_space<hbm>>
        tpu.enqueue_dma source(%dma_start3A_58 : memref<128xi32, #tpu.memory_space<hbm>>) target(%arg7 : memref<128xi32, #tpu.memory_space<vmem>>) target_semaphore(%run_scoped3A : memref<!tpu.dma_semaphore, #tpu.memory_space<semaphore_mem>>)
        %dma_wait3A_59 = tpu.memref_slice %arg3[%multiple_of3A] : memref<323584xi32, #tpu.memory_space<hbm>> -> memref<128xi32, #tpu.memory_space<hbm>>
        %dma_wait3A_60 = tpu.memref_slice %arg3[%multiple_of3A] : memref<323584xi32, #tpu.memory_space<hbm>> -> memref<128xi32, #tpu.memory_space<hbm>>
        tpu.wait_dma2 semaphore(%run_scoped3A : memref<!tpu.dma_semaphore, #tpu.memory_space<semaphore_mem>>) src(%dma_wait3A_60 : memref<128xi32, #tpu.memory_space<hbm>>) dst(%arg7 : memref<128xi32, #tpu.memory_space<vmem>>)
        tpu.yield
      }) : () -> ()
      %dma_start3A = arith.constant 0 : i32
      %dma_start3A_53 = arith.constant 0 : i32
      %dma_start3A_54 = tpu.memref_slice %arg2[%dma_start3A, %dma_start3A_53] : memref<10240x128xf32, #tpu.memory_space<hbm>> -> memref<10240x128xf32, #tpu.memory_space<hbm>>
      tpu.enqueue_indirect_dma source(%dma_start3A_54 : memref<10240x128xf32, #tpu.memory_space<hbm>>) target(%arg9 : memref<128x128xf32, #tpu.memory_space<vmem>>) offsets(%arg7 : memref<128xi32, #tpu.memory_space<vmem>>) semaphore(%arg11 : memref<!tpu.dma_semaphore, #tpu.memory_space<semaphore_mem>>)
      %dma_wait3A = arith.constant 0 : i32
      %dma_wait3A_55 = arith.constant 0 : i32
      %dma_wait3A_56 = tpu.memref_slice %arg2[%dma_wait3A, %dma_wait3A_55] : memref<10240x128xf32, #tpu.memory_space<hbm>> -> memref<10240x128xf32, #tpu.memory_space<hbm>>
      tpu.wait_indirect_dma semaphore(%arg11 : memref<!tpu.dma_semaphore, #tpu.memory_space<semaphore_mem>>) src(%dma_wait3A_56 : memref<10240x128xf32, #tpu.memory_space<hbm>>) dst(%arg9 : memref<128x128xf32, #tpu.memory_space<vmem>>)
      "tpu.region"() ({
        %run_scoped3A = tpu.sem_alloc : memref<!tpu.dma_semaphore, #tpu.memory_space<semaphore_mem>>
        %dma_start3A_57 = arith.constant 0 : i32
        %dma_start3A_58 = arith.constant 0 : i32
        %dma_start3A_59 = tpu.memref_slice %arg10[%dma_start3A_57, %dma_start3A_58] : memref<10240x128xf32, #tpu.memory_space<vmem_shared>> -> memref<10240x128xf32, #tpu.memory_space<vmem_shared>>
        tpu.enqueue_indirect_dma source(%arg9 : memref<128x128xf32, #tpu.memory_space<vmem>>) target(%dma_start3A_59 : memref<10240x128xf32, #tpu.memory_space<vmem_shared>>) offsets(%arg8 : memref<128xi32, #tpu.memory_space<vmem>>) semaphore(%run_scoped3A : memref<!tpu.dma_semaphore, #tpu.memory_space<semaphore_mem>>) {add = true}
        %dma_wait3A_60 = arith.constant 0 : i32
        %dma_wait3A_61 = arith.constant 0 : i32
        %dma_wait3A_62 = tpu.memref_slice %arg10[%dma_wait3A_60, %dma_wait3A_61] : memref<10240x128xf32, #tpu.memory_space<vmem_shared>> -> memref<10240x128xf32, #tpu.memory_space<vmem_shared>>
        tpu.wait_indirect_dma semaphore(%run_scoped3A : memref<!tpu.dma_semaphore, #tpu.memory_space<semaphore_mem>>) src(%arg9 : memref<128x128xf32, #tpu.memory_space<vmem>>) dst(%dma_wait3A_62 : memref<10240x128xf32, #tpu.memory_space<vmem_shared>>)
        tpu.yield
      }) : () -> ()
    }
    %scan3A_27 = arith.constant 79 : i32
    %barrier3A_28 = arith.constant 0 : index
    tpu.barrier barrier_id(%barrier3A_28)
    %mul3A_29 = arith.constant 640 : i32
    %mul3A_30 = arith.muli %arg1, %mul3A_29 : i32
    %add3A_31 = arith.constant 0 : i32
    %add3A_32 = arith.addi %mul3A_30, %add3A_31 : i32
    "tpu.region"() ({
      %run_scoped3A = tpu.sem_alloc : memref<!tpu.dma_semaphore, #tpu.memory_space<semaphore_mem>>
      %dma_start3A = arith.constant 0 : i32
      %dma_start3A_49 = tpu.memref_slice %arg10[%add3A_32, %dma_start3A] : memref<10240x128xf32, #tpu.memory_space<vmem_shared>> -> memref<128x128xf32, #tpu.memory_space<vmem_shared>>
      %dma_start3A_50 = arith.constant 0 : i32
      %dma_start3A_51 = tpu.memref_slice %arg10[%add3A_32, %dma_start3A_50] : memref<10240x128xf32, #tpu.memory_space<vmem_shared>> -> memref<128x128xf32, #tpu.memory_space<vmem_shared>>
      tpu.enqueue_dma source(%dma_start3A_51 : memref<128x128xf32, #tpu.memory_space<vmem_shared>>) target(%arg9 : memref<128x128xf32, #tpu.memory_space<vmem>>) target_semaphore(%run_scoped3A : memref<!tpu.dma_semaphore, #tpu.memory_space<semaphore_mem>>)
      %dma_wait3A = arith.constant 0 : i32
      %dma_wait3A_52 = tpu.memref_slice %arg10[%add3A_32, %dma_wait3A] : memref<10240x128xf32, #tpu.memory_space<vmem_shared>> -> memref<128x128xf32, #tpu.memory_space<vmem_shared>>
      %dma_wait3A_53 = arith.constant 0 : i32
      %dma_wait3A_54 = tpu.memref_slice %arg10[%add3A_32, %dma_wait3A_53] : memref<10240x128xf32, #tpu.memory_space<vmem_shared>> -> memref<128x128xf32, #tpu.memory_space<vmem_shared>>
      tpu.wait_dma2 semaphore(%run_scoped3A : memref<!tpu.dma_semaphore, #tpu.memory_space<semaphore_mem>>) src(%dma_wait3A_54 : memref<128x128xf32, #tpu.memory_space<vmem_shared>>) dst(%arg9 : memref<128x128xf32, #tpu.memory_space<vmem>>)
      tpu.yield
    }) : () -> ()
    "tpu.region"() ({
      %run_scoped3A = tpu.sem_alloc : memref<!tpu.dma_semaphore, #tpu.memory_space<semaphore_mem>>
      %dma_start3A = arith.constant 0 : i32
      %dma_start3A_49 = tpu.memref_slice %arg6[%arg0, %add3A_32, %dma_start3A] : memref<2x10240x128xf32, #tpu.memory_space<hbm>> -> memref<1x128x128xf32, #tpu.memory_space<hbm>>
      %dma_start3A_50 = tpu.memref_squeeze %dma_start3A_49 : memref<1x128x128xf32, #tpu.memory_space<hbm>> -> memref<128x128xf32, #tpu.memory_space<hbm>>
      %dma_start3A_51 = arith.constant 0 : i32
      %dma_start3A_52 = tpu.memref_slice %arg6[%arg0, %add3A_32, %dma_start3A_51] : memref<2x10240x128xf32, #tpu.memory_space<hbm>> -> memref<1x128x128xf32, #tpu.memory_space<hbm>>
      %dma_start3A_53 = tpu.memref_squeeze %dma_start3A_52 : memref<1x128x128xf32, #tpu.memory_space<hbm>> -> memref<128x128xf32, #tpu.memory_space<hbm>>
      tpu.enqueue_dma source(%arg9 : memref<128x128xf32, #tpu.memory_space<vmem>>) target(%dma_start3A_53 : memref<128x128xf32, #tpu.memory_space<hbm>>) target_semaphore(%run_scoped3A : memref<!tpu.dma_semaphore, #tpu.memory_space<semaphore_mem>>)
      %dma_wait3A = arith.constant 0 : i32
      %dma_wait3A_54 = tpu.memref_slice %arg6[%arg0, %add3A_32, %dma_wait3A] : memref<2x10240x128xf32, #tpu.memory_space<hbm>> -> memref<1x128x128xf32, #tpu.memory_space<hbm>>
      %dma_wait3A_55 = tpu.memref_squeeze %dma_wait3A_54 : memref<1x128x128xf32, #tpu.memory_space<hbm>> -> memref<128x128xf32, #tpu.memory_space<hbm>>
      %dma_wait3A_56 = arith.constant 0 : i32
      %dma_wait3A_57 = tpu.memref_slice %arg6[%arg0, %add3A_32, %dma_wait3A_56] : memref<2x10240x128xf32, #tpu.memory_space<hbm>> -> memref<1x128x128xf32, #tpu.memory_space<hbm>>
      %dma_wait3A_58 = tpu.memref_squeeze %dma_wait3A_57 : memref<1x128x128xf32, #tpu.memory_space<hbm>> -> memref<128x128xf32, #tpu.memory_space<hbm>>
      tpu.wait_dma2 semaphore(%run_scoped3A : memref<!tpu.dma_semaphore, #tpu.memory_space<semaphore_mem>>) src(%arg9 : memref<128x128xf32, #tpu.memory_space<vmem>>) dst(%dma_wait3A_58 : memref<128x128xf32, #tpu.memory_space<hbm>>)
      tpu.yield
    }) : () -> ()
    %mul3A_33 = arith.constant 640 : i32
    %mul3A_34 = arith.muli %arg1, %mul3A_33 : i32
    %add3A_35 = arith.constant 128 : i32
    %add3A_36 = arith.addi %mul3A_34, %add3A_35 : i32
    "tpu.region"() ({
      %run_scoped3A = tpu.sem_alloc : memref<!tpu.dma_semaphore, #tpu.memory_space<semaphore_mem>>
      %dma_start3A = arith.constant 0 : i32
      %dma_start3A_49 = tpu.memref_slice %arg10[%add3A_36, %dma_start3A] : memref<10240x128xf32, #tpu.memory_space<vmem_shared>> -> memref<128x128xf32, #tpu.memory_space<vmem_shared>>
      %dma_start3A_50 = arith.constant 0 : i32
      %dma_start3A_51 = tpu.memref_slice %arg10[%add3A_36, %dma_start3A_50] : memref<10240x128xf32, #tpu.memory_space<vmem_shared>> -> memref<128x128xf32, #tpu.memory_space<vmem_shared>>
      tpu.enqueue_dma source(%dma_start3A_51 : memref<128x128xf32, #tpu.memory_space<vmem_shared>>) target(%arg9 : memref<128x128xf32, #tpu.memory_space<vmem>>) target_semaphore(%run_scoped3A : memref<!tpu.dma_semaphore, #tpu.memory_space<semaphore_mem>>)
      %dma_wait3A = arith.constant 0 : i32
      %dma_wait3A_52 = tpu.memref_slice %arg10[%add3A_36, %dma_wait3A] : memref<10240x128xf32, #tpu.memory_space<vmem_shared>> -> memref<128x128xf32, #tpu.memory_space<vmem_shared>>
      %dma_wait3A_53 = arith.constant 0 : i32
      %dma_wait3A_54 = tpu.memref_slice %arg10[%add3A_36, %dma_wait3A_53] : memref<10240x128xf32, #tpu.memory_space<vmem_shared>> -> memref<128x128xf32, #tpu.memory_space<vmem_shared>>
      tpu.wait_dma2 semaphore(%run_scoped3A : memref<!tpu.dma_semaphore, #tpu.memory_space<semaphore_mem>>) src(%dma_wait3A_54 : memref<128x128xf32, #tpu.memory_space<vmem_shared>>) dst(%arg9 : memref<128x128xf32, #tpu.memory_space<vmem>>)
      tpu.yield
    }) : () -> ()
    "tpu.region"() ({
      %run_scoped3A = tpu.sem_alloc : memref<!tpu.dma_semaphore, #tpu.memory_space<semaphore_mem>>
      %dma_start3A = arith.constant 0 : i32
      %dma_start3A_49 = tpu.memref_slice %arg6[%arg0, %add3A_36, %dma_start3A] : memref<2x10240x128xf32, #tpu.memory_space<hbm>> -> memref<1x128x128xf32, #tpu.memory_space<hbm>>
      %dma_start3A_50 = tpu.memref_squeeze %dma_start3A_49 : memref<1x128x128xf32, #tpu.memory_space<hbm>> -> memref<128x128xf32, #tpu.memory_space<hbm>>
      %dma_start3A_51 = arith.constant 0 : i32
      %dma_start3A_52 = tpu.memref_slice %arg6[%arg0, %add3A_36, %dma_start3A_51] : memref<2x10240x128xf32, #tpu.memory_space<hbm>> -> memref<1x128x128xf32, #tpu.memory_space<hbm>>
      %dma_start3A_53 = tpu.memref_squeeze %dma_start3A_52 : memref<1x128x128xf32, #tpu.memory_space<hbm>> -> memref<128x128xf32, #tpu.memory_space<hbm>>
      tpu.enqueue_dma source(%arg9 : memref<128x128xf32, #tpu.memory_space<vmem>>) target(%dma_start3A_53 : memref<128x128xf32, #tpu.memory_space<hbm>>) target_semaphore(%run_scoped3A : memref<!tpu.dma_semaphore, #tpu.memory_space<semaphore_mem>>)
      %dma_wait3A = arith.constant 0 : i32
      %dma_wait3A_54 = tpu.memref_slice %arg6[%arg0, %add3A_36, %dma_wait3A] : memref<2x10240x128xf32, #tpu.memory_space<hbm>> -> memref<1x128x128xf32, #tpu.memory_space<hbm>>
      %dma_wait3A_55 = tpu.memref_squeeze %dma_wait3A_54 : memref<1x128x128xf32, #tpu.memory_space<hbm>> -> memref<128x128xf32, #tpu.memory_space<hbm>>
      %dma_wait3A_56 = arith.constant 0 : i32
      %dma_wait3A_57 = tpu.memref_slice %arg6[%arg0, %add3A_36, %dma_wait3A_56] : memref<2x10240x128xf32, #tpu.memory_space<hbm>> -> memref<1x128x128xf32, #tpu.memory_space<hbm>>
      %dma_wait3A_58 = tpu.memref_squeeze %dma_wait3A_57 : memref<1x128x128xf32, #tpu.memory_space<hbm>> -> memref<128x128xf32, #tpu.memory_space<hbm>>
      tpu.wait_dma2 semaphore(%run_scoped3A : memref<!tpu.dma_semaphore, #tpu.memory_space<semaphore_mem>>) src(%arg9 : memref<128x128xf32, #tpu.memory_space<vmem>>) dst(%dma_wait3A_58 : memref<128x128xf32, #tpu.memory_space<hbm>>)
      tpu.yield
    }) : () -> ()
    %mul3A_37 = arith.constant 640 : i32
    %mul3A_38 = arith.muli %arg1, %mul3A_37 : i32
    %add3A_39 = arith.constant 256 : i32
    %add3A_40 = arith.addi %mul3A_38, %add3A_39 : i32
    "tpu.region"() ({
      %run_scoped3A = tpu.sem_alloc : memref<!tpu.dma_semaphore, #tpu.memory_space<semaphore_mem>>
      %dma_start3A = arith.constant 0 : i32
      %dma_start3A_49 = tpu.memref_slice %arg10[%add3A_40, %dma_start3A] : memref<10240x128xf32, #tpu.memory_space<vmem_shared>> -> memref<128x128xf32, #tpu.memory_space<vmem_shared>>
      %dma_start3A_50 = arith.constant 0 : i32
      %dma_start3A_51 = tpu.memref_slice %arg10[%add3A_40, %dma_start3A_50] : memref<10240x128xf32, #tpu.memory_space<vmem_shared>> -> memref<128x128xf32, #tpu.memory_space<vmem_shared>>
      tpu.enqueue_dma source(%dma_start3A_51 : memref<128x128xf32, #tpu.memory_space<vmem_shared>>) target(%arg9 : memref<128x128xf32, #tpu.memory_space<vmem>>) target_semaphore(%run_scoped3A : memref<!tpu.dma_semaphore, #tpu.memory_space<semaphore_mem>>)
      %dma_wait3A = arith.constant 0 : i32
      %dma_wait3A_52 = tpu.memref_slice %arg10[%add3A_40, %dma_wait3A] : memref<10240x128xf32, #tpu.memory_space<vmem_shared>> -> memref<128x128xf32, #tpu.memory_space<vmem_shared>>
      %dma_wait3A_53 = arith.constant 0 : i32
      %dma_wait3A_54 = tpu.memref_slice %arg10[%add3A_40, %dma_wait3A_53] : memref<10240x128xf32, #tpu.memory_space<vmem_shared>> -> memref<128x128xf32, #tpu.memory_space<vmem_shared>>
      tpu.wait_dma2 semaphore(%run_scoped3A : memref<!tpu.dma_semaphore, #tpu.memory_space<semaphore_mem>>) src(%dma_wait3A_54 : memref<128x128xf32, #tpu.memory_space<vmem_shared>>) dst(%arg9 : memref<128x128xf32, #tpu.memory_space<vmem>>)
      tpu.yield
    }) : () -> ()
    "tpu.region"() ({
      %run_scoped3A = tpu.sem_alloc : memref<!tpu.dma_semaphore, #tpu.memory_space<semaphore_mem>>
      %dma_start3A = arith.constant 0 : i32
      %dma_start3A_49 = tpu.memref_slice %arg6[%arg0, %add3A_40, %dma_start3A] : memref<2x10240x128xf32, #tpu.memory_space<hbm>> -> memref<1x128x128xf32, #tpu.memory_space<hbm>>
      %dma_start3A_50 = tpu.memref_squeeze %dma_start3A_49 : memref<1x128x128xf32, #tpu.memory_space<hbm>> -> memref<128x128xf32, #tpu.memory_space<hbm>>
      %dma_start3A_51 = arith.constant 0 : i32
      %dma_start3A_52 = tpu.memref_slice %arg6[%arg0, %add3A_40, %dma_start3A_51] : memref<2x10240x128xf32, #tpu.memory_space<hbm>> -> memref<1x128x128xf32, #tpu.memory_space<hbm>>
      %dma_start3A_53 = tpu.memref_squeeze %dma_start3A_52 : memref<1x128x128xf32, #tpu.memory_space<hbm>> -> memref<128x128xf32, #tpu.memory_space<hbm>>
      tpu.enqueue_dma source(%arg9 : memref<128x128xf32, #tpu.memory_space<vmem>>) target(%dma_start3A_53 : memref<128x128xf32, #tpu.memory_space<hbm>>) target_semaphore(%run_scoped3A : memref<!tpu.dma_semaphore, #tpu.memory_space<semaphore_mem>>)
      %dma_wait3A = arith.constant 0 : i32
      %dma_wait3A_54 = tpu.memref_slice %arg6[%arg0, %add3A_40, %dma_wait3A] : memref<2x10240x128xf32, #tpu.memory_space<hbm>> -> memref<1x128x128xf32, #tpu.memory_space<hbm>>
      %dma_wait3A_55 = tpu.memref_squeeze %dma_wait3A_54 : memref<1x128x128xf32, #tpu.memory_space<hbm>> -> memref<128x128xf32, #tpu.memory_space<hbm>>
      %dma_wait3A_56 = arith.constant 0 : i32
      %dma_wait3A_57 = tpu.memref_slice %arg6[%arg0, %add3A_40, %dma_wait3A_56] : memref<2x10240x128xf32, #tpu.memory_space<hbm>> -> memref<1x128x128xf32, #tpu.memory_space<hbm>>
      %dma_wait3A_58 = tpu.memref_squeeze %dma_wait3A_57 : memref<1x128x128xf32, #tpu.memory_space<hbm>> -> memref<128x128xf32, #tpu.memory_space<hbm>>
      tpu.wait_dma2 semaphore(%run_scoped3A : memref<!tpu.dma_semaphore, #tpu.memory_space<semaphore_mem>>) src(%arg9 : memref<128x128xf32, #tpu.memory_space<vmem>>) dst(%dma_wait3A_58 : memref<128x128xf32, #tpu.memory_space<hbm>>)
      tpu.yield
    }) : () -> ()
    %mul3A_41 = arith.constant 640 : i32
    %mul3A_42 = arith.muli %arg1, %mul3A_41 : i32
    %add3A_43 = arith.constant 384 : i32
    %add3A_44 = arith.addi %mul3A_42, %add3A_43 : i32
    "tpu.region"() ({
      %run_scoped3A = tpu.sem_alloc : memref<!tpu.dma_semaphore, #tpu.memory_space<semaphore_mem>>
      %dma_start3A = arith.constant 0 : i32
      %dma_start3A_49 = tpu.memref_slice %arg10[%add3A_44, %dma_start3A] : memref<10240x128xf32, #tpu.memory_space<vmem_shared>> -> memref<128x128xf32, #tpu.memory_space<vmem_shared>>
      %dma_start3A_50 = arith.constant 0 : i32
      %dma_start3A_51 = tpu.memref_slice %arg10[%add3A_44, %dma_start3A_50] : memref<10240x128xf32, #tpu.memory_space<vmem_shared>> -> memref<128x128xf32, #tpu.memory_space<vmem_shared>>
      tpu.enqueue_dma source(%dma_start3A_51 : memref<128x128xf32, #tpu.memory_space<vmem_shared>>) target(%arg9 : memref<128x128xf32, #tpu.memory_space<vmem>>) target_semaphore(%run_scoped3A : memref<!tpu.dma_semaphore, #tpu.memory_space<semaphore_mem>>)
      %dma_wait3A = arith.constant 0 : i32
      %dma_wait3A_52 = tpu.memref_slice %arg10[%add3A_44, %dma_wait3A] : memref<10240x128xf32, #tpu.memory_space<vmem_shared>> -> memref<128x128xf32, #tpu.memory_space<vmem_shared>>
      %dma_wait3A_53 = arith.constant 0 : i32
      %dma_wait3A_54 = tpu.memref_slice %arg10[%add3A_44, %dma_wait3A_53] : memref<10240x128xf32, #tpu.memory_space<vmem_shared>> -> memref<128x128xf32, #tpu.memory_space<vmem_shared>>
      tpu.wait_dma2 semaphore(%run_scoped3A : memref<!tpu.dma_semaphore, #tpu.memory_space<semaphore_mem>>) src(%dma_wait3A_54 : memref<128x128xf32, #tpu.memory_space<vmem_shared>>) dst(%arg9 : memref<128x128xf32, #tpu.memory_space<vmem>>)
      tpu.yield
    }) : () -> ()
    "tpu.region"() ({
      %run_scoped3A = tpu.sem_alloc : memref<!tpu.dma_semaphore, #tpu.memory_space<semaphore_mem>>
      %dma_start3A = arith.constant 0 : i32
      %dma_start3A_49 = tpu.memref_slice %arg6[%arg0, %add3A_44, %dma_start3A] : memref<2x10240x128xf32, #tpu.memory_space<hbm>> -> memref<1x128x128xf32, #tpu.memory_space<hbm>>
      %dma_start3A_50 = tpu.memref_squeeze %dma_start3A_49 : memref<1x128x128xf32, #tpu.memory_space<hbm>> -> memref<128x128xf32, #tpu.memory_space<hbm>>
      %dma_start3A_51 = arith.constant 0 : i32
      %dma_start3A_52 = tpu.memref_slice %arg6[%arg0, %add3A_44, %dma_start3A_51] : memref<2x10240x128xf32, #tpu.memory_space<hbm>> -> memref<1x128x128xf32, #tpu.memory_space<hbm>>
      %dma_start3A_53 = tpu.memref_squeeze %dma_start3A_52 : memref<1x128x128xf32, #tpu.memory_space<hbm>> -> memref<128x128xf32, #tpu.memory_space<hbm>>
      tpu.enqueue_dma source(%arg9 : memref<128x128xf32, #tpu.memory_space<vmem>>) target(%dma_start3A_53 : memref<128x128xf32, #tpu.memory_space<hbm>>) target_semaphore(%run_scoped3A : memref<!tpu.dma_semaphore, #tpu.memory_space<semaphore_mem>>)
      %dma_wait3A = arith.constant 0 : i32
      %dma_wait3A_54 = tpu.memref_slice %arg6[%arg0, %add3A_44, %dma_wait3A] : memref<2x10240x128xf32, #tpu.memory_space<hbm>> -> memref<1x128x128xf32, #tpu.memory_space<hbm>>
      %dma_wait3A_55 = tpu.memref_squeeze %dma_wait3A_54 : memref<1x128x128xf32, #tpu.memory_space<hbm>> -> memref<128x128xf32, #tpu.memory_space<hbm>>
      %dma_wait3A_56 = arith.constant 0 : i32
      %dma_wait3A_57 = tpu.memref_slice %arg6[%arg0, %add3A_44, %dma_wait3A_56] : memref<2x10240x128xf32, #tpu.memory_space<hbm>> -> memref<1x128x128xf32, #tpu.memory_space<hbm>>
      %dma_wait3A_58 = tpu.memref_squeeze %dma_wait3A_57 : memref<1x128x128xf32, #tpu.memory_space<hbm>> -> memref<128x128xf32, #tpu.memory_space<hbm>>
      tpu.wait_dma2 semaphore(%run_scoped3A : memref<!tpu.dma_semaphore, #tpu.memory_space<semaphore_mem>>) src(%arg9 : memref<128x128xf32, #tpu.memory_space<vmem>>) dst(%dma_wait3A_58 : memref<128x128xf32, #tpu.memory_space<hbm>>)
      tpu.yield
    }) : () -> ()
    %mul3A_45 = arith.constant 640 : i32
    %mul3A_46 = arith.muli %arg1, %mul3A_45 : i32
    %add3A_47 = arith.constant 512 : i32
    %add3A_48 = arith.addi %mul3A_46, %add3A_47 : i32
    "tpu.region"() ({
      %run_scoped3A = tpu.sem_alloc : memref<!tpu.dma_semaphore, #tpu.memory_space<semaphore_mem>>
      %dma_start3A = arith.constant 0 : i32
      %dma_start3A_49 = tpu.memref_slice %arg10[%add3A_48, %dma_start3A] : memref<10240x128xf32, #tpu.memory_space<vmem_shared>> -> memref<128x128xf32, #tpu.memory_space<vmem_shared>>
      %dma_start3A_50 = arith.constant 0 : i32
      %dma_start3A_51 = tpu.memref_slice %arg10[%add3A_48, %dma_start3A_50] : memref<10240x128xf32, #tpu.memory_space<vmem_shared>> -> memref<128x128xf32, #tpu.memory_space<vmem_shared>>
      tpu.enqueue_dma source(%dma_start3A_51 : memref<128x128xf32, #tpu.memory_space<vmem_shared>>) target(%arg9 : memref<128x128xf32, #tpu.memory_space<vmem>>) target_semaphore(%run_scoped3A : memref<!tpu.dma_semaphore, #tpu.memory_space<semaphore_mem>>)
      %dma_wait3A = arith.constant 0 : i32
      %dma_wait3A_52 = tpu.memref_slice %arg10[%add3A_48, %dma_wait3A] : memref<10240x128xf32, #tpu.memory_space<vmem_shared>> -> memref<128x128xf32, #tpu.memory_space<vmem_shared>>
      %dma_wait3A_53 = arith.constant 0 : i32
      %dma_wait3A_54 = tpu.memref_slice %arg10[%add3A_48, %dma_wait3A_53] : memref<10240x128xf32, #tpu.memory_space<vmem_shared>> -> memref<128x128xf32, #tpu.memory_space<vmem_shared>>
      tpu.wait_dma2 semaphore(%run_scoped3A : memref<!tpu.dma_semaphore, #tpu.memory_space<semaphore_mem>>) src(%dma_wait3A_54 : memref<128x128xf32, #tpu.memory_space<vmem_shared>>) dst(%arg9 : memref<128x128xf32, #tpu.memory_space<vmem>>)
      tpu.yield
    }) : () -> ()
    "tpu.region"() ({
      %run_scoped3A = tpu.sem_alloc : memref<!tpu.dma_semaphore, #tpu.memory_space<semaphore_mem>>
      %dma_start3A = arith.constant 0 : i32
      %dma_start3A_49 = tpu.memref_slice %arg6[%arg0, %add3A_48, %dma_start3A] : memref<2x10240x128xf32, #tpu.memory_space<hbm>> -> memref<1x128x128xf32, #tpu.memory_space<hbm>>
      %dma_start3A_50 = tpu.memref_squeeze %dma_start3A_49 : memref<1x128x128xf32, #tpu.memory_space<hbm>> -> memref<128x128xf32, #tpu.memory_space<hbm>>
      %dma_start3A_51 = arith.constant 0 : i32
      %dma_start3A_52 = tpu.memref_slice %arg6[%arg0, %add3A_48, %dma_start3A_51] : memref<2x10240x128xf32, #tpu.memory_space<hbm>> -> memref<1x128x128xf32, #tpu.memory_space<hbm>>
      %dma_start3A_53 = tpu.memref_squeeze %dma_start3A_52 : memref<1x128x128xf32, #tpu.memory_space<hbm>> -> memref<128x128xf32, #tpu.memory_space<hbm>>
      tpu.enqueue_dma source(%arg9 : memref<128x128xf32, #tpu.memory_space<vmem>>) target(%dma_start3A_53 : memref<128x128xf32, #tpu.memory_space<hbm>>) target_semaphore(%run_scoped3A : memref<!tpu.dma_semaphore, #tpu.memory_space<semaphore_mem>>)
      %dma_wait3A = arith.constant 0 : i32
      %dma_wait3A_54 = tpu.memref_slice %arg6[%arg0, %add3A_48, %dma_wait3A] : memref<2x10240x128xf32, #tpu.memory_space<hbm>> -> memref<1x128x128xf32, #tpu.memory_space<hbm>>
      %dma_wait3A_55 = tpu.memref_squeeze %dma_wait3A_54 : memref<1x128x128xf32, #tpu.memory_space<hbm>> -> memref<128x128xf32, #tpu.memory_space<hbm>>
      %dma_wait3A_56 = arith.constant 0 : i32
      %dma_wait3A_57 = tpu.memref_slice %arg6[%arg0, %add3A_48, %dma_wait3A_56] : memref<2x10240x128xf32, #tpu.memory_space<hbm>> -> memref<1x128x128xf32, #tpu.memory_space<hbm>>
      %dma_wait3A_58 = tpu.memref_squeeze %dma_wait3A_57 : memref<1x128x128xf32, #tpu.memory_space<hbm>> -> memref<128x128xf32, #tpu.memory_space<hbm>>
      tpu.wait_dma2 semaphore(%run_scoped3A : memref<!tpu.dma_semaphore, #tpu.memory_space<semaphore_mem>>) src(%arg9 : memref<128x128xf32, #tpu.memory_space<vmem>>) dst(%dma_wait3A_58 : memref<128x128xf32, #tpu.memory_space<hbm>>)
      tpu.yield
    }) : () -> ()
    return
  }
}

#map = affine_map<(d0, d1) -> (0, 0)>
#map1 = affine_map<(d0, d1) -> (0)>
#map2 = affine_map<(d0, d1) -> (0, 0, 0)>
module attributes {stable_mosaic.version = 14 : i64} {
  func.func @mp(%arg0: i32, %arg1: i32, %arg2: memref<10240x128xf32, #tpu.memory_space<hbm>>, %arg3: memref<323584xi32, #tpu.memory_space<hbm>>, %arg4: memref<323584xi32, #tpu.memory_space<hbm>>, %arg5: memref<128x128xf32, #tpu.memory_space<hbm>>, %arg6: memref<2x10240x128xf32, #tpu.memory_space<hbm>>, %arg7: memref<128xi32, #tpu.memory_space<vmem>>, %arg8: memref<128xi32, #tpu.memory_space<vmem>>, %arg9: memref<128x128xf32, #tpu.memory_space<vmem>>, %arg10: memref<10240x128xf32, #tpu.memory_space<vmem_shared>>, %arg11: memref<!tpu.dma_semaphore, #tpu.memory_space<semaphore_mem>>) attributes {dimension_semantics = [#tpu.dimension_semantics<core_parallel>, #tpu.dimension_semantics<subcore_parallel>], iteration_bounds = array<i64: 2, 16>, scalar_prefetch = 0 : i64, scratch_operands = 5 : i64, tpu.core_type = #tpu.core_type<sc_vector_subcore>, window_params = [{transform_indices = #map}, {transform_indices = #map1}, {transform_indices = #map1}, {transform_indices = #map}, {transform_indices = #map2}]} {
    %mul3A = arith.constant 2 : i32
    %mul3A_0 = arith.muli %arg1, %mul3A : i32
    %add3A = arith.addi %mul3A_0, %arg0 : i32
    "tpu.region"() ({
      %run_scoped3A = tpu.sem_alloc : memref<!tpu.dma_semaphore, #tpu.memory_space<semaphore_mem>>
      tpu.enqueue_dma source(%arg5 : memref<128x128xf32, #tpu.memory_space<hbm>>) target(%arg9 : memref<128x128xf32, #tpu.memory_space<vmem>>) target_semaphore(%run_scoped3A : memref<!tpu.dma_semaphore, #tpu.memory_space<semaphore_mem>>)
      tpu.wait_dma2 semaphore(%run_scoped3A : memref<!tpu.dma_semaphore, #tpu.memory_space<semaphore_mem>>) src(%arg5 : memref<128x128xf32, #tpu.memory_space<hbm>>) dst(%arg9 : memref<128x128xf32, #tpu.memory_space<vmem>>)
      tpu.yield
    }) : () -> ()
    %mul3A_1 = arith.constant 640 : i32
    %mul3A_2 = arith.muli %arg1, %mul3A_1 : i32
    %add3A_3 = arith.constant 0 : i32
    %add3A_4 = arith.addi %mul3A_2, %add3A_3 : i32
    "tpu.region"() ({
      %run_scoped3A = tpu.sem_alloc : memref<!tpu.dma_semaphore, #tpu.memory_space<semaphore_mem>>
      %dma_start3A = arith.constant 0 : i32
      %dma_start3A_49 = tpu.memref_slice %arg10[%add3A_4, %dma_start3A] : memref<10240x128xf32, #tpu.memory_space<vmem_shared>> -> memref<128x128xf32, #tpu.memory_space<vmem_shared>>
      %dma_start3A_50 = arith.constant 0 : i32
      %dma_start3A_51 = tpu.memref_slice %arg10[%add3A_4, %dma_start3A_50] : memref<10240x128xf32, #tpu.memory_space<vmem_shared>> -> memref<128x128xf32, #tpu.memory_space<vmem_shared>>
      tpu.enqueue_dma source(%arg9 : memref<128x128xf32, #tpu.memory_space<vmem>>) target(%dma_start3A_51 : memref<128x128xf32, #tpu.memory_space<vmem_shared>>) target_semaphore(%run_scoped3A : memref<!tpu.dma_semaphore, #tpu.memory_space<semaphore_mem>>)
      %dma_wait3A = arith.constant 0 : i32
      %dma_wait3A_52 = tpu.memref_slice %arg10[%add3A_4, %dma_wait3A] : memref<10240x128xf32, #tpu.memory_space<vmem_shared>> -> memref<128x128xf32, #tpu.memory_space<vmem_shared>>
      %dma_wait3A_53 = arith.constant 0 : i32
      %dma_wait3A_54 = tpu.memref_slice %arg10[%add3A_4, %dma_wait3A_53] : memref<10240x128xf32, #tpu.memory_space<vmem_shared>> -> memref<128x128xf32, #tpu.memory_space<vmem_shared>>
      tpu.wait_dma2 semaphore(%run_scoped3A : memref<!tpu.dma_semaphore, #tpu.memory_space<semaphore_mem>>) src(%arg9 : memref<128x128xf32, #tpu.memory_space<vmem>>) dst(%dma_wait3A_54 : memref<128x128xf32, #tpu.memory_space<vmem_shared>>)
      tpu.yield
    }) : () -> ()
    %mul3A_5 = arith.constant 640 : i32
    %mul3A_6 = arith.muli %arg1, %mul3A_5 : i32
    %add3A_7 = arith.constant 128 : i32
    %add3A_8 = arith.addi %mul3A_6, %add3A_7 : i32
    "tpu.region"() ({
      %run_scoped3A = tpu.sem_alloc : memref<!tpu.dma_semaphore, #tpu.memory_space<semaphore_mem>>
      %dma_start3A = arith.constant 0 : i32
      %dma_start3A_49 = tpu.memref_slice %arg10[%add3A_8, %dma_start3A] : memref<10240x128xf32, #tpu.memory_space<vmem_shared>> -> memref<128x128xf32, #tpu.memory_space<vmem_shared>>
      %dma_start3A_50 = arith.constant 0 : i32
      %dma_start3A_51 = tpu.memref_slice %arg10[%add3A_8, %dma_start3A_50] : memref<10240x128xf32, #tpu.memory_space<vmem_shared>> -> memref<128x128xf32, #tpu.memory_space<vmem_shared>>
      tpu.enqueue_dma source(%arg9 : memref<128x128xf32, #tpu.memory_space<vmem>>) target(%dma_start3A_51 : memref<128x128xf32, #tpu.memory_space<vmem_shared>>) target_semaphore(%run_scoped3A : memref<!tpu.dma_semaphore, #tpu.memory_space<semaphore_mem>>)
      %dma_wait3A = arith.constant 0 : i32
      %dma_wait3A_52 = tpu.memref_slice %arg10[%add3A_8, %dma_wait3A] : memref<10240x128xf32, #tpu.memory_space<vmem_shared>> -> memref<128x128xf32, #tpu.memory_space<vmem_shared>>
      %dma_wait3A_53 = arith.constant 0 : i32
      %dma_wait3A_54 = tpu.memref_slice %arg10[%add3A_8, %dma_wait3A_53] : memref<10240x128xf32, #tpu.memory_space<vmem_shared>> -> memref<128x128xf32, #tpu.memory_space<vmem_shared>>
      tpu.wait_dma2 semaphore(%run_scoped3A : memref<!tpu.dma_semaphore, #tpu.memory_space<semaphore_mem>>) src(%arg9 : memref<128x128xf32, #tpu.memory_space<vmem>>) dst(%dma_wait3A_54 : memref<128x128xf32, #tpu.memory_space<vmem_shared>>)
      tpu.yield
    }) : () -> ()
    %mul3A_9 = arith.constant 640 : i32
    %mul3A_10 = arith.muli %arg1, %mul3A_9 : i32
    %add3A_11 = arith.constant 256 : i32
    %add3A_12 = arith.addi %mul3A_10, %add3A_11 : i32
    "tpu.region"() ({
      %run_scoped3A = tpu.sem_alloc : memref<!tpu.dma_semaphore, #tpu.memory_space<semaphore_mem>>
      %dma_start3A = arith.constant 0 : i32
      %dma_start3A_49 = tpu.memref_slice %arg10[%add3A_12, %dma_start3A] : memref<10240x128xf32, #tpu.memory_space<vmem_shared>> -> memref<128x128xf32, #tpu.memory_space<vmem_shared>>
      %dma_start3A_50 = arith.constant 0 : i32
      %dma_start3A_51 = tpu.memref_slice %arg10[%add3A_12, %dma_start3A_50] : memref<10240x128xf32, #tpu.memory_space<vmem_shared>> -> memref<128x128xf32, #tpu.memory_space<vmem_shared>>
      tpu.enqueue_dma source(%arg9 : memref<128x128xf32, #tpu.memory_space<vmem>>) target(%dma_start3A_51 : memref<128x128xf32, #tpu.memory_space<vmem_shared>>) target_semaphore(%run_scoped3A : memref<!tpu.dma_semaphore, #tpu.memory_space<semaphore_mem>>)
      %dma_wait3A = arith.constant 0 : i32
      %dma_wait3A_52 = tpu.memref_slice %arg10[%add3A_12, %dma_wait3A] : memref<10240x128xf32, #tpu.memory_space<vmem_shared>> -> memref<128x128xf32, #tpu.memory_space<vmem_shared>>
      %dma_wait3A_53 = arith.constant 0 : i32
      %dma_wait3A_54 = tpu.memref_slice %arg10[%add3A_12, %dma_wait3A_53] : memref<10240x128xf32, #tpu.memory_space<vmem_shared>> -> memref<128x128xf32, #tpu.memory_space<vmem_shared>>
      tpu.wait_dma2 semaphore(%run_scoped3A : memref<!tpu.dma_semaphore, #tpu.memory_space<semaphore_mem>>) src(%arg9 : memref<128x128xf32, #tpu.memory_space<vmem>>) dst(%dma_wait3A_54 : memref<128x128xf32, #tpu.memory_space<vmem_shared>>)
      tpu.yield
    }) : () -> ()
    %mul3A_13 = arith.constant 640 : i32
    %mul3A_14 = arith.muli %arg1, %mul3A_13 : i32
    %add3A_15 = arith.constant 384 : i32
    %add3A_16 = arith.addi %mul3A_14, %add3A_15 : i32
    "tpu.region"() ({
      %run_scoped3A = tpu.sem_alloc : memref<!tpu.dma_semaphore, #tpu.memory_space<semaphore_mem>>
      %dma_start3A = arith.constant 0 : i32
      %dma_start3A_49 = tpu.memref_slice %arg10[%add3A_16, %dma_start3A] : memref<10240x128xf32, #tpu.memory_space<vmem_shared>> -> memref<128x128xf32, #tpu.memory_space<vmem_shared>>
      %dma_start3A_50 = arith.constant 0 : i32
      %dma_start3A_51 = tpu.memref_slice %arg10[%add3A_16, %dma_start3A_50] : memref<10240x128xf32, #tpu.memory_space<vmem_shared>> -> memref<128x128xf32, #tpu.memory_space<vmem_shared>>
      tpu.enqueue_dma source(%arg9 : memref<128x128xf32, #tpu.memory_space<vmem>>) target(%dma_start3A_51 : memref<128x128xf32, #tpu.memory_space<vmem_shared>>) target_semaphore(%run_scoped3A : memref<!tpu.dma_semaphore, #tpu.memory_space<semaphore_mem>>)
      %dma_wait3A = arith.constant 0 : i32
      %dma_wait3A_52 = tpu.memref_slice %arg10[%add3A_16, %dma_wait3A] : memref<10240x128xf32, #tpu.memory_space<vmem_shared>> -> memref<128x128xf32, #tpu.memory_space<vmem_shared>>
      %dma_wait3A_53 = arith.constant 0 : i32
      %dma_wait3A_54 = tpu.memref_slice %arg10[%add3A_16, %dma_wait3A_53] : memref<10240x128xf32, #tpu.memory_space<vmem_shared>> -> memref<128x128xf32, #tpu.memory_space<vmem_shared>>
      tpu.wait_dma2 semaphore(%run_scoped3A : memref<!tpu.dma_semaphore, #tpu.memory_space<semaphore_mem>>) src(%arg9 : memref<128x128xf32, #tpu.memory_space<vmem>>) dst(%dma_wait3A_54 : memref<128x128xf32, #tpu.memory_space<vmem_shared>>)
      tpu.yield
    }) : () -> ()
    %mul3A_17 = arith.constant 640 : i32
    %mul3A_18 = arith.muli %arg1, %mul3A_17 : i32
    %add3A_19 = arith.constant 512 : i32
    %add3A_20 = arith.addi %mul3A_18, %add3A_19 : i32
    "tpu.region"() ({
      %run_scoped3A = tpu.sem_alloc : memref<!tpu.dma_semaphore, #tpu.memory_space<semaphore_mem>>
      %dma_start3A = arith.constant 0 : i32
      %dma_start3A_49 = tpu.memref_slice %arg10[%add3A_20, %dma_start3A] : memref<10240x128xf32, #tpu.memory_space<vmem_shared>> -> memref<128x128xf32, #tpu.memory_space<vmem_shared>>
      %dma_start3A_50 = arith.constant 0 : i32
      %dma_start3A_51 = tpu.memref_slice %arg10[%add3A_20, %dma_start3A_50] : memref<10240x128xf32, #tpu.memory_space<vmem_shared>> -> memref<128x128xf32, #tpu.memory_space<vmem_shared>>
      tpu.enqueue_dma source(%arg9 : memref<128x128xf32, #tpu.memory_space<vmem>>) target(%dma_start3A_51 : memref<128x128xf32, #tpu.memory_space<vmem_shared>>) target_semaphore(%run_scoped3A : memref<!tpu.dma_semaphore, #tpu.memory_space<semaphore_mem>>)
      %dma_wait3A = arith.constant 0 : i32
      %dma_wait3A_52 = tpu.memref_slice %arg10[%add3A_20, %dma_wait3A] : memref<10240x128xf32, #tpu.memory_space<vmem_shared>> -> memref<128x128xf32, #tpu.memory_space<vmem_shared>>
      %dma_wait3A_53 = arith.constant 0 : i32
      %dma_wait3A_54 = tpu.memref_slice %arg10[%add3A_20, %dma_wait3A_53] : memref<10240x128xf32, #tpu.memory_space<vmem_shared>> -> memref<128x128xf32, #tpu.memory_space<vmem_shared>>
      tpu.wait_dma2 semaphore(%run_scoped3A : memref<!tpu.dma_semaphore, #tpu.memory_space<semaphore_mem>>) src(%arg9 : memref<128x128xf32, #tpu.memory_space<vmem>>) dst(%dma_wait3A_54 : memref<128x128xf32, #tpu.memory_space<vmem_shared>>)
      tpu.yield
    }) : () -> ()
    %barrier3A = arith.constant 0 : index
    tpu.barrier barrier_id(%barrier3A)
    %mul3A_21 = arith.constant 10112 : i32
    %mul3A_22 = arith.muli %add3A, %mul3A_21 : i32
    %scan3A = arith.constant 0 : i32
    %scan3A_23 = arith.constant 0 : i32
    %scan3A_24 = arith.constant 79 : i32
    %scan3A_25 = arith.addi %scan3A_23, %scan3A_24 : i32
    %scan3A_26 = arith.constant 1 : i32
    scf.for %scan3A_49 = %scan3A_23 to %scan3A_25 step %scan3A_26  : i32 {
      %mul3A_50 = arith.constant 128 : i32
      %mul3A_51 = arith.muli %scan3A_49, %mul3A_50 : i32
      %add3A_52 = arith.addi %mul3A_22, %mul3A_51 : i32
      %multiple_of3A = tpu.assume_multiple %add3A_52, 128 : i32
      "tpu.region"() ({
        %run_scoped3A = tpu.sem_alloc : memref<!tpu.dma_semaphore, #tpu.memory_space<semaphore_mem>>
        %dma_start3A_57 = tpu.memref_slice %arg4[%multiple_of3A] : memref<323584xi32, #tpu.memory_space<hbm>> -> memref<128xi32, #tpu.memory_space<hbm>>
        %dma_start3A_58 = tpu.memref_slice %arg4[%multiple_of3A] : memref<323584xi32, #tpu.memory_space<hbm>> -> memref<128xi32, #tpu.memory_space<hbm>>
        tpu.enqueue_dma source(%dma_start3A_58 : memref<128xi32, #tpu.memory_space<hbm>>) target(%arg8 : memref<128xi32, #tpu.memory_space<vmem>>) target_semaphore(%run_scoped3A : memref<!tpu.dma_semaphore, #tpu.memory_space<semaphore_mem>>)
        %dma_wait3A_59 = tpu.memref_slice %arg4[%multiple_of3A] : memref<323584xi32, #tpu.memory_space<hbm>> -> memref<128xi32, #tpu.memory_space<hbm>>
        %dma_wait3A_60 = tpu.memref_slice %arg4[%multiple_of3A] : memref<323584xi32, #tpu.memory_space<hbm>> -> memref<128xi32, #tpu.memory_space<hbm>>
        tpu.wait_dma2 semaphore(%run_scoped3A : memref<!tpu.dma_semaphore, #tpu.memory_space<semaphore_mem>>) src(%dma_wait3A_60 : memref<128xi32, #tpu.memory_space<hbm>>) dst(%arg8 : memref<128xi32, #tpu.memory_space<vmem>>)
        tpu.yield
      }) : () -> ()
      "tpu.region"() ({
        %run_scoped3A = tpu.sem_alloc : memref<!tpu.dma_semaphore, #tpu.memory_space<semaphore_mem>>
        %dma_start3A_57 = tpu.memref_slice %arg3[%multiple_of3A] : memref<323584xi32, #tpu.memory_space<hbm>> -> memref<128xi32, #tpu.memory_space<hbm>>
        %dma_start3A_58 = tpu.memref_slice %arg3[%multiple_of3A] : memref<323584xi32, #tpu.memory_space<hbm>> -> memref<128xi32, #tpu.memory_space<hbm>>
        tpu.enqueue_dma source(%dma_start3A_58 : memref<128xi32, #tpu.memory_space<hbm>>) target(%arg7 : memref<128xi32, #tpu.memory_space<vmem>>) target_semaphore(%run_scoped3A : memref<!tpu.dma_semaphore, #tpu.memory_space<semaphore_mem>>)
        %dma_wait3A_59 = tpu.memref_slice %arg3[%multiple_of3A] : memref<323584xi32, #tpu.memory_space<hbm>> -> memref<128xi32, #tpu.memory_space<hbm>>
        %dma_wait3A_60 = tpu.memref_slice %arg3[%multiple_of3A] : memref<323584xi32, #tpu.memory_space<hbm>> -> memref<128xi32, #tpu.memory_space<hbm>>
        tpu.wait_dma2 semaphore(%run_scoped3A : memref<!tpu.dma_semaphore, #tpu.memory_space<semaphore_mem>>) src(%dma_wait3A_60 : memref<128xi32, #tpu.memory_space<hbm>>) dst(%arg7 : memref<128xi32, #tpu.memory_space<vmem>>)
        tpu.yield
      }) : () -> ()
      %dma_start3A = arith.constant 0 : i32
      %dma_start3A_53 = arith.constant 0 : i32
      %dma_start3A_54 = tpu.memref_slice %arg2[%dma_start3A, %dma_start3A_53] : memref<10240x128xf32, #tpu.memory_space<hbm>> -> memref<10240x128xf32, #tpu.memory_space<hbm>>
      tpu.enqueue_indirect_dma source(%dma_start3A_54 : memref<10240x128xf32, #tpu.memory_space<hbm>>) target(%arg9 : memref<128x128xf32, #tpu.memory_space<vmem>>) offsets(%arg7 : memref<128xi32, #tpu.memory_space<vmem>>) semaphore(%arg11 : memref<!tpu.dma_semaphore, #tpu.memory_space<semaphore_mem>>)
      %dma_wait3A = arith.constant 0 : i32
      %dma_wait3A_55 = arith.constant 0 : i32
      %dma_wait3A_56 = tpu.memref_slice %arg2[%dma_wait3A, %dma_wait3A_55] : memref<10240x128xf32, #tpu.memory_space<hbm>> -> memref<10240x128xf32, #tpu.memory_space<hbm>>
      tpu.wait_indirect_dma semaphore(%arg11 : memref<!tpu.dma_semaphore, #tpu.memory_space<semaphore_mem>>) src(%dma_wait3A_56 : memref<10240x128xf32, #tpu.memory_space<hbm>>) dst(%arg9 : memref<128x128xf32, #tpu.memory_space<vmem>>)
      "tpu.region"() ({
        %run_scoped3A = tpu.sem_alloc : memref<!tpu.dma_semaphore, #tpu.memory_space<semaphore_mem>>
        %dma_start3A_57 = arith.constant 0 : i32
        %dma_start3A_58 = arith.constant 0 : i32
        %dma_start3A_59 = tpu.memref_slice %arg10[%dma_start3A_57, %dma_start3A_58] : memref<10240x128xf32, #tpu.memory_space<vmem_shared>> -> memref<10240x128xf32, #tpu.memory_space<vmem_shared>>
        tpu.enqueue_indirect_dma source(%arg9 : memref<128x128xf32, #tpu.memory_space<vmem>>) target(%dma_start3A_59 : memref<10240x128xf32, #tpu.memory_space<vmem_shared>>) offsets(%arg8 : memref<128xi32, #tpu.memory_space<vmem>>) semaphore(%run_scoped3A : memref<!tpu.dma_semaphore, #tpu.memory_space<semaphore_mem>>) {add = true}
        %dma_wait3A_60 = arith.constant 0 : i32
        %dma_wait3A_61 = arith.constant 0 : i32
        %dma_wait3A_62 = tpu.memref_slice %arg10[%dma_wait3A_60, %dma_wait3A_61] : memref<10240x128xf32, #tpu.memory_space<vmem_shared>> -> memref<10240x128xf32, #tpu.memory_space<vmem_shared>>
        tpu.wait_indirect_dma semaphore(%run_scoped3A : memref<!tpu.dma_semaphore, #tpu.memory_space<semaphore_mem>>) src(%arg9 : memref<128x128xf32, #tpu.memory_space<vmem>>) dst(%dma_wait3A_62 : memref<10240x128xf32, #tpu.memory_space<vmem_shared>>)
        tpu.yield
      }) : () -> ()
    }
    %scan3A_27 = arith.constant 79 : i32
    %barrier3A_28 = arith.constant 0 : index
    tpu.barrier barrier_id(%barrier3A_28)
    %mul3A_29 = arith.constant 640 : i32
    %mul3A_30 = arith.muli %arg1, %mul3A_29 : i32
    %add3A_31 = arith.constant 0 : i32
    %add3A_32 = arith.addi %mul3A_30, %add3A_31 : i32
    "tpu.region"() ({
      %run_scoped3A = tpu.sem_alloc : memref<!tpu.dma_semaphore, #tpu.memory_space<semaphore_mem>>
      %dma_start3A = arith.constant 0 : i32
      %dma_start3A_49 = tpu.memref_slice %arg10[%add3A_32, %dma_start3A] : memref<10240x128xf32, #tpu.memory_space<vmem_shared>> -> memref<128x128xf32, #tpu.memory_space<vmem_shared>>
      %dma_start3A_50 = arith.constant 0 : i32
      %dma_start3A_51 = tpu.memref_slice %arg10[%add3A_32, %dma_start3A_50] : memref<10240x128xf32, #tpu.memory_space<vmem_shared>> -> memref<128x128xf32, #tpu.memory_space<vmem_shared>>
      tpu.enqueue_dma source(%dma_start3A_51 : memref<128x128xf32, #tpu.memory_space<vmem_shared>>) target(%arg9 : memref<128x128xf32, #tpu.memory_space<vmem>>) target_semaphore(%run_scoped3A : memref<!tpu.dma_semaphore, #tpu.memory_space<semaphore_mem>>)
      %dma_wait3A = arith.constant 0 : i32
      %dma_wait3A_52 = tpu.memref_slice %arg10[%add3A_32, %dma_wait3A] : memref<10240x128xf32, #tpu.memory_space<vmem_shared>> -> memref<128x128xf32, #tpu.memory_space<vmem_shared>>
      %dma_wait3A_53 = arith.constant 0 : i32
      %dma_wait3A_54 = tpu.memref_slice %arg10[%add3A_32, %dma_wait3A_53] : memref<10240x128xf32, #tpu.memory_space<vmem_shared>> -> memref<128x128xf32, #tpu.memory_space<vmem_shared>>
      tpu.wait_dma2 semaphore(%run_scoped3A : memref<!tpu.dma_semaphore, #tpu.memory_space<semaphore_mem>>) src(%dma_wait3A_54 : memref<128x128xf32, #tpu.memory_space<vmem_shared>>) dst(%arg9 : memref<128x128xf32, #tpu.memory_space<vmem>>)
      tpu.yield
    }) : () -> ()
    "tpu.region"() ({
      %run_scoped3A = tpu.sem_alloc : memref<!tpu.dma_semaphore, #tpu.memory_space<semaphore_mem>>
      %dma_start3A = arith.constant 0 : i32
      %dma_start3A_49 = tpu.memref_slice %arg6[%arg0, %add3A_32, %dma_start3A] : memref<2x10240x128xf32, #tpu.memory_space<hbm>> -> memref<1x128x128xf32, #tpu.memory_space<hbm>>
      %dma_start3A_50 = tpu.memref_squeeze %dma_start3A_49 : memref<1x128x128xf32, #tpu.memory_space<hbm>> -> memref<128x128xf32, #tpu.memory_space<hbm>>
      %dma_start3A_51 = arith.constant 0 : i32
      %dma_start3A_52 = tpu.memref_slice %arg6[%arg0, %add3A_32, %dma_start3A_51] : memref<2x10240x128xf32, #tpu.memory_space<hbm>> -> memref<1x128x128xf32, #tpu.memory_space<hbm>>
      %dma_start3A_53 = tpu.memref_squeeze %dma_start3A_52 : memref<1x128x128xf32, #tpu.memory_space<hbm>> -> memref<128x128xf32, #tpu.memory_space<hbm>>
      tpu.enqueue_dma source(%arg9 : memref<128x128xf32, #tpu.memory_space<vmem>>) target(%dma_start3A_53 : memref<128x128xf32, #tpu.memory_space<hbm>>) target_semaphore(%run_scoped3A : memref<!tpu.dma_semaphore, #tpu.memory_space<semaphore_mem>>)
      %dma_wait3A = arith.constant 0 : i32
      %dma_wait3A_54 = tpu.memref_slice %arg6[%arg0, %add3A_32, %dma_wait3A] : memref<2x10240x128xf32, #tpu.memory_space<hbm>> -> memref<1x128x128xf32, #tpu.memory_space<hbm>>
      %dma_wait3A_55 = tpu.memref_squeeze %dma_wait3A_54 : memref<1x128x128xf32, #tpu.memory_space<hbm>> -> memref<128x128xf32, #tpu.memory_space<hbm>>
      %dma_wait3A_56 = arith.constant 0 : i32
      %dma_wait3A_57 = tpu.memref_slice %arg6[%arg0, %add3A_32, %dma_wait3A_56] : memref<2x10240x128xf32, #tpu.memory_space<hbm>> -> memref<1x128x128xf32, #tpu.memory_space<hbm>>
      %dma_wait3A_58 = tpu.memref_squeeze %dma_wait3A_57 : memref<1x128x128xf32, #tpu.memory_space<hbm>> -> memref<128x128xf32, #tpu.memory_space<hbm>>
      tpu.wait_dma2 semaphore(%run_scoped3A : memref<!tpu.dma_semaphore, #tpu.memory_space<semaphore_mem>>) src(%arg9 : memref<128x128xf32, #tpu.memory_space<vmem>>) dst(%dma_wait3A_58 : memref<128x128xf32, #tpu.memory_space<hbm>>)
      tpu.yield
    }) : () -> ()
    %mul3A_33 = arith.constant 640 : i32
    %mul3A_34 = arith.muli %arg1, %mul3A_33 : i32
    %add3A_35 = arith.constant 128 : i32
    %add3A_36 = arith.addi %mul3A_34, %add3A_35 : i32
    "tpu.region"() ({
      %run_scoped3A = tpu.sem_alloc : memref<!tpu.dma_semaphore, #tpu.memory_space<semaphore_mem>>
      %dma_start3A = arith.constant 0 : i32
      %dma_start3A_49 = tpu.memref_slice %arg10[%add3A_36, %dma_start3A] : memref<10240x128xf32, #tpu.memory_space<vmem_shared>> -> memref<128x128xf32, #tpu.memory_space<vmem_shared>>
      %dma_start3A_50 = arith.constant 0 : i32
      %dma_start3A_51 = tpu.memref_slice %arg10[%add3A_36, %dma_start3A_50] : memref<10240x128xf32, #tpu.memory_space<vmem_shared>> -> memref<128x128xf32, #tpu.memory_space<vmem_shared>>
      tpu.enqueue_dma source(%dma_start3A_51 : memref<128x128xf32, #tpu.memory_space<vmem_shared>>) target(%arg9 : memref<128x128xf32, #tpu.memory_space<vmem>>) target_semaphore(%run_scoped3A : memref<!tpu.dma_semaphore, #tpu.memory_space<semaphore_mem>>)
      %dma_wait3A = arith.constant 0 : i32
      %dma_wait3A_52 = tpu.memref_slice %arg10[%add3A_36, %dma_wait3A] : memref<10240x128xf32, #tpu.memory_space<vmem_shared>> -> memref<128x128xf32, #tpu.memory_space<vmem_shared>>
      %dma_wait3A_53 = arith.constant 0 : i32
      %dma_wait3A_54 = tpu.memref_slice %arg10[%add3A_36, %dma_wait3A_53] : memref<10240x128xf32, #tpu.memory_space<vmem_shared>> -> memref<128x128xf32, #tpu.memory_space<vmem_shared>>
      tpu.wait_dma2 semaphore(%run_scoped3A : memref<!tpu.dma_semaphore, #tpu.memory_space<semaphore_mem>>) src(%dma_wait3A_54 : memref<128x128xf32, #tpu.memory_space<vmem_shared>>) dst(%arg9 : memref<128x128xf32, #tpu.memory_space<vmem>>)
      tpu.yield
    }) : () -> ()
    "tpu.region"() ({
      %run_scoped3A = tpu.sem_alloc : memref<!tpu.dma_semaphore, #tpu.memory_space<semaphore_mem>>
      %dma_start3A = arith.constant 0 : i32
      %dma_start3A_49 = tpu.memref_slice %arg6[%arg0, %add3A_36, %dma_start3A] : memref<2x10240x128xf32, #tpu.memory_space<hbm>> -> memref<1x128x128xf32, #tpu.memory_space<hbm>>
      %dma_start3A_50 = tpu.memref_squeeze %dma_start3A_49 : memref<1x128x128xf32, #tpu.memory_space<hbm>> -> memref<128x128xf32, #tpu.memory_space<hbm>>
      %dma_start3A_51 = arith.constant 0 : i32
      %dma_start3A_52 = tpu.memref_slice %arg6[%arg0, %add3A_36, %dma_start3A_51] : memref<2x10240x128xf32, #tpu.memory_space<hbm>> -> memref<1x128x128xf32, #tpu.memory_space<hbm>>
      %dma_start3A_53 = tpu.memref_squeeze %dma_start3A_52 : memref<1x128x128xf32, #tpu.memory_space<hbm>> -> memref<128x128xf32, #tpu.memory_space<hbm>>
      tpu.enqueue_dma source(%arg9 : memref<128x128xf32, #tpu.memory_space<vmem>>) target(%dma_start3A_53 : memref<128x128xf32, #tpu.memory_space<hbm>>) target_semaphore(%run_scoped3A : memref<!tpu.dma_semaphore, #tpu.memory_space<semaphore_mem>>)
      %dma_wait3A = arith.constant 0 : i32
      %dma_wait3A_54 = tpu.memref_slice %arg6[%arg0, %add3A_36, %dma_wait3A] : memref<2x10240x128xf32, #tpu.memory_space<hbm>> -> memref<1x128x128xf32, #tpu.memory_space<hbm>>
      %dma_wait3A_55 = tpu.memref_squeeze %dma_wait3A_54 : memref<1x128x128xf32, #tpu.memory_space<hbm>> -> memref<128x128xf32, #tpu.memory_space<hbm>>
      %dma_wait3A_56 = arith.constant 0 : i32
      %dma_wait3A_57 = tpu.memref_slice %arg6[%arg0, %add3A_36, %dma_wait3A_56] : memref<2x10240x128xf32, #tpu.memory_space<hbm>> -> memref<1x128x128xf32, #tpu.memory_space<hbm>>
      %dma_wait3A_58 = tpu.memref_squeeze %dma_wait3A_57 : memref<1x128x128xf32, #tpu.memory_space<hbm>> -> memref<128x128xf32, #tpu.memory_space<hbm>>
      tpu.wait_dma2 semaphore(%run_scoped3A : memref<!tpu.dma_semaphore, #tpu.memory_space<semaphore_mem>>) src(%arg9 : memref<128x128xf32, #tpu.memory_space<vmem>>) dst(%dma_wait3A_58 : memref<128x128xf32, #tpu.memory_space<hbm>>)
      tpu.yield
    }) : () -> ()
    %mul3A_37 = arith.constant 640 : i32
    %mul3A_38 = arith.muli %arg1, %mul3A_37 : i32
    %add3A_39 = arith.constant 256 : i32
    %add3A_40 = arith.addi %mul3A_38, %add3A_39 : i32
    "tpu.region"() ({
      %run_scoped3A = tpu.sem_alloc : memref<!tpu.dma_semaphore, #tpu.memory_space<semaphore_mem>>
      %dma_start3A = arith.constant 0 : i32
      %dma_start3A_49 = tpu.memref_slice %arg10[%add3A_40, %dma_start3A] : memref<10240x128xf32, #tpu.memory_space<vmem_shared>> -> memref<128x128xf32, #tpu.memory_space<vmem_shared>>
      %dma_start3A_50 = arith.constant 0 : i32
      %dma_start3A_51 = tpu.memref_slice %arg10[%add3A_40, %dma_start3A_50] : memref<10240x128xf32, #tpu.memory_space<vmem_shared>> -> memref<128x128xf32, #tpu.memory_space<vmem_shared>>
      tpu.enqueue_dma source(%dma_start3A_51 : memref<128x128xf32, #tpu.memory_space<vmem_shared>>) target(%arg9 : memref<128x128xf32, #tpu.memory_space<vmem>>) target_semaphore(%run_scoped3A : memref<!tpu.dma_semaphore, #tpu.memory_space<semaphore_mem>>)
      %dma_wait3A = arith.constant 0 : i32
      %dma_wait3A_52 = tpu.memref_slice %arg10[%add3A_40, %dma_wait3A] : memref<10240x128xf32, #tpu.memory_space<vmem_shared>> -> memref<128x128xf32, #tpu.memory_space<vmem_shared>>
      %dma_wait3A_53 = arith.constant 0 : i32
      %dma_wait3A_54 = tpu.memref_slice %arg10[%add3A_40, %dma_wait3A_53] : memref<10240x128xf32, #tpu.memory_space<vmem_shared>> -> memref<128x128xf32, #tpu.memory_space<vmem_shared>>
      tpu.wait_dma2 semaphore(%run_scoped3A : memref<!tpu.dma_semaphore, #tpu.memory_space<semaphore_mem>>) src(%dma_wait3A_54 : memref<128x128xf32, #tpu.memory_space<vmem_shared>>) dst(%arg9 : memref<128x128xf32, #tpu.memory_space<vmem>>)
      tpu.yield
    }) : () -> ()
    "tpu.region"() ({
      %run_scoped3A = tpu.sem_alloc : memref<!tpu.dma_semaphore, #tpu.memory_space<semaphore_mem>>
      %dma_start3A = arith.constant 0 : i32
      %dma_start3A_49 = tpu.memref_slice %arg6[%arg0, %add3A_40, %dma_start3A] : memref<2x10240x128xf32, #tpu.memory_space<hbm>> -> memref<1x128x128xf32, #tpu.memory_space<hbm>>
      %dma_start3A_50 = tpu.memref_squeeze %dma_start3A_49 : memref<1x128x128xf32, #tpu.memory_space<hbm>> -> memref<128x128xf32, #tpu.memory_space<hbm>>
      %dma_start3A_51 = arith.constant 0 : i32
      %dma_start3A_52 = tpu.memref_slice %arg6[%arg0, %add3A_40, %dma_start3A_51] : memref<2x10240x128xf32, #tpu.memory_space<hbm>> -> memref<1x128x128xf32, #tpu.memory_space<hbm>>
      %dma_start3A_53 = tpu.memref_squeeze %dma_start3A_52 : memref<1x128x128xf32, #tpu.memory_space<hbm>> -> memref<128x128xf32, #tpu.memory_space<hbm>>
      tpu.enqueue_dma source(%arg9 : memref<128x128xf32, #tpu.memory_space<vmem>>) target(%dma_start3A_53 : memref<128x128xf32, #tpu.memory_space<hbm>>) target_semaphore(%run_scoped3A : memref<!tpu.dma_semaphore, #tpu.memory_space<semaphore_mem>>)
      %dma_wait3A = arith.constant 0 : i32
      %dma_wait3A_54 = tpu.memref_slice %arg6[%arg0, %add3A_40, %dma_wait3A] : memref<2x10240x128xf32, #tpu.memory_space<hbm>> -> memref<1x128x128xf32, #tpu.memory_space<hbm>>
      %dma_wait3A_55 = tpu.memref_squeeze %dma_wait3A_54 : memref<1x128x128xf32, #tpu.memory_space<hbm>> -> memref<128x128xf32, #tpu.memory_space<hbm>>
      %dma_wait3A_56 = arith.constant 0 : i32
      %dma_wait3A_57 = tpu.memref_slice %arg6[%arg0, %add3A_40, %dma_wait3A_56] : memref<2x10240x128xf32, #tpu.memory_space<hbm>> -> memref<1x128x128xf32, #tpu.memory_space<hbm>>
      %dma_wait3A_58 = tpu.memref_squeeze %dma_wait3A_57 : memref<1x128x128xf32, #tpu.memory_space<hbm>> -> memref<128x128xf32, #tpu.memory_space<hbm>>
      tpu.wait_dma2 semaphore(%run_scoped3A : memref<!tpu.dma_semaphore, #tpu.memory_space<semaphore_mem>>) src(%arg9 : memref<128x128xf32, #tpu.memory_space<vmem>>) dst(%dma_wait3A_58 : memref<128x128xf32, #tpu.memory_space<hbm>>)
      tpu.yield
    }) : () -> ()
    %mul3A_41 = arith.constant 640 : i32
    %mul3A_42 = arith.muli %arg1, %mul3A_41 : i32
    %add3A_43 = arith.constant 384 : i32
    %add3A_44 = arith.addi %mul3A_42, %add3A_43 : i32
    "tpu.region"() ({
      %run_scoped3A = tpu.sem_alloc : memref<!tpu.dma_semaphore, #tpu.memory_space<semaphore_mem>>
      %dma_start3A = arith.constant 0 : i32
      %dma_start3A_49 = tpu.memref_slice %arg10[%add3A_44, %dma_start3A] : memref<10240x128xf32, #tpu.memory_space<vmem_shared>> -> memref<128x128xf32, #tpu.memory_space<vmem_shared>>
      %dma_start3A_50 = arith.constant 0 : i32
      %dma_start3A_51 = tpu.memref_slice %arg10[%add3A_44, %dma_start3A_50] : memref<10240x128xf32, #tpu.memory_space<vmem_shared>> -> memref<128x128xf32, #tpu.memory_space<vmem_shared>>
      tpu.enqueue_dma source(%dma_start3A_51 : memref<128x128xf32, #tpu.memory_space<vmem_shared>>) target(%arg9 : memref<128x128xf32, #tpu.memory_space<vmem>>) target_semaphore(%run_scoped3A : memref<!tpu.dma_semaphore, #tpu.memory_space<semaphore_mem>>)
      %dma_wait3A = arith.constant 0 : i32
      %dma_wait3A_52 = tpu.memref_slice %arg10[%add3A_44, %dma_wait3A] : memref<10240x128xf32, #tpu.memory_space<vmem_shared>> -> memref<128x128xf32, #tpu.memory_space<vmem_shared>>
      %dma_wait3A_53 = arith.constant 0 : i32
      %dma_wait3A_54 = tpu.memref_slice %arg10[%add3A_44, %dma_wait3A_53] : memref<10240x128xf32, #tpu.memory_space<vmem_shared>> -> memref<128x128xf32, #tpu.memory_space<vmem_shared>>
      tpu.wait_dma2 semaphore(%run_scoped3A : memref<!tpu.dma_semaphore, #tpu.memory_space<semaphore_mem>>) src(%dma_wait3A_54 : memref<128x128xf32, #tpu.memory_space<vmem_shared>>) dst(%arg9 : memref<128x128xf32, #tpu.memory_space<vmem>>)
      tpu.yield
    }) : () -> ()
    "tpu.region"() ({
      %run_scoped3A = tpu.sem_alloc : memref<!tpu.dma_semaphore, #tpu.memory_space<semaphore_mem>>
      %dma_start3A = arith.constant 0 : i32
      %dma_start3A_49 = tpu.memref_slice %arg6[%arg0, %add3A_44, %dma_start3A] : memref<2x10240x128xf32, #tpu.memory_space<hbm>> -> memref<1x128x128xf32, #tpu.memory_space<hbm>>
      %dma_start3A_50 = tpu.memref_squeeze %dma_start3A_49 : memref<1x128x128xf32, #tpu.memory_space<hbm>> -> memref<128x128xf32, #tpu.memory_space<hbm>>
      %dma_start3A_51 = arith.constant 0 : i32
      %dma_start3A_52 = tpu.memref_slice %arg6[%arg0, %add3A_44, %dma_start3A_51] : memref<2x10240x128xf32, #tpu.memory_space<hbm>> -> memref<1x128x128xf32, #tpu.memory_space<hbm>>
      %dma_start3A_53 = tpu.memref_squeeze %dma_start3A_52 : memref<1x128x128xf32, #tpu.memory_space<hbm>> -> memref<128x128xf32, #tpu.memory_space<hbm>>
      tpu.enqueue_dma source(%arg9 : memref<128x128xf32, #tpu.memory_space<vmem>>) target(%dma_start3A_53 : memref<128x128xf32, #tpu.memory_space<hbm>>) target_semaphore(%run_scoped3A : memref<!tpu.dma_semaphore, #tpu.memory_space<semaphore_mem>>)
      %dma_wait3A = arith.constant 0 : i32
      %dma_wait3A_54 = tpu.memref_slice %arg6[%arg0, %add3A_44, %dma_wait3A] : memref<2x10240x128xf32, #tpu.memory_space<hbm>> -> memref<1x128x128xf32, #tpu.memory_space<hbm>>
      %dma_wait3A_55 = tpu.memref_squeeze %dma_wait3A_54 : memref<1x128x128xf32, #tpu.memory_space<hbm>> -> memref<128x128xf32, #tpu.memory_space<hbm>>
      %dma_wait3A_56 = arith.constant 0 : i32
      %dma_wait3A_57 = tpu.memref_slice %arg6[%arg0, %add3A_44, %dma_wait3A_56] : memref<2x10240x128xf32, #tpu.memory_space<hbm>> -> memref<1x128x128xf32, #tpu.memory_space<hbm>>
      %dma_wait3A_58 = tpu.memref_squeeze %dma_wait3A_57 : memref<1x128x128xf32, #tpu.memory_space<hbm>> -> memref<128x128xf32, #tpu.memory_space<hbm>>
      tpu.wait_dma2 semaphore(%run_scoped3A : memref<!tpu.dma_semaphore, #tpu.memory_space<semaphore_mem>>) src(%arg9 : memref<128x128xf32, #tpu.memory_space<vmem>>) dst(%dma_wait3A_58 : memref<128x128xf32, #tpu.memory_space<hbm>>)
      tpu.yield
    }) : () -> ()
    %mul3A_45 = arith.constant 640 : i32
    %mul3A_46 = arith.muli %arg1, %mul3A_45 : i32
    %add3A_47 = arith.constant 512 : i32
    %add3A_48 = arith.addi %mul3A_46, %add3A_47 : i32
    "tpu.region"() ({
      %run_scoped3A = tpu.sem_alloc : memref<!tpu.dma_semaphore, #tpu.memory_space<semaphore_mem>>
      %dma_start3A = arith.constant 0 : i32
      %dma_start3A_49 = tpu.memref_slice %arg10[%add3A_48, %dma_start3A] : memref<10240x128xf32, #tpu.memory_space<vmem_shared>> -> memref<128x128xf32, #tpu.memory_space<vmem_shared>>
      %dma_start3A_50 = arith.constant 0 : i32
      %dma_start3A_51 = tpu.memref_slice %arg10[%add3A_48, %dma_start3A_50] : memref<10240x128xf32, #tpu.memory_space<vmem_shared>> -> memref<128x128xf32, #tpu.memory_space<vmem_shared>>
      tpu.enqueue_dma source(%dma_start3A_51 : memref<128x128xf32, #tpu.memory_space<vmem_shared>>) target(%arg9 : memref<128x128xf32, #tpu.memory_space<vmem>>) target_semaphore(%run_scoped3A : memref<!tpu.dma_semaphore, #tpu.memory_space<semaphore_mem>>)
      %dma_wait3A = arith.constant 0 : i32
      %dma_wait3A_52 = tpu.memref_slice %arg10[%add3A_48, %dma_wait3A] : memref<10240x128xf32, #tpu.memory_space<vmem_shared>> -> memref<128x128xf32, #tpu.memory_space<vmem_shared>>
      %dma_wait3A_53 = arith.constant 0 : i32
      %dma_wait3A_54 = tpu.memref_slice %arg10[%add3A_48, %dma_wait3A_53] : memref<10240x128xf32, #tpu.memory_space<vmem_shared>> -> memref<128x128xf32, #tpu.memory_space<vmem_shared>>
      tpu.wait_dma2 semaphore(%run_scoped3A : memref<!tpu.dma_semaphore, #tpu.memory_space<semaphore_mem>>) src(%dma_wait3A_54 : memref<128x128xf32, #tpu.memory_space<vmem_shared>>) dst(%arg9 : memref<128x128xf32, #tpu.memory_space<vmem>>)
      tpu.yield
    }) : () -> ()
    "tpu.region"() ({
      %run_scoped3A = tpu.sem_alloc : memref<!tpu.dma_semaphore, #tpu.memory_space<semaphore_mem>>
      %dma_start3A = arith.constant 0 : i32
      %dma_start3A_49 = tpu.memref_slice %arg6[%arg0, %add3A_48, %dma_start3A] : memref<2x10240x128xf32, #tpu.memory_space<hbm>> -> memref<1x128x128xf32, #tpu.memory_space<hbm>>
      %dma_start3A_50 = tpu.memref_squeeze %dma_start3A_49 : memref<1x128x128xf32, #tpu.memory_space<hbm>> -> memref<128x128xf32, #tpu.memory_space<hbm>>
      %dma_start3A_51 = arith.constant 0 : i32
      %dma_start3A_52 = tpu.memref_slice %arg6[%arg0, %add3A_48, %dma_start3A_51] : memref<2x10240x128xf32, #tpu.memory_space<hbm>> -> memref<1x128x128xf32, #tpu.memory_space<hbm>>
      %dma_start3A_53 = tpu.memref_squeeze %dma_start3A_52 : memref<1x128x128xf32, #tpu.memory_space<hbm>> -> memref<128x128xf32, #tpu.memory_space<hbm>>
      tpu.enqueue_dma source(%arg9 : memref<128x128xf32, #tpu.memory_space<vmem>>) target(%dma_start3A_53 : memref<128x128xf32, #tpu.memory_space<hbm>>) target_semaphore(%run_scoped3A : memref<!tpu.dma_semaphore, #tpu.memory_space<semaphore_mem>>)
      %dma_wait3A = arith.constant 0 : i32
      %dma_wait3A_54 = tpu.memref_slice %arg6[%arg0, %add3A_48, %dma_wait3A] : memref<2x10240x128xf32, #tpu.memory_space<hbm>> -> memref<1x128x128xf32, #tpu.memory_space<hbm>>
      %dma_wait3A_55 = tpu.memref_squeeze %dma_wait3A_54 : memref<1x128x128xf32, #tpu.memory_space<hbm>> -> memref<128x128xf32, #tpu.memory_space<hbm>>
      %dma_wait3A_56 = arith.constant 0 : i32
      %dma_wait3A_57 = tpu.memref_slice %arg6[%arg0, %add3A_48, %dma_wait3A_56] : memref<2x10240x128xf32, #tpu.memory_space<hbm>> -> memref<1x128x128xf32, #tpu.memory_space<hbm>>
      %dma_wait3A_58 = tpu.memref_squeeze %dma_wait3A_57 : memref<1x128x128xf32, #tpu.memory_space<hbm>> -> memref<128x128xf32, #tpu.memory_space<hbm>>
      tpu.wait_dma2 semaphore(%run_scoped3A : memref<!tpu.dma_semaphore, #tpu.memory_space<semaphore_mem>>) src(%arg9 : memref<128x128xf32, #tpu.memory_space<vmem>>) dst(%dma_wait3A_58 : memref<128x128xf32, #tpu.memory_space<hbm>>)
      tpu.yield
    }) : () -> ()
    return
  }
}

#map = affine_map<(d0, d1) -> (0, 0)>
#map1 = affine_map<(d0, d1) -> (0)>
#map2 = affine_map<(d0, d1) -> (0, 0, 0)>
module attributes {stable_mosaic.version = 14 : i64} {
  func.func @mp(%arg0: i32, %arg1: i32, %arg2: memref<10240x128xf32, #tpu.memory_space<hbm>>, %arg3: memref<323584xi32, #tpu.memory_space<hbm>>, %arg4: memref<323584xi32, #tpu.memory_space<hbm>>, %arg5: memref<128x128xf32, #tpu.memory_space<hbm>>, %arg6: memref<2x10240x128xf32, #tpu.memory_space<hbm>>, %arg7: memref<128xi32, #tpu.memory_space<vmem>>, %arg8: memref<128xi32, #tpu.memory_space<vmem>>, %arg9: memref<128x128xf32, #tpu.memory_space<vmem>>, %arg10: memref<10240x128xf32, #tpu.memory_space<vmem_shared>>, %arg11: memref<!tpu.dma_semaphore, #tpu.memory_space<semaphore_mem>>) attributes {dimension_semantics = [#tpu.dimension_semantics<core_parallel>, #tpu.dimension_semantics<subcore_parallel>], iteration_bounds = array<i64: 2, 16>, scalar_prefetch = 0 : i64, scratch_operands = 5 : i64, tpu.core_type = #tpu.core_type<sc_vector_subcore>, window_params = [{transform_indices = #map}, {transform_indices = #map1}, {transform_indices = #map1}, {transform_indices = #map}, {transform_indices = #map2}]} {
    %mul3A = arith.constant 2 : i32
    %mul3A_0 = arith.muli %arg1, %mul3A : i32
    %add3A = arith.addi %mul3A_0, %arg0 : i32
    "tpu.region"() ({
      %run_scoped3A = tpu.sem_alloc : memref<!tpu.dma_semaphore, #tpu.memory_space<semaphore_mem>>
      tpu.enqueue_dma source(%arg5 : memref<128x128xf32, #tpu.memory_space<hbm>>) target(%arg9 : memref<128x128xf32, #tpu.memory_space<vmem>>) target_semaphore(%run_scoped3A : memref<!tpu.dma_semaphore, #tpu.memory_space<semaphore_mem>>)
      tpu.wait_dma2 semaphore(%run_scoped3A : memref<!tpu.dma_semaphore, #tpu.memory_space<semaphore_mem>>) src(%arg5 : memref<128x128xf32, #tpu.memory_space<hbm>>) dst(%arg9 : memref<128x128xf32, #tpu.memory_space<vmem>>)
      tpu.yield
    }) : () -> ()
    %mul3A_1 = arith.constant 640 : i32
    %mul3A_2 = arith.muli %arg1, %mul3A_1 : i32
    %add3A_3 = arith.constant 0 : i32
    %add3A_4 = arith.addi %mul3A_2, %add3A_3 : i32
    "tpu.region"() ({
      %run_scoped3A = tpu.sem_alloc : memref<!tpu.dma_semaphore, #tpu.memory_space<semaphore_mem>>
      %dma_start3A = arith.constant 0 : i32
      %dma_start3A_49 = tpu.memref_slice %arg10[%add3A_4, %dma_start3A] : memref<10240x128xf32, #tpu.memory_space<vmem_shared>> -> memref<128x128xf32, #tpu.memory_space<vmem_shared>>
      %dma_start3A_50 = arith.constant 0 : i32
      %dma_start3A_51 = tpu.memref_slice %arg10[%add3A_4, %dma_start3A_50] : memref<10240x128xf32, #tpu.memory_space<vmem_shared>> -> memref<128x128xf32, #tpu.memory_space<vmem_shared>>
      tpu.enqueue_dma source(%arg9 : memref<128x128xf32, #tpu.memory_space<vmem>>) target(%dma_start3A_51 : memref<128x128xf32, #tpu.memory_space<vmem_shared>>) target_semaphore(%run_scoped3A : memref<!tpu.dma_semaphore, #tpu.memory_space<semaphore_mem>>)
      %dma_wait3A = arith.constant 0 : i32
      %dma_wait3A_52 = tpu.memref_slice %arg10[%add3A_4, %dma_wait3A] : memref<10240x128xf32, #tpu.memory_space<vmem_shared>> -> memref<128x128xf32, #tpu.memory_space<vmem_shared>>
      %dma_wait3A_53 = arith.constant 0 : i32
      %dma_wait3A_54 = tpu.memref_slice %arg10[%add3A_4, %dma_wait3A_53] : memref<10240x128xf32, #tpu.memory_space<vmem_shared>> -> memref<128x128xf32, #tpu.memory_space<vmem_shared>>
      tpu.wait_dma2 semaphore(%run_scoped3A : memref<!tpu.dma_semaphore, #tpu.memory_space<semaphore_mem>>) src(%arg9 : memref<128x128xf32, #tpu.memory_space<vmem>>) dst(%dma_wait3A_54 : memref<128x128xf32, #tpu.memory_space<vmem_shared>>)
      tpu.yield
    }) : () -> ()
    %mul3A_5 = arith.constant 640 : i32
    %mul3A_6 = arith.muli %arg1, %mul3A_5 : i32
    %add3A_7 = arith.constant 128 : i32
    %add3A_8 = arith.addi %mul3A_6, %add3A_7 : i32
    "tpu.region"() ({
      %run_scoped3A = tpu.sem_alloc : memref<!tpu.dma_semaphore, #tpu.memory_space<semaphore_mem>>
      %dma_start3A = arith.constant 0 : i32
      %dma_start3A_49 = tpu.memref_slice %arg10[%add3A_8, %dma_start3A] : memref<10240x128xf32, #tpu.memory_space<vmem_shared>> -> memref<128x128xf32, #tpu.memory_space<vmem_shared>>
      %dma_start3A_50 = arith.constant 0 : i32
      %dma_start3A_51 = tpu.memref_slice %arg10[%add3A_8, %dma_start3A_50] : memref<10240x128xf32, #tpu.memory_space<vmem_shared>> -> memref<128x128xf32, #tpu.memory_space<vmem_shared>>
      tpu.enqueue_dma source(%arg9 : memref<128x128xf32, #tpu.memory_space<vmem>>) target(%dma_start3A_51 : memref<128x128xf32, #tpu.memory_space<vmem_shared>>) target_semaphore(%run_scoped3A : memref<!tpu.dma_semaphore, #tpu.memory_space<semaphore_mem>>)
      %dma_wait3A = arith.constant 0 : i32
      %dma_wait3A_52 = tpu.memref_slice %arg10[%add3A_8, %dma_wait3A] : memref<10240x128xf32, #tpu.memory_space<vmem_shared>> -> memref<128x128xf32, #tpu.memory_space<vmem_shared>>
      %dma_wait3A_53 = arith.constant 0 : i32
      %dma_wait3A_54 = tpu.memref_slice %arg10[%add3A_8, %dma_wait3A_53] : memref<10240x128xf32, #tpu.memory_space<vmem_shared>> -> memref<128x128xf32, #tpu.memory_space<vmem_shared>>
      tpu.wait_dma2 semaphore(%run_scoped3A : memref<!tpu.dma_semaphore, #tpu.memory_space<semaphore_mem>>) src(%arg9 : memref<128x128xf32, #tpu.memory_space<vmem>>) dst(%dma_wait3A_54 : memref<128x128xf32, #tpu.memory_space<vmem_shared>>)
      tpu.yield
    }) : () -> ()
    %mul3A_9 = arith.constant 640 : i32
    %mul3A_10 = arith.muli %arg1, %mul3A_9 : i32
    %add3A_11 = arith.constant 256 : i32
    %add3A_12 = arith.addi %mul3A_10, %add3A_11 : i32
    "tpu.region"() ({
      %run_scoped3A = tpu.sem_alloc : memref<!tpu.dma_semaphore, #tpu.memory_space<semaphore_mem>>
      %dma_start3A = arith.constant 0 : i32
      %dma_start3A_49 = tpu.memref_slice %arg10[%add3A_12, %dma_start3A] : memref<10240x128xf32, #tpu.memory_space<vmem_shared>> -> memref<128x128xf32, #tpu.memory_space<vmem_shared>>
      %dma_start3A_50 = arith.constant 0 : i32
      %dma_start3A_51 = tpu.memref_slice %arg10[%add3A_12, %dma_start3A_50] : memref<10240x128xf32, #tpu.memory_space<vmem_shared>> -> memref<128x128xf32, #tpu.memory_space<vmem_shared>>
      tpu.enqueue_dma source(%arg9 : memref<128x128xf32, #tpu.memory_space<vmem>>) target(%dma_start3A_51 : memref<128x128xf32, #tpu.memory_space<vmem_shared>>) target_semaphore(%run_scoped3A : memref<!tpu.dma_semaphore, #tpu.memory_space<semaphore_mem>>)
      %dma_wait3A = arith.constant 0 : i32
      %dma_wait3A_52 = tpu.memref_slice %arg10[%add3A_12, %dma_wait3A] : memref<10240x128xf32, #tpu.memory_space<vmem_shared>> -> memref<128x128xf32, #tpu.memory_space<vmem_shared>>
      %dma_wait3A_53 = arith.constant 0 : i32
      %dma_wait3A_54 = tpu.memref_slice %arg10[%add3A_12, %dma_wait3A_53] : memref<10240x128xf32, #tpu.memory_space<vmem_shared>> -> memref<128x128xf32, #tpu.memory_space<vmem_shared>>
      tpu.wait_dma2 semaphore(%run_scoped3A : memref<!tpu.dma_semaphore, #tpu.memory_space<semaphore_mem>>) src(%arg9 : memref<128x128xf32, #tpu.memory_space<vmem>>) dst(%dma_wait3A_54 : memref<128x128xf32, #tpu.memory_space<vmem_shared>>)
      tpu.yield
    }) : () -> ()
    %mul3A_13 = arith.constant 640 : i32
    %mul3A_14 = arith.muli %arg1, %mul3A_13 : i32
    %add3A_15 = arith.constant 384 : i32
    %add3A_16 = arith.addi %mul3A_14, %add3A_15 : i32
    "tpu.region"() ({
      %run_scoped3A = tpu.sem_alloc : memref<!tpu.dma_semaphore, #tpu.memory_space<semaphore_mem>>
      %dma_start3A = arith.constant 0 : i32
      %dma_start3A_49 = tpu.memref_slice %arg10[%add3A_16, %dma_start3A] : memref<10240x128xf32, #tpu.memory_space<vmem_shared>> -> memref<128x128xf32, #tpu.memory_space<vmem_shared>>
      %dma_start3A_50 = arith.constant 0 : i32
      %dma_start3A_51 = tpu.memref_slice %arg10[%add3A_16, %dma_start3A_50] : memref<10240x128xf32, #tpu.memory_space<vmem_shared>> -> memref<128x128xf32, #tpu.memory_space<vmem_shared>>
      tpu.enqueue_dma source(%arg9 : memref<128x128xf32, #tpu.memory_space<vmem>>) target(%dma_start3A_51 : memref<128x128xf32, #tpu.memory_space<vmem_shared>>) target_semaphore(%run_scoped3A : memref<!tpu.dma_semaphore, #tpu.memory_space<semaphore_mem>>)
      %dma_wait3A = arith.constant 0 : i32
      %dma_wait3A_52 = tpu.memref_slice %arg10[%add3A_16, %dma_wait3A] : memref<10240x128xf32, #tpu.memory_space<vmem_shared>> -> memref<128x128xf32, #tpu.memory_space<vmem_shared>>
      %dma_wait3A_53 = arith.constant 0 : i32
      %dma_wait3A_54 = tpu.memref_slice %arg10[%add3A_16, %dma_wait3A_53] : memref<10240x128xf32, #tpu.memory_space<vmem_shared>> -> memref<128x128xf32, #tpu.memory_space<vmem_shared>>
      tpu.wait_dma2 semaphore(%run_scoped3A : memref<!tpu.dma_semaphore, #tpu.memory_space<semaphore_mem>>) src(%arg9 : memref<128x128xf32, #tpu.memory_space<vmem>>) dst(%dma_wait3A_54 : memref<128x128xf32, #tpu.memory_space<vmem_shared>>)
      tpu.yield
    }) : () -> ()
    %mul3A_17 = arith.constant 640 : i32
    %mul3A_18 = arith.muli %arg1, %mul3A_17 : i32
    %add3A_19 = arith.constant 512 : i32
    %add3A_20 = arith.addi %mul3A_18, %add3A_19 : i32
    "tpu.region"() ({
      %run_scoped3A = tpu.sem_alloc : memref<!tpu.dma_semaphore, #tpu.memory_space<semaphore_mem>>
      %dma_start3A = arith.constant 0 : i32
      %dma_start3A_49 = tpu.memref_slice %arg10[%add3A_20, %dma_start3A] : memref<10240x128xf32, #tpu.memory_space<vmem_shared>> -> memref<128x128xf32, #tpu.memory_space<vmem_shared>>
      %dma_start3A_50 = arith.constant 0 : i32
      %dma_start3A_51 = tpu.memref_slice %arg10[%add3A_20, %dma_start3A_50] : memref<10240x128xf32, #tpu.memory_space<vmem_shared>> -> memref<128x128xf32, #tpu.memory_space<vmem_shared>>
      tpu.enqueue_dma source(%arg9 : memref<128x128xf32, #tpu.memory_space<vmem>>) target(%dma_start3A_51 : memref<128x128xf32, #tpu.memory_space<vmem_shared>>) target_semaphore(%run_scoped3A : memref<!tpu.dma_semaphore, #tpu.memory_space<semaphore_mem>>)
      %dma_wait3A = arith.constant 0 : i32
      %dma_wait3A_52 = tpu.memref_slice %arg10[%add3A_20, %dma_wait3A] : memref<10240x128xf32, #tpu.memory_space<vmem_shared>> -> memref<128x128xf32, #tpu.memory_space<vmem_shared>>
      %dma_wait3A_53 = arith.constant 0 : i32
      %dma_wait3A_54 = tpu.memref_slice %arg10[%add3A_20, %dma_wait3A_53] : memref<10240x128xf32, #tpu.memory_space<vmem_shared>> -> memref<128x128xf32, #tpu.memory_space<vmem_shared>>
      tpu.wait_dma2 semaphore(%run_scoped3A : memref<!tpu.dma_semaphore, #tpu.memory_space<semaphore_mem>>) src(%arg9 : memref<128x128xf32, #tpu.memory_space<vmem>>) dst(%dma_wait3A_54 : memref<128x128xf32, #tpu.memory_space<vmem_shared>>)
      tpu.yield
    }) : () -> ()
    %barrier3A = arith.constant 0 : index
    tpu.barrier barrier_id(%barrier3A)
    %mul3A_21 = arith.constant 10112 : i32
    %mul3A_22 = arith.muli %add3A, %mul3A_21 : i32
    %scan3A = arith.constant 0 : i32
    %scan3A_23 = arith.constant 0 : i32
    %scan3A_24 = arith.constant 79 : i32
    %scan3A_25 = arith.addi %scan3A_23, %scan3A_24 : i32
    %scan3A_26 = arith.constant 1 : i32
    scf.for %scan3A_49 = %scan3A_23 to %scan3A_25 step %scan3A_26  : i32 {
      %mul3A_50 = arith.constant 128 : i32
      %mul3A_51 = arith.muli %scan3A_49, %mul3A_50 : i32
      %add3A_52 = arith.addi %mul3A_22, %mul3A_51 : i32
      %multiple_of3A = tpu.assume_multiple %add3A_52, 128 : i32
      "tpu.region"() ({
        %run_scoped3A = tpu.sem_alloc : memref<!tpu.dma_semaphore, #tpu.memory_space<semaphore_mem>>
        %dma_start3A_57 = tpu.memref_slice %arg4[%multiple_of3A] : memref<323584xi32, #tpu.memory_space<hbm>> -> memref<128xi32, #tpu.memory_space<hbm>>
        %dma_start3A_58 = tpu.memref_slice %arg4[%multiple_of3A] : memref<323584xi32, #tpu.memory_space<hbm>> -> memref<128xi32, #tpu.memory_space<hbm>>
        tpu.enqueue_dma source(%dma_start3A_58 : memref<128xi32, #tpu.memory_space<hbm>>) target(%arg8 : memref<128xi32, #tpu.memory_space<vmem>>) target_semaphore(%run_scoped3A : memref<!tpu.dma_semaphore, #tpu.memory_space<semaphore_mem>>)
        %dma_wait3A_59 = tpu.memref_slice %arg4[%multiple_of3A] : memref<323584xi32, #tpu.memory_space<hbm>> -> memref<128xi32, #tpu.memory_space<hbm>>
        %dma_wait3A_60 = tpu.memref_slice %arg4[%multiple_of3A] : memref<323584xi32, #tpu.memory_space<hbm>> -> memref<128xi32, #tpu.memory_space<hbm>>
        tpu.wait_dma2 semaphore(%run_scoped3A : memref<!tpu.dma_semaphore, #tpu.memory_space<semaphore_mem>>) src(%dma_wait3A_60 : memref<128xi32, #tpu.memory_space<hbm>>) dst(%arg8 : memref<128xi32, #tpu.memory_space<vmem>>)
        tpu.yield
      }) : () -> ()
      "tpu.region"() ({
        %run_scoped3A = tpu.sem_alloc : memref<!tpu.dma_semaphore, #tpu.memory_space<semaphore_mem>>
        %dma_start3A_57 = tpu.memref_slice %arg3[%multiple_of3A] : memref<323584xi32, #tpu.memory_space<hbm>> -> memref<128xi32, #tpu.memory_space<hbm>>
        %dma_start3A_58 = tpu.memref_slice %arg3[%multiple_of3A] : memref<323584xi32, #tpu.memory_space<hbm>> -> memref<128xi32, #tpu.memory_space<hbm>>
        tpu.enqueue_dma source(%dma_start3A_58 : memref<128xi32, #tpu.memory_space<hbm>>) target(%arg7 : memref<128xi32, #tpu.memory_space<vmem>>) target_semaphore(%run_scoped3A : memref<!tpu.dma_semaphore, #tpu.memory_space<semaphore_mem>>)
        %dma_wait3A_59 = tpu.memref_slice %arg3[%multiple_of3A] : memref<323584xi32, #tpu.memory_space<hbm>> -> memref<128xi32, #tpu.memory_space<hbm>>
        %dma_wait3A_60 = tpu.memref_slice %arg3[%multiple_of3A] : memref<323584xi32, #tpu.memory_space<hbm>> -> memref<128xi32, #tpu.memory_space<hbm>>
        tpu.wait_dma2 semaphore(%run_scoped3A : memref<!tpu.dma_semaphore, #tpu.memory_space<semaphore_mem>>) src(%dma_wait3A_60 : memref<128xi32, #tpu.memory_space<hbm>>) dst(%arg7 : memref<128xi32, #tpu.memory_space<vmem>>)
        tpu.yield
      }) : () -> ()
      %dma_start3A = arith.constant 0 : i32
      %dma_start3A_53 = arith.constant 0 : i32
      %dma_start3A_54 = tpu.memref_slice %arg2[%dma_start3A, %dma_start3A_53] : memref<10240x128xf32, #tpu.memory_space<hbm>> -> memref<10240x128xf32, #tpu.memory_space<hbm>>
      tpu.enqueue_indirect_dma source(%dma_start3A_54 : memref<10240x128xf32, #tpu.memory_space<hbm>>) target(%arg9 : memref<128x128xf32, #tpu.memory_space<vmem>>) offsets(%arg7 : memref<128xi32, #tpu.memory_space<vmem>>) semaphore(%arg11 : memref<!tpu.dma_semaphore, #tpu.memory_space<semaphore_mem>>)
      %dma_wait3A = arith.constant 0 : i32
      %dma_wait3A_55 = arith.constant 0 : i32
      %dma_wait3A_56 = tpu.memref_slice %arg2[%dma_wait3A, %dma_wait3A_55] : memref<10240x128xf32, #tpu.memory_space<hbm>> -> memref<10240x128xf32, #tpu.memory_space<hbm>>
      tpu.wait_indirect_dma semaphore(%arg11 : memref<!tpu.dma_semaphore, #tpu.memory_space<semaphore_mem>>) src(%dma_wait3A_56 : memref<10240x128xf32, #tpu.memory_space<hbm>>) dst(%arg9 : memref<128x128xf32, #tpu.memory_space<vmem>>)
      "tpu.region"() ({
        %run_scoped3A = tpu.sem_alloc : memref<!tpu.dma_semaphore, #tpu.memory_space<semaphore_mem>>
        %dma_start3A_57 = arith.constant 0 : i32
        %dma_start3A_58 = arith.constant 0 : i32
        %dma_start3A_59 = tpu.memref_slice %arg10[%dma_start3A_57, %dma_start3A_58] : memref<10240x128xf32, #tpu.memory_space<vmem_shared>> -> memref<10240x128xf32, #tpu.memory_space<vmem_shared>>
        tpu.enqueue_indirect_dma source(%arg9 : memref<128x128xf32, #tpu.memory_space<vmem>>) target(%dma_start3A_59 : memref<10240x128xf32, #tpu.memory_space<vmem_shared>>) offsets(%arg8 : memref<128xi32, #tpu.memory_space<vmem>>) semaphore(%run_scoped3A : memref<!tpu.dma_semaphore, #tpu.memory_space<semaphore_mem>>) {add = true}
        %dma_wait3A_60 = arith.constant 0 : i32
        %dma_wait3A_61 = arith.constant 0 : i32
        %dma_wait3A_62 = tpu.memref_slice %arg10[%dma_wait3A_60, %dma_wait3A_61] : memref<10240x128xf32, #tpu.memory_space<vmem_shared>> -> memref<10240x128xf32, #tpu.memory_space<vmem_shared>>
        tpu.wait_indirect_dma semaphore(%run_scoped3A : memref<!tpu.dma_semaphore, #tpu.memory_space<semaphore_mem>>) src(%arg9 : memref<128x128xf32, #tpu.memory_space<vmem>>) dst(%dma_wait3A_62 : memref<10240x128xf32, #tpu.memory_space<vmem_shared>>)
        tpu.yield
      }) : () -> ()
    }
    %scan3A_27 = arith.constant 79 : i32
    %barrier3A_28 = arith.constant 0 : index
    tpu.barrier barrier_id(%barrier3A_28)
    %mul3A_29 = arith.constant 640 : i32
    %mul3A_30 = arith.muli %arg1, %mul3A_29 : i32
    %add3A_31 = arith.constant 0 : i32
    %add3A_32 = arith.addi %mul3A_30, %add3A_31 : i32
    "tpu.region"() ({
      %run_scoped3A = tpu.sem_alloc : memref<!tpu.dma_semaphore, #tpu.memory_space<semaphore_mem>>
      %dma_start3A = arith.constant 0 : i32
      %dma_start3A_49 = tpu.memref_slice %arg10[%add3A_32, %dma_start3A] : memref<10240x128xf32, #tpu.memory_space<vmem_shared>> -> memref<128x128xf32, #tpu.memory_space<vmem_shared>>
      %dma_start3A_50 = arith.constant 0 : i32
      %dma_start3A_51 = tpu.memref_slice %arg10[%add3A_32, %dma_start3A_50] : memref<10240x128xf32, #tpu.memory_space<vmem_shared>> -> memref<128x128xf32, #tpu.memory_space<vmem_shared>>
      tpu.enqueue_dma source(%dma_start3A_51 : memref<128x128xf32, #tpu.memory_space<vmem_shared>>) target(%arg9 : memref<128x128xf32, #tpu.memory_space<vmem>>) target_semaphore(%run_scoped3A : memref<!tpu.dma_semaphore, #tpu.memory_space<semaphore_mem>>)
      %dma_wait3A = arith.constant 0 : i32
      %dma_wait3A_52 = tpu.memref_slice %arg10[%add3A_32, %dma_wait3A] : memref<10240x128xf32, #tpu.memory_space<vmem_shared>> -> memref<128x128xf32, #tpu.memory_space<vmem_shared>>
      %dma_wait3A_53 = arith.constant 0 : i32
      %dma_wait3A_54 = tpu.memref_slice %arg10[%add3A_32, %dma_wait3A_53] : memref<10240x128xf32, #tpu.memory_space<vmem_shared>> -> memref<128x128xf32, #tpu.memory_space<vmem_shared>>
      tpu.wait_dma2 semaphore(%run_scoped3A : memref<!tpu.dma_semaphore, #tpu.memory_space<semaphore_mem>>) src(%dma_wait3A_54 : memref<128x128xf32, #tpu.memory_space<vmem_shared>>) dst(%arg9 : memref<128x128xf32, #tpu.memory_space<vmem>>)
      tpu.yield
    }) : () -> ()
    "tpu.region"() ({
      %run_scoped3A = tpu.sem_alloc : memref<!tpu.dma_semaphore, #tpu.memory_space<semaphore_mem>>
      %dma_start3A = arith.constant 0 : i32
      %dma_start3A_49 = tpu.memref_slice %arg6[%arg0, %add3A_32, %dma_start3A] : memref<2x10240x128xf32, #tpu.memory_space<hbm>> -> memref<1x128x128xf32, #tpu.memory_space<hbm>>
      %dma_start3A_50 = tpu.memref_squeeze %dma_start3A_49 : memref<1x128x128xf32, #tpu.memory_space<hbm>> -> memref<128x128xf32, #tpu.memory_space<hbm>>
      %dma_start3A_51 = arith.constant 0 : i32
      %dma_start3A_52 = tpu.memref_slice %arg6[%arg0, %add3A_32, %dma_start3A_51] : memref<2x10240x128xf32, #tpu.memory_space<hbm>> -> memref<1x128x128xf32, #tpu.memory_space<hbm>>
      %dma_start3A_53 = tpu.memref_squeeze %dma_start3A_52 : memref<1x128x128xf32, #tpu.memory_space<hbm>> -> memref<128x128xf32, #tpu.memory_space<hbm>>
      tpu.enqueue_dma source(%arg9 : memref<128x128xf32, #tpu.memory_space<vmem>>) target(%dma_start3A_53 : memref<128x128xf32, #tpu.memory_space<hbm>>) target_semaphore(%run_scoped3A : memref<!tpu.dma_semaphore, #tpu.memory_space<semaphore_mem>>)
      %dma_wait3A = arith.constant 0 : i32
      %dma_wait3A_54 = tpu.memref_slice %arg6[%arg0, %add3A_32, %dma_wait3A] : memref<2x10240x128xf32, #tpu.memory_space<hbm>> -> memref<1x128x128xf32, #tpu.memory_space<hbm>>
      %dma_wait3A_55 = tpu.memref_squeeze %dma_wait3A_54 : memref<1x128x128xf32, #tpu.memory_space<hbm>> -> memref<128x128xf32, #tpu.memory_space<hbm>>
      %dma_wait3A_56 = arith.constant 0 : i32
      %dma_wait3A_57 = tpu.memref_slice %arg6[%arg0, %add3A_32, %dma_wait3A_56] : memref<2x10240x128xf32, #tpu.memory_space<hbm>> -> memref<1x128x128xf32, #tpu.memory_space<hbm>>
      %dma_wait3A_58 = tpu.memref_squeeze %dma_wait3A_57 : memref<1x128x128xf32, #tpu.memory_space<hbm>> -> memref<128x128xf32, #tpu.memory_space<hbm>>
      tpu.wait_dma2 semaphore(%run_scoped3A : memref<!tpu.dma_semaphore, #tpu.memory_space<semaphore_mem>>) src(%arg9 : memref<128x128xf32, #tpu.memory_space<vmem>>) dst(%dma_wait3A_58 : memref<128x128xf32, #tpu.memory_space<hbm>>)
      tpu.yield
    }) : () -> ()
    %mul3A_33 = arith.constant 640 : i32
    %mul3A_34 = arith.muli %arg1, %mul3A_33 : i32
    %add3A_35 = arith.constant 128 : i32
    %add3A_36 = arith.addi %mul3A_34, %add3A_35 : i32
    "tpu.region"() ({
      %run_scoped3A = tpu.sem_alloc : memref<!tpu.dma_semaphore, #tpu.memory_space<semaphore_mem>>
      %dma_start3A = arith.constant 0 : i32
      %dma_start3A_49 = tpu.memref_slice %arg10[%add3A_36, %dma_start3A] : memref<10240x128xf32, #tpu.memory_space<vmem_shared>> -> memref<128x128xf32, #tpu.memory_space<vmem_shared>>
      %dma_start3A_50 = arith.constant 0 : i32
      %dma_start3A_51 = tpu.memref_slice %arg10[%add3A_36, %dma_start3A_50] : memref<10240x128xf32, #tpu.memory_space<vmem_shared>> -> memref<128x128xf32, #tpu.memory_space<vmem_shared>>
      tpu.enqueue_dma source(%dma_start3A_51 : memref<128x128xf32, #tpu.memory_space<vmem_shared>>) target(%arg9 : memref<128x128xf32, #tpu.memory_space<vmem>>) target_semaphore(%run_scoped3A : memref<!tpu.dma_semaphore, #tpu.memory_space<semaphore_mem>>)
      %dma_wait3A = arith.constant 0 : i32
      %dma_wait3A_52 = tpu.memref_slice %arg10[%add3A_36, %dma_wait3A] : memref<10240x128xf32, #tpu.memory_space<vmem_shared>> -> memref<128x128xf32, #tpu.memory_space<vmem_shared>>
      %dma_wait3A_53 = arith.constant 0 : i32
      %dma_wait3A_54 = tpu.memref_slice %arg10[%add3A_36, %dma_wait3A_53] : memref<10240x128xf32, #tpu.memory_space<vmem_shared>> -> memref<128x128xf32, #tpu.memory_space<vmem_shared>>
      tpu.wait_dma2 semaphore(%run_scoped3A : memref<!tpu.dma_semaphore, #tpu.memory_space<semaphore_mem>>) src(%dma_wait3A_54 : memref<128x128xf32, #tpu.memory_space<vmem_shared>>) dst(%arg9 : memref<128x128xf32, #tpu.memory_space<vmem>>)
      tpu.yield
    }) : () -> ()
    "tpu.region"() ({
      %run_scoped3A = tpu.sem_alloc : memref<!tpu.dma_semaphore, #tpu.memory_space<semaphore_mem>>
      %dma_start3A = arith.constant 0 : i32
      %dma_start3A_49 = tpu.memref_slice %arg6[%arg0, %add3A_36, %dma_start3A] : memref<2x10240x128xf32, #tpu.memory_space<hbm>> -> memref<1x128x128xf32, #tpu.memory_space<hbm>>
      %dma_start3A_50 = tpu.memref_squeeze %dma_start3A_49 : memref<1x128x128xf32, #tpu.memory_space<hbm>> -> memref<128x128xf32, #tpu.memory_space<hbm>>
      %dma_start3A_51 = arith.constant 0 : i32
      %dma_start3A_52 = tpu.memref_slice %arg6[%arg0, %add3A_36, %dma_start3A_51] : memref<2x10240x128xf32, #tpu.memory_space<hbm>> -> memref<1x128x128xf32, #tpu.memory_space<hbm>>
      %dma_start3A_53 = tpu.memref_squeeze %dma_start3A_52 : memref<1x128x128xf32, #tpu.memory_space<hbm>> -> memref<128x128xf32, #tpu.memory_space<hbm>>
      tpu.enqueue_dma source(%arg9 : memref<128x128xf32, #tpu.memory_space<vmem>>) target(%dma_start3A_53 : memref<128x128xf32, #tpu.memory_space<hbm>>) target_semaphore(%run_scoped3A : memref<!tpu.dma_semaphore, #tpu.memory_space<semaphore_mem>>)
      %dma_wait3A = arith.constant 0 : i32
      %dma_wait3A_54 = tpu.memref_slice %arg6[%arg0, %add3A_36, %dma_wait3A] : memref<2x10240x128xf32, #tpu.memory_space<hbm>> -> memref<1x128x128xf32, #tpu.memory_space<hbm>>
      %dma_wait3A_55 = tpu.memref_squeeze %dma_wait3A_54 : memref<1x128x128xf32, #tpu.memory_space<hbm>> -> memref<128x128xf32, #tpu.memory_space<hbm>>
      %dma_wait3A_56 = arith.constant 0 : i32
      %dma_wait3A_57 = tpu.memref_slice %arg6[%arg0, %add3A_36, %dma_wait3A_56] : memref<2x10240x128xf32, #tpu.memory_space<hbm>> -> memref<1x128x128xf32, #tpu.memory_space<hbm>>
      %dma_wait3A_58 = tpu.memref_squeeze %dma_wait3A_57 : memref<1x128x128xf32, #tpu.memory_space<hbm>> -> memref<128x128xf32, #tpu.memory_space<hbm>>
      tpu.wait_dma2 semaphore(%run_scoped3A : memref<!tpu.dma_semaphore, #tpu.memory_space<semaphore_mem>>) src(%arg9 : memref<128x128xf32, #tpu.memory_space<vmem>>) dst(%dma_wait3A_58 : memref<128x128xf32, #tpu.memory_space<hbm>>)
      tpu.yield
    }) : () -> ()
    %mul3A_37 = arith.constant 640 : i32
    %mul3A_38 = arith.muli %arg1, %mul3A_37 : i32
    %add3A_39 = arith.constant 256 : i32
    %add3A_40 = arith.addi %mul3A_38, %add3A_39 : i32
    "tpu.region"() ({
      %run_scoped3A = tpu.sem_alloc : memref<!tpu.dma_semaphore, #tpu.memory_space<semaphore_mem>>
      %dma_start3A = arith.constant 0 : i32
      %dma_start3A_49 = tpu.memref_slice %arg10[%add3A_40, %dma_start3A] : memref<10240x128xf32, #tpu.memory_space<vmem_shared>> -> memref<128x128xf32, #tpu.memory_space<vmem_shared>>
      %dma_start3A_50 = arith.constant 0 : i32
      %dma_start3A_51 = tpu.memref_slice %arg10[%add3A_40, %dma_start3A_50] : memref<10240x128xf32, #tpu.memory_space<vmem_shared>> -> memref<128x128xf32, #tpu.memory_space<vmem_shared>>
      tpu.enqueue_dma source(%dma_start3A_51 : memref<128x128xf32, #tpu.memory_space<vmem_shared>>) target(%arg9 : memref<128x128xf32, #tpu.memory_space<vmem>>) target_semaphore(%run_scoped3A : memref<!tpu.dma_semaphore, #tpu.memory_space<semaphore_mem>>)
      %dma_wait3A = arith.constant 0 : i32
      %dma_wait3A_52 = tpu.memref_slice %arg10[%add3A_40, %dma_wait3A] : memref<10240x128xf32, #tpu.memory_space<vmem_shared>> -> memref<128x128xf32, #tpu.memory_space<vmem_shared>>
      %dma_wait3A_53 = arith.constant 0 : i32
      %dma_wait3A_54 = tpu.memref_slice %arg10[%add3A_40, %dma_wait3A_53] : memref<10240x128xf32, #tpu.memory_space<vmem_shared>> -> memref<128x128xf32, #tpu.memory_space<vmem_shared>>
      tpu.wait_dma2 semaphore(%run_scoped3A : memref<!tpu.dma_semaphore, #tpu.memory_space<semaphore_mem>>) src(%dma_wait3A_54 : memref<128x128xf32, #tpu.memory_space<vmem_shared>>) dst(%arg9 : memref<128x128xf32, #tpu.memory_space<vmem>>)
      tpu.yield
    }) : () -> ()
    "tpu.region"() ({
      %run_scoped3A = tpu.sem_alloc : memref<!tpu.dma_semaphore, #tpu.memory_space<semaphore_mem>>
      %dma_start3A = arith.constant 0 : i32
      %dma_start3A_49 = tpu.memref_slice %arg6[%arg0, %add3A_40, %dma_start3A] : memref<2x10240x128xf32, #tpu.memory_space<hbm>> -> memref<1x128x128xf32, #tpu.memory_space<hbm>>
      %dma_start3A_50 = tpu.memref_squeeze %dma_start3A_49 : memref<1x128x128xf32, #tpu.memory_space<hbm>> -> memref<128x128xf32, #tpu.memory_space<hbm>>
      %dma_start3A_51 = arith.constant 0 : i32
      %dma_start3A_52 = tpu.memref_slice %arg6[%arg0, %add3A_40, %dma_start3A_51] : memref<2x10240x128xf32, #tpu.memory_space<hbm>> -> memref<1x128x128xf32, #tpu.memory_space<hbm>>
      %dma_start3A_53 = tpu.memref_squeeze %dma_start3A_52 : memref<1x128x128xf32, #tpu.memory_space<hbm>> -> memref<128x128xf32, #tpu.memory_space<hbm>>
      tpu.enqueue_dma source(%arg9 : memref<128x128xf32, #tpu.memory_space<vmem>>) target(%dma_start3A_53 : memref<128x128xf32, #tpu.memory_space<hbm>>) target_semaphore(%run_scoped3A : memref<!tpu.dma_semaphore, #tpu.memory_space<semaphore_mem>>)
      %dma_wait3A = arith.constant 0 : i32
      %dma_wait3A_54 = tpu.memref_slice %arg6[%arg0, %add3A_40, %dma_wait3A] : memref<2x10240x128xf32, #tpu.memory_space<hbm>> -> memref<1x128x128xf32, #tpu.memory_space<hbm>>
      %dma_wait3A_55 = tpu.memref_squeeze %dma_wait3A_54 : memref<1x128x128xf32, #tpu.memory_space<hbm>> -> memref<128x128xf32, #tpu.memory_space<hbm>>
      %dma_wait3A_56 = arith.constant 0 : i32
      %dma_wait3A_57 = tpu.memref_slice %arg6[%arg0, %add3A_40, %dma_wait3A_56] : memref<2x10240x128xf32, #tpu.memory_space<hbm>> -> memref<1x128x128xf32, #tpu.memory_space<hbm>>
      %dma_wait3A_58 = tpu.memref_squeeze %dma_wait3A_57 : memref<1x128x128xf32, #tpu.memory_space<hbm>> -> memref<128x128xf32, #tpu.memory_space<hbm>>
      tpu.wait_dma2 semaphore(%run_scoped3A : memref<!tpu.dma_semaphore, #tpu.memory_space<semaphore_mem>>) src(%arg9 : memref<128x128xf32, #tpu.memory_space<vmem>>) dst(%dma_wait3A_58 : memref<128x128xf32, #tpu.memory_space<hbm>>)
      tpu.yield
    }) : () -> ()
    %mul3A_41 = arith.constant 640 : i32
    %mul3A_42 = arith.muli %arg1, %mul3A_41 : i32
    %add3A_43 = arith.constant 384 : i32
    %add3A_44 = arith.addi %mul3A_42, %add3A_43 : i32
    "tpu.region"() ({
      %run_scoped3A = tpu.sem_alloc : memref<!tpu.dma_semaphore, #tpu.memory_space<semaphore_mem>>
      %dma_start3A = arith.constant 0 : i32
      %dma_start3A_49 = tpu.memref_slice %arg10[%add3A_44, %dma_start3A] : memref<10240x128xf32, #tpu.memory_space<vmem_shared>> -> memref<128x128xf32, #tpu.memory_space<vmem_shared>>
      %dma_start3A_50 = arith.constant 0 : i32
      %dma_start3A_51 = tpu.memref_slice %arg10[%add3A_44, %dma_start3A_50] : memref<10240x128xf32, #tpu.memory_space<vmem_shared>> -> memref<128x128xf32, #tpu.memory_space<vmem_shared>>
      tpu.enqueue_dma source(%dma_start3A_51 : memref<128x128xf32, #tpu.memory_space<vmem_shared>>) target(%arg9 : memref<128x128xf32, #tpu.memory_space<vmem>>) target_semaphore(%run_scoped3A : memref<!tpu.dma_semaphore, #tpu.memory_space<semaphore_mem>>)
      %dma_wait3A = arith.constant 0 : i32
      %dma_wait3A_52 = tpu.memref_slice %arg10[%add3A_44, %dma_wait3A] : memref<10240x128xf32, #tpu.memory_space<vmem_shared>> -> memref<128x128xf32, #tpu.memory_space<vmem_shared>>
      %dma_wait3A_53 = arith.constant 0 : i32
      %dma_wait3A_54 = tpu.memref_slice %arg10[%add3A_44, %dma_wait3A_53] : memref<10240x128xf32, #tpu.memory_space<vmem_shared>> -> memref<128x128xf32, #tpu.memory_space<vmem_shared>>
      tpu.wait_dma2 semaphore(%run_scoped3A : memref<!tpu.dma_semaphore, #tpu.memory_space<semaphore_mem>>) src(%dma_wait3A_54 : memref<128x128xf32, #tpu.memory_space<vmem_shared>>) dst(%arg9 : memref<128x128xf32, #tpu.memory_space<vmem>>)
      tpu.yield
    }) : () -> ()
    "tpu.region"() ({
      %run_scoped3A = tpu.sem_alloc : memref<!tpu.dma_semaphore, #tpu.memory_space<semaphore_mem>>
      %dma_start3A = arith.constant 0 : i32
      %dma_start3A_49 = tpu.memref_slice %arg6[%arg0, %add3A_44, %dma_start3A] : memref<2x10240x128xf32, #tpu.memory_space<hbm>> -> memref<1x128x128xf32, #tpu.memory_space<hbm>>
      %dma_start3A_50 = tpu.memref_squeeze %dma_start3A_49 : memref<1x128x128xf32, #tpu.memory_space<hbm>> -> memref<128x128xf32, #tpu.memory_space<hbm>>
      %dma_start3A_51 = arith.constant 0 : i32
      %dma_start3A_52 = tpu.memref_slice %arg6[%arg0, %add3A_44, %dma_start3A_51] : memref<2x10240x128xf32, #tpu.memory_space<hbm>> -> memref<1x128x128xf32, #tpu.memory_space<hbm>>
      %dma_start3A_53 = tpu.memref_squeeze %dma_start3A_52 : memref<1x128x128xf32, #tpu.memory_space<hbm>> -> memref<128x128xf32, #tpu.memory_space<hbm>>
      tpu.enqueue_dma source(%arg9 : memref<128x128xf32, #tpu.memory_space<vmem>>) target(%dma_start3A_53 : memref<128x128xf32, #tpu.memory_space<hbm>>) target_semaphore(%run_scoped3A : memref<!tpu.dma_semaphore, #tpu.memory_space<semaphore_mem>>)
      %dma_wait3A = arith.constant 0 : i32
      %dma_wait3A_54 = tpu.memref_slice %arg6[%arg0, %add3A_44, %dma_wait3A] : memref<2x10240x128xf32, #tpu.memory_space<hbm>> -> memref<1x128x128xf32, #tpu.memory_space<hbm>>
      %dma_wait3A_55 = tpu.memref_squeeze %dma_wait3A_54 : memref<1x128x128xf32, #tpu.memory_space<hbm>> -> memref<128x128xf32, #tpu.memory_space<hbm>>
      %dma_wait3A_56 = arith.constant 0 : i32
      %dma_wait3A_57 = tpu.memref_slice %arg6[%arg0, %add3A_44, %dma_wait3A_56] : memref<2x10240x128xf32, #tpu.memory_space<hbm>> -> memref<1x128x128xf32, #tpu.memory_space<hbm>>
      %dma_wait3A_58 = tpu.memref_squeeze %dma_wait3A_57 : memref<1x128x128xf32, #tpu.memory_space<hbm>> -> memref<128x128xf32, #tpu.memory_space<hbm>>
      tpu.wait_dma2 semaphore(%run_scoped3A : memref<!tpu.dma_semaphore, #tpu.memory_space<semaphore_mem>>) src(%arg9 : memref<128x128xf32, #tpu.memory_space<vmem>>) dst(%dma_wait3A_58 : memref<128x128xf32, #tpu.memory_space<hbm>>)
      tpu.yield
    }) : () -> ()
    %mul3A_45 = arith.constant 640 : i32
    %mul3A_46 = arith.muli %arg1, %mul3A_45 : i32
    %add3A_47 = arith.constant 512 : i32
    %add3A_48 = arith.addi %mul3A_46, %add3A_47 : i32
    "tpu.region"() ({
      %run_scoped3A = tpu.sem_alloc : memref<!tpu.dma_semaphore, #tpu.memory_space<semaphore_mem>>
      %dma_start3A = arith.constant 0 : i32
      %dma_start3A_49 = tpu.memref_slice %arg10[%add3A_48, %dma_start3A] : memref<10240x128xf32, #tpu.memory_space<vmem_shared>> -> memref<128x128xf32, #tpu.memory_space<vmem_shared>>
      %dma_start3A_50 = arith.constant 0 : i32
      %dma_start3A_51 = tpu.memref_slice %arg10[%add3A_48, %dma_start3A_50] : memref<10240x128xf32, #tpu.memory_space<vmem_shared>> -> memref<128x128xf32, #tpu.memory_space<vmem_shared>>
      tpu.enqueue_dma source(%dma_start3A_51 : memref<128x128xf32, #tpu.memory_space<vmem_shared>>) target(%arg9 : memref<128x128xf32, #tpu.memory_space<vmem>>) target_semaphore(%run_scoped3A : memref<!tpu.dma_semaphore, #tpu.memory_space<semaphore_mem>>)
      %dma_wait3A = arith.constant 0 : i32
      %dma_wait3A_52 = tpu.memref_slice %arg10[%add3A_48, %dma_wait3A] : memref<10240x128xf32, #tpu.memory_space<vmem_shared>> -> memref<128x128xf32, #tpu.memory_space<vmem_shared>>
      %dma_wait3A_53 = arith.constant 0 : i32
      %dma_wait3A_54 = tpu.memref_slice %arg10[%add3A_48, %dma_wait3A_53] : memref<10240x128xf32, #tpu.memory_space<vmem_shared>> -> memref<128x128xf32, #tpu.memory_space<vmem_shared>>
      tpu.wait_dma2 semaphore(%run_scoped3A : memref<!tpu.dma_semaphore, #tpu.memory_space<semaphore_mem>>) src(%dma_wait3A_54 : memref<128x128xf32, #tpu.memory_space<vmem_shared>>) dst(%arg9 : memref<128x128xf32, #tpu.memory_space<vmem>>)
      tpu.yield
    }) : () -> ()
    "tpu.region"() ({
      %run_scoped3A = tpu.sem_alloc : memref<!tpu.dma_semaphore, #tpu.memory_space<semaphore_mem>>
      %dma_start3A = arith.constant 0 : i32
      %dma_start3A_49 = tpu.memref_slice %arg6[%arg0, %add3A_48, %dma_start3A] : memref<2x10240x128xf32, #tpu.memory_space<hbm>> -> memref<1x128x128xf32, #tpu.memory_space<hbm>>
      %dma_start3A_50 = tpu.memref_squeeze %dma_start3A_49 : memref<1x128x128xf32, #tpu.memory_space<hbm>> -> memref<128x128xf32, #tpu.memory_space<hbm>>
      %dma_start3A_51 = arith.constant 0 : i32
      %dma_start3A_52 = tpu.memref_slice %arg6[%arg0, %add3A_48, %dma_start3A_51] : memref<2x10240x128xf32, #tpu.memory_space<hbm>> -> memref<1x128x128xf32, #tpu.memory_space<hbm>>
      %dma_start3A_53 = tpu.memref_squeeze %dma_start3A_52 : memref<1x128x128xf32, #tpu.memory_space<hbm>> -> memref<128x128xf32, #tpu.memory_space<hbm>>
      tpu.enqueue_dma source(%arg9 : memref<128x128xf32, #tpu.memory_space<vmem>>) target(%dma_start3A_53 : memref<128x128xf32, #tpu.memory_space<hbm>>) target_semaphore(%run_scoped3A : memref<!tpu.dma_semaphore, #tpu.memory_space<semaphore_mem>>)
      %dma_wait3A = arith.constant 0 : i32
      %dma_wait3A_54 = tpu.memref_slice %arg6[%arg0, %add3A_48, %dma_wait3A] : memref<2x10240x128xf32, #tpu.memory_space<hbm>> -> memref<1x128x128xf32, #tpu.memory_space<hbm>>
      %dma_wait3A_55 = tpu.memref_squeeze %dma_wait3A_54 : memref<1x128x128xf32, #tpu.memory_space<hbm>> -> memref<128x128xf32, #tpu.memory_space<hbm>>
      %dma_wait3A_56 = arith.constant 0 : i32
      %dma_wait3A_57 = tpu.memref_slice %arg6[%arg0, %add3A_48, %dma_wait3A_56] : memref<2x10240x128xf32, #tpu.memory_space<hbm>> -> memref<1x128x128xf32, #tpu.memory_space<hbm>>
      %dma_wait3A_58 = tpu.memref_squeeze %dma_wait3A_57 : memref<1x128x128xf32, #tpu.memory_space<hbm>> -> memref<128x128xf32, #tpu.memory_space<hbm>>
      tpu.wait_dma2 semaphore(%run_scoped3A : memref<!tpu.dma_semaphore, #tpu.memory_space<semaphore_mem>>) src(%arg9 : memref<128x128xf32, #tpu.memory_space<vmem>>) dst(%dma_wait3A_58 : memref<128x128xf32, #tpu.memory_space<hbm>>)
      tpu.yield
    }) : () -> ()
    return
  }
}

#map = affine_map<(d0, d1) -> (0, 0)>
#map1 = affine_map<(d0, d1) -> (0)>
#map2 = affine_map<(d0, d1) -> (0, 0, 0)>
module attributes {stable_mosaic.version = 14 : i64} {
  func.func @mp(%arg0: i32, %arg1: i32, %arg2: memref<10240x128xf32, #tpu.memory_space<hbm>>, %arg3: memref<323584xi32, #tpu.memory_space<hbm>>, %arg4: memref<323584xi32, #tpu.memory_space<hbm>>, %arg5: memref<128x128xf32, #tpu.memory_space<hbm>>, %arg6: memref<2x10240x128xf32, #tpu.memory_space<hbm>>, %arg7: memref<128xi32, #tpu.memory_space<vmem>>, %arg8: memref<128xi32, #tpu.memory_space<vmem>>, %arg9: memref<128x128xf32, #tpu.memory_space<vmem>>, %arg10: memref<10240x128xf32, #tpu.memory_space<vmem_shared>>, %arg11: memref<!tpu.dma_semaphore, #tpu.memory_space<semaphore_mem>>) attributes {dimension_semantics = [#tpu.dimension_semantics<core_parallel>, #tpu.dimension_semantics<subcore_parallel>], iteration_bounds = array<i64: 2, 16>, scalar_prefetch = 0 : i64, scratch_operands = 5 : i64, tpu.core_type = #tpu.core_type<sc_vector_subcore>, window_params = [{transform_indices = #map}, {transform_indices = #map1}, {transform_indices = #map1}, {transform_indices = #map}, {transform_indices = #map2}]} {
    %mul3A = arith.constant 2 : i32
    %mul3A_0 = arith.muli %arg1, %mul3A : i32
    %add3A = arith.addi %mul3A_0, %arg0 : i32
    "tpu.region"() ({
      %run_scoped3A = tpu.sem_alloc : memref<!tpu.dma_semaphore, #tpu.memory_space<semaphore_mem>>
      tpu.enqueue_dma source(%arg5 : memref<128x128xf32, #tpu.memory_space<hbm>>) target(%arg9 : memref<128x128xf32, #tpu.memory_space<vmem>>) target_semaphore(%run_scoped3A : memref<!tpu.dma_semaphore, #tpu.memory_space<semaphore_mem>>)
      tpu.wait_dma2 semaphore(%run_scoped3A : memref<!tpu.dma_semaphore, #tpu.memory_space<semaphore_mem>>) src(%arg5 : memref<128x128xf32, #tpu.memory_space<hbm>>) dst(%arg9 : memref<128x128xf32, #tpu.memory_space<vmem>>)
      tpu.yield
    }) : () -> ()
    %mul3A_1 = arith.constant 640 : i32
    %mul3A_2 = arith.muli %arg1, %mul3A_1 : i32
    %add3A_3 = arith.constant 0 : i32
    %add3A_4 = arith.addi %mul3A_2, %add3A_3 : i32
    "tpu.region"() ({
      %run_scoped3A = tpu.sem_alloc : memref<!tpu.dma_semaphore, #tpu.memory_space<semaphore_mem>>
      %dma_start3A = arith.constant 0 : i32
      %dma_start3A_49 = tpu.memref_slice %arg10[%add3A_4, %dma_start3A] : memref<10240x128xf32, #tpu.memory_space<vmem_shared>> -> memref<128x128xf32, #tpu.memory_space<vmem_shared>>
      %dma_start3A_50 = arith.constant 0 : i32
      %dma_start3A_51 = tpu.memref_slice %arg10[%add3A_4, %dma_start3A_50] : memref<10240x128xf32, #tpu.memory_space<vmem_shared>> -> memref<128x128xf32, #tpu.memory_space<vmem_shared>>
      tpu.enqueue_dma source(%arg9 : memref<128x128xf32, #tpu.memory_space<vmem>>) target(%dma_start3A_51 : memref<128x128xf32, #tpu.memory_space<vmem_shared>>) target_semaphore(%run_scoped3A : memref<!tpu.dma_semaphore, #tpu.memory_space<semaphore_mem>>)
      %dma_wait3A = arith.constant 0 : i32
      %dma_wait3A_52 = tpu.memref_slice %arg10[%add3A_4, %dma_wait3A] : memref<10240x128xf32, #tpu.memory_space<vmem_shared>> -> memref<128x128xf32, #tpu.memory_space<vmem_shared>>
      %dma_wait3A_53 = arith.constant 0 : i32
      %dma_wait3A_54 = tpu.memref_slice %arg10[%add3A_4, %dma_wait3A_53] : memref<10240x128xf32, #tpu.memory_space<vmem_shared>> -> memref<128x128xf32, #tpu.memory_space<vmem_shared>>
      tpu.wait_dma2 semaphore(%run_scoped3A : memref<!tpu.dma_semaphore, #tpu.memory_space<semaphore_mem>>) src(%arg9 : memref<128x128xf32, #tpu.memory_space<vmem>>) dst(%dma_wait3A_54 : memref<128x128xf32, #tpu.memory_space<vmem_shared>>)
      tpu.yield
    }) : () -> ()
    %mul3A_5 = arith.constant 640 : i32
    %mul3A_6 = arith.muli %arg1, %mul3A_5 : i32
    %add3A_7 = arith.constant 128 : i32
    %add3A_8 = arith.addi %mul3A_6, %add3A_7 : i32
    "tpu.region"() ({
      %run_scoped3A = tpu.sem_alloc : memref<!tpu.dma_semaphore, #tpu.memory_space<semaphore_mem>>
      %dma_start3A = arith.constant 0 : i32
      %dma_start3A_49 = tpu.memref_slice %arg10[%add3A_8, %dma_start3A] : memref<10240x128xf32, #tpu.memory_space<vmem_shared>> -> memref<128x128xf32, #tpu.memory_space<vmem_shared>>
      %dma_start3A_50 = arith.constant 0 : i32
      %dma_start3A_51 = tpu.memref_slice %arg10[%add3A_8, %dma_start3A_50] : memref<10240x128xf32, #tpu.memory_space<vmem_shared>> -> memref<128x128xf32, #tpu.memory_space<vmem_shared>>
      tpu.enqueue_dma source(%arg9 : memref<128x128xf32, #tpu.memory_space<vmem>>) target(%dma_start3A_51 : memref<128x128xf32, #tpu.memory_space<vmem_shared>>) target_semaphore(%run_scoped3A : memref<!tpu.dma_semaphore, #tpu.memory_space<semaphore_mem>>)
      %dma_wait3A = arith.constant 0 : i32
      %dma_wait3A_52 = tpu.memref_slice %arg10[%add3A_8, %dma_wait3A] : memref<10240x128xf32, #tpu.memory_space<vmem_shared>> -> memref<128x128xf32, #tpu.memory_space<vmem_shared>>
      %dma_wait3A_53 = arith.constant 0 : i32
      %dma_wait3A_54 = tpu.memref_slice %arg10[%add3A_8, %dma_wait3A_53] : memref<10240x128xf32, #tpu.memory_space<vmem_shared>> -> memref<128x128xf32, #tpu.memory_space<vmem_shared>>
      tpu.wait_dma2 semaphore(%run_scoped3A : memref<!tpu.dma_semaphore, #tpu.memory_space<semaphore_mem>>) src(%arg9 : memref<128x128xf32, #tpu.memory_space<vmem>>) dst(%dma_wait3A_54 : memref<128x128xf32, #tpu.memory_space<vmem_shared>>)
      tpu.yield
    }) : () -> ()
    %mul3A_9 = arith.constant 640 : i32
    %mul3A_10 = arith.muli %arg1, %mul3A_9 : i32
    %add3A_11 = arith.constant 256 : i32
    %add3A_12 = arith.addi %mul3A_10, %add3A_11 : i32
    "tpu.region"() ({
      %run_scoped3A = tpu.sem_alloc : memref<!tpu.dma_semaphore, #tpu.memory_space<semaphore_mem>>
      %dma_start3A = arith.constant 0 : i32
      %dma_start3A_49 = tpu.memref_slice %arg10[%add3A_12, %dma_start3A] : memref<10240x128xf32, #tpu.memory_space<vmem_shared>> -> memref<128x128xf32, #tpu.memory_space<vmem_shared>>
      %dma_start3A_50 = arith.constant 0 : i32
      %dma_start3A_51 = tpu.memref_slice %arg10[%add3A_12, %dma_start3A_50] : memref<10240x128xf32, #tpu.memory_space<vmem_shared>> -> memref<128x128xf32, #tpu.memory_space<vmem_shared>>
      tpu.enqueue_dma source(%arg9 : memref<128x128xf32, #tpu.memory_space<vmem>>) target(%dma_start3A_51 : memref<128x128xf32, #tpu.memory_space<vmem_shared>>) target_semaphore(%run_scoped3A : memref<!tpu.dma_semaphore, #tpu.memory_space<semaphore_mem>>)
      %dma_wait3A = arith.constant 0 : i32
      %dma_wait3A_52 = tpu.memref_slice %arg10[%add3A_12, %dma_wait3A] : memref<10240x128xf32, #tpu.memory_space<vmem_shared>> -> memref<128x128xf32, #tpu.memory_space<vmem_shared>>
      %dma_wait3A_53 = arith.constant 0 : i32
      %dma_wait3A_54 = tpu.memref_slice %arg10[%add3A_12, %dma_wait3A_53] : memref<10240x128xf32, #tpu.memory_space<vmem_shared>> -> memref<128x128xf32, #tpu.memory_space<vmem_shared>>
      tpu.wait_dma2 semaphore(%run_scoped3A : memref<!tpu.dma_semaphore, #tpu.memory_space<semaphore_mem>>) src(%arg9 : memref<128x128xf32, #tpu.memory_space<vmem>>) dst(%dma_wait3A_54 : memref<128x128xf32, #tpu.memory_space<vmem_shared>>)
      tpu.yield
    }) : () -> ()
    %mul3A_13 = arith.constant 640 : i32
    %mul3A_14 = arith.muli %arg1, %mul3A_13 : i32
    %add3A_15 = arith.constant 384 : i32
    %add3A_16 = arith.addi %mul3A_14, %add3A_15 : i32
    "tpu.region"() ({
      %run_scoped3A = tpu.sem_alloc : memref<!tpu.dma_semaphore, #tpu.memory_space<semaphore_mem>>
      %dma_start3A = arith.constant 0 : i32
      %dma_start3A_49 = tpu.memref_slice %arg10[%add3A_16, %dma_start3A] : memref<10240x128xf32, #tpu.memory_space<vmem_shared>> -> memref<128x128xf32, #tpu.memory_space<vmem_shared>>
      %dma_start3A_50 = arith.constant 0 : i32
      %dma_start3A_51 = tpu.memref_slice %arg10[%add3A_16, %dma_start3A_50] : memref<10240x128xf32, #tpu.memory_space<vmem_shared>> -> memref<128x128xf32, #tpu.memory_space<vmem_shared>>
      tpu.enqueue_dma source(%arg9 : memref<128x128xf32, #tpu.memory_space<vmem>>) target(%dma_start3A_51 : memref<128x128xf32, #tpu.memory_space<vmem_shared>>) target_semaphore(%run_scoped3A : memref<!tpu.dma_semaphore, #tpu.memory_space<semaphore_mem>>)
      %dma_wait3A = arith.constant 0 : i32
      %dma_wait3A_52 = tpu.memref_slice %arg10[%add3A_16, %dma_wait3A] : memref<10240x128xf32, #tpu.memory_space<vmem_shared>> -> memref<128x128xf32, #tpu.memory_space<vmem_shared>>
      %dma_wait3A_53 = arith.constant 0 : i32
      %dma_wait3A_54 = tpu.memref_slice %arg10[%add3A_16, %dma_wait3A_53] : memref<10240x128xf32, #tpu.memory_space<vmem_shared>> -> memref<128x128xf32, #tpu.memory_space<vmem_shared>>
      tpu.wait_dma2 semaphore(%run_scoped3A : memref<!tpu.dma_semaphore, #tpu.memory_space<semaphore_mem>>) src(%arg9 : memref<128x128xf32, #tpu.memory_space<vmem>>) dst(%dma_wait3A_54 : memref<128x128xf32, #tpu.memory_space<vmem_shared>>)
      tpu.yield
    }) : () -> ()
    %mul3A_17 = arith.constant 640 : i32
    %mul3A_18 = arith.muli %arg1, %mul3A_17 : i32
    %add3A_19 = arith.constant 512 : i32
    %add3A_20 = arith.addi %mul3A_18, %add3A_19 : i32
    "tpu.region"() ({
      %run_scoped3A = tpu.sem_alloc : memref<!tpu.dma_semaphore, #tpu.memory_space<semaphore_mem>>
      %dma_start3A = arith.constant 0 : i32
      %dma_start3A_49 = tpu.memref_slice %arg10[%add3A_20, %dma_start3A] : memref<10240x128xf32, #tpu.memory_space<vmem_shared>> -> memref<128x128xf32, #tpu.memory_space<vmem_shared>>
      %dma_start3A_50 = arith.constant 0 : i32
      %dma_start3A_51 = tpu.memref_slice %arg10[%add3A_20, %dma_start3A_50] : memref<10240x128xf32, #tpu.memory_space<vmem_shared>> -> memref<128x128xf32, #tpu.memory_space<vmem_shared>>
      tpu.enqueue_dma source(%arg9 : memref<128x128xf32, #tpu.memory_space<vmem>>) target(%dma_start3A_51 : memref<128x128xf32, #tpu.memory_space<vmem_shared>>) target_semaphore(%run_scoped3A : memref<!tpu.dma_semaphore, #tpu.memory_space<semaphore_mem>>)
      %dma_wait3A = arith.constant 0 : i32
      %dma_wait3A_52 = tpu.memref_slice %arg10[%add3A_20, %dma_wait3A] : memref<10240x128xf32, #tpu.memory_space<vmem_shared>> -> memref<128x128xf32, #tpu.memory_space<vmem_shared>>
      %dma_wait3A_53 = arith.constant 0 : i32
      %dma_wait3A_54 = tpu.memref_slice %arg10[%add3A_20, %dma_wait3A_53] : memref<10240x128xf32, #tpu.memory_space<vmem_shared>> -> memref<128x128xf32, #tpu.memory_space<vmem_shared>>
      tpu.wait_dma2 semaphore(%run_scoped3A : memref<!tpu.dma_semaphore, #tpu.memory_space<semaphore_mem>>) src(%arg9 : memref<128x128xf32, #tpu.memory_space<vmem>>) dst(%dma_wait3A_54 : memref<128x128xf32, #tpu.memory_space<vmem_shared>>)
      tpu.yield
    }) : () -> ()
    %barrier3A = arith.constant 0 : index
    tpu.barrier barrier_id(%barrier3A)
    %mul3A_21 = arith.constant 10112 : i32
    %mul3A_22 = arith.muli %add3A, %mul3A_21 : i32
    %scan3A = arith.constant 0 : i32
    %scan3A_23 = arith.constant 0 : i32
    %scan3A_24 = arith.constant 79 : i32
    %scan3A_25 = arith.addi %scan3A_23, %scan3A_24 : i32
    %scan3A_26 = arith.constant 1 : i32
    scf.for %scan3A_49 = %scan3A_23 to %scan3A_25 step %scan3A_26  : i32 {
      %mul3A_50 = arith.constant 128 : i32
      %mul3A_51 = arith.muli %scan3A_49, %mul3A_50 : i32
      %add3A_52 = arith.addi %mul3A_22, %mul3A_51 : i32
      %multiple_of3A = tpu.assume_multiple %add3A_52, 128 : i32
      "tpu.region"() ({
        %run_scoped3A = tpu.sem_alloc : memref<!tpu.dma_semaphore, #tpu.memory_space<semaphore_mem>>
        %dma_start3A_57 = tpu.memref_slice %arg4[%multiple_of3A] : memref<323584xi32, #tpu.memory_space<hbm>> -> memref<128xi32, #tpu.memory_space<hbm>>
        %dma_start3A_58 = tpu.memref_slice %arg4[%multiple_of3A] : memref<323584xi32, #tpu.memory_space<hbm>> -> memref<128xi32, #tpu.memory_space<hbm>>
        tpu.enqueue_dma source(%dma_start3A_58 : memref<128xi32, #tpu.memory_space<hbm>>) target(%arg8 : memref<128xi32, #tpu.memory_space<vmem>>) target_semaphore(%run_scoped3A : memref<!tpu.dma_semaphore, #tpu.memory_space<semaphore_mem>>)
        %dma_wait3A_59 = tpu.memref_slice %arg4[%multiple_of3A] : memref<323584xi32, #tpu.memory_space<hbm>> -> memref<128xi32, #tpu.memory_space<hbm>>
        %dma_wait3A_60 = tpu.memref_slice %arg4[%multiple_of3A] : memref<323584xi32, #tpu.memory_space<hbm>> -> memref<128xi32, #tpu.memory_space<hbm>>
        tpu.wait_dma2 semaphore(%run_scoped3A : memref<!tpu.dma_semaphore, #tpu.memory_space<semaphore_mem>>) src(%dma_wait3A_60 : memref<128xi32, #tpu.memory_space<hbm>>) dst(%arg8 : memref<128xi32, #tpu.memory_space<vmem>>)
        tpu.yield
      }) : () -> ()
      "tpu.region"() ({
        %run_scoped3A = tpu.sem_alloc : memref<!tpu.dma_semaphore, #tpu.memory_space<semaphore_mem>>
        %dma_start3A_57 = tpu.memref_slice %arg3[%multiple_of3A] : memref<323584xi32, #tpu.memory_space<hbm>> -> memref<128xi32, #tpu.memory_space<hbm>>
        %dma_start3A_58 = tpu.memref_slice %arg3[%multiple_of3A] : memref<323584xi32, #tpu.memory_space<hbm>> -> memref<128xi32, #tpu.memory_space<hbm>>
        tpu.enqueue_dma source(%dma_start3A_58 : memref<128xi32, #tpu.memory_space<hbm>>) target(%arg7 : memref<128xi32, #tpu.memory_space<vmem>>) target_semaphore(%run_scoped3A : memref<!tpu.dma_semaphore, #tpu.memory_space<semaphore_mem>>)
        %dma_wait3A_59 = tpu.memref_slice %arg3[%multiple_of3A] : memref<323584xi32, #tpu.memory_space<hbm>> -> memref<128xi32, #tpu.memory_space<hbm>>
        %dma_wait3A_60 = tpu.memref_slice %arg3[%multiple_of3A] : memref<323584xi32, #tpu.memory_space<hbm>> -> memref<128xi32, #tpu.memory_space<hbm>>
        tpu.wait_dma2 semaphore(%run_scoped3A : memref<!tpu.dma_semaphore, #tpu.memory_space<semaphore_mem>>) src(%dma_wait3A_60 : memref<128xi32, #tpu.memory_space<hbm>>) dst(%arg7 : memref<128xi32, #tpu.memory_space<vmem>>)
        tpu.yield
      }) : () -> ()
      %dma_start3A = arith.constant 0 : i32
      %dma_start3A_53 = arith.constant 0 : i32
      %dma_start3A_54 = tpu.memref_slice %arg2[%dma_start3A, %dma_start3A_53] : memref<10240x128xf32, #tpu.memory_space<hbm>> -> memref<10240x128xf32, #tpu.memory_space<hbm>>
      tpu.enqueue_indirect_dma source(%dma_start3A_54 : memref<10240x128xf32, #tpu.memory_space<hbm>>) target(%arg9 : memref<128x128xf32, #tpu.memory_space<vmem>>) offsets(%arg7 : memref<128xi32, #tpu.memory_space<vmem>>) semaphore(%arg11 : memref<!tpu.dma_semaphore, #tpu.memory_space<semaphore_mem>>)
      %dma_wait3A = arith.constant 0 : i32
      %dma_wait3A_55 = arith.constant 0 : i32
      %dma_wait3A_56 = tpu.memref_slice %arg2[%dma_wait3A, %dma_wait3A_55] : memref<10240x128xf32, #tpu.memory_space<hbm>> -> memref<10240x128xf32, #tpu.memory_space<hbm>>
      tpu.wait_indirect_dma semaphore(%arg11 : memref<!tpu.dma_semaphore, #tpu.memory_space<semaphore_mem>>) src(%dma_wait3A_56 : memref<10240x128xf32, #tpu.memory_space<hbm>>) dst(%arg9 : memref<128x128xf32, #tpu.memory_space<vmem>>)
      "tpu.region"() ({
        %run_scoped3A = tpu.sem_alloc : memref<!tpu.dma_semaphore, #tpu.memory_space<semaphore_mem>>
        %dma_start3A_57 = arith.constant 0 : i32
        %dma_start3A_58 = arith.constant 0 : i32
        %dma_start3A_59 = tpu.memref_slice %arg10[%dma_start3A_57, %dma_start3A_58] : memref<10240x128xf32, #tpu.memory_space<vmem_shared>> -> memref<10240x128xf32, #tpu.memory_space<vmem_shared>>
        tpu.enqueue_indirect_dma source(%arg9 : memref<128x128xf32, #tpu.memory_space<vmem>>) target(%dma_start3A_59 : memref<10240x128xf32, #tpu.memory_space<vmem_shared>>) offsets(%arg8 : memref<128xi32, #tpu.memory_space<vmem>>) semaphore(%run_scoped3A : memref<!tpu.dma_semaphore, #tpu.memory_space<semaphore_mem>>) {add = true}
        %dma_wait3A_60 = arith.constant 0 : i32
        %dma_wait3A_61 = arith.constant 0 : i32
        %dma_wait3A_62 = tpu.memref_slice %arg10[%dma_wait3A_60, %dma_wait3A_61] : memref<10240x128xf32, #tpu.memory_space<vmem_shared>> -> memref<10240x128xf32, #tpu.memory_space<vmem_shared>>
        tpu.wait_indirect_dma semaphore(%run_scoped3A : memref<!tpu.dma_semaphore, #tpu.memory_space<semaphore_mem>>) src(%arg9 : memref<128x128xf32, #tpu.memory_space<vmem>>) dst(%dma_wait3A_62 : memref<10240x128xf32, #tpu.memory_space<vmem_shared>>)
        tpu.yield
      }) : () -> ()
    }
    %scan3A_27 = arith.constant 79 : i32
    %barrier3A_28 = arith.constant 0 : index
    tpu.barrier barrier_id(%barrier3A_28)
    %mul3A_29 = arith.constant 640 : i32
    %mul3A_30 = arith.muli %arg1, %mul3A_29 : i32
    %add3A_31 = arith.constant 0 : i32
    %add3A_32 = arith.addi %mul3A_30, %add3A_31 : i32
    "tpu.region"() ({
      %run_scoped3A = tpu.sem_alloc : memref<!tpu.dma_semaphore, #tpu.memory_space<semaphore_mem>>
      %dma_start3A = arith.constant 0 : i32
      %dma_start3A_49 = tpu.memref_slice %arg10[%add3A_32, %dma_start3A] : memref<10240x128xf32, #tpu.memory_space<vmem_shared>> -> memref<128x128xf32, #tpu.memory_space<vmem_shared>>
      %dma_start3A_50 = arith.constant 0 : i32
      %dma_start3A_51 = tpu.memref_slice %arg10[%add3A_32, %dma_start3A_50] : memref<10240x128xf32, #tpu.memory_space<vmem_shared>> -> memref<128x128xf32, #tpu.memory_space<vmem_shared>>
      tpu.enqueue_dma source(%dma_start3A_51 : memref<128x128xf32, #tpu.memory_space<vmem_shared>>) target(%arg9 : memref<128x128xf32, #tpu.memory_space<vmem>>) target_semaphore(%run_scoped3A : memref<!tpu.dma_semaphore, #tpu.memory_space<semaphore_mem>>)
      %dma_wait3A = arith.constant 0 : i32
      %dma_wait3A_52 = tpu.memref_slice %arg10[%add3A_32, %dma_wait3A] : memref<10240x128xf32, #tpu.memory_space<vmem_shared>> -> memref<128x128xf32, #tpu.memory_space<vmem_shared>>
      %dma_wait3A_53 = arith.constant 0 : i32
      %dma_wait3A_54 = tpu.memref_slice %arg10[%add3A_32, %dma_wait3A_53] : memref<10240x128xf32, #tpu.memory_space<vmem_shared>> -> memref<128x128xf32, #tpu.memory_space<vmem_shared>>
      tpu.wait_dma2 semaphore(%run_scoped3A : memref<!tpu.dma_semaphore, #tpu.memory_space<semaphore_mem>>) src(%dma_wait3A_54 : memref<128x128xf32, #tpu.memory_space<vmem_shared>>) dst(%arg9 : memref<128x128xf32, #tpu.memory_space<vmem>>)
      tpu.yield
    }) : () -> ()
    "tpu.region"() ({
      %run_scoped3A = tpu.sem_alloc : memref<!tpu.dma_semaphore, #tpu.memory_space<semaphore_mem>>
      %dma_start3A = arith.constant 0 : i32
      %dma_start3A_49 = tpu.memref_slice %arg6[%arg0, %add3A_32, %dma_start3A] : memref<2x10240x128xf32, #tpu.memory_space<hbm>> -> memref<1x128x128xf32, #tpu.memory_space<hbm>>
      %dma_start3A_50 = tpu.memref_squeeze %dma_start3A_49 : memref<1x128x128xf32, #tpu.memory_space<hbm>> -> memref<128x128xf32, #tpu.memory_space<hbm>>
      %dma_start3A_51 = arith.constant 0 : i32
      %dma_start3A_52 = tpu.memref_slice %arg6[%arg0, %add3A_32, %dma_start3A_51] : memref<2x10240x128xf32, #tpu.memory_space<hbm>> -> memref<1x128x128xf32, #tpu.memory_space<hbm>>
      %dma_start3A_53 = tpu.memref_squeeze %dma_start3A_52 : memref<1x128x128xf32, #tpu.memory_space<hbm>> -> memref<128x128xf32, #tpu.memory_space<hbm>>
      tpu.enqueue_dma source(%arg9 : memref<128x128xf32, #tpu.memory_space<vmem>>) target(%dma_start3A_53 : memref<128x128xf32, #tpu.memory_space<hbm>>) target_semaphore(%run_scoped3A : memref<!tpu.dma_semaphore, #tpu.memory_space<semaphore_mem>>)
      %dma_wait3A = arith.constant 0 : i32
      %dma_wait3A_54 = tpu.memref_slice %arg6[%arg0, %add3A_32, %dma_wait3A] : memref<2x10240x128xf32, #tpu.memory_space<hbm>> -> memref<1x128x128xf32, #tpu.memory_space<hbm>>
      %dma_wait3A_55 = tpu.memref_squeeze %dma_wait3A_54 : memref<1x128x128xf32, #tpu.memory_space<hbm>> -> memref<128x128xf32, #tpu.memory_space<hbm>>
      %dma_wait3A_56 = arith.constant 0 : i32
      %dma_wait3A_57 = tpu.memref_slice %arg6[%arg0, %add3A_32, %dma_wait3A_56] : memref<2x10240x128xf32, #tpu.memory_space<hbm>> -> memref<1x128x128xf32, #tpu.memory_space<hbm>>
      %dma_wait3A_58 = tpu.memref_squeeze %dma_wait3A_57 : memref<1x128x128xf32, #tpu.memory_space<hbm>> -> memref<128x128xf32, #tpu.memory_space<hbm>>
      tpu.wait_dma2 semaphore(%run_scoped3A : memref<!tpu.dma_semaphore, #tpu.memory_space<semaphore_mem>>) src(%arg9 : memref<128x128xf32, #tpu.memory_space<vmem>>) dst(%dma_wait3A_58 : memref<128x128xf32, #tpu.memory_space<hbm>>)
      tpu.yield
    }) : () -> ()
    %mul3A_33 = arith.constant 640 : i32
    %mul3A_34 = arith.muli %arg1, %mul3A_33 : i32
    %add3A_35 = arith.constant 128 : i32
    %add3A_36 = arith.addi %mul3A_34, %add3A_35 : i32
    "tpu.region"() ({
      %run_scoped3A = tpu.sem_alloc : memref<!tpu.dma_semaphore, #tpu.memory_space<semaphore_mem>>
      %dma_start3A = arith.constant 0 : i32
      %dma_start3A_49 = tpu.memref_slice %arg10[%add3A_36, %dma_start3A] : memref<10240x128xf32, #tpu.memory_space<vmem_shared>> -> memref<128x128xf32, #tpu.memory_space<vmem_shared>>
      %dma_start3A_50 = arith.constant 0 : i32
      %dma_start3A_51 = tpu.memref_slice %arg10[%add3A_36, %dma_start3A_50] : memref<10240x128xf32, #tpu.memory_space<vmem_shared>> -> memref<128x128xf32, #tpu.memory_space<vmem_shared>>
      tpu.enqueue_dma source(%dma_start3A_51 : memref<128x128xf32, #tpu.memory_space<vmem_shared>>) target(%arg9 : memref<128x128xf32, #tpu.memory_space<vmem>>) target_semaphore(%run_scoped3A : memref<!tpu.dma_semaphore, #tpu.memory_space<semaphore_mem>>)
      %dma_wait3A = arith.constant 0 : i32
      %dma_wait3A_52 = tpu.memref_slice %arg10[%add3A_36, %dma_wait3A] : memref<10240x128xf32, #tpu.memory_space<vmem_shared>> -> memref<128x128xf32, #tpu.memory_space<vmem_shared>>
      %dma_wait3A_53 = arith.constant 0 : i32
      %dma_wait3A_54 = tpu.memref_slice %arg10[%add3A_36, %dma_wait3A_53] : memref<10240x128xf32, #tpu.memory_space<vmem_shared>> -> memref<128x128xf32, #tpu.memory_space<vmem_shared>>
      tpu.wait_dma2 semaphore(%run_scoped3A : memref<!tpu.dma_semaphore, #tpu.memory_space<semaphore_mem>>) src(%dma_wait3A_54 : memref<128x128xf32, #tpu.memory_space<vmem_shared>>) dst(%arg9 : memref<128x128xf32, #tpu.memory_space<vmem>>)
      tpu.yield
    }) : () -> ()
    "tpu.region"() ({
      %run_scoped3A = tpu.sem_alloc : memref<!tpu.dma_semaphore, #tpu.memory_space<semaphore_mem>>
      %dma_start3A = arith.constant 0 : i32
      %dma_start3A_49 = tpu.memref_slice %arg6[%arg0, %add3A_36, %dma_start3A] : memref<2x10240x128xf32, #tpu.memory_space<hbm>> -> memref<1x128x128xf32, #tpu.memory_space<hbm>>
      %dma_start3A_50 = tpu.memref_squeeze %dma_start3A_49 : memref<1x128x128xf32, #tpu.memory_space<hbm>> -> memref<128x128xf32, #tpu.memory_space<hbm>>
      %dma_start3A_51 = arith.constant 0 : i32
      %dma_start3A_52 = tpu.memref_slice %arg6[%arg0, %add3A_36, %dma_start3A_51] : memref<2x10240x128xf32, #tpu.memory_space<hbm>> -> memref<1x128x128xf32, #tpu.memory_space<hbm>>
      %dma_start3A_53 = tpu.memref_squeeze %dma_start3A_52 : memref<1x128x128xf32, #tpu.memory_space<hbm>> -> memref<128x128xf32, #tpu.memory_space<hbm>>
      tpu.enqueue_dma source(%arg9 : memref<128x128xf32, #tpu.memory_space<vmem>>) target(%dma_start3A_53 : memref<128x128xf32, #tpu.memory_space<hbm>>) target_semaphore(%run_scoped3A : memref<!tpu.dma_semaphore, #tpu.memory_space<semaphore_mem>>)
      %dma_wait3A = arith.constant 0 : i32
      %dma_wait3A_54 = tpu.memref_slice %arg6[%arg0, %add3A_36, %dma_wait3A] : memref<2x10240x128xf32, #tpu.memory_space<hbm>> -> memref<1x128x128xf32, #tpu.memory_space<hbm>>
      %dma_wait3A_55 = tpu.memref_squeeze %dma_wait3A_54 : memref<1x128x128xf32, #tpu.memory_space<hbm>> -> memref<128x128xf32, #tpu.memory_space<hbm>>
      %dma_wait3A_56 = arith.constant 0 : i32
      %dma_wait3A_57 = tpu.memref_slice %arg6[%arg0, %add3A_36, %dma_wait3A_56] : memref<2x10240x128xf32, #tpu.memory_space<hbm>> -> memref<1x128x128xf32, #tpu.memory_space<hbm>>
      %dma_wait3A_58 = tpu.memref_squeeze %dma_wait3A_57 : memref<1x128x128xf32, #tpu.memory_space<hbm>> -> memref<128x128xf32, #tpu.memory_space<hbm>>
      tpu.wait_dma2 semaphore(%run_scoped3A : memref<!tpu.dma_semaphore, #tpu.memory_space<semaphore_mem>>) src(%arg9 : memref<128x128xf32, #tpu.memory_space<vmem>>) dst(%dma_wait3A_58 : memref<128x128xf32, #tpu.memory_space<hbm>>)
      tpu.yield
    }) : () -> ()
    %mul3A_37 = arith.constant 640 : i32
    %mul3A_38 = arith.muli %arg1, %mul3A_37 : i32
    %add3A_39 = arith.constant 256 : i32
    %add3A_40 = arith.addi %mul3A_38, %add3A_39 : i32
    "tpu.region"() ({
      %run_scoped3A = tpu.sem_alloc : memref<!tpu.dma_semaphore, #tpu.memory_space<semaphore_mem>>
      %dma_start3A = arith.constant 0 : i32
      %dma_start3A_49 = tpu.memref_slice %arg10[%add3A_40, %dma_start3A] : memref<10240x128xf32, #tpu.memory_space<vmem_shared>> -> memref<128x128xf32, #tpu.memory_space<vmem_shared>>
      %dma_start3A_50 = arith.constant 0 : i32
      %dma_start3A_51 = tpu.memref_slice %arg10[%add3A_40, %dma_start3A_50] : memref<10240x128xf32, #tpu.memory_space<vmem_shared>> -> memref<128x128xf32, #tpu.memory_space<vmem_shared>>
      tpu.enqueue_dma source(%dma_start3A_51 : memref<128x128xf32, #tpu.memory_space<vmem_shared>>) target(%arg9 : memref<128x128xf32, #tpu.memory_space<vmem>>) target_semaphore(%run_scoped3A : memref<!tpu.dma_semaphore, #tpu.memory_space<semaphore_mem>>)
      %dma_wait3A = arith.constant 0 : i32
      %dma_wait3A_52 = tpu.memref_slice %arg10[%add3A_40, %dma_wait3A] : memref<10240x128xf32, #tpu.memory_space<vmem_shared>> -> memref<128x128xf32, #tpu.memory_space<vmem_shared>>
      %dma_wait3A_53 = arith.constant 0 : i32
      %dma_wait3A_54 = tpu.memref_slice %arg10[%add3A_40, %dma_wait3A_53] : memref<10240x128xf32, #tpu.memory_space<vmem_shared>> -> memref<128x128xf32, #tpu.memory_space<vmem_shared>>
      tpu.wait_dma2 semaphore(%run_scoped3A : memref<!tpu.dma_semaphore, #tpu.memory_space<semaphore_mem>>) src(%dma_wait3A_54 : memref<128x128xf32, #tpu.memory_space<vmem_shared>>) dst(%arg9 : memref<128x128xf32, #tpu.memory_space<vmem>>)
      tpu.yield
    }) : () -> ()
    "tpu.region"() ({
      %run_scoped3A = tpu.sem_alloc : memref<!tpu.dma_semaphore, #tpu.memory_space<semaphore_mem>>
      %dma_start3A = arith.constant 0 : i32
      %dma_start3A_49 = tpu.memref_slice %arg6[%arg0, %add3A_40, %dma_start3A] : memref<2x10240x128xf32, #tpu.memory_space<hbm>> -> memref<1x128x128xf32, #tpu.memory_space<hbm>>
      %dma_start3A_50 = tpu.memref_squeeze %dma_start3A_49 : memref<1x128x128xf32, #tpu.memory_space<hbm>> -> memref<128x128xf32, #tpu.memory_space<hbm>>
      %dma_start3A_51 = arith.constant 0 : i32
      %dma_start3A_52 = tpu.memref_slice %arg6[%arg0, %add3A_40, %dma_start3A_51] : memref<2x10240x128xf32, #tpu.memory_space<hbm>> -> memref<1x128x128xf32, #tpu.memory_space<hbm>>
      %dma_start3A_53 = tpu.memref_squeeze %dma_start3A_52 : memref<1x128x128xf32, #tpu.memory_space<hbm>> -> memref<128x128xf32, #tpu.memory_space<hbm>>
      tpu.enqueue_dma source(%arg9 : memref<128x128xf32, #tpu.memory_space<vmem>>) target(%dma_start3A_53 : memref<128x128xf32, #tpu.memory_space<hbm>>) target_semaphore(%run_scoped3A : memref<!tpu.dma_semaphore, #tpu.memory_space<semaphore_mem>>)
      %dma_wait3A = arith.constant 0 : i32
      %dma_wait3A_54 = tpu.memref_slice %arg6[%arg0, %add3A_40, %dma_wait3A] : memref<2x10240x128xf32, #tpu.memory_space<hbm>> -> memref<1x128x128xf32, #tpu.memory_space<hbm>>
      %dma_wait3A_55 = tpu.memref_squeeze %dma_wait3A_54 : memref<1x128x128xf32, #tpu.memory_space<hbm>> -> memref<128x128xf32, #tpu.memory_space<hbm>>
      %dma_wait3A_56 = arith.constant 0 : i32
      %dma_wait3A_57 = tpu.memref_slice %arg6[%arg0, %add3A_40, %dma_wait3A_56] : memref<2x10240x128xf32, #tpu.memory_space<hbm>> -> memref<1x128x128xf32, #tpu.memory_space<hbm>>
      %dma_wait3A_58 = tpu.memref_squeeze %dma_wait3A_57 : memref<1x128x128xf32, #tpu.memory_space<hbm>> -> memref<128x128xf32, #tpu.memory_space<hbm>>
      tpu.wait_dma2 semaphore(%run_scoped3A : memref<!tpu.dma_semaphore, #tpu.memory_space<semaphore_mem>>) src(%arg9 : memref<128x128xf32, #tpu.memory_space<vmem>>) dst(%dma_wait3A_58 : memref<128x128xf32, #tpu.memory_space<hbm>>)
      tpu.yield
    }) : () -> ()
    %mul3A_41 = arith.constant 640 : i32
    %mul3A_42 = arith.muli %arg1, %mul3A_41 : i32
    %add3A_43 = arith.constant 384 : i32
    %add3A_44 = arith.addi %mul3A_42, %add3A_43 : i32
    "tpu.region"() ({
      %run_scoped3A = tpu.sem_alloc : memref<!tpu.dma_semaphore, #tpu.memory_space<semaphore_mem>>
      %dma_start3A = arith.constant 0 : i32
      %dma_start3A_49 = tpu.memref_slice %arg10[%add3A_44, %dma_start3A] : memref<10240x128xf32, #tpu.memory_space<vmem_shared>> -> memref<128x128xf32, #tpu.memory_space<vmem_shared>>
      %dma_start3A_50 = arith.constant 0 : i32
      %dma_start3A_51 = tpu.memref_slice %arg10[%add3A_44, %dma_start3A_50] : memref<10240x128xf32, #tpu.memory_space<vmem_shared>> -> memref<128x128xf32, #tpu.memory_space<vmem_shared>>
      tpu.enqueue_dma source(%dma_start3A_51 : memref<128x128xf32, #tpu.memory_space<vmem_shared>>) target(%arg9 : memref<128x128xf32, #tpu.memory_space<vmem>>) target_semaphore(%run_scoped3A : memref<!tpu.dma_semaphore, #tpu.memory_space<semaphore_mem>>)
      %dma_wait3A = arith.constant 0 : i32
      %dma_wait3A_52 = tpu.memref_slice %arg10[%add3A_44, %dma_wait3A] : memref<10240x128xf32, #tpu.memory_space<vmem_shared>> -> memref<128x128xf32, #tpu.memory_space<vmem_shared>>
      %dma_wait3A_53 = arith.constant 0 : i32
      %dma_wait3A_54 = tpu.memref_slice %arg10[%add3A_44, %dma_wait3A_53] : memref<10240x128xf32, #tpu.memory_space<vmem_shared>> -> memref<128x128xf32, #tpu.memory_space<vmem_shared>>
      tpu.wait_dma2 semaphore(%run_scoped3A : memref<!tpu.dma_semaphore, #tpu.memory_space<semaphore_mem>>) src(%dma_wait3A_54 : memref<128x128xf32, #tpu.memory_space<vmem_shared>>) dst(%arg9 : memref<128x128xf32, #tpu.memory_space<vmem>>)
      tpu.yield
    }) : () -> ()
    "tpu.region"() ({
      %run_scoped3A = tpu.sem_alloc : memref<!tpu.dma_semaphore, #tpu.memory_space<semaphore_mem>>
      %dma_start3A = arith.constant 0 : i32
      %dma_start3A_49 = tpu.memref_slice %arg6[%arg0, %add3A_44, %dma_start3A] : memref<2x10240x128xf32, #tpu.memory_space<hbm>> -> memref<1x128x128xf32, #tpu.memory_space<hbm>>
      %dma_start3A_50 = tpu.memref_squeeze %dma_start3A_49 : memref<1x128x128xf32, #tpu.memory_space<hbm>> -> memref<128x128xf32, #tpu.memory_space<hbm>>
      %dma_start3A_51 = arith.constant 0 : i32
      %dma_start3A_52 = tpu.memref_slice %arg6[%arg0, %add3A_44, %dma_start3A_51] : memref<2x10240x128xf32, #tpu.memory_space<hbm>> -> memref<1x128x128xf32, #tpu.memory_space<hbm>>
      %dma_start3A_53 = tpu.memref_squeeze %dma_start3A_52 : memref<1x128x128xf32, #tpu.memory_space<hbm>> -> memref<128x128xf32, #tpu.memory_space<hbm>>
      tpu.enqueue_dma source(%arg9 : memref<128x128xf32, #tpu.memory_space<vmem>>) target(%dma_start3A_53 : memref<128x128xf32, #tpu.memory_space<hbm>>) target_semaphore(%run_scoped3A : memref<!tpu.dma_semaphore, #tpu.memory_space<semaphore_mem>>)
      %dma_wait3A = arith.constant 0 : i32
      %dma_wait3A_54 = tpu.memref_slice %arg6[%arg0, %add3A_44, %dma_wait3A] : memref<2x10240x128xf32, #tpu.memory_space<hbm>> -> memref<1x128x128xf32, #tpu.memory_space<hbm>>
      %dma_wait3A_55 = tpu.memref_squeeze %dma_wait3A_54 : memref<1x128x128xf32, #tpu.memory_space<hbm>> -> memref<128x128xf32, #tpu.memory_space<hbm>>
      %dma_wait3A_56 = arith.constant 0 : i32
      %dma_wait3A_57 = tpu.memref_slice %arg6[%arg0, %add3A_44, %dma_wait3A_56] : memref<2x10240x128xf32, #tpu.memory_space<hbm>> -> memref<1x128x128xf32, #tpu.memory_space<hbm>>
      %dma_wait3A_58 = tpu.memref_squeeze %dma_wait3A_57 : memref<1x128x128xf32, #tpu.memory_space<hbm>> -> memref<128x128xf32, #tpu.memory_space<hbm>>
      tpu.wait_dma2 semaphore(%run_scoped3A : memref<!tpu.dma_semaphore, #tpu.memory_space<semaphore_mem>>) src(%arg9 : memref<128x128xf32, #tpu.memory_space<vmem>>) dst(%dma_wait3A_58 : memref<128x128xf32, #tpu.memory_space<hbm>>)
      tpu.yield
    }) : () -> ()
    %mul3A_45 = arith.constant 640 : i32
    %mul3A_46 = arith.muli %arg1, %mul3A_45 : i32
    %add3A_47 = arith.constant 512 : i32
    %add3A_48 = arith.addi %mul3A_46, %add3A_47 : i32
    "tpu.region"() ({
      %run_scoped3A = tpu.sem_alloc : memref<!tpu.dma_semaphore, #tpu.memory_space<semaphore_mem>>
      %dma_start3A = arith.constant 0 : i32
      %dma_start3A_49 = tpu.memref_slice %arg10[%add3A_48, %dma_start3A] : memref<10240x128xf32, #tpu.memory_space<vmem_shared>> -> memref<128x128xf32, #tpu.memory_space<vmem_shared>>
      %dma_start3A_50 = arith.constant 0 : i32
      %dma_start3A_51 = tpu.memref_slice %arg10[%add3A_48, %dma_start3A_50] : memref<10240x128xf32, #tpu.memory_space<vmem_shared>> -> memref<128x128xf32, #tpu.memory_space<vmem_shared>>
      tpu.enqueue_dma source(%dma_start3A_51 : memref<128x128xf32, #tpu.memory_space<vmem_shared>>) target(%arg9 : memref<128x128xf32, #tpu.memory_space<vmem>>) target_semaphore(%run_scoped3A : memref<!tpu.dma_semaphore, #tpu.memory_space<semaphore_mem>>)
      %dma_wait3A = arith.constant 0 : i32
      %dma_wait3A_52 = tpu.memref_slice %arg10[%add3A_48, %dma_wait3A] : memref<10240x128xf32, #tpu.memory_space<vmem_shared>> -> memref<128x128xf32, #tpu.memory_space<vmem_shared>>
      %dma_wait3A_53 = arith.constant 0 : i32
      %dma_wait3A_54 = tpu.memref_slice %arg10[%add3A_48, %dma_wait3A_53] : memref<10240x128xf32, #tpu.memory_space<vmem_shared>> -> memref<128x128xf32, #tpu.memory_space<vmem_shared>>
      tpu.wait_dma2 semaphore(%run_scoped3A : memref<!tpu.dma_semaphore, #tpu.memory_space<semaphore_mem>>) src(%dma_wait3A_54 : memref<128x128xf32, #tpu.memory_space<vmem_shared>>) dst(%arg9 : memref<128x128xf32, #tpu.memory_space<vmem>>)
      tpu.yield
    }) : () -> ()
    "tpu.region"() ({
      %run_scoped3A = tpu.sem_alloc : memref<!tpu.dma_semaphore, #tpu.memory_space<semaphore_mem>>
      %dma_start3A = arith.constant 0 : i32
      %dma_start3A_49 = tpu.memref_slice %arg6[%arg0, %add3A_48, %dma_start3A] : memref<2x10240x128xf32, #tpu.memory_space<hbm>> -> memref<1x128x128xf32, #tpu.memory_space<hbm>>
      %dma_start3A_50 = tpu.memref_squeeze %dma_start3A_49 : memref<1x128x128xf32, #tpu.memory_space<hbm>> -> memref<128x128xf32, #tpu.memory_space<hbm>>
      %dma_start3A_51 = arith.constant 0 : i32
      %dma_start3A_52 = tpu.memref_slice %arg6[%arg0, %add3A_48, %dma_start3A_51] : memref<2x10240x128xf32, #tpu.memory_space<hbm>> -> memref<1x128x128xf32, #tpu.memory_space<hbm>>
      %dma_start3A_53 = tpu.memref_squeeze %dma_start3A_52 : memref<1x128x128xf32, #tpu.memory_space<hbm>> -> memref<128x128xf32, #tpu.memory_space<hbm>>
      tpu.enqueue_dma source(%arg9 : memref<128x128xf32, #tpu.memory_space<vmem>>) target(%dma_start3A_53 : memref<128x128xf32, #tpu.memory_space<hbm>>) target_semaphore(%run_scoped3A : memref<!tpu.dma_semaphore, #tpu.memory_space<semaphore_mem>>)
      %dma_wait3A = arith.constant 0 : i32
      %dma_wait3A_54 = tpu.memref_slice %arg6[%arg0, %add3A_48, %dma_wait3A] : memref<2x10240x128xf32, #tpu.memory_space<hbm>> -> memref<1x128x128xf32, #tpu.memory_space<hbm>>
      %dma_wait3A_55 = tpu.memref_squeeze %dma_wait3A_54 : memref<1x128x128xf32, #tpu.memory_space<hbm>> -> memref<128x128xf32, #tpu.memory_space<hbm>>
      %dma_wait3A_56 = arith.constant 0 : i32
      %dma_wait3A_57 = tpu.memref_slice %arg6[%arg0, %add3A_48, %dma_wait3A_56] : memref<2x10240x128xf32, #tpu.memory_space<hbm>> -> memref<1x128x128xf32, #tpu.memory_space<hbm>>
      %dma_wait3A_58 = tpu.memref_squeeze %dma_wait3A_57 : memref<1x128x128xf32, #tpu.memory_space<hbm>> -> memref<128x128xf32, #tpu.memory_space<hbm>>
      tpu.wait_dma2 semaphore(%run_scoped3A : memref<!tpu.dma_semaphore, #tpu.memory_space<semaphore_mem>>) src(%arg9 : memref<128x128xf32, #tpu.memory_space<vmem>>) dst(%dma_wait3A_58 : memref<128x128xf32, #tpu.memory_space<hbm>>)
      tpu.yield
    }) : () -> ()
    return
  }
}

#map = affine_map<(d0, d1) -> (0, 0)>
#map1 = affine_map<(d0, d1) -> (0)>
#map2 = affine_map<(d0, d1) -> (0, 0, 0)>
module attributes {stable_mosaic.version = 14 : i64} {
  func.func @mp(%arg0: i32, %arg1: i32, %arg2: memref<10240x128xf32, #tpu.memory_space<hbm>>, %arg3: memref<323584xi32, #tpu.memory_space<hbm>>, %arg4: memref<323584xi32, #tpu.memory_space<hbm>>, %arg5: memref<128x128xf32, #tpu.memory_space<hbm>>, %arg6: memref<2x10240x128xf32, #tpu.memory_space<hbm>>, %arg7: memref<128xi32, #tpu.memory_space<vmem>>, %arg8: memref<128xi32, #tpu.memory_space<vmem>>, %arg9: memref<128x128xf32, #tpu.memory_space<vmem>>, %arg10: memref<10240x128xf32, #tpu.memory_space<vmem_shared>>, %arg11: memref<!tpu.dma_semaphore, #tpu.memory_space<semaphore_mem>>) attributes {dimension_semantics = [#tpu.dimension_semantics<core_parallel>, #tpu.dimension_semantics<subcore_parallel>], iteration_bounds = array<i64: 2, 16>, scalar_prefetch = 0 : i64, scratch_operands = 5 : i64, tpu.core_type = #tpu.core_type<sc_vector_subcore>, window_params = [{transform_indices = #map}, {transform_indices = #map1}, {transform_indices = #map1}, {transform_indices = #map}, {transform_indices = #map2}]} {
    %mul3A = arith.constant 2 : i32
    %mul3A_0 = arith.muli %arg1, %mul3A : i32
    %add3A = arith.addi %mul3A_0, %arg0 : i32
    "tpu.region"() ({
      %run_scoped3A = tpu.sem_alloc : memref<!tpu.dma_semaphore, #tpu.memory_space<semaphore_mem>>
      tpu.enqueue_dma source(%arg5 : memref<128x128xf32, #tpu.memory_space<hbm>>) target(%arg9 : memref<128x128xf32, #tpu.memory_space<vmem>>) target_semaphore(%run_scoped3A : memref<!tpu.dma_semaphore, #tpu.memory_space<semaphore_mem>>)
      tpu.wait_dma2 semaphore(%run_scoped3A : memref<!tpu.dma_semaphore, #tpu.memory_space<semaphore_mem>>) src(%arg5 : memref<128x128xf32, #tpu.memory_space<hbm>>) dst(%arg9 : memref<128x128xf32, #tpu.memory_space<vmem>>)
      tpu.yield
    }) : () -> ()
    %mul3A_1 = arith.constant 640 : i32
    %mul3A_2 = arith.muli %arg1, %mul3A_1 : i32
    %add3A_3 = arith.constant 0 : i32
    %add3A_4 = arith.addi %mul3A_2, %add3A_3 : i32
    "tpu.region"() ({
      %run_scoped3A = tpu.sem_alloc : memref<!tpu.dma_semaphore, #tpu.memory_space<semaphore_mem>>
      %dma_start3A = arith.constant 0 : i32
      %dma_start3A_49 = tpu.memref_slice %arg10[%add3A_4, %dma_start3A] : memref<10240x128xf32, #tpu.memory_space<vmem_shared>> -> memref<128x128xf32, #tpu.memory_space<vmem_shared>>
      %dma_start3A_50 = arith.constant 0 : i32
      %dma_start3A_51 = tpu.memref_slice %arg10[%add3A_4, %dma_start3A_50] : memref<10240x128xf32, #tpu.memory_space<vmem_shared>> -> memref<128x128xf32, #tpu.memory_space<vmem_shared>>
      tpu.enqueue_dma source(%arg9 : memref<128x128xf32, #tpu.memory_space<vmem>>) target(%dma_start3A_51 : memref<128x128xf32, #tpu.memory_space<vmem_shared>>) target_semaphore(%run_scoped3A : memref<!tpu.dma_semaphore, #tpu.memory_space<semaphore_mem>>)
      %dma_wait3A = arith.constant 0 : i32
      %dma_wait3A_52 = tpu.memref_slice %arg10[%add3A_4, %dma_wait3A] : memref<10240x128xf32, #tpu.memory_space<vmem_shared>> -> memref<128x128xf32, #tpu.memory_space<vmem_shared>>
      %dma_wait3A_53 = arith.constant 0 : i32
      %dma_wait3A_54 = tpu.memref_slice %arg10[%add3A_4, %dma_wait3A_53] : memref<10240x128xf32, #tpu.memory_space<vmem_shared>> -> memref<128x128xf32, #tpu.memory_space<vmem_shared>>
      tpu.wait_dma2 semaphore(%run_scoped3A : memref<!tpu.dma_semaphore, #tpu.memory_space<semaphore_mem>>) src(%arg9 : memref<128x128xf32, #tpu.memory_space<vmem>>) dst(%dma_wait3A_54 : memref<128x128xf32, #tpu.memory_space<vmem_shared>>)
      tpu.yield
    }) : () -> ()
    %mul3A_5 = arith.constant 640 : i32
    %mul3A_6 = arith.muli %arg1, %mul3A_5 : i32
    %add3A_7 = arith.constant 128 : i32
    %add3A_8 = arith.addi %mul3A_6, %add3A_7 : i32
    "tpu.region"() ({
      %run_scoped3A = tpu.sem_alloc : memref<!tpu.dma_semaphore, #tpu.memory_space<semaphore_mem>>
      %dma_start3A = arith.constant 0 : i32
      %dma_start3A_49 = tpu.memref_slice %arg10[%add3A_8, %dma_start3A] : memref<10240x128xf32, #tpu.memory_space<vmem_shared>> -> memref<128x128xf32, #tpu.memory_space<vmem_shared>>
      %dma_start3A_50 = arith.constant 0 : i32
      %dma_start3A_51 = tpu.memref_slice %arg10[%add3A_8, %dma_start3A_50] : memref<10240x128xf32, #tpu.memory_space<vmem_shared>> -> memref<128x128xf32, #tpu.memory_space<vmem_shared>>
      tpu.enqueue_dma source(%arg9 : memref<128x128xf32, #tpu.memory_space<vmem>>) target(%dma_start3A_51 : memref<128x128xf32, #tpu.memory_space<vmem_shared>>) target_semaphore(%run_scoped3A : memref<!tpu.dma_semaphore, #tpu.memory_space<semaphore_mem>>)
      %dma_wait3A = arith.constant 0 : i32
      %dma_wait3A_52 = tpu.memref_slice %arg10[%add3A_8, %dma_wait3A] : memref<10240x128xf32, #tpu.memory_space<vmem_shared>> -> memref<128x128xf32, #tpu.memory_space<vmem_shared>>
      %dma_wait3A_53 = arith.constant 0 : i32
      %dma_wait3A_54 = tpu.memref_slice %arg10[%add3A_8, %dma_wait3A_53] : memref<10240x128xf32, #tpu.memory_space<vmem_shared>> -> memref<128x128xf32, #tpu.memory_space<vmem_shared>>
      tpu.wait_dma2 semaphore(%run_scoped3A : memref<!tpu.dma_semaphore, #tpu.memory_space<semaphore_mem>>) src(%arg9 : memref<128x128xf32, #tpu.memory_space<vmem>>) dst(%dma_wait3A_54 : memref<128x128xf32, #tpu.memory_space<vmem_shared>>)
      tpu.yield
    }) : () -> ()
    %mul3A_9 = arith.constant 640 : i32
    %mul3A_10 = arith.muli %arg1, %mul3A_9 : i32
    %add3A_11 = arith.constant 256 : i32
    %add3A_12 = arith.addi %mul3A_10, %add3A_11 : i32
    "tpu.region"() ({
      %run_scoped3A = tpu.sem_alloc : memref<!tpu.dma_semaphore, #tpu.memory_space<semaphore_mem>>
      %dma_start3A = arith.constant 0 : i32
      %dma_start3A_49 = tpu.memref_slice %arg10[%add3A_12, %dma_start3A] : memref<10240x128xf32, #tpu.memory_space<vmem_shared>> -> memref<128x128xf32, #tpu.memory_space<vmem_shared>>
      %dma_start3A_50 = arith.constant 0 : i32
      %dma_start3A_51 = tpu.memref_slice %arg10[%add3A_12, %dma_start3A_50] : memref<10240x128xf32, #tpu.memory_space<vmem_shared>> -> memref<128x128xf32, #tpu.memory_space<vmem_shared>>
      tpu.enqueue_dma source(%arg9 : memref<128x128xf32, #tpu.memory_space<vmem>>) target(%dma_start3A_51 : memref<128x128xf32, #tpu.memory_space<vmem_shared>>) target_semaphore(%run_scoped3A : memref<!tpu.dma_semaphore, #tpu.memory_space<semaphore_mem>>)
      %dma_wait3A = arith.constant 0 : i32
      %dma_wait3A_52 = tpu.memref_slice %arg10[%add3A_12, %dma_wait3A] : memref<10240x128xf32, #tpu.memory_space<vmem_shared>> -> memref<128x128xf32, #tpu.memory_space<vmem_shared>>
      %dma_wait3A_53 = arith.constant 0 : i32
      %dma_wait3A_54 = tpu.memref_slice %arg10[%add3A_12, %dma_wait3A_53] : memref<10240x128xf32, #tpu.memory_space<vmem_shared>> -> memref<128x128xf32, #tpu.memory_space<vmem_shared>>
      tpu.wait_dma2 semaphore(%run_scoped3A : memref<!tpu.dma_semaphore, #tpu.memory_space<semaphore_mem>>) src(%arg9 : memref<128x128xf32, #tpu.memory_space<vmem>>) dst(%dma_wait3A_54 : memref<128x128xf32, #tpu.memory_space<vmem_shared>>)
      tpu.yield
    }) : () -> ()
    %mul3A_13 = arith.constant 640 : i32
    %mul3A_14 = arith.muli %arg1, %mul3A_13 : i32
    %add3A_15 = arith.constant 384 : i32
    %add3A_16 = arith.addi %mul3A_14, %add3A_15 : i32
    "tpu.region"() ({
      %run_scoped3A = tpu.sem_alloc : memref<!tpu.dma_semaphore, #tpu.memory_space<semaphore_mem>>
      %dma_start3A = arith.constant 0 : i32
      %dma_start3A_49 = tpu.memref_slice %arg10[%add3A_16, %dma_start3A] : memref<10240x128xf32, #tpu.memory_space<vmem_shared>> -> memref<128x128xf32, #tpu.memory_space<vmem_shared>>
      %dma_start3A_50 = arith.constant 0 : i32
      %dma_start3A_51 = tpu.memref_slice %arg10[%add3A_16, %dma_start3A_50] : memref<10240x128xf32, #tpu.memory_space<vmem_shared>> -> memref<128x128xf32, #tpu.memory_space<vmem_shared>>
      tpu.enqueue_dma source(%arg9 : memref<128x128xf32, #tpu.memory_space<vmem>>) target(%dma_start3A_51 : memref<128x128xf32, #tpu.memory_space<vmem_shared>>) target_semaphore(%run_scoped3A : memref<!tpu.dma_semaphore, #tpu.memory_space<semaphore_mem>>)
      %dma_wait3A = arith.constant 0 : i32
      %dma_wait3A_52 = tpu.memref_slice %arg10[%add3A_16, %dma_wait3A] : memref<10240x128xf32, #tpu.memory_space<vmem_shared>> -> memref<128x128xf32, #tpu.memory_space<vmem_shared>>
      %dma_wait3A_53 = arith.constant 0 : i32
      %dma_wait3A_54 = tpu.memref_slice %arg10[%add3A_16, %dma_wait3A_53] : memref<10240x128xf32, #tpu.memory_space<vmem_shared>> -> memref<128x128xf32, #tpu.memory_space<vmem_shared>>
      tpu.wait_dma2 semaphore(%run_scoped3A : memref<!tpu.dma_semaphore, #tpu.memory_space<semaphore_mem>>) src(%arg9 : memref<128x128xf32, #tpu.memory_space<vmem>>) dst(%dma_wait3A_54 : memref<128x128xf32, #tpu.memory_space<vmem_shared>>)
      tpu.yield
    }) : () -> ()
    %mul3A_17 = arith.constant 640 : i32
    %mul3A_18 = arith.muli %arg1, %mul3A_17 : i32
    %add3A_19 = arith.constant 512 : i32
    %add3A_20 = arith.addi %mul3A_18, %add3A_19 : i32
    "tpu.region"() ({
      %run_scoped3A = tpu.sem_alloc : memref<!tpu.dma_semaphore, #tpu.memory_space<semaphore_mem>>
      %dma_start3A = arith.constant 0 : i32
      %dma_start3A_49 = tpu.memref_slice %arg10[%add3A_20, %dma_start3A] : memref<10240x128xf32, #tpu.memory_space<vmem_shared>> -> memref<128x128xf32, #tpu.memory_space<vmem_shared>>
      %dma_start3A_50 = arith.constant 0 : i32
      %dma_start3A_51 = tpu.memref_slice %arg10[%add3A_20, %dma_start3A_50] : memref<10240x128xf32, #tpu.memory_space<vmem_shared>> -> memref<128x128xf32, #tpu.memory_space<vmem_shared>>
      tpu.enqueue_dma source(%arg9 : memref<128x128xf32, #tpu.memory_space<vmem>>) target(%dma_start3A_51 : memref<128x128xf32, #tpu.memory_space<vmem_shared>>) target_semaphore(%run_scoped3A : memref<!tpu.dma_semaphore, #tpu.memory_space<semaphore_mem>>)
      %dma_wait3A = arith.constant 0 : i32
      %dma_wait3A_52 = tpu.memref_slice %arg10[%add3A_20, %dma_wait3A] : memref<10240x128xf32, #tpu.memory_space<vmem_shared>> -> memref<128x128xf32, #tpu.memory_space<vmem_shared>>
      %dma_wait3A_53 = arith.constant 0 : i32
      %dma_wait3A_54 = tpu.memref_slice %arg10[%add3A_20, %dma_wait3A_53] : memref<10240x128xf32, #tpu.memory_space<vmem_shared>> -> memref<128x128xf32, #tpu.memory_space<vmem_shared>>
      tpu.wait_dma2 semaphore(%run_scoped3A : memref<!tpu.dma_semaphore, #tpu.memory_space<semaphore_mem>>) src(%arg9 : memref<128x128xf32, #tpu.memory_space<vmem>>) dst(%dma_wait3A_54 : memref<128x128xf32, #tpu.memory_space<vmem_shared>>)
      tpu.yield
    }) : () -> ()
    %barrier3A = arith.constant 0 : index
    tpu.barrier barrier_id(%barrier3A)
    %mul3A_21 = arith.constant 10112 : i32
    %mul3A_22 = arith.muli %add3A, %mul3A_21 : i32
    %scan3A = arith.constant 0 : i32
    %scan3A_23 = arith.constant 0 : i32
    %scan3A_24 = arith.constant 79 : i32
    %scan3A_25 = arith.addi %scan3A_23, %scan3A_24 : i32
    %scan3A_26 = arith.constant 1 : i32
    scf.for %scan3A_49 = %scan3A_23 to %scan3A_25 step %scan3A_26  : i32 {
      %mul3A_50 = arith.constant 128 : i32
      %mul3A_51 = arith.muli %scan3A_49, %mul3A_50 : i32
      %add3A_52 = arith.addi %mul3A_22, %mul3A_51 : i32
      %multiple_of3A = tpu.assume_multiple %add3A_52, 128 : i32
      "tpu.region"() ({
        %run_scoped3A = tpu.sem_alloc : memref<!tpu.dma_semaphore, #tpu.memory_space<semaphore_mem>>
        %dma_start3A_57 = tpu.memref_slice %arg4[%multiple_of3A] : memref<323584xi32, #tpu.memory_space<hbm>> -> memref<128xi32, #tpu.memory_space<hbm>>
        %dma_start3A_58 = tpu.memref_slice %arg4[%multiple_of3A] : memref<323584xi32, #tpu.memory_space<hbm>> -> memref<128xi32, #tpu.memory_space<hbm>>
        tpu.enqueue_dma source(%dma_start3A_58 : memref<128xi32, #tpu.memory_space<hbm>>) target(%arg8 : memref<128xi32, #tpu.memory_space<vmem>>) target_semaphore(%run_scoped3A : memref<!tpu.dma_semaphore, #tpu.memory_space<semaphore_mem>>)
        %dma_wait3A_59 = tpu.memref_slice %arg4[%multiple_of3A] : memref<323584xi32, #tpu.memory_space<hbm>> -> memref<128xi32, #tpu.memory_space<hbm>>
        %dma_wait3A_60 = tpu.memref_slice %arg4[%multiple_of3A] : memref<323584xi32, #tpu.memory_space<hbm>> -> memref<128xi32, #tpu.memory_space<hbm>>
        tpu.wait_dma2 semaphore(%run_scoped3A : memref<!tpu.dma_semaphore, #tpu.memory_space<semaphore_mem>>) src(%dma_wait3A_60 : memref<128xi32, #tpu.memory_space<hbm>>) dst(%arg8 : memref<128xi32, #tpu.memory_space<vmem>>)
        tpu.yield
      }) : () -> ()
      "tpu.region"() ({
        %run_scoped3A = tpu.sem_alloc : memref<!tpu.dma_semaphore, #tpu.memory_space<semaphore_mem>>
        %dma_start3A_57 = tpu.memref_slice %arg3[%multiple_of3A] : memref<323584xi32, #tpu.memory_space<hbm>> -> memref<128xi32, #tpu.memory_space<hbm>>
        %dma_start3A_58 = tpu.memref_slice %arg3[%multiple_of3A] : memref<323584xi32, #tpu.memory_space<hbm>> -> memref<128xi32, #tpu.memory_space<hbm>>
        tpu.enqueue_dma source(%dma_start3A_58 : memref<128xi32, #tpu.memory_space<hbm>>) target(%arg7 : memref<128xi32, #tpu.memory_space<vmem>>) target_semaphore(%run_scoped3A : memref<!tpu.dma_semaphore, #tpu.memory_space<semaphore_mem>>)
        %dma_wait3A_59 = tpu.memref_slice %arg3[%multiple_of3A] : memref<323584xi32, #tpu.memory_space<hbm>> -> memref<128xi32, #tpu.memory_space<hbm>>
        %dma_wait3A_60 = tpu.memref_slice %arg3[%multiple_of3A] : memref<323584xi32, #tpu.memory_space<hbm>> -> memref<128xi32, #tpu.memory_space<hbm>>
        tpu.wait_dma2 semaphore(%run_scoped3A : memref<!tpu.dma_semaphore, #tpu.memory_space<semaphore_mem>>) src(%dma_wait3A_60 : memref<128xi32, #tpu.memory_space<hbm>>) dst(%arg7 : memref<128xi32, #tpu.memory_space<vmem>>)
        tpu.yield
      }) : () -> ()
      %dma_start3A = arith.constant 0 : i32
      %dma_start3A_53 = arith.constant 0 : i32
      %dma_start3A_54 = tpu.memref_slice %arg2[%dma_start3A, %dma_start3A_53] : memref<10240x128xf32, #tpu.memory_space<hbm>> -> memref<10240x128xf32, #tpu.memory_space<hbm>>
      tpu.enqueue_indirect_dma source(%dma_start3A_54 : memref<10240x128xf32, #tpu.memory_space<hbm>>) target(%arg9 : memref<128x128xf32, #tpu.memory_space<vmem>>) offsets(%arg7 : memref<128xi32, #tpu.memory_space<vmem>>) semaphore(%arg11 : memref<!tpu.dma_semaphore, #tpu.memory_space<semaphore_mem>>)
      %dma_wait3A = arith.constant 0 : i32
      %dma_wait3A_55 = arith.constant 0 : i32
      %dma_wait3A_56 = tpu.memref_slice %arg2[%dma_wait3A, %dma_wait3A_55] : memref<10240x128xf32, #tpu.memory_space<hbm>> -> memref<10240x128xf32, #tpu.memory_space<hbm>>
      tpu.wait_indirect_dma semaphore(%arg11 : memref<!tpu.dma_semaphore, #tpu.memory_space<semaphore_mem>>) src(%dma_wait3A_56 : memref<10240x128xf32, #tpu.memory_space<hbm>>) dst(%arg9 : memref<128x128xf32, #tpu.memory_space<vmem>>)
      "tpu.region"() ({
        %run_scoped3A = tpu.sem_alloc : memref<!tpu.dma_semaphore, #tpu.memory_space<semaphore_mem>>
        %dma_start3A_57 = arith.constant 0 : i32
        %dma_start3A_58 = arith.constant 0 : i32
        %dma_start3A_59 = tpu.memref_slice %arg10[%dma_start3A_57, %dma_start3A_58] : memref<10240x128xf32, #tpu.memory_space<vmem_shared>> -> memref<10240x128xf32, #tpu.memory_space<vmem_shared>>
        tpu.enqueue_indirect_dma source(%arg9 : memref<128x128xf32, #tpu.memory_space<vmem>>) target(%dma_start3A_59 : memref<10240x128xf32, #tpu.memory_space<vmem_shared>>) offsets(%arg8 : memref<128xi32, #tpu.memory_space<vmem>>) semaphore(%run_scoped3A : memref<!tpu.dma_semaphore, #tpu.memory_space<semaphore_mem>>) {add = true}
        %dma_wait3A_60 = arith.constant 0 : i32
        %dma_wait3A_61 = arith.constant 0 : i32
        %dma_wait3A_62 = tpu.memref_slice %arg10[%dma_wait3A_60, %dma_wait3A_61] : memref<10240x128xf32, #tpu.memory_space<vmem_shared>> -> memref<10240x128xf32, #tpu.memory_space<vmem_shared>>
        tpu.wait_indirect_dma semaphore(%run_scoped3A : memref<!tpu.dma_semaphore, #tpu.memory_space<semaphore_mem>>) src(%arg9 : memref<128x128xf32, #tpu.memory_space<vmem>>) dst(%dma_wait3A_62 : memref<10240x128xf32, #tpu.memory_space<vmem_shared>>)
        tpu.yield
      }) : () -> ()
    }
    %scan3A_27 = arith.constant 79 : i32
    %barrier3A_28 = arith.constant 0 : index
    tpu.barrier barrier_id(%barrier3A_28)
    %mul3A_29 = arith.constant 640 : i32
    %mul3A_30 = arith.muli %arg1, %mul3A_29 : i32
    %add3A_31 = arith.constant 0 : i32
    %add3A_32 = arith.addi %mul3A_30, %add3A_31 : i32
    "tpu.region"() ({
      %run_scoped3A = tpu.sem_alloc : memref<!tpu.dma_semaphore, #tpu.memory_space<semaphore_mem>>
      %dma_start3A = arith.constant 0 : i32
      %dma_start3A_49 = tpu.memref_slice %arg10[%add3A_32, %dma_start3A] : memref<10240x128xf32, #tpu.memory_space<vmem_shared>> -> memref<128x128xf32, #tpu.memory_space<vmem_shared>>
      %dma_start3A_50 = arith.constant 0 : i32
      %dma_start3A_51 = tpu.memref_slice %arg10[%add3A_32, %dma_start3A_50] : memref<10240x128xf32, #tpu.memory_space<vmem_shared>> -> memref<128x128xf32, #tpu.memory_space<vmem_shared>>
      tpu.enqueue_dma source(%dma_start3A_51 : memref<128x128xf32, #tpu.memory_space<vmem_shared>>) target(%arg9 : memref<128x128xf32, #tpu.memory_space<vmem>>) target_semaphore(%run_scoped3A : memref<!tpu.dma_semaphore, #tpu.memory_space<semaphore_mem>>)
      %dma_wait3A = arith.constant 0 : i32
      %dma_wait3A_52 = tpu.memref_slice %arg10[%add3A_32, %dma_wait3A] : memref<10240x128xf32, #tpu.memory_space<vmem_shared>> -> memref<128x128xf32, #tpu.memory_space<vmem_shared>>
      %dma_wait3A_53 = arith.constant 0 : i32
      %dma_wait3A_54 = tpu.memref_slice %arg10[%add3A_32, %dma_wait3A_53] : memref<10240x128xf32, #tpu.memory_space<vmem_shared>> -> memref<128x128xf32, #tpu.memory_space<vmem_shared>>
      tpu.wait_dma2 semaphore(%run_scoped3A : memref<!tpu.dma_semaphore, #tpu.memory_space<semaphore_mem>>) src(%dma_wait3A_54 : memref<128x128xf32, #tpu.memory_space<vmem_shared>>) dst(%arg9 : memref<128x128xf32, #tpu.memory_space<vmem>>)
      tpu.yield
    }) : () -> ()
    "tpu.region"() ({
      %run_scoped3A = tpu.sem_alloc : memref<!tpu.dma_semaphore, #tpu.memory_space<semaphore_mem>>
      %dma_start3A = arith.constant 0 : i32
      %dma_start3A_49 = tpu.memref_slice %arg6[%arg0, %add3A_32, %dma_start3A] : memref<2x10240x128xf32, #tpu.memory_space<hbm>> -> memref<1x128x128xf32, #tpu.memory_space<hbm>>
      %dma_start3A_50 = tpu.memref_squeeze %dma_start3A_49 : memref<1x128x128xf32, #tpu.memory_space<hbm>> -> memref<128x128xf32, #tpu.memory_space<hbm>>
      %dma_start3A_51 = arith.constant 0 : i32
      %dma_start3A_52 = tpu.memref_slice %arg6[%arg0, %add3A_32, %dma_start3A_51] : memref<2x10240x128xf32, #tpu.memory_space<hbm>> -> memref<1x128x128xf32, #tpu.memory_space<hbm>>
      %dma_start3A_53 = tpu.memref_squeeze %dma_start3A_52 : memref<1x128x128xf32, #tpu.memory_space<hbm>> -> memref<128x128xf32, #tpu.memory_space<hbm>>
      tpu.enqueue_dma source(%arg9 : memref<128x128xf32, #tpu.memory_space<vmem>>) target(%dma_start3A_53 : memref<128x128xf32, #tpu.memory_space<hbm>>) target_semaphore(%run_scoped3A : memref<!tpu.dma_semaphore, #tpu.memory_space<semaphore_mem>>)
      %dma_wait3A = arith.constant 0 : i32
      %dma_wait3A_54 = tpu.memref_slice %arg6[%arg0, %add3A_32, %dma_wait3A] : memref<2x10240x128xf32, #tpu.memory_space<hbm>> -> memref<1x128x128xf32, #tpu.memory_space<hbm>>
      %dma_wait3A_55 = tpu.memref_squeeze %dma_wait3A_54 : memref<1x128x128xf32, #tpu.memory_space<hbm>> -> memref<128x128xf32, #tpu.memory_space<hbm>>
      %dma_wait3A_56 = arith.constant 0 : i32
      %dma_wait3A_57 = tpu.memref_slice %arg6[%arg0, %add3A_32, %dma_wait3A_56] : memref<2x10240x128xf32, #tpu.memory_space<hbm>> -> memref<1x128x128xf32, #tpu.memory_space<hbm>>
      %dma_wait3A_58 = tpu.memref_squeeze %dma_wait3A_57 : memref<1x128x128xf32, #tpu.memory_space<hbm>> -> memref<128x128xf32, #tpu.memory_space<hbm>>
      tpu.wait_dma2 semaphore(%run_scoped3A : memref<!tpu.dma_semaphore, #tpu.memory_space<semaphore_mem>>) src(%arg9 : memref<128x128xf32, #tpu.memory_space<vmem>>) dst(%dma_wait3A_58 : memref<128x128xf32, #tpu.memory_space<hbm>>)
      tpu.yield
    }) : () -> ()
    %mul3A_33 = arith.constant 640 : i32
    %mul3A_34 = arith.muli %arg1, %mul3A_33 : i32
    %add3A_35 = arith.constant 128 : i32
    %add3A_36 = arith.addi %mul3A_34, %add3A_35 : i32
    "tpu.region"() ({
      %run_scoped3A = tpu.sem_alloc : memref<!tpu.dma_semaphore, #tpu.memory_space<semaphore_mem>>
      %dma_start3A = arith.constant 0 : i32
      %dma_start3A_49 = tpu.memref_slice %arg10[%add3A_36, %dma_start3A] : memref<10240x128xf32, #tpu.memory_space<vmem_shared>> -> memref<128x128xf32, #tpu.memory_space<vmem_shared>>
      %dma_start3A_50 = arith.constant 0 : i32
      %dma_start3A_51 = tpu.memref_slice %arg10[%add3A_36, %dma_start3A_50] : memref<10240x128xf32, #tpu.memory_space<vmem_shared>> -> memref<128x128xf32, #tpu.memory_space<vmem_shared>>
      tpu.enqueue_dma source(%dma_start3A_51 : memref<128x128xf32, #tpu.memory_space<vmem_shared>>) target(%arg9 : memref<128x128xf32, #tpu.memory_space<vmem>>) target_semaphore(%run_scoped3A : memref<!tpu.dma_semaphore, #tpu.memory_space<semaphore_mem>>)
      %dma_wait3A = arith.constant 0 : i32
      %dma_wait3A_52 = tpu.memref_slice %arg10[%add3A_36, %dma_wait3A] : memref<10240x128xf32, #tpu.memory_space<vmem_shared>> -> memref<128x128xf32, #tpu.memory_space<vmem_shared>>
      %dma_wait3A_53 = arith.constant 0 : i32
      %dma_wait3A_54 = tpu.memref_slice %arg10[%add3A_36, %dma_wait3A_53] : memref<10240x128xf32, #tpu.memory_space<vmem_shared>> -> memref<128x128xf32, #tpu.memory_space<vmem_shared>>
      tpu.wait_dma2 semaphore(%run_scoped3A : memref<!tpu.dma_semaphore, #tpu.memory_space<semaphore_mem>>) src(%dma_wait3A_54 : memref<128x128xf32, #tpu.memory_space<vmem_shared>>) dst(%arg9 : memref<128x128xf32, #tpu.memory_space<vmem>>)
      tpu.yield
    }) : () -> ()
    "tpu.region"() ({
      %run_scoped3A = tpu.sem_alloc : memref<!tpu.dma_semaphore, #tpu.memory_space<semaphore_mem>>
      %dma_start3A = arith.constant 0 : i32
      %dma_start3A_49 = tpu.memref_slice %arg6[%arg0, %add3A_36, %dma_start3A] : memref<2x10240x128xf32, #tpu.memory_space<hbm>> -> memref<1x128x128xf32, #tpu.memory_space<hbm>>
      %dma_start3A_50 = tpu.memref_squeeze %dma_start3A_49 : memref<1x128x128xf32, #tpu.memory_space<hbm>> -> memref<128x128xf32, #tpu.memory_space<hbm>>
      %dma_start3A_51 = arith.constant 0 : i32
      %dma_start3A_52 = tpu.memref_slice %arg6[%arg0, %add3A_36, %dma_start3A_51] : memref<2x10240x128xf32, #tpu.memory_space<hbm>> -> memref<1x128x128xf32, #tpu.memory_space<hbm>>
      %dma_start3A_53 = tpu.memref_squeeze %dma_start3A_52 : memref<1x128x128xf32, #tpu.memory_space<hbm>> -> memref<128x128xf32, #tpu.memory_space<hbm>>
      tpu.enqueue_dma source(%arg9 : memref<128x128xf32, #tpu.memory_space<vmem>>) target(%dma_start3A_53 : memref<128x128xf32, #tpu.memory_space<hbm>>) target_semaphore(%run_scoped3A : memref<!tpu.dma_semaphore, #tpu.memory_space<semaphore_mem>>)
      %dma_wait3A = arith.constant 0 : i32
      %dma_wait3A_54 = tpu.memref_slice %arg6[%arg0, %add3A_36, %dma_wait3A] : memref<2x10240x128xf32, #tpu.memory_space<hbm>> -> memref<1x128x128xf32, #tpu.memory_space<hbm>>
      %dma_wait3A_55 = tpu.memref_squeeze %dma_wait3A_54 : memref<1x128x128xf32, #tpu.memory_space<hbm>> -> memref<128x128xf32, #tpu.memory_space<hbm>>
      %dma_wait3A_56 = arith.constant 0 : i32
      %dma_wait3A_57 = tpu.memref_slice %arg6[%arg0, %add3A_36, %dma_wait3A_56] : memref<2x10240x128xf32, #tpu.memory_space<hbm>> -> memref<1x128x128xf32, #tpu.memory_space<hbm>>
      %dma_wait3A_58 = tpu.memref_squeeze %dma_wait3A_57 : memref<1x128x128xf32, #tpu.memory_space<hbm>> -> memref<128x128xf32, #tpu.memory_space<hbm>>
      tpu.wait_dma2 semaphore(%run_scoped3A : memref<!tpu.dma_semaphore, #tpu.memory_space<semaphore_mem>>) src(%arg9 : memref<128x128xf32, #tpu.memory_space<vmem>>) dst(%dma_wait3A_58 : memref<128x128xf32, #tpu.memory_space<hbm>>)
      tpu.yield
    }) : () -> ()
    %mul3A_37 = arith.constant 640 : i32
    %mul3A_38 = arith.muli %arg1, %mul3A_37 : i32
    %add3A_39 = arith.constant 256 : i32
    %add3A_40 = arith.addi %mul3A_38, %add3A_39 : i32
    "tpu.region"() ({
      %run_scoped3A = tpu.sem_alloc : memref<!tpu.dma_semaphore, #tpu.memory_space<semaphore_mem>>
      %dma_start3A = arith.constant 0 : i32
      %dma_start3A_49 = tpu.memref_slice %arg10[%add3A_40, %dma_start3A] : memref<10240x128xf32, #tpu.memory_space<vmem_shared>> -> memref<128x128xf32, #tpu.memory_space<vmem_shared>>
      %dma_start3A_50 = arith.constant 0 : i32
      %dma_start3A_51 = tpu.memref_slice %arg10[%add3A_40, %dma_start3A_50] : memref<10240x128xf32, #tpu.memory_space<vmem_shared>> -> memref<128x128xf32, #tpu.memory_space<vmem_shared>>
      tpu.enqueue_dma source(%dma_start3A_51 : memref<128x128xf32, #tpu.memory_space<vmem_shared>>) target(%arg9 : memref<128x128xf32, #tpu.memory_space<vmem>>) target_semaphore(%run_scoped3A : memref<!tpu.dma_semaphore, #tpu.memory_space<semaphore_mem>>)
      %dma_wait3A = arith.constant 0 : i32
      %dma_wait3A_52 = tpu.memref_slice %arg10[%add3A_40, %dma_wait3A] : memref<10240x128xf32, #tpu.memory_space<vmem_shared>> -> memref<128x128xf32, #tpu.memory_space<vmem_shared>>
      %dma_wait3A_53 = arith.constant 0 : i32
      %dma_wait3A_54 = tpu.memref_slice %arg10[%add3A_40, %dma_wait3A_53] : memref<10240x128xf32, #tpu.memory_space<vmem_shared>> -> memref<128x128xf32, #tpu.memory_space<vmem_shared>>
      tpu.wait_dma2 semaphore(%run_scoped3A : memref<!tpu.dma_semaphore, #tpu.memory_space<semaphore_mem>>) src(%dma_wait3A_54 : memref<128x128xf32, #tpu.memory_space<vmem_shared>>) dst(%arg9 : memref<128x128xf32, #tpu.memory_space<vmem>>)
      tpu.yield
    }) : () -> ()
    "tpu.region"() ({
      %run_scoped3A = tpu.sem_alloc : memref<!tpu.dma_semaphore, #tpu.memory_space<semaphore_mem>>
      %dma_start3A = arith.constant 0 : i32
      %dma_start3A_49 = tpu.memref_slice %arg6[%arg0, %add3A_40, %dma_start3A] : memref<2x10240x128xf32, #tpu.memory_space<hbm>> -> memref<1x128x128xf32, #tpu.memory_space<hbm>>
      %dma_start3A_50 = tpu.memref_squeeze %dma_start3A_49 : memref<1x128x128xf32, #tpu.memory_space<hbm>> -> memref<128x128xf32, #tpu.memory_space<hbm>>
      %dma_start3A_51 = arith.constant 0 : i32
      %dma_start3A_52 = tpu.memref_slice %arg6[%arg0, %add3A_40, %dma_start3A_51] : memref<2x10240x128xf32, #tpu.memory_space<hbm>> -> memref<1x128x128xf32, #tpu.memory_space<hbm>>
      %dma_start3A_53 = tpu.memref_squeeze %dma_start3A_52 : memref<1x128x128xf32, #tpu.memory_space<hbm>> -> memref<128x128xf32, #tpu.memory_space<hbm>>
      tpu.enqueue_dma source(%arg9 : memref<128x128xf32, #tpu.memory_space<vmem>>) target(%dma_start3A_53 : memref<128x128xf32, #tpu.memory_space<hbm>>) target_semaphore(%run_scoped3A : memref<!tpu.dma_semaphore, #tpu.memory_space<semaphore_mem>>)
      %dma_wait3A = arith.constant 0 : i32
      %dma_wait3A_54 = tpu.memref_slice %arg6[%arg0, %add3A_40, %dma_wait3A] : memref<2x10240x128xf32, #tpu.memory_space<hbm>> -> memref<1x128x128xf32, #tpu.memory_space<hbm>>
      %dma_wait3A_55 = tpu.memref_squeeze %dma_wait3A_54 : memref<1x128x128xf32, #tpu.memory_space<hbm>> -> memref<128x128xf32, #tpu.memory_space<hbm>>
      %dma_wait3A_56 = arith.constant 0 : i32
      %dma_wait3A_57 = tpu.memref_slice %arg6[%arg0, %add3A_40, %dma_wait3A_56] : memref<2x10240x128xf32, #tpu.memory_space<hbm>> -> memref<1x128x128xf32, #tpu.memory_space<hbm>>
      %dma_wait3A_58 = tpu.memref_squeeze %dma_wait3A_57 : memref<1x128x128xf32, #tpu.memory_space<hbm>> -> memref<128x128xf32, #tpu.memory_space<hbm>>
      tpu.wait_dma2 semaphore(%run_scoped3A : memref<!tpu.dma_semaphore, #tpu.memory_space<semaphore_mem>>) src(%arg9 : memref<128x128xf32, #tpu.memory_space<vmem>>) dst(%dma_wait3A_58 : memref<128x128xf32, #tpu.memory_space<hbm>>)
      tpu.yield
    }) : () -> ()
    %mul3A_41 = arith.constant 640 : i32
    %mul3A_42 = arith.muli %arg1, %mul3A_41 : i32
    %add3A_43 = arith.constant 384 : i32
    %add3A_44 = arith.addi %mul3A_42, %add3A_43 : i32
    "tpu.region"() ({
      %run_scoped3A = tpu.sem_alloc : memref<!tpu.dma_semaphore, #tpu.memory_space<semaphore_mem>>
      %dma_start3A = arith.constant 0 : i32
      %dma_start3A_49 = tpu.memref_slice %arg10[%add3A_44, %dma_start3A] : memref<10240x128xf32, #tpu.memory_space<vmem_shared>> -> memref<128x128xf32, #tpu.memory_space<vmem_shared>>
      %dma_start3A_50 = arith.constant 0 : i32
      %dma_start3A_51 = tpu.memref_slice %arg10[%add3A_44, %dma_start3A_50] : memref<10240x128xf32, #tpu.memory_space<vmem_shared>> -> memref<128x128xf32, #tpu.memory_space<vmem_shared>>
      tpu.enqueue_dma source(%dma_start3A_51 : memref<128x128xf32, #tpu.memory_space<vmem_shared>>) target(%arg9 : memref<128x128xf32, #tpu.memory_space<vmem>>) target_semaphore(%run_scoped3A : memref<!tpu.dma_semaphore, #tpu.memory_space<semaphore_mem>>)
      %dma_wait3A = arith.constant 0 : i32
      %dma_wait3A_52 = tpu.memref_slice %arg10[%add3A_44, %dma_wait3A] : memref<10240x128xf32, #tpu.memory_space<vmem_shared>> -> memref<128x128xf32, #tpu.memory_space<vmem_shared>>
      %dma_wait3A_53 = arith.constant 0 : i32
      %dma_wait3A_54 = tpu.memref_slice %arg10[%add3A_44, %dma_wait3A_53] : memref<10240x128xf32, #tpu.memory_space<vmem_shared>> -> memref<128x128xf32, #tpu.memory_space<vmem_shared>>
      tpu.wait_dma2 semaphore(%run_scoped3A : memref<!tpu.dma_semaphore, #tpu.memory_space<semaphore_mem>>) src(%dma_wait3A_54 : memref<128x128xf32, #tpu.memory_space<vmem_shared>>) dst(%arg9 : memref<128x128xf32, #tpu.memory_space<vmem>>)
      tpu.yield
    }) : () -> ()
    "tpu.region"() ({
      %run_scoped3A = tpu.sem_alloc : memref<!tpu.dma_semaphore, #tpu.memory_space<semaphore_mem>>
      %dma_start3A = arith.constant 0 : i32
      %dma_start3A_49 = tpu.memref_slice %arg6[%arg0, %add3A_44, %dma_start3A] : memref<2x10240x128xf32, #tpu.memory_space<hbm>> -> memref<1x128x128xf32, #tpu.memory_space<hbm>>
      %dma_start3A_50 = tpu.memref_squeeze %dma_start3A_49 : memref<1x128x128xf32, #tpu.memory_space<hbm>> -> memref<128x128xf32, #tpu.memory_space<hbm>>
      %dma_start3A_51 = arith.constant 0 : i32
      %dma_start3A_52 = tpu.memref_slice %arg6[%arg0, %add3A_44, %dma_start3A_51] : memref<2x10240x128xf32, #tpu.memory_space<hbm>> -> memref<1x128x128xf32, #tpu.memory_space<hbm>>
      %dma_start3A_53 = tpu.memref_squeeze %dma_start3A_52 : memref<1x128x128xf32, #tpu.memory_space<hbm>> -> memref<128x128xf32, #tpu.memory_space<hbm>>
      tpu.enqueue_dma source(%arg9 : memref<128x128xf32, #tpu.memory_space<vmem>>) target(%dma_start3A_53 : memref<128x128xf32, #tpu.memory_space<hbm>>) target_semaphore(%run_scoped3A : memref<!tpu.dma_semaphore, #tpu.memory_space<semaphore_mem>>)
      %dma_wait3A = arith.constant 0 : i32
      %dma_wait3A_54 = tpu.memref_slice %arg6[%arg0, %add3A_44, %dma_wait3A] : memref<2x10240x128xf32, #tpu.memory_space<hbm>> -> memref<1x128x128xf32, #tpu.memory_space<hbm>>
      %dma_wait3A_55 = tpu.memref_squeeze %dma_wait3A_54 : memref<1x128x128xf32, #tpu.memory_space<hbm>> -> memref<128x128xf32, #tpu.memory_space<hbm>>
      %dma_wait3A_56 = arith.constant 0 : i32
      %dma_wait3A_57 = tpu.memref_slice %arg6[%arg0, %add3A_44, %dma_wait3A_56] : memref<2x10240x128xf32, #tpu.memory_space<hbm>> -> memref<1x128x128xf32, #tpu.memory_space<hbm>>
      %dma_wait3A_58 = tpu.memref_squeeze %dma_wait3A_57 : memref<1x128x128xf32, #tpu.memory_space<hbm>> -> memref<128x128xf32, #tpu.memory_space<hbm>>
      tpu.wait_dma2 semaphore(%run_scoped3A : memref<!tpu.dma_semaphore, #tpu.memory_space<semaphore_mem>>) src(%arg9 : memref<128x128xf32, #tpu.memory_space<vmem>>) dst(%dma_wait3A_58 : memref<128x128xf32, #tpu.memory_space<hbm>>)
      tpu.yield
    }) : () -> ()
    %mul3A_45 = arith.constant 640 : i32
    %mul3A_46 = arith.muli %arg1, %mul3A_45 : i32
    %add3A_47 = arith.constant 512 : i32
    %add3A_48 = arith.addi %mul3A_46, %add3A_47 : i32
    "tpu.region"() ({
      %run_scoped3A = tpu.sem_alloc : memref<!tpu.dma_semaphore, #tpu.memory_space<semaphore_mem>>
      %dma_start3A = arith.constant 0 : i32
      %dma_start3A_49 = tpu.memref_slice %arg10[%add3A_48, %dma_start3A] : memref<10240x128xf32, #tpu.memory_space<vmem_shared>> -> memref<128x128xf32, #tpu.memory_space<vmem_shared>>
      %dma_start3A_50 = arith.constant 0 : i32
      %dma_start3A_51 = tpu.memref_slice %arg10[%add3A_48, %dma_start3A_50] : memref<10240x128xf32, #tpu.memory_space<vmem_shared>> -> memref<128x128xf32, #tpu.memory_space<vmem_shared>>
      tpu.enqueue_dma source(%dma_start3A_51 : memref<128x128xf32, #tpu.memory_space<vmem_shared>>) target(%arg9 : memref<128x128xf32, #tpu.memory_space<vmem>>) target_semaphore(%run_scoped3A : memref<!tpu.dma_semaphore, #tpu.memory_space<semaphore_mem>>)
      %dma_wait3A = arith.constant 0 : i32
      %dma_wait3A_52 = tpu.memref_slice %arg10[%add3A_48, %dma_wait3A] : memref<10240x128xf32, #tpu.memory_space<vmem_shared>> -> memref<128x128xf32, #tpu.memory_space<vmem_shared>>
      %dma_wait3A_53 = arith.constant 0 : i32
      %dma_wait3A_54 = tpu.memref_slice %arg10[%add3A_48, %dma_wait3A_53] : memref<10240x128xf32, #tpu.memory_space<vmem_shared>> -> memref<128x128xf32, #tpu.memory_space<vmem_shared>>
      tpu.wait_dma2 semaphore(%run_scoped3A : memref<!tpu.dma_semaphore, #tpu.memory_space<semaphore_mem>>) src(%dma_wait3A_54 : memref<128x128xf32, #tpu.memory_space<vmem_shared>>) dst(%arg9 : memref<128x128xf32, #tpu.memory_space<vmem>>)
      tpu.yield
    }) : () -> ()
    "tpu.region"() ({
      %run_scoped3A = tpu.sem_alloc : memref<!tpu.dma_semaphore, #tpu.memory_space<semaphore_mem>>
      %dma_start3A = arith.constant 0 : i32
      %dma_start3A_49 = tpu.memref_slice %arg6[%arg0, %add3A_48, %dma_start3A] : memref<2x10240x128xf32, #tpu.memory_space<hbm>> -> memref<1x128x128xf32, #tpu.memory_space<hbm>>
      %dma_start3A_50 = tpu.memref_squeeze %dma_start3A_49 : memref<1x128x128xf32, #tpu.memory_space<hbm>> -> memref<128x128xf32, #tpu.memory_space<hbm>>
      %dma_start3A_51 = arith.constant 0 : i32
      %dma_start3A_52 = tpu.memref_slice %arg6[%arg0, %add3A_48, %dma_start3A_51] : memref<2x10240x128xf32, #tpu.memory_space<hbm>> -> memref<1x128x128xf32, #tpu.memory_space<hbm>>
      %dma_start3A_53 = tpu.memref_squeeze %dma_start3A_52 : memref<1x128x128xf32, #tpu.memory_space<hbm>> -> memref<128x128xf32, #tpu.memory_space<hbm>>
      tpu.enqueue_dma source(%arg9 : memref<128x128xf32, #tpu.memory_space<vmem>>) target(%dma_start3A_53 : memref<128x128xf32, #tpu.memory_space<hbm>>) target_semaphore(%run_scoped3A : memref<!tpu.dma_semaphore, #tpu.memory_space<semaphore_mem>>)
      %dma_wait3A = arith.constant 0 : i32
      %dma_wait3A_54 = tpu.memref_slice %arg6[%arg0, %add3A_48, %dma_wait3A] : memref<2x10240x128xf32, #tpu.memory_space<hbm>> -> memref<1x128x128xf32, #tpu.memory_space<hbm>>
      %dma_wait3A_55 = tpu.memref_squeeze %dma_wait3A_54 : memref<1x128x128xf32, #tpu.memory_space<hbm>> -> memref<128x128xf32, #tpu.memory_space<hbm>>
      %dma_wait3A_56 = arith.constant 0 : i32
      %dma_wait3A_57 = tpu.memref_slice %arg6[%arg0, %add3A_48, %dma_wait3A_56] : memref<2x10240x128xf32, #tpu.memory_space<hbm>> -> memref<1x128x128xf32, #tpu.memory_space<hbm>>
      %dma_wait3A_58 = tpu.memref_squeeze %dma_wait3A_57 : memref<1x128x128xf32, #tpu.memory_space<hbm>> -> memref<128x128xf32, #tpu.memory_space<hbm>>
      tpu.wait_dma2 semaphore(%run_scoped3A : memref<!tpu.dma_semaphore, #tpu.memory_space<semaphore_mem>>) src(%arg9 : memref<128x128xf32, #tpu.memory_space<vmem>>) dst(%dma_wait3A_58 : memref<128x128xf32, #tpu.memory_space<hbm>>)
      tpu.yield
    }) : () -> ()
    return
  }
}

module attributes {stable_mosaic.version = 14 : i64} {
  func.func @_k_first(%arg0: memref<2x10240x1xf32, #tpu.memory_space<vmem>>, %arg1: memref<10240x6xf32, #tpu.memory_space<vmem>>, %arg2: memref<6x128xf32, #tpu.memory_space<vmem>>, %arg3: memref<10240x1xf32, #tpu.memory_space<vmem>>, %arg4: memref<10240x128xf32, #tpu.memory_space<vmem>>) attributes {dimension_semantics = [], scalar_prefetch = 0 : i64, scratch_operands = 0 : i64, tpu.core_type = #tpu.core_type<tc>} {
    %get3A = arith.constant 0 : index
    %get3A_0 = arith.constant 0 : index
    %get3A_1 = arith.constant 0 : index
    %get3A_2 = vector.load %arg0[%get3A, %get3A_0, %get3A_1] : memref<2x10240x1xf32, #tpu.memory_space<vmem>>, vector<1x10240x1xf32>
    %get3A_3 = vector.shape_cast %get3A_2 : vector<1x10240x1xf32> to vector<10240x1xf32>
    %get3A_4 = arith.constant 1 : index
    %get3A_5 = arith.constant 0 : index
    %get3A_6 = arith.constant 0 : index
    %get3A_7 = vector.load %arg0[%get3A_4, %get3A_5, %get3A_6] : memref<2x10240x1xf32, #tpu.memory_space<vmem>>, vector<1x10240x1xf32>
    %get3A_8 = vector.shape_cast %get3A_7 : vector<1x10240x1xf32> to vector<10240x1xf32>
    %add3A = arith.addf %get3A_3, %get3A_8 : vector<10240x1xf32>
    %add3A_9 = arith.constant 1.000000e+00 : f32
    %add3A_10 = vector.broadcast %add3A_9 : f32 to vector<10240x1xf32>
    %add3A_11 = arith.addf %add3A, %add3A_10 : vector<10240x1xf32>
    %rsqrt3A = math.rsqrt %add3A_11 : vector<10240x1xf32>
    %swap3A = arith.constant 0 : index
    %swap3A_12 = arith.constant 0 : index
    %swap3A_13 = vector.load %arg3[%swap3A, %swap3A_12] : memref<10240x1xf32, #tpu.memory_space<vmem>>, vector<10240x1xf32>
    tpu.vector_store %arg3[%swap3A, %swap3A_12], %rsqrt3A {strides = array<i32>} : memref<10240x1xf32, #tpu.memory_space<vmem>>, vector<10240x1xf32>,
    %get3A_14 = arith.constant 0 : index
    %get3A_15 = arith.constant 0 : index
    %get3A_16 = vector.load %arg1[%get3A_14, %get3A_15] : memref<10240x6xf32, #tpu.memory_space<vmem>>, vector<10240x6xf32>
    %get3A_17 = arith.constant 0 : index
    %get3A_18 = arith.constant 0 : index
    %get3A_19 = vector.load %arg2[%get3A_17, %get3A_18] : memref<6x128xf32, #tpu.memory_space<vmem>>, vector<6x128xf32>
    %dot_general3A = arith.constant dense<0.000000e+00> : vector<10240x128xf32>
    %dot_general3A_20 = tpu.matmul %get3A_16, %get3A_19, %dot_general3A {dimension_numbers = #tpu.dot_dimension_numbers<[1], [0], [0], [1], [0, 0, 1, 1], [], []>, transpose_lhs_hint = false} : vector<10240x6xf32>, vector<6x128xf32>, vector<10240x128xf32> -> vector<10240x128xf32>
    %mul3A = vector.broadcast %rsqrt3A : vector<10240x1xf32> to vector<10240x128xf32>
    %mul3A_21 = arith.mulf %dot_general3A_20, %mul3A : vector<10240x128xf32>
    %swap3A_22 = arith.constant 0 : index
    %swap3A_23 = arith.constant 0 : index
    %swap3A_24 = vector.load %arg4[%swap3A_22, %swap3A_23] : memref<10240x128xf32, #tpu.memory_space<vmem>>, vector<10240x128xf32>
    tpu.vector_store %arg4[%swap3A_22, %swap3A_23], %mul3A_21 {strides = array<i32>} : memref<10240x128xf32, #tpu.memory_space<vmem>>, vector<10240x128xf32>,
    return
  }
}

module attributes {stable_mosaic.version = 14 : i64} {
  func.func @_k_mid(%arg0: memref<2x10240x128xf32, #tpu.memory_space<vmem>>, %arg1: memref<10240x128xf32, #tpu.memory_space<vmem>>, %arg2: memref<10240x1xf32, #tpu.memory_space<vmem>>, %arg3: memref<1x128xf32, #tpu.memory_space<vmem>>, %arg4: memref<128x128xf32, #tpu.memory_space<vmem>>, %arg5: memref<10240x128xf32, #tpu.memory_space<vmem>>) attributes {dimension_semantics = [], scalar_prefetch = 0 : i64, scratch_operands = 0 : i64, tpu.core_type = #tpu.core_type<tc>} {
    %get3A = arith.constant 0 : index
    %get3A_0 = arith.constant 0 : index
    %get3A_1 = vector.load %arg2[%get3A, %get3A_0] : memref<10240x1xf32, #tpu.memory_space<vmem>>, vector<10240x1xf32>
    %get3A_2 = arith.constant 0 : index
    %get3A_3 = arith.constant 0 : index
    %get3A_4 = arith.constant 0 : index
    %get3A_5 = vector.load %arg0[%get3A_2, %get3A_3, %get3A_4] : memref<2x10240x128xf32, #tpu.memory_space<vmem>>, vector<1x10240x128xf32>
    %get3A_6 = vector.shape_cast %get3A_5 : vector<1x10240x128xf32> to vector<10240x128xf32>
    %get3A_7 = arith.constant 1 : index
    %get3A_8 = arith.constant 0 : index
    %get3A_9 = arith.constant 0 : index
    %get3A_10 = vector.load %arg0[%get3A_7, %get3A_8, %get3A_9] : memref<2x10240x128xf32, #tpu.memory_space<vmem>>, vector<1x10240x128xf32>
    %get3A_11 = vector.shape_cast %get3A_10 : vector<1x10240x128xf32> to vector<10240x128xf32>
    %add3A = arith.addf %get3A_6, %get3A_11 : vector<10240x128xf32>
    %get3A_12 = arith.constant 0 : index
    %get3A_13 = arith.constant 0 : index
    %get3A_14 = vector.load %arg1[%get3A_12, %get3A_13] : memref<10240x128xf32, #tpu.memory_space<vmem>>, vector<10240x128xf32>
    %add3A_15 = arith.addf %add3A, %get3A_14 : vector<10240x128xf32>
    %mul3A = vector.broadcast %get3A_1 : vector<10240x1xf32> to vector<10240x128xf32>
    %mul3A_16 = arith.mulf %mul3A, %add3A_15 : vector<10240x128xf32>
    %get3A_17 = arith.constant 0 : index
    %get3A_18 = arith.constant 0 : index
    %get3A_19 = vector.load %arg3[%get3A_17, %get3A_18] : memref<1x128xf32, #tpu.memory_space<vmem>>, vector<1x128xf32>
    %add3A_20 = vector.broadcast %get3A_19 : vector<1x128xf32> to vector<10240x128xf32>
    %add3A_21 = arith.addf %mul3A_16, %add3A_20 : vector<10240x128xf32>
    %max3A = arith.constant 0.000000e+00 : f32
    %max3A_22 = vector.broadcast %max3A : f32 to vector<10240x128xf32>
    %max3A_23 = arith.maximumf %add3A_21, %max3A_22 : vector<10240x128xf32>
    %get3A_24 = arith.constant 0 : index
    %get3A_25 = arith.constant 0 : index
    %get3A_26 = vector.load %arg4[%get3A_24, %get3A_25] : memref<128x128xf32, #tpu.memory_space<vmem>>, vector<128x128xf32>
    %dot_general3A = arith.constant dense<0.000000e+00> : vector<10240x128xf32>
    %dot_general3A_27 = tpu.matmul %max3A_23, %get3A_26, %dot_general3A {dimension_numbers = #tpu.dot_dimension_numbers<[1], [0], [0], [1], [0, 0, 1, 1], [], []>, transpose_lhs_hint = false} : vector<10240x128xf32>, vector<128x128xf32>, vector<10240x128xf32> -> vector<10240x128xf32>
    %mul3A_28 = vector.broadcast %get3A_1 : vector<10240x1xf32> to vector<10240x128xf32>
    %mul3A_29 = arith.mulf %dot_general3A_27, %mul3A_28 : vector<10240x128xf32>
    %swap3A = arith.constant 0 : index
    %swap3A_30 = arith.constant 0 : index
    %swap3A_31 = vector.load %arg5[%swap3A, %swap3A_30] : memref<10240x128xf32, #tpu.memory_space<vmem>>, vector<10240x128xf32>
    tpu.vector_store %arg5[%swap3A, %swap3A_30], %mul3A_29 {strides = array<i32>} : memref<10240x128xf32, #tpu.memory_space<vmem>>, vector<10240x128xf32>,
    return
  }
}

module attributes {stable_mosaic.version = 14 : i64} {
  func.func @_k_knn(%arg0: i32, %arg1: memref<256x2xf32, #tpu.memory_space<vmem>>, %arg2: memref<2x2048xf32, #tpu.memory_space<vmem>>, %arg3: memref<2048x3xf32, #tpu.memory_space<vmem>>, %arg4: memref<256x3xf32, #tpu.memory_space<vmem>>) attributes {dimension_semantics = [#tpu.dimension_semantics<arbitrary>], iteration_bounds = array<i64: 40>, scalar_prefetch = 0 : i64, scratch_operands = 0 : i64, tpu.core_type = #tpu.core_type<tc>, window_params = [{transform_indices = @transform_0, window_bounds = array<i64: 256, 2>}, {pipeline_mode = #tpu.pipeline_mode<synchronous>, transform_indices = @transform_1, window_bounds = array<i64: 2, 2048>}, {pipeline_mode = #tpu.pipeline_mode<synchronous>, transform_indices = @transform_2, window_bounds = array<i64: 2048, 3>}, {transform_indices = @transform_3, window_bounds = array<i64: 256, 3>}]} {
    %get3A = arith.constant 0 : index
    %get3A_0 = arith.constant 0 : index
    %get3A_1 = vector.load %arg1[%get3A, %get3A_0] : memref<256x2xf32, #tpu.memory_space<vmem>>, vector<256x2xf32>
    %get3A_2 = arith.constant 0 : index
    %get3A_3 = arith.constant 0 : index
    %get3A_4 = vector.load %arg2[%get3A_2, %get3A_3] : memref<2x2048xf32, #tpu.memory_space<vmem>>, vector<1x2048xf32>
    %get3A_5 = arith.constant 1 : index
    %get3A_6 = arith.constant 0 : index
    %get3A_7 = vector.load %arg2[%get3A_5, %get3A_6] : memref<2x2048xf32, #tpu.memory_space<vmem>>, vector<1x2048xf32>
    %slice3A = vector.extract_strided_slice %get3A_1 {offsets = [0, 0], sizes = [256, 1], strides = [1, 1]} : vector<256x2xf32> to vector<256x1xf32>
    %sub3A = vector.broadcast %slice3A : vector<256x1xf32> to vector<256x2048xf32>
    %sub3A_8 = vector.broadcast %get3A_4 : vector<1x2048xf32> to vector<256x2048xf32>
    %sub3A_9 = arith.subf %sub3A, %sub3A_8 : vector<256x2048xf32>
    %slice3A_10 = vector.extract_strided_slice %get3A_1 {offsets = [0, 1], sizes = [256, 1], strides = [1, 1]} : vector<256x2xf32> to vector<256x1xf32>
    %sub3A_11 = vector.broadcast %slice3A_10 : vector<256x1xf32> to vector<256x2048xf32>
    %sub3A_12 = vector.broadcast %get3A_7 : vector<1x2048xf32> to vector<256x2048xf32>
    %sub3A_13 = arith.subf %sub3A_11, %sub3A_12 : vector<256x2048xf32>
    %mul3A = arith.mulf %sub3A_9, %sub3A_9 : vector<256x2048xf32>
    %mul3A_14 = arith.mulf %sub3A_13, %sub3A_13 : vector<256x2048xf32>
    %add3A = arith.addf %mul3A, %mul3A_14 : vector<256x2048xf32>
    %iota3A = tpu.iota {dimensions = array<i32: 1>} : vector<256x2048xi32>
    %broadcast_in_dim3A = arith.constant 0.000000e+00 : f32
    %broadcast_in_dim3A_15 = vector.broadcast %broadcast_in_dim3A : f32 to vector<256x3xf32>
    %broadcast_in_dim3A_16 = arith.constant 0.000000e+00 : f32
    %broadcast_in_dim3A_17 = vector.broadcast %broadcast_in_dim3A_16 : f32 to vector<256x1xf32>
    %reduce_min3A = arith.constant dense<0x7F800000> : vector<256xf32>
    %reduce_min3A_18 = vector.multi_reduction <minimumf>, %add3A, %reduce_min3A [1] : vector<256x2048xf32> to vector<256xf32>
    %broadcast_in_dim3A_19 = vector.shape_cast %reduce_min3A_18 : vector<256xf32> to vector<256x1xf32>
    %eq3A = vector.broadcast %broadcast_in_dim3A_19 : vector<256x1xf32> to vector<256x2048xf32>
    %eq3A_20 = arith.cmpf oeq, %add3A, %eq3A : vector<256x2048xf32>
    %jit3A = arith.constant 2048 : i32
    %broadcast_in_dim3A_21 = vector.broadcast %jit3A : i32 to vector<256x2048xi32>
    %select_n3A = arith.select %eq3A_20, %iota3A, %broadcast_in_dim3A_21 : vector<256x2048xi1>, vector<256x2048xi32>
    %reduce_min3A_22 = arith.constant dense<2147483647> : vector<256xi32>
    %reduce_min3A_23 = vector.multi_reduction <minsi>, %select_n3A, %reduce_min3A_22 [1] : vector<256x2048xi32> to vector<256xi32>
    %broadcast_in_dim3A_24 = vector.shape_cast %reduce_min3A_23 : vector<256xi32> to vector<256x1xi32>
    %eq3A_25 = vector.broadcast %broadcast_in_dim3A_24 : vector<256x1xi32> to vector<256x2048xi32>
    %eq3A_26 = arith.cmpi eq, %iota3A, %eq3A_25 : vector<256x2048xi32>
    %jit3A_27 = arith.constant 1.000000e+00 : f32
    %jit3A_28 = arith.constant 0.000000e+00 : f32
    %broadcast_in_dim3A_29 = vector.broadcast %jit3A_27 : f32 to vector<256x2048xf32>
    %broadcast_in_dim3A_30 = vector.broadcast %jit3A_28 : f32 to vector<256x2048xf32>
    %select_n3A_31 = arith.select %eq3A_26, %broadcast_in_dim3A_29, %broadcast_in_dim3A_30 : vector<256x2048xi1>, vector<256x2048xf32>
    %max3A = arith.constant 1.000000e-16 : f32
    %max3A_32 = vector.broadcast %max3A : f32 to vector<256x1xf32>
    %max3A_33 = arith.maximumf %broadcast_in_dim3A_19, %max3A_32 : vector<256x1xf32>
    %div3A = arith.constant 1.000000e+00 : f32
    %div3A_34 = vector.broadcast %div3A : f32 to vector<256x1xf32>
    %div3A_35 = arith.divf %div3A_34, %max3A_33 : vector<256x1xf32>
    %get3A_36 = arith.constant 0 : index
    %get3A_37 = arith.constant 0 : index
    %get3A_38 = vector.load %arg3[%get3A_36, %get3A_37] : memref<2048x3xf32, #tpu.memory_space<vmem>>, vector<2048x3xf32>
    %dot_general3A = arith.constant dense<0.000000e+00> : vector<256x3xf32>
    %dot_general3A_39 = tpu.matmul %select_n3A_31, %get3A_38, %dot_general3A {dimension_numbers = #tpu.dot_dimension_numbers<[1], [0], [0], [1], [0, 0, 1, 1], [], []>, transpose_lhs_hint = false} : vector<256x2048xf32>, vector<2048x3xf32>, vector<256x3xf32> -> vector<256x3xf32>
    %mul3A_40 = vector.broadcast %div3A_35 : vector<256x1xf32> to vector<256x3xf32>
    %mul3A_41 = arith.mulf %mul3A_40, %dot_general3A_39 : vector<256x3xf32>
    %add3A_42 = arith.addf %broadcast_in_dim3A_15, %mul3A_41 : vector<256x3xf32>
    %add3A_43 = arith.addf %broadcast_in_dim3A_17, %div3A_35 : vector<256x1xf32>
    %eq3A_44 = vector.broadcast %broadcast_in_dim3A_24 : vector<256x1xi32> to vector<256x2048xi32>
    %eq3A_45 = arith.cmpi eq, %iota3A, %eq3A_44 : vector<256x2048xi32>
    %jit3A_46 = arith.constant 3.000000e+38 : f32
    %broadcast_in_dim3A_47 = vector.broadcast %jit3A_46 : f32 to vector<256x2048xf32>
    %select_n3A_48 = arith.select %eq3A_45, %broadcast_in_dim3A_47, %add3A : vector<256x2048xi1>, vector<256x2048xf32>
    %reduce_min3A_49 = arith.constant dense<0x7F800000> : vector<256xf32>
    %reduce_min3A_50 = vector.multi_reduction <minimumf>, %select_n3A_48, %reduce_min3A_49 [1] : vector<256x2048xf32> to vector<256xf32>
    %broadcast_in_dim3A_51 = vector.shape_cast %reduce_min3A_50 : vector<256xf32> to vector<256x1xf32>
    %eq3A_52 = vector.broadcast %broadcast_in_dim3A_51 : vector<256x1xf32> to vector<256x2048xf32>
    %eq3A_53 = arith.cmpf oeq, %select_n3A_48, %eq3A_52 : vector<256x2048xf32>
    %jit3A_54 = arith.constant 2048 : i32
    %broadcast_in_dim3A_55 = vector.broadcast %jit3A_54 : i32 to vector<256x2048xi32>
    %select_n3A_56 = arith.select %eq3A_53, %iota3A, %broadcast_in_dim3A_55 : vector<256x2048xi1>, vector<256x2048xi32>
    %reduce_min3A_57 = arith.constant dense<2147483647> : vector<256xi32>
    %reduce_min3A_58 = vector.multi_reduction <minsi>, %select_n3A_56, %reduce_min3A_57 [1] : vector<256x2048xi32> to vector<256xi32>
    %broadcast_in_dim3A_59 = vector.shape_cast %reduce_min3A_58 : vector<256xi32> to vector<256x1xi32>
    %eq3A_60 = vector.broadcast %broadcast_in_dim3A_59 : vector<256x1xi32> to vector<256x2048xi32>
    %eq3A_61 = arith.cmpi eq, %iota3A, %eq3A_60 : vector<256x2048xi32>
    %jit3A_62 = arith.constant 1.000000e+00 : f32
    %jit3A_63 = arith.constant 0.000000e+00 : f32
    %broadcast_in_dim3A_64 = vector.broadcast %jit3A_62 : f32 to vector<256x2048xf32>
    %broadcast_in_dim3A_65 = vector.broadcast %jit3A_63 : f32 to vector<256x2048xf32>
    %select_n3A_66 = arith.select %eq3A_61, %broadcast_in_dim3A_64, %broadcast_in_dim3A_65 : vector<256x2048xi1>, vector<256x2048xf32>
    %max3A_67 = arith.constant 1.000000e-16 : f32
    %max3A_68 = vector.broadcast %max3A_67 : f32 to vector<256x1xf32>
    %max3A_69 = arith.maximumf %broadcast_in_dim3A_51, %max3A_68 : vector<256x1xf32>
    %div3A_70 = arith.constant 1.000000e+00 : f32
    %div3A_71 = vector.broadcast %div3A_70 : f32 to vector<256x1xf32>
    %div3A_72 = arith.divf %div3A_71, %max3A_69 : vector<256x1xf32>
    %get3A_73 = arith.constant 0 : index
    %get3A_74 = arith.constant 0 : index
    %get3A_75 = vector.load %arg3[%get3A_73, %get3A_74] : memref<2048x3xf32, #tpu.memory_space<vmem>>, vector<2048x3xf32>
    %dot_general3A_76 = arith.constant dense<0.000000e+00> : vector<256x3xf32>
    %dot_general3A_77 = tpu.matmul %select_n3A_66, %get3A_75, %dot_general3A_76 {dimension_numbers = #tpu.dot_dimension_numbers<[1], [0], [0], [1], [0, 0, 1, 1], [], []>, transpose_lhs_hint = false} : vector<256x2048xf32>, vector<2048x3xf32>, vector<256x3xf32> -> vector<256x3xf32>
    %mul3A_78 = vector.broadcast %div3A_72 : vector<256x1xf32> to vector<256x3xf32>
    %mul3A_79 = arith.mulf %mul3A_78, %dot_general3A_77 : vector<256x3xf32>
    %add3A_80 = arith.addf %add3A_42, %mul3A_79 : vector<256x3xf32>
    %add3A_81 = arith.addf %add3A_43, %div3A_72 : vector<256x1xf32>
    %eq3A_82 = vector.broadcast %broadcast_in_dim3A_59 : vector<256x1xi32> to vector<256x2048xi32>
    %eq3A_83 = arith.cmpi eq, %iota3A, %eq3A_82 : vector<256x2048xi32>
    %jit3A_84 = arith.constant 3.000000e+38 : f32
    %broadcast_in_dim3A_85 = vector.broadcast %jit3A_84 : f32 to vector<256x2048xf32>
    %select_n3A_86 = arith.select %eq3A_83, %broadcast_in_dim3A_85, %select_n3A_48 : vector<256x2048xi1>, vector<256x2048xf32>
    %reduce_min3A_87 = arith.constant dense<0x7F800000> : vector<256xf32>
    %reduce_min3A_88 = vector.multi_reduction <minimumf>, %select_n3A_86, %reduce_min3A_87 [1] : vector<256x2048xf32> to vector<256xf32>
    %broadcast_in_dim3A_89 = vector.shape_cast %reduce_min3A_88 : vector<256xf32> to vector<256x1xf32>
    %eq3A_90 = vector.broadcast %broadcast_in_dim3A_89 : vector<256x1xf32> to vector<256x2048xf32>
    %eq3A_91 = arith.cmpf oeq, %select_n3A_86, %eq3A_90 : vector<256x2048xf32>
    %jit3A_92 = arith.constant 2048 : i32
    %broadcast_in_dim3A_93 = vector.broadcast %jit3A_92 : i32 to vector<256x2048xi32>
    %select_n3A_94 = arith.select %eq3A_91, %iota3A, %broadcast_in_dim3A_93 : vector<256x2048xi1>, vector<256x2048xi32>
    %reduce_min3A_95 = arith.constant dense<2147483647> : vector<256xi32>
    %reduce_min3A_96 = vector.multi_reduction <minsi>, %select_n3A_94, %reduce_min3A_95 [1] : vector<256x2048xi32> to vector<256xi32>
    %broadcast_in_dim3A_97 = vector.shape_cast %reduce_min3A_96 : vector<256xi32> to vector<256x1xi32>
    %eq3A_98 = vector.broadcast %broadcast_in_dim3A_97 : vector<256x1xi32> to vector<256x2048xi32>
    %eq3A_99 = arith.cmpi eq, %iota3A, %eq3A_98 : vector<256x2048xi32>
    %jit3A_100 = arith.constant 1.000000e+00 : f32
    %jit3A_101 = arith.constant 0.000000e+00 : f32
    %broadcast_in_dim3A_102 = vector.broadcast %jit3A_100 : f32 to vector<256x2048xf32>
    %broadcast_in_dim3A_103 = vector.broadcast %jit3A_101 : f32 to vector<256x2048xf32>
    %select_n3A_104 = arith.select %eq3A_99, %broadcast_in_dim3A_102, %broadcast_in_dim3A_103 : vector<256x2048xi1>, vector<256x2048xf32>
    %max3A_105 = arith.constant 1.000000e-16 : f32
    %max3A_106 = vector.broadcast %max3A_105 : f32 to vector<256x1xf32>
    %max3A_107 = arith.maximumf %broadcast_in_dim3A_89, %max3A_106 : vector<256x1xf32>
    %div3A_108 = arith.constant 1.000000e+00 : f32
    %div3A_109 = vector.broadcast %div3A_108 : f32 to vector<256x1xf32>
    %div3A_110 = arith.divf %div3A_109, %max3A_107 : vector<256x1xf32>
    %get3A_111 = arith.constant 0 : index
    %get3A_112 = arith.constant 0 : index
    %get3A_113 = vector.load %arg3[%get3A_111, %get3A_112] : memref<2048x3xf32, #tpu.memory_space<vmem>>, vector<2048x3xf32>
    %dot_general3A_114 = arith.constant dense<0.000000e+00> : vector<256x3xf32>
    %dot_general3A_115 = tpu.matmul %select_n3A_104, %get3A_113, %dot_general3A_114 {dimension_numbers = #tpu.dot_dimension_numbers<[1], [0], [0], [1], [0, 0, 1, 1], [], []>, transpose_lhs_hint = false} : vector<256x2048xf32>, vector<2048x3xf32>, vector<256x3xf32> -> vector<256x3xf32>
    %mul3A_116 = vector.broadcast %div3A_110 : vector<256x1xf32> to vector<256x3xf32>
    %mul3A_117 = arith.mulf %mul3A_116, %dot_general3A_115 : vector<256x3xf32>
    %add3A_118 = arith.addf %add3A_80, %mul3A_117 : vector<256x3xf32>
    %add3A_119 = arith.addf %add3A_81, %div3A_110 : vector<256x1xf32>
    %div3A_120 = vector.broadcast %add3A_119 : vector<256x1xf32> to vector<256x3xf32>
    %div3A_121 = arith.divf %add3A_118, %div3A_120 : vector<256x3xf32>
    %swap3A = arith.constant 0 : index
    %swap3A_122 = arith.constant 0 : index
    %swap3A_123 = vector.load %arg4[%swap3A, %swap3A_122] : memref<256x3xf32, #tpu.memory_space<vmem>>, vector<256x3xf32>
    tpu.vector_store %arg4[%swap3A, %swap3A_122], %div3A_121 {strides = array<i32>} : memref<256x3xf32, #tpu.memory_space<vmem>>, vector<256x3xf32>,
    return
  }
  func.func @transform_0(%arg0: i32) -> (i32, i32) {
    %c0_i32 = arith.constant 0 : i32
    %c0_i32_0 = arith.constant 0 : i32
    return %arg0, %c0_i32 : i32, i32
  }
  func.func @transform_1(%arg0: i32) -> (i32, i32) {
    %c0_i32 = arith.constant 0 : i32
    %c0_i32_0 = arith.constant 0 : i32
    %c0_i32_1 = arith.constant 0 : i32
    return %c0_i32, %c0_i32_0 : i32, i32
  }
  func.func @transform_2(%arg0: i32) -> (i32, i32) {
    %c0_i32 = arith.constant 0 : i32
    %c0_i32_0 = arith.constant 0 : i32
    %c0_i32_1 = arith.constant 0 : i32
    return %c0_i32, %c0_i32_0 : i32, i32
  }
  func.func @transform_3(%arg0: i32) -> (i32, i32) {
    %c0_i32 = arith.constant 0 : i32
    %c0_i32_0 = arith.constant 0 : i32
    return %arg0, %c0_i32 : i32, i32
  }
}

module attributes {stable_mosaic.version = 14 : i64} {
  func.func @_k_mid_y(%arg0: memref<2x10240x128xf32, #tpu.memory_space<vmem>>, %arg1: memref<10240x128xf32, #tpu.memory_space<vmem>>, %arg2: memref<10240x1xf32, #tpu.memory_space<vmem>>, %arg3: memref<1x128xf32, #tpu.memory_space<vmem>>, %arg4: memref<3x128xf32, #tpu.memory_space<vmem>>, %arg5: memref<128x128xf32, #tpu.memory_space<vmem>>, %arg6: memref<10240x3xf32, #tpu.memory_space<vmem>>, %arg7: memref<10240x128xf32, #tpu.memory_space<vmem>>) attributes {dimension_semantics = [], scalar_prefetch = 0 : i64, scratch_operands = 0 : i64, tpu.core_type = #tpu.core_type<tc>} {
    %get3A = arith.constant 0 : index
    %get3A_0 = arith.constant 0 : index
    %get3A_1 = vector.load %arg2[%get3A, %get3A_0] : memref<10240x1xf32, #tpu.memory_space<vmem>>, vector<10240x1xf32>
    %get3A_2 = arith.constant 0 : index
    %get3A_3 = arith.constant 0 : index
    %get3A_4 = arith.constant 0 : index
    %get3A_5 = vector.load %arg0[%get3A_2, %get3A_3, %get3A_4] : memref<2x10240x128xf32, #tpu.memory_space<vmem>>, vector<1x10240x128xf32>
    %get3A_6 = vector.shape_cast %get3A_5 : vector<1x10240x128xf32> to vector<10240x128xf32>
    %get3A_7 = arith.constant 1 : index
    %get3A_8 = arith.constant 0 : index
    %get3A_9 = arith.constant 0 : index
    %get3A_10 = vector.load %arg0[%get3A_7, %get3A_8, %get3A_9] : memref<2x10240x128xf32, #tpu.memory_space<vmem>>, vector<1x10240x128xf32>
    %get3A_11 = vector.shape_cast %get3A_10 : vector<1x10240x128xf32> to vector<10240x128xf32>
    %add3A = arith.addf %get3A_6, %get3A_11 : vector<10240x128xf32>
    %get3A_12 = arith.constant 0 : index
    %get3A_13 = arith.constant 0 : index
    %get3A_14 = vector.load %arg1[%get3A_12, %get3A_13] : memref<10240x128xf32, #tpu.memory_space<vmem>>, vector<10240x128xf32>
    %add3A_15 = arith.addf %add3A, %get3A_14 : vector<10240x128xf32>
    %mul3A = vector.broadcast %get3A_1 : vector<10240x1xf32> to vector<10240x128xf32>
    %mul3A_16 = arith.mulf %mul3A, %add3A_15 : vector<10240x128xf32>
    %get3A_17 = arith.constant 0 : index
    %get3A_18 = arith.constant 0 : index
    %get3A_19 = vector.load %arg3[%get3A_17, %get3A_18] : memref<1x128xf32, #tpu.memory_space<vmem>>, vector<1x128xf32>
    %add3A_20 = vector.broadcast %get3A_19 : vector<1x128xf32> to vector<10240x128xf32>
    %add3A_21 = arith.addf %mul3A_16, %add3A_20 : vector<10240x128xf32>
    %max3A = arith.constant 0.000000e+00 : f32
    %max3A_22 = vector.broadcast %max3A : f32 to vector<10240x128xf32>
    %max3A_23 = arith.maximumf %add3A_21, %max3A_22 : vector<10240x128xf32>
    %get3A_24 = arith.constant 0 : index
    %get3A_25 = arith.constant 0 : index
    %get3A_26 = vector.load %arg6[%get3A_24, %get3A_25] : memref<10240x3xf32, #tpu.memory_space<vmem>>, vector<10240x3xf32>
    %get3A_27 = arith.constant 0 : index
    %get3A_28 = arith.constant 0 : index
    %get3A_29 = vector.load %arg4[%get3A_27, %get3A_28] : memref<3x128xf32, #tpu.memory_space<vmem>>, vector<3x128xf32>
    %dot_general3A = arith.constant dense<0.000000e+00> : vector<10240x128xf32>
    %dot_general3A_30 = tpu.matmul %get3A_26, %get3A_29, %dot_general3A {dimension_numbers = #tpu.dot_dimension_numbers<[1], [0], [0], [1], [0, 0, 1, 1], [], []>, transpose_lhs_hint = false} : vector<10240x3xf32>, vector<3x128xf32>, vector<10240x128xf32> -> vector<10240x128xf32>
    %get3A_31 = arith.constant 0 : index
    %get3A_32 = arith.constant 0 : index
    %get3A_33 = vector.load %arg5[%get3A_31, %get3A_32] : memref<128x128xf32, #tpu.memory_space<vmem>>, vector<128x128xf32>
    %dot_general3A_34 = arith.constant dense<0.000000e+00> : vector<10240x128xf32>
    %dot_general3A_35 = tpu.matmul %max3A_23, %get3A_33, %dot_general3A_34 {dimension_numbers = #tpu.dot_dimension_numbers<[1], [0], [0], [1], [0, 0, 1, 1], [], []>, transpose_lhs_hint = false} : vector<10240x128xf32>, vector<128x128xf32>, vector<10240x128xf32> -> vector<10240x128xf32>
    %add3A_36 = arith.addf %dot_general3A_30, %dot_general3A_35 : vector<10240x128xf32>
    %mul3A_37 = vector.broadcast %get3A_1 : vector<10240x1xf32> to vector<10240x128xf32>
    %mul3A_38 = arith.mulf %add3A_36, %mul3A_37 : vector<10240x128xf32>
    %swap3A = arith.constant 0 : index
    %swap3A_39 = arith.constant 0 : index
    %swap3A_40 = vector.load %arg7[%swap3A, %swap3A_39] : memref<10240x128xf32, #tpu.memory_space<vmem>>, vector<10240x128xf32>
    tpu.vector_store %arg7[%swap3A, %swap3A_39], %mul3A_38 {strides = array<i32>} : memref<10240x128xf32, #tpu.memory_space<vmem>>, vector<10240x128xf32>,
    return
  }
}

module attributes {stable_mosaic.version = 14 : i64} {
  func.func @_k_final(%arg0: memref<2x10240x128xf32, #tpu.memory_space<vmem>>, %arg1: memref<10240x128xf32, #tpu.memory_space<vmem>>, %arg2: memref<10240x1xf32, #tpu.memory_space<vmem>>, %arg3: memref<1x128xf32, #tpu.memory_space<vmem>>, %arg4: memref<10240x128xf32, #tpu.memory_space<vmem>>) attributes {dimension_semantics = [], scalar_prefetch = 0 : i64, scratch_operands = 0 : i64, tpu.core_type = #tpu.core_type<tc>} {
    %get3A = arith.constant 0 : index
    %get3A_0 = arith.constant 0 : index
    %get3A_1 = vector.load %arg2[%get3A, %get3A_0] : memref<10240x1xf32, #tpu.memory_space<vmem>>, vector<10240x1xf32>
    %get3A_2 = arith.constant 0 : index
    %get3A_3 = arith.constant 0 : index
    %get3A_4 = arith.constant 0 : index
    %get3A_5 = vector.load %arg0[%get3A_2, %get3A_3, %get3A_4] : memref<2x10240x128xf32, #tpu.memory_space<vmem>>, vector<1x10240x128xf32>
    %get3A_6 = vector.shape_cast %get3A_5 : vector<1x10240x128xf32> to vector<10240x128xf32>
    %get3A_7 = arith.constant 1 : index
    %get3A_8 = arith.constant 0 : index
    %get3A_9 = arith.constant 0 : index
    %get3A_10 = vector.load %arg0[%get3A_7, %get3A_8, %get3A_9] : memref<2x10240x128xf32, #tpu.memory_space<vmem>>, vector<1x10240x128xf32>
    %get3A_11 = vector.shape_cast %get3A_10 : vector<1x10240x128xf32> to vector<10240x128xf32>
    %add3A = arith.addf %get3A_6, %get3A_11 : vector<10240x128xf32>
    %get3A_12 = arith.constant 0 : index
    %get3A_13 = arith.constant 0 : index
    %get3A_14 = vector.load %arg1[%get3A_12, %get3A_13] : memref<10240x128xf32, #tpu.memory_space<vmem>>, vector<10240x128xf32>
    %add3A_15 = arith.addf %add3A, %get3A_14 : vector<10240x128xf32>
    %mul3A = vector.broadcast %get3A_1 : vector<10240x1xf32> to vector<10240x128xf32>
    %mul3A_16 = arith.mulf %mul3A, %add3A_15 : vector<10240x128xf32>
    %get3A_17 = arith.constant 0 : index
    %get3A_18 = arith.constant 0 : index
    %get3A_19 = vector.load %arg3[%get3A_17, %get3A_18] : memref<1x128xf32, #tpu.memory_space<vmem>>, vector<1x128xf32>
    %add3A_20 = vector.broadcast %get3A_19 : vector<1x128xf32> to vector<10240x128xf32>
    %add3A_21 = arith.addf %mul3A_16, %add3A_20 : vector<10240x128xf32>
    %swap3A = arith.constant 0 : index
    %swap3A_22 = arith.constant 0 : index
    %swap3A_23 = vector.load %arg4[%swap3A, %swap3A_22] : memref<10240x128xf32, #tpu.memory_space<vmem>>, vector<10240x128xf32>
    tpu.vector_store %arg4[%swap3A, %swap3A_22], %add3A_21 {strides = array<i32>} : memref<10240x128xf32, #tpu.memory_space<vmem>>, vector<10240x128xf32>,
    return
  }
}

</mosaic_0001>

<sc_bundles>
// kernel: kernel.17.cloned.1.call-start
scs
__scs_entry_jumppad:
0x0: {  	(pc) =	sbr.rel $0x88, $3  }
0x1: {  	(tag) =	ssettag $0x0;
	lr =	simm.s32 $0x1  }
0x2: {  	[smem:$0x3F90] =	sst lr;
	_ =	strace $0xD0000000  }
0x3: {  	_ = 	snop  }
0x4: {  	_ = 	snop  }
0x5: {  	_ = 	snop  }
0x6: {  	_ = 	snop  }
0x7: {  	_ = 	snop  }
__scs_overlays_trampoline_lowered:
0x8: {  	[smem:$0x3F9F] =	sst s0  }
0x9: {  	[smem:$0x3FA0] =	sst s1  }
0xa: {  	[smem:$0x3FA1] =	sst s2  }
0xb: {  	[smem:$0x3FA2] =	sst s3  }
0xc: {  	[smem:$0x3FA3] =	sst s4  }
0xd: {  	[smem:$0x3FA4] =	sst s5  }
0xe: {  	[smem:$0x3FA5] =	sst s6  }
0xf: {  	[smem:$0x3FA6] =	sst s7  }
0x10: {  	[smem:$0x3FA7] =	sst s8  }
0x11: {  	[smem:$0x3FA8] =	sst s9;
	s0 =	simm.s32 @!p0 $0x0  }
0x12: {  	s1 =	sld [smem:$0x3F8E];
	s0 =	simm.s32 @p0 $0x1  }
0x13: {  	[smem:$0x3FA9] =	sst s0;
	s0 =	simm.s32 @!p1 $0x0  }
0x14: {  	s2 =	sld [smem:$0x3F8D];
	s0 =	simm.s32 @p1 $0x1  }
0x15: {  	[smem:$0x3FAA] =	sst s0;
	s0 =	simm.s32 @!p2 $0x0  }
0x16: {  	s3 =	sld [smem:$0x3FDB];
	s0 =	simm.s32 @p2 $0x1  }
0x17: {  	s4 =	simm.s32 $0x1BF5;
	[smem:$0x3FAC] =	sst s0  }
0x18: {  	s0 =	sld [smem:$0x3F8F];
	_ =	swait.ge [sflag:s4], $0x0  }
0x19: {  	s7 =	sld [smem:$0x3F90]  }
0x1a: {  	s8 =	sadd.s32 $0xFFFFE003, lr  }
0x1b: {  	s9 =	sadd.s32 $0xFFFFFEF7, lr;
	s5 =	simm.s32 $0xFFFFFFFF;
	p2 =	slt.u32 s8, $0xFFFFF086  }
0x1c: {  	p1 =	slt.u32 s9, $0xF7A;
	s5 =	simm.s32 @!p2 $0x0  }
0x1d: {  	s5 =	simm.s32 @p1 $0x1;
	p0 =	seq.s32 s7, s2  }
0x1e: {  	s7 =	smul.u32 @!p0 $0xF7A, s2;
	p2 =	seq.s32 @!p0 s5, $0x0  }
0x1f: {  	s9 =	smul.u32 $0xF7A, s1;
	s8 =	simm.s32 @!p0 $0x1BF5;
	p2 =	por !p2, p0  }
0x20: {  	[sflag:s8] =	ssyncset.s32 @!p0 $0xFFFFF086;
	s6 =	sadd.s32 @!p0 s3, s7;
	s7 =	simm.s32 @!p0 $0x108  }
0x21: {  	s3 =	sadd.s32 s3, s9;
	s6 =	sadd.s32 @!p0 $0x88, s6;
	s7 =	simm.s32 @p2 $0x1082  }
0x22: {  	[simem:s7], [sflag:s8] =	dma.local @!p0 [hbm:s6], $0xF7A  }
0x23: {  	s9 =	sor.u32 $0xD0000000, s2;
	s6 =	simm.s32 $0x108;
	_ =	swait.ge @!p0 [sflag:s8], $0x0  }
0x24: {  	s3 =	sadd.s32 $0x88, s3;
	s6 =	simm.s32 @!p1 $0x1082;
	[sflag:s4] =	ssyncset.s32 $0xFFFFF086  }
0x25: {  	[simem:s6], [sflag:s4] =	dma.local [hbm:s3], $0xF7A  }
0x26: {  	[smem:$0x3F90] =	sst s1;
	(tag) =	ssettag s2;
	_ =	strace s9  }
0x27: {  	s1 =	sld [smem:$0x3FA0]  }
0x28: {  	s2 =	sld [smem:$0x3FA1]  }
0x29: {  	s4 =	sld [smem:$0x3FA3]  }
0x2a: {  	p0 =	seq.s32 s5, $0x0;
	s5 =	sld [smem:$0x3FA4]  }
0x2b: {  	s6 =	sld [smem:$0x3FA5]  }
0x2c: {  	s7 =	sld [smem:$0x3FA6]  }
0x2d: {  	s3 =	simm.s32 $0x108;
	s8 =	sld [smem:$0x3FA7]  }
0x2e: {  	s3 =	simm.s32 @!p0 $0x1082;
	s9 =	sld [smem:$0x3FA8]  }
0x2f: {  	lr =	sadd.s32 s0, s3;
	s0 =	sld [smem:$0x3F9F]  }
0x30: {  	s3 =	sld [smem:$0x3FA2]  }
0x31: {  	[smem:$0x3FAB] =	sst s10  }
0x32: {  	s10 =	sld [smem:$0x3FA9];
	_ =	sdelay $0x3  }
0x33: {  	p0 =	seq.s32 s10, $0x1;
	s10 =	sld [smem:$0x3FAB];
	_ =	sdelay $0x3  }
0x34: {  	[smem:$0x3FAB] =	sst s10  }
0x35: {  	s10 =	sld [smem:$0x3FAA];
	_ =	sdelay $0x3  }
0x36: {  	p1 =	seq.s32 s10, $0x1;
	s10 =	sld [smem:$0x3FAB];
	_ =	sdelay $0x3  }
0x37: {  	[smem:$0x3FAB] =	sst s10  }
0x38: {  	s10 =	sld [smem:$0x3FAC]  }
0x39: {  	_ = 	snop;
	(pc) =	sbr.ind lr, $3  }
0x3a: {  	_ = 	snop  }
0x3b: {  	_ = 	snop  }
0x3c: {  	p2 =	seq.s32 s10, $0x1;
	s10 =	sld [smem:$0x3FAB]  }
0x3d: {  	_ =	shalt  }
0x3e: {  	_ =	shalt  }
0x3f: {  	_ =	shalt  }
0x40: {  	_ =	shalt  }
0x41: {  	_ =	shalt  }
0x42: {  	_ =	shalt  }
0x43: {  	_ =	shalt  }
0x44: {  	_ =	shalt  }
0x45: {  	_ =	shalt  }
0x46: {  	_ =	shalt  }
0x47: {  	_ =	shalt  }
0x48: {  	_ =	shalt  }
0x49: {  	_ =	shalt  }
0x4a: {  	_ =	shalt  }
0x4b: {  	_ =	shalt  }
0x4c: {  	_ =	shalt  }
0x4d: {  	_ =	shalt  }
0x4e: {  	_ =	shalt  }
0x4f: {  	_ =	shalt  }
0x50: {  	_ =	shalt  }
0x51: {  	_ =	shalt  }
0x52: {  	_ =	shalt  }
0x53: {  	_ =	shalt  }
0x54: {  	_ =	shalt  }
0x55: {  	_ =	shalt  }
0x56: {  	_ =	shalt  }
0x57: {  	_ =	shalt  }
0x58: {  	_ =	shalt  }
0x59: {  	_ =	shalt  }
0x5a: {  	_ =	shalt  }
0x5b: {  	_ =	shalt  }
0x5c: {  	_ =	shalt  }
0x5d: {  	_ =	shalt  }
0x5e: {  	_ =	shalt  }
0x5f: {  	_ =	shalt  }
0x60: {  	_ =	shalt  }
0x61: {  	_ =	shalt  }
0x62: {  	_ =	shalt  }
0x63: {  	_ =	shalt  }
0x64: {  	_ =	shalt  }
0x65: {  	_ =	shalt  }
0x66: {  	_ =	shalt  }
0x67: {  	_ =	shalt  }
0x68: {  	_ =	shalt  }
0x69: {  	_ =	shalt  }
0x6a: {  	_ =	shalt  }
0x6b: {  	_ =	shalt  }
0x6c: {  	_ =	shalt  }
0x6d: {  	_ =	shalt  }
0x6e: {  	_ =	shalt  }
0x6f: {  	_ =	shalt  }
0x70: {  	_ =	shalt  }
0x71: {  	_ =	shalt  }
0x72: {  	_ =	shalt  }
0x73: {  	_ =	shalt  }
0x74: {  	_ =	shalt  }
0x75: {  	_ =	shalt  }
0x76: {  	_ =	shalt  }
0x77: {  	_ =	shalt  }
0x78: {  	_ =	shalt  }
0x79: {  	_ =	shalt  }
0x7a: {  	_ =	shalt  }
0x7b: {  	_ =	shalt  }
0x7c: {  	_ =	shalt  }
0x7d: {  	_ =	shalt  }
0x7e: {  	_ =	shalt  }
0x7f: {  	_ =	shalt  }
0x80: {  	_ =	shalt  }
0x81: {  	_ =	shalt  }
0x82: {  	_ =	shalt  }
0x83: {  	_ =	shalt  }
0x84: {  	_ =	shalt  }
0x85: {  	_ =	shalt  }
0x86: {  	_ =	shalt  }
0x87: {  	_ =	shalt  }
.Lfunc_end0:
.L_simem_size_0:
called_computation_lowered:
.L_overlay_start_0:
0x88: {  	s2 =	sld [smem:$0x3FD9]  }
0x89: {  	s3 =	sld [smem:$0x3FFE];
	_ =	sdelay $0x1  }
0x8a: {  	s1 =	srdreg.scid  }
0x8b: {  	s0 =	sand.u32 $0x1, s1  }
0x8c: {  	s17 =	sshll.u32 s0, $0xA;
	s2 =	sadd.s32 s3, s2  }
0x8d: {  	s2 =	sadd.s32 s2, s17  }
0x8e: {  	[smem:$0x3FB7] =	sst s2  }
0x8f: {  	_ = 	snop  }
0x90: {  	s2 =	sld [smem:$0x3FD0];
	(tm) =	ssettm $0x1  }
0x91: {  	s18 =	sld [smem:$0x3FFB];
	_ =	sdelay $0x3  }
0x92: {  	_ =	strace s18  }
0x93: {  	s3 =	sld [smem:$0x3FFC];
	_ =	sdelay $0x3  }
0x94: {  	_ =	strace s3  }
0x95: {  	s3 =	sld [smem:$0x3FFD];
	_ =	sdelay $0x3  }
0x96: {  	_ =	strace s3  }
0x97: {  	_ =	strace $0x8FFFFFFF  }
0x98: {  	s19 =	sld [smem:$0x3FDB];
	_ =	sdelay $0x1  }
0x99: {  	s4 =	simm.s32 $_scs_section_size  }
0x9a: {  	s5 =	simm.s32 $_size__tile_overlayer_lowered;
	s6 =	simm.s32 $_tile_overlayer_lowered  }
0x9b: {  	s22 =	simm.s32 $0x1BFF;
	s21 =	sshll.u32 s6, $0x1;
	s3 =	sadd.s32 s4, s19  }
0x9c: {  	s7 =	simm.s32 $0x0;
	s20 =	sshll.u32 s5, $0x1;
	s5 =	sadd.s32 s21, s3  }
0x9d: {  	[timem:s7], [sflag:s22] =	dma.local [hbm:s5], s20  }
0x9e: {  	_ =	swait.ge [sflag:s22], s20  }
0x9f: {  	s4 =	ssub.s32 $0x0, s20;
	[sflag:s22] =	ssyncset.done $0x0  }
0xa0: {  	[sflag:s22] =	ssyncadd.s32 s4;
	_ =	sdelay $0x1  }
0xa1: {  	s23 =	simm.s32 $0x1B8B  }
0xa2: {  	_ =	swait.ge [sflag:s23], $0x1  }
0xa3: {  	[sflag:s23] =	ssyncset.done $0x0  }
0xa4: {  	s25 =	simm.s32 $0x1B8E;
	s24 =	sld [smem:$0x3FFE];
	[sflag:s23] =	ssyncadd.s32 $0xFFFFFFFF  }
0xa5: {  	s26 =	simm.s32 $execute0_lowered;
	[smem:$0x3FD2] =	sst s25  }
0xa6: {  	s5 =	sshll.u32 s26, $0x1;
	_ =	strace $0x80000046;
	[dreg:$0x1] =	wrdreg $0xFFFFFFFF  }
0xa7: {  	s28 =	simm.s32 $_size_execute0_lowered;
	s3 =	sadd.s32 s3, s5;
	[dreg:$0x0] =	wrdreg $0x0  }
0xa8: {  	s5 =	sshll.u32 s28, $0x1;
	[dreg:$0x2] =	wrdreg s3  }
0xa9: {  	[dreg:$0x3] =	wrdreg s5  }
0xaa: {  	[dreg:$0x4] =	wrdreg $0xC0  }
0xab: {  	_ =	task [dreg:s7], $0x5FFFF  }
0xac: {  	[dreg:$0x1] =	wrdreg $0xFFFFFFFF  }
0xad: {  	[dreg:$0x0] =	wrdreg $0x60  }
0xae: {  	[dreg:$0x2] =	wrdreg s24  }
0xaf: {  	[dreg:$0x3] =	wrdreg s2  }
0xb0: {  	[dreg:$0x4] =	wrdreg $0x3800  }
0xb1: {  	[dreg:$0x5] =	wrdreg $0x9  }
0xb2: {  	_ =	task.clear_ibuf [dreg:s7], $0x6FFFF;
	_ =	strace $0x90000046  }
0xb3: {  	s29 =	simm.s32 $0x9;
	_ =	strace $0x80000048  }
0xb4: {  	_ =	swait.ge [sflag:s29], $0x1  }
0xb5: {  	[sflag:s29] =	ssyncadd.s32 $0xFFFFFFFF  }
0xb6: {  	_ =	strace $0x90000048  }
0xb7: {  	_ =	sfence  }
0xb8: {  	s30 =	sld [smem:$0x0];
	_ =	sdelay $0x2  }
0xb9: {  	s31 =	sshll.u32 s1, $0xD;
	s1 =	sshrl.u32 s1, $0x2  }
0xba: {  	s3 =	sand.u32 $0x4000, s31;
	s1 =	sadd.s32 s1, s30  }
0xbb: {  	s0 =	sor.u32 s3, s0;
	s1 =	sshll.u32 s1, $0x11  }
0xbc: {  	s0 =	sor.u32 s1, s0  }
0xbd: {  	s0 =	sadd.s32 $0x8F2B, s0  }
0xbe: {  	[sflag:s0] =	ssyncadd.remote.s32 $0x1  }
0xbf: {  	_ =	sfence.sel $0xFFFF  }
0xc0: {  	[dreg:$0x0] =	wrdreg $0xFFFFFFFF;
	(pc) =	sbr.abs _section_cstart, $3  }
0xc1: {  	[dreg:$0x1] =	wrdreg $0xFFFFFFFF  }
0xc2: {  	_ =	task.clear_ibuf [dreg:s7], $0x2FFFF;
	_ =	strace $0x9FFFFFFF  }
0xc3: {  	(tm) =	ssettm $0x7FFFFFFF  }
tec
execute0_lowered:
.L_overlay_start_1:
0x0: {  	(tag) =	ssettag $0x1  }
0x1: {  	s5 =	rddreg [dreg:$0x0]  }
0x2: {  	s7 =	rddreg [dreg:$0x1]  }
0x3: {  	s2 =	rddreg [dreg:$0x2];
	s1 =	stileid.u32  }
0x4: {  	s0 =	rddreg [dreg:$0x3];
	s6 =	smul.u32 $0x9E0, s1  }
0x5: {  	s3 =	simm.s32 $0x0;
	s28 =	srdreg.scid;
	s9 =	smul.u32 $0x500, s1  }
0x6: {  	[smem:$0x7FF] =	sst s3;
	s4 =	sadd.s32 $0x19000, s5;
	s11 =	smul.u32 $0xA00, s1  }
0x7: {  	_ =	strace $0x80000047;
	s8 =	sadd.s32 s6, s5;
	s5 =	sadd.s32 $0x19200, s5  }
0x8: {  	s6 =	sand.u32 $0x1, s28;
	s30 =	sshrl.u32 s11, $0x2;
	s11 =	simm.s32 $0x1  }
0x9: {  	s10 =	ssub.s32 $0x2, s6;
	s12 =	sshll.u32 s6, $0x7;
	s29 =	smul.u32 $0x4F0, s6  }
0xa: {  	s6 =	sadd.s32 s30, s2;
	s13 =	sshrl.u32 s10, $0x1;
	s9 =	sor.u32 s12, s9  }
0xb: {  	s12 =	simm.s32 $0x80;
	s10 =	ssub.s32 s10, s13;
	s9 =	sshrl.u32 s9, $0x3  }
0xc: {  	s31 =	sadd.s32 s29, s8;
	s13 =	simm.s32 $0x0;
	s7 =	sadd.s32 s7, s9  }
0xd: {  	s8 =	smax.u32 s10, $0x1;
	s9 =	sadd.s32 $0x5400, s31;
	s10 =	simm.s32 $0x100  }
.LBB2_1:
0xe: {  	[tilespmem:s10], [sflag:$0x1] =	stream.linear.gather [hbm4b:s5+s3], $0x280, $0x38;
	[tilespmem:$0x600] =	vst v63  }
0xf: {  	_ =	swait.ge [sflag:s11], $0x280  }
0x10: {  	[sflag:s11] =	ssyncset.done $0x0  }
0x11: {  	[sflag:s11] =	ssyncadd.s32 $0xFFFFFD80  }
0x12: {  	[spmem:s6] =	stream.linear.scatter [tilespmem:s10], [sflag:$0x1], $0x280, $0x38;
	[tilespmem:$0x600] =	vst v63  }
0x13: {  	_ =	swait.ge [sflag:s11], $0x280  }
0x14: {  	[sflag:s11] =	ssyncset.done $0x0  }
0x15: {  	[sflag:s11] =	ssyncadd.s32 $0xFFFFFD80  }
0x16: {  	[bflag:$0x0] =	sbarrier.arrive $0xFFFF  }
0x17: {  	[tilespmem:s12], [sflag:$0x1] =	stream.linear.gather [hbm4b:s4+s3], $0x80, $0x38;
	[tilespmem:$0x600] =	vst v63  }
0x18: {  	_ =	swait.ge [sflag:s11], $0x80  }
0x19: {  	[sflag:s11] =	ssyncset.done $0x0  }
0x1a: {  	s14 =	sadd.s32 $0x0, s9;
	[sflag:s11] =	ssyncadd.s32 $0xFFFFFF80  }
0x1b: {  	[tilespmem:s3], [sflag:$0x1] =	stream.linear.gather [hbm4b:s14+s3], $0x80, $0x38;
	[tilespmem:$0x600] =	vst v63  }
0x1c: {  	_ =	swait.ge [sflag:s11], $0x80  }
0x1d: {  	[sflag:s11] =	ssyncset.done $0x0  }
0x1e: {  	[sflag:s11] =	ssyncadd.s32 $0xFFFFFF80  }
0x1f: {  	[spmem:s2] =	stream.indirect.scatter.add.f32 [tilespmem:s12], [sflag:$0x1], $0x1, s3, s12, $0xb8;
	[tilespmem:$0x600] =	vst v63  }
0x20: {  	_ =	swait.ge [sflag:s11], $0x80  }
0x21: {  	s15 =	simm.s32 $0x20;
	s14 =	simm.s32 $0x10;
	[sflag:s11] =	ssyncset.done $0x0  }
.LBB2_2:
0x22: {  	s16 =	sadd.s32 s14, s9  }
0x23: {  	[sflag:s11] =	ssyncadd.s32 $0xFFFFFF80;
	s14 =	smov.u32 s15;
	s17 =	sadd.s32 $0x10, s15  }
0x24: {  	[tilespmem:s3], [sflag:$0x1] =	stream.linear.gather [hbm4b:s16+s3], $0x80, $0x38;
	[tilespmem:$0x600] =	vst v63  }
0x25: {  	p0 =	sne.s32 s15, $0x4E0;
	_ =	swait.ge [sflag:s11], $0x80  }
.Ltmp0:
0x26: {  	[sflag:s11] =	ssyncset.done $0x0;
	(pc) =	sbr.rel @p0 .LBB2_2-.Ltmp0, $4  }
0x27: {  	[sflag:s11] =	ssyncadd.s32 $0xFFFFFF80  }
0x28: {  	[spmem:s2] =	stream.indirect.scatter.add.f32 [tilespmem:s12], [sflag:$0x1], $0x1, s3, s12, $0xb8;
	[tilespmem:$0x600] =	vst v63  }
0x29: {  	_ =	swait.ge [sflag:s11], $0x80  }
0x2a: {  	s15 =	smov.u32 s17;
	[sflag:s11] =	ssyncset.done $0x0  }
0x2b: {  	s14 =	sadd.s32 s14, s9;
	[sflag:s11] =	ssyncadd.s32 $0xFFFFFF80  }
0x2c: {  	[tilespmem:s3], [sflag:$0x1] =	stream.linear.gather [hbm4b:s14+s3], $0x80, $0x38;
	[tilespmem:$0x600] =	vst v63  }
0x2d: {  	_ =	swait.ge [sflag:s11], $0x80  }
0x2e: {  	[sflag:s11] =	ssyncset.done $0x0  }
0x2f: {  	[sflag:s11] =	ssyncadd.s32 $0xFFFFFF80  }
0x30: {  	[spmem:s2] =	stream.indirect.scatter.add.f32 [tilespmem:s12], [sflag:$0x1], $0x1, s3, s12, $0xb8;
	[tilespmem:$0x600] =	vst v63  }
0x31: {  	_ =	swait.ge [sflag:s11], $0x80  }
0x32: {  	[sflag:s11] =	ssyncset.done $0x0  }
0x33: {  	[sflag:s11] =	ssyncadd.s32 $0xFFFFFF80  }
0x34: {  	[bflag:$0x0] =	sbarrier.arrive $0xFFFF  }
0x35: {  	[tilespmem:s10], [sflag:$0x1] =	stream.linear.gather [spmem:s6], $0x280, $0x38;
	[tilespmem:$0x600] =	vst v63  }
0x36: {  	s13 =	sadd.s32 $0x1, s13;
	_ =	swait.ge [sflag:s11], $0x280  }
0x37: {  	p0 =	sne.s32 s13, s8;
	[sflag:s11] =	ssyncset.done $0x0  }
.Ltmp1:
0x38: {  	[sflag:s11] =	ssyncadd.s32 $0xFFFFFD80;
	(pc) =	sbr.rel @p0 .LBB2_1-.Ltmp1, $4  }
0x39: {  	[hbm4b:s7+s12] =	stream.strided.scatter [tilespmem:s10], [sflag:$0x1], $0x280, s10, s12, $0x38;
	[tilespmem:$0x600] =	vst v63  }
0x3a: {  	_ =	swait.ge [sflag:s11], $0x280  }
0x3b: {  	[sflag:s11] =	ssyncset.done $0x0  }
0x3c: {  	[sflag:s11] =	ssyncadd.s32 $0xFFFFFD80  }
0x3d: {  	_ =	sfence.sel $0x180000  }
0x3e: {  	[bflag:$0x0] =	sbarrier.arrive $0xFFFF  }
0x3f: {  	p0 =	sne.s32 s1, $0x0;
	_ =	strace $0x90000047  }
0x40: {  	s0 =	sadd.s32 @!p0 $0x100000, s0;
	[bflag:$0x2] =	sbarrier.arrive $0xFFFF  }
0x41: {  	[sflag:s0] =	ssyncadd.tile.s32 @!p0 $0x1;
	_ =	shalt  }
.Lfunc_end2:
_tile_overlayer_lowered:
.L_overlay_start_2:
0x42: {  	(tag) =	ssettag $0x2  }
0x43: {  	s0 =	rddreg [dreg:$0x0];
	s2 =	stileid.u32  }
0x44: {  	s1 =	rddreg [dreg:$0x1];
	p0 =	sne.s32 s2, $0x0  }
0x45: {  	s3 =	rddreg [dreg:$0x2];
	[bflag:$0x3] =	sbarrier.arrive $0xFFFF;
	s2 =	simm.s32 @!p0 $0x1C01  }
0x46: {  	[timem:s3], [sflag:s2] =	dma.local @!p0 [hbm:s0], s1  }
0x47: {  	s0 =	simm.s32 @!p0 $0x1  }
0x48: {  	_ =	swait.ge @!p0 [sflag:s0], s1  }
0x49: {  	s1 =	ssub.s32 @!p0 $0x0, s1;
	[sflag:s0] =	ssyncset.done @!p0 $0x0  }
0x4a: {  	[sflag:s0] =	ssyncadd.s32 @!p0 s1  }
0x4b: {  	[bflag:$0x3] =	sbarrier.arrive $0xFFFF  }
0x4c: {  	_ =	shalt  }

// kernel: kernel.20.cloned.1.call-start
scs
__scs_entry_jumppad:
0x0: {  	(pc) =	sbr.rel $0x88, $3  }
0x1: {  	(tag) =	ssettag $0x0;
	lr =	simm.s32 $0x1  }
0x2: {  	[smem:$0x3F90] =	sst lr;
	_ =	strace $0xD0000000  }
0x3: {  	_ = 	snop  }
0x4: {  	_ = 	snop  }
0x5: {  	_ = 	snop  }
0x6: {  	_ = 	snop  }
0x7: {  	_ = 	snop  }
__scs_overlays_trampoline_lowered:
0x8: {  	[smem:$0x3F9F] =	sst s0  }
0x9: {  	[smem:$0x3FA0] =	sst s1  }
0xa: {  	[smem:$0x3FA1] =	sst s2  }
0xb: {  	[smem:$0x3FA2] =	sst s3  }
0xc: {  	[smem:$0x3FA3] =	sst s4  }
0xd: {  	[smem:$0x3FA4] =	sst s5  }
0xe: {  	[smem:$0x3FA5] =	sst s6  }
0xf: {  	[smem:$0x3FA6] =	sst s7  }
0x10: {  	[smem:$0x3FA7] =	sst s8  }
0x11: {  	[smem:$0x3FA8] =	sst s9;
	s0 =	simm.s32 @!p0 $0x0  }
0x12: {  	s1 =	sld [smem:$0x3F8E];
	s0 =	simm.s32 @p0 $0x1  }
0x13: {  	[smem:$0x3FA9] =	sst s0;
	s0 =	simm.s32 @!p1 $0x0  }
0x14: {  	s2 =	sld [smem:$0x3F8D];
	s0 =	simm.s32 @p1 $0x1  }
0x15: {  	[smem:$0x3FAA] =	sst s0;
	s0 =	simm.s32 @!p2 $0x0  }
0x16: {  	s3 =	sld [smem:$0x3FDB];
	s0 =	simm.s32 @p2 $0x1  }
0x17: {  	s4 =	simm.s32 $0x1BF5;
	[smem:$0x3FAC] =	sst s0  }
0x18: {  	s0 =	sld [smem:$0x3F8F];
	_ =	swait.ge [sflag:s4], $0x0  }
0x19: {  	s7 =	sld [smem:$0x3F90]  }
0x1a: {  	s8 =	sadd.s32 $0xFFFFE003, lr  }
0x1b: {  	s9 =	sadd.s32 $0xFFFFFEF7, lr;
	s5 =	simm.s32 $0xFFFFFFFF;
	p2 =	slt.u32 s8, $0xFFFFF086  }
0x1c: {  	p1 =	slt.u32 s9, $0xF7A;
	s5 =	simm.s32 @!p2 $0x0  }
0x1d: {  	s5 =	simm.s32 @p1 $0x1;
	p0 =	seq.s32 s7, s2  }
0x1e: {  	s7 =	smul.u32 @!p0 $0xF7A, s2;
	p2 =	seq.s32 @!p0 s5, $0x0  }
0x1f: {  	s9 =	smul.u32 $0xF7A, s1;
	s8 =	simm.s32 @!p0 $0x1BF5;
	p2 =	por !p2, p0  }
0x20: {  	[sflag:s8] =	ssyncset.s32 @!p0 $0xFFFFF086;
	s6 =	sadd.s32 @!p0 s3, s7;
	s7 =	simm.s32 @!p0 $0x108  }
0x21: {  	s3 =	sadd.s32 s3, s9;
	s6 =	sadd.s32 @!p0 $0x88, s6;
	s7 =	simm.s32 @p2 $0x1082  }
0x22: {  	[simem:s7], [sflag:s8] =	dma.local @!p0 [hbm:s6], $0xF7A  }
0x23: {  	s9 =	sor.u32 $0xD0000000, s2;
	s6 =	simm.s32 $0x108;
	_ =	swait.ge @!p0 [sflag:s8], $0x0  }
0x24: {  	s3 =	sadd.s32 $0x88, s3;
	s6 =	simm.s32 @!p1 $0x1082;
	[sflag:s4] =	ssyncset.s32 $0xFFFFF086  }
0x25: {  	[simem:s6], [sflag:s4] =	dma.local [hbm:s3], $0xF7A  }
0x26: {  	[smem:$0x3F90] =	sst s1;
	(tag) =	ssettag s2;
	_ =	strace s9  }
0x27: {  	s1 =	sld [smem:$0x3FA0]  }
0x28: {  	s2 =	sld [smem:$0x3FA1]  }
0x29: {  	s4 =	sld [smem:$0x3FA3]  }
0x2a: {  	p0 =	seq.s32 s5, $0x0;
	s5 =	sld [smem:$0x3FA4]  }
0x2b: {  	s6 =	sld [smem:$0x3FA5]  }
0x2c: {  	s7 =	sld [smem:$0x3FA6]  }
0x2d: {  	s3 =	simm.s32 $0x108;
	s8 =	sld [smem:$0x3FA7]  }
0x2e: {  	s3 =	simm.s32 @!p0 $0x1082;
	s9 =	sld [smem:$0x3FA8]  }
0x2f: {  	lr =	sadd.s32 s0, s3;
	s0 =	sld [smem:$0x3F9F]  }
0x30: {  	s3 =	sld [smem:$0x3FA2]  }
0x31: {  	[smem:$0x3FAB] =	sst s10  }
0x32: {  	s10 =	sld [smem:$0x3FA9];
	_ =	sdelay $0x3  }
0x33: {  	p0 =	seq.s32 s10, $0x1;
	s10 =	sld [smem:$0x3FAB];
	_ =	sdelay $0x3  }
0x34: {  	[smem:$0x3FAB] =	sst s10  }
0x35: {  	s10 =	sld [smem:$0x3FAA];
	_ =	sdelay $0x3  }
0x36: {  	p1 =	seq.s32 s10, $0x1;
	s10 =	sld [smem:$0x3FAB];
	_ =	sdelay $0x3  }
0x37: {  	[smem:$0x3FAB] =	sst s10  }
0x38: {  	s10 =	sld [smem:$0x3FAC]  }
0x39: {  	_ = 	snop;
	(pc) =	sbr.ind lr, $3  }
0x3a: {  	_ = 	snop  }
0x3b: {  	_ = 	snop  }
0x3c: {  	p2 =	seq.s32 s10, $0x1;
	s10 =	sld [smem:$0x3FAB]  }
0x3d: {  	_ =	shalt  }
0x3e: {  	_ =	shalt  }
0x3f: {  	_ =	shalt  }
0x40: {  	_ =	shalt  }
0x41: {  	_ =	shalt  }
0x42: {  	_ =	shalt  }
0x43: {  	_ =	shalt  }
0x44: {  	_ =	shalt  }
0x45: {  	_ =	shalt  }
0x46: {  	_ =	shalt  }
0x47: {  	_ =	shalt  }
0x48: {  	_ =	shalt  }
0x49: {  	_ =	shalt  }
0x4a: {  	_ =	shalt  }
0x4b: {  	_ =	shalt  }
0x4c: {  	_ =	shalt  }
0x4d: {  	_ =	shalt  }
0x4e: {  	_ =	shalt  }
0x4f: {  	_ =	shalt  }
0x50: {  	_ =	shalt  }
0x51: {  	_ =	shalt  }
0x52: {  	_ =	shalt  }
0x53: {  	_ =	shalt  }
0x54: {  	_ =	shalt  }
0x55: {  	_ =	shalt  }
0x56: {  	_ =	shalt  }
0x57: {  	_ =	shalt  }
0x58: {  	_ =	shalt  }
0x59: {  	_ =	shalt  }
0x5a: {  	_ =	shalt  }
0x5b: {  	_ =	shalt  }
0x5c: {  	_ =	shalt  }
0x5d: {  	_ =	shalt  }
0x5e: {  	_ =	shalt  }
0x5f: {  	_ =	shalt  }
0x60: {  	_ =	shalt  }
0x61: {  	_ =	shalt  }
0x62: {  	_ =	shalt  }
0x63: {  	_ =	shalt  }
0x64: {  	_ =	shalt  }
0x65: {  	_ =	shalt  }
0x66: {  	_ =	shalt  }
0x67: {  	_ =	shalt  }
0x68: {  	_ =	shalt  }
0x69: {  	_ =	shalt  }
0x6a: {  	_ =	shalt  }
0x6b: {  	_ =	shalt  }
0x6c: {  	_ =	shalt  }
0x6d: {  	_ =	shalt  }
0x6e: {  	_ =	shalt  }
0x6f: {  	_ =	shalt  }
0x70: {  	_ =	shalt  }
0x71: {  	_ =	shalt  }
0x72: {  	_ =	shalt  }
0x73: {  	_ =	shalt  }
0x74: {  	_ =	shalt  }
0x75: {  	_ =	shalt  }
0x76: {  	_ =	shalt  }
0x77: {  	_ =	shalt  }
0x78: {  	_ =	shalt  }
0x79: {  	_ =	shalt  }
0x7a: {  	_ =	shalt  }
0x7b: {  	_ =	shalt  }
0x7c: {  	_ =	shalt  }
0x7d: {  	_ =	shalt  }
0x7e: {  	_ =	shalt  }
0x7f: {  	_ =	shalt  }
0x80: {  	_ =	shalt  }
0x81: {  	_ =	shalt  }
0x82: {  	_ =	shalt  }
0x83: {  	_ =	shalt  }
0x84: {  	_ =	shalt  }
0x85: {  	_ =	shalt  }
0x86: {  	_ =	shalt  }
0x87: {  	_ =	shalt  }
.Lfunc_end0:
.L_simem_size_0:
called_computation.1_lowered:
.L_overlay_start_0:
0x88: {  	s2 =	sld [smem:$0x3FD9]  }
0x89: {  	s3 =	sld [smem:$0x3FFE];
	_ =	sdelay $0x1  }
0x8a: {  	s1 =	srdreg.scid  }
0x8b: {  	s0 =	sand.u32 $0x1, s1  }
0x8c: {  	s17 =	sshll.u32 s0, $0xA;
	s2 =	sadd.s32 s3, s2  }
0x8d: {  	s2 =	sadd.s32 s2, s17  }
0x8e: {  	[smem:$0x3FB7] =	sst s2  }
0x8f: {  	_ = 	snop  }
0x90: {  	s2 =	sld [smem:$0x3FD0];
	(tm) =	ssettm $0x1  }
0x91: {  	s18 =	sld [smem:$0x3FFB];
	_ =	sdelay $0x3  }
0x92: {  	_ =	strace s18  }
0x93: {  	s3 =	sld [smem:$0x3FFC];
	_ =	sdelay $0x3  }
0x94: {  	_ =	strace s3  }
0x95: {  	s3 =	sld [smem:$0x3FFD];
	_ =	sdelay $0x3  }
0x96: {  	_ =	strace s3  }
0x97: {  	_ =	strace $0x8FFFFFFF  }
0x98: {  	s19 =	sld [smem:$0x3FDB];
	_ =	sdelay $0x1  }
0x99: {  	s4 =	simm.s32 $_scs_section_size  }
0x9a: {  	s5 =	simm.s32 $_size__tile_overlayer_lowered;
	s6 =	simm.s32 $_tile_overlayer_lowered  }
0x9b: {  	s22 =	simm.s32 $0x1BFF;
	s21 =	sshll.u32 s6, $0x1;
	s3 =	sadd.s32 s4, s19  }
0x9c: {  	s7 =	simm.s32 $0x0;
	s20 =	sshll.u32 s5, $0x1;
	s5 =	sadd.s32 s21, s3  }
0x9d: {  	[timem:s7], [sflag:s22] =	dma.local [hbm:s5], s20  }
0x9e: {  	_ =	swait.ge [sflag:s22], s20  }
0x9f: {  	s4 =	ssub.s32 $0x0, s20;
	[sflag:s22] =	ssyncset.done $0x0  }
0xa0: {  	[sflag:s22] =	ssyncadd.s32 s4;
	_ =	sdelay $0x1  }
0xa1: {  	s23 =	simm.s32 $0x1B8B  }
0xa2: {  	_ =	swait.ge [sflag:s23], $0x1  }
0xa3: {  	[sflag:s23] =	ssyncset.done $0x0  }
0xa4: {  	s25 =	simm.s32 $0x1B8E;
	s24 =	sld [smem:$0x3FFE];
	[sflag:s23] =	ssyncadd.s32 $0xFFFFFFFF  }
0xa5: {  	s26 =	simm.s32 $execute0_lowered;
	[smem:$0x3FD2] =	sst s25  }
0xa6: {  	s5 =	sshll.u32 s26, $0x1;
	_ =	strace $0x80000049;
	[dreg:$0x1] =	wrdreg $0xFFFFFFFF  }
0xa7: {  	s28 =	simm.s32 $_size_execute0_lowered;
	s3 =	sadd.s32 s3, s5;
	[dreg:$0x0] =	wrdreg $0x0  }
0xa8: {  	s5 =	sshll.u32 s28, $0x1;
	[dreg:$0x2] =	wrdreg s3  }
0xa9: {  	[dreg:$0x3] =	wrdreg s5  }
0xaa: {  	[dreg:$0x4] =	wrdreg $0xC0  }
0xab: {  	_ =	task [dreg:s7], $0x5FFFF  }
0xac: {  	[dreg:$0x1] =	wrdreg $0xFFFFFFFF  }
0xad: {  	[dreg:$0x0] =	wrdreg $0x60  }
0xae: {  	[dreg:$0x2] =	wrdreg s24  }
0xaf: {  	[dreg:$0x3] =	wrdreg s2  }
0xb0: {  	[dreg:$0x4] =	wrdreg $0x41000  }
0xb1: {  	[dreg:$0x5] =	wrdreg $0x9  }
0xb2: {  	_ =	task.clear_ibuf [dreg:s7], $0x6FFFF;
	_ =	strace $0x90000049  }
0xb3: {  	s29 =	simm.s32 $0x9;
	_ =	strace $0x8000004B  }
0xb4: {  	_ =	swait.ge [sflag:s29], $0x1  }
0xb5: {  	[sflag:s29] =	ssyncadd.s32 $0xFFFFFFFF  }
0xb6: {  	_ =	strace $0x9000004B  }
0xb7: {  	_ =	sfence  }
0xb8: {  	s30 =	sld [smem:$0x0];
	_ =	sdelay $0x2  }
0xb9: {  	s31 =	sshll.u32 s1, $0xD;
	s1 =	sshrl.u32 s1, $0x2  }
0xba: {  	s3 =	sand.u32 $0x4000, s31;
	s1 =	sadd.s32 s1, s30  }
0xbb: {  	s0 =	sor.u32 s3, s0;
	s1 =	sshll.u32 s1, $0x11  }
0xbc: {  	s0 =	sor.u32 s1, s0  }
0xbd: {  	s0 =	sadd.s32 $0x8F2B, s0  }
0xbe: {  	[sflag:s0] =	ssyncadd.remote.s32 $0x1  }
0xbf: {  	_ =	sfence.sel $0xFFFF  }
0xc0: {  	[dreg:$0x0] =	wrdreg $0xFFFFFFFF;
	(pc) =	sbr.abs _section_cstart, $3  }
0xc1: {  	[dreg:$0x1] =	wrdreg $0xFFFFFFFF  }
0xc2: {  	_ =	task.clear_ibuf [dreg:s7], $0x2FFFF;
	_ =	strace $0x9FFFFFFF  }
0xc3: {  	(tm) =	ssettm $0x7FFFFFFF  }
tec
execute0_lowered:
.L_overlay_start_1:
0x0: {  	(tag) =	ssettag $0x1  }
0x1: {  	s6 =	rddreg [dreg:$0x0]  }
0x2: {  	s1 =	rddreg [dreg:$0x1]  }
0x3: {  	s3 =	rddreg [dreg:$0x2]  }
0x4: {  	s0 =	rddreg [dreg:$0x3]  }
0x5: {  	s4 =	simm.s32 $0x0;
	s2 =	stileid.u32;
	s8 =	srdreg.scid  }
0x6: {  	s22 =	simm.s32 $0x1;
	s23 =	simm.s32 $0x0;
	s7 =	smul.u32 $0x9E0, s2  }
0x7: {  	[smem:$0x7FF] =	sst s4;
	s5 =	sadd.s32 $0x19000, s6;
	s24 =	smul.u32 $0x50000, s2  }
0x8: {  	s13 =	sand.u32 $0x1, s8;
	s10 =	smul.u32 $0x14000, s2;
	s16 =	sadd.s32 $0x41000, s6  }
0x9: {  	_ =	strace $0x8000004A;
	s25 =	ssub.s32 $0x2, s13;
	s19 =	smul.u32 $0x140000, s13  }
0xa: {  	s28 =	smul.u32 $0x4F0, s13;
	s15 =	sadd.s32 s7, s6;
	s26 =	sshrl.u32 s25, $0x1  }
0xb: {  	s8 =	sshrl.u32 s24, $0x2;
	s11 =	sadd.s32 $0x4000, s10;
	s14 =	sadd.s32 $0x8000, s10  }
0xc: {  	s18 =	sadd.s32 $0xC000, s10;
	s20 =	sadd.s32 $0x10000, s10;
	s17 =	ssub.s32 s25, s26  }
0xd: {  	s6 =	sadd.s32 s8, s3;
	s7 =	sadd.s32 s11, s3;
	s8 =	sadd.s32 s14, s3  }
0xe: {  	s9 =	sadd.s32 s18, s3;
	s12 =	sadd.s32 s10, s19;
	s11 =	sadd.s32 s19, s11  }
0xf: {  	s10 =	sadd.s32 s20, s3;
	s14 =	sadd.s32 s19, s14;
	s18 =	sadd.s32 s19, s18  }
0x10: {  	s30 =	sadd.s32 s19, s20;
	s31 =	sadd.s32 s28, s15;
	s19 =	simm.s32 $0x100  }
0x11: {  	s20 =	simm.s32 $0x2;
	s12 =	sshrl.u32 s12, $0x3;
	s21 =	sshrl.u32 s11, $0x3  }
0x12: {  	s14 =	sshrl.u32 s14, $0x3;
	s29 =	sshrl.u32 s18, $0x3;
	s18 =	sshrl.u32 s30, $0x3  }
0x13: {  	s11 =	sadd.s32 s16, s12;
	s12 =	sadd.s32 s16, s21;
	s13 =	sadd.s32 s16, s14  }
0x14: {  	s14 =	sadd.s32 s16, s29;
	s15 =	sadd.s32 s16, s18;
	s16 =	smax.u32 s17, $0x1  }
0x15: {  	s17 =	sadd.s32 $0xF200, s31;
	s18 =	sadd.s32 $0x5400, s31;
	s21 =	simm.s32 $0x80  }
.LBB2_1:
0x16: {  	[tilespmem:s19], [sflag:$0x2] =	stream.linear.gather [hbm4b:s1+s4], $0x4000, $0x38;
	[tilespmem:$0x18100] =	vst v63  }
0x17: {  	_ =	swait.ge [sflag:s20], $0x4000  }
0x18: {  	[sflag:s20] =	ssyncset.done $0x0  }
0x19: {  	[sflag:s20] =	ssyncadd.s32 $0xFFFFC000  }
0x1a: {  	[spmem:s6] =	stream.linear.scatter [tilespmem:s19], [sflag:$0x2], $0x4000, $0x38;
	[tilespmem:$0x18100] =	vst v63  }
0x1b: {  	_ =	swait.ge [sflag:s20], $0x4000  }
0x1c: {  	[sflag:s20] =	ssyncset.done $0x0  }
0x1d: {  	[sflag:s20] =	ssyncadd.s32 $0xFFFFC000  }
0x1e: {  	[spmem:s7] =	stream.linear.scatter [tilespmem:s19], [sflag:$0x2], $0x4000, $0x38;
	[tilespmem:$0x18100] =	vst v63  }
0x1f: {  	_ =	swait.ge [sflag:s20], $0x4000  }
0x20: {  	[sflag:s20] =	ssyncset.done $0x0  }
0x21: {  	[sflag:s20] =	ssyncadd.s32 $0xFFFFC000  }
0x22: {  	[spmem:s8] =	stream.linear.scatter [tilespmem:s19], [sflag:$0x2], $0x4000, $0x38;
	[tilespmem:$0x18100] =	vst v63  }
0x23: {  	_ =	swait.ge [sflag:s20], $0x4000  }
0x24: {  	[sflag:s20] =	ssyncset.done $0x0  }
0x25: {  	[sflag:s20] =	ssyncadd.s32 $0xFFFFC000  }
0x26: {  	[spmem:s9] =	stream.linear.scatter [tilespmem:s19], [sflag:$0x2], $0x4000, $0x38;
	[tilespmem:$0x18100] =	vst v63  }
0x27: {  	_ =	swait.ge [sflag:s20], $0x4000  }
0x28: {  	[sflag:s20] =	ssyncset.done $0x0  }
0x29: {  	[sflag:s20] =	ssyncadd.s32 $0xFFFFC000  }
0x2a: {  	[spmem:s10] =	stream.linear.scatter [tilespmem:s19], [sflag:$0x2], $0x4000, $0x38;
	[tilespmem:$0x18100] =	vst v63  }
0x2b: {  	_ =	swait.ge [sflag:s20], $0x4000  }
0x2c: {  	[sflag:s20] =	ssyncset.done $0x0  }
0x2d: {  	[sflag:s20] =	ssyncadd.s32 $0xFFFFC000  }
0x2e: {  	s24 =	sadd.s32 $0x0, s18;
	[bflag:$0x0] =	sbarrier.arrive $0xFFFF  }
0x2f: {  	[tilespmem:s21], [sflag:$0x2] =	stream.linear.gather [hbm4b:s24+s4], $0x80, $0x38;
	[tilespmem:$0x18100] =	vst v63  }
0x30: {  	_ =	swait.ge [sflag:s20], $0x80  }
0x31: {  	[sflag:s20] =	ssyncset.done $0x0  }
0x32: {  	s31 =	sadd.s32 $0x0, s17;
	[sflag:s20] =	ssyncadd.s32 $0xFFFFFF80  }
0x33: {  	[tilespmem:s4], [sflag:$0x2] =	stream.linear.gather [hbm4b:s31+s4], $0x80, $0x38;
	[tilespmem:$0x18100] =	vst v63  }
0x34: {  	_ =	swait.ge [sflag:s20], $0x80  }
0x35: {  	[sflag:s20] =	ssyncset.done $0x0  }
0x36: {  	[sflag:s20] =	ssyncadd.s32 $0xFFFFFF80  }
0x37: {  	[tilespmem:s19], [sflag:$0x1] =	stream.indirect.gather [hbm4b:s5+s21], $0x80, s4, s21, $0xb8;
	[tilespmem:$0x18100] =	vst v63  }
0x38: {  	_ =	swait.ge [sflag:s22], $0x4000  }
0x39: {  	[sflag:s22] =	ssyncset.done $0x0  }
0x3a: {  	[sflag:s22] =	ssyncadd.s32 $0xFFFFC000  }
0x3b: {  	[spmem:s3] =	stream.indirect.scatter.add.f32 [tilespmem:s19], [sflag:$0x2], $0x80, s21, s21, $0xb8;
	[tilespmem:$0x18100] =	vst v63  }
0x3c: {  	_ =	swait.ge [sflag:s20], $0x4000  }
0x3d: {  	s25 =	simm.s32 $0x20;
	s24 =	simm.s32 $0x10;
	[sflag:s20] =	ssyncset.done $0x0  }
.LBB2_2:
0x3e: {  	s26 =	sadd.s32 s24, s18  }
0x3f: {  	[sflag:s20] =	ssyncadd.s32 $0xFFFFC000;
	s28 =	smov.u32 s25;
	s29 =	sadd.s32 $0x10, s25  }
0x40: {  	[tilespmem:s21], [sflag:$0x2] =	stream.linear.gather [hbm4b:s26+s4], $0x80, $0x38;
	[tilespmem:$0x18100] =	vst v63  }
0x41: {  	p0 =	sne.s32 s25, $0x4E0;
	_ =	swait.ge [sflag:s20], $0x80  }
0x42: {  	[sflag:s20] =	ssyncset.done $0x0  }
0x43: {  	s25 =	sadd.s32 s24, s17;
	s24 =	smov.u32 s28;
	[sflag:s20] =	ssyncadd.s32 $0xFFFFFF80  }
0x44: {  	[tilespmem:s4], [sflag:$0x2] =	stream.linear.gather [hbm4b:s25+s4], $0x80, $0x38;
	[tilespmem:$0x18100] =	vst v63  }
0x45: {  	_ =	swait.ge [sflag:s20], $0x80  }
0x46: {  	[sflag:s20] =	ssyncset.done $0x0  }
0x47: {  	[sflag:s20] =	ssyncadd.s32 $0xFFFFFF80  }
0x48: {  	[tilespmem:s19], [sflag:$0x1] =	stream.indirect.gather [hbm4b:s5+s21], $0x80, s4, s21, $0xb8;
	[tilespmem:$0x18100] =	vst v63  }
0x49: {  	_ =	swait.ge [sflag:s22], $0x4000  }
.Ltmp0:
0x4a: {  	[sflag:s22] =	ssyncset.done $0x0;
	(pc) =	sbr.rel @p0 .LBB2_2-.Ltmp0, $4  }
0x4b: {  	[sflag:s22] =	ssyncadd.s32 $0xFFFFC000  }
0x4c: {  	[spmem:s3] =	stream.indirect.scatter.add.f32 [tilespmem:s19], [sflag:$0x2], $0x80, s21, s21, $0xb8;
	[tilespmem:$0x18100] =	vst v63  }
0x4d: {  	_ =	swait.ge [sflag:s20], $0x4000  }
0x4e: {  	s25 =	smov.u32 s29;
	[sflag:s20] =	ssyncset.done $0x0  }
0x4f: {  	s25 =	sadd.s32 s24, s18;
	[sflag:s20] =	ssyncadd.s32 $0xFFFFC000  }
0x50: {  	[tilespmem:s21], [sflag:$0x2] =	stream.linear.gather [hbm4b:s25+s4], $0x80, $0x38;
	[tilespmem:$0x18100] =	vst v63  }
0x51: {  	_ =	swait.ge [sflag:s20], $0x80  }
0x52: {  	[sflag:s20] =	ssyncset.done $0x0  }
0x53: {  	s31 =	sadd.s32 s24, s17;
	[sflag:s20] =	ssyncadd.s32 $0xFFFFFF80  }
0x54: {  	[tilespmem:s4], [sflag:$0x2] =	stream.linear.gather [hbm4b:s31+s4], $0x80, $0x38;
	[tilespmem:$0x18100] =	vst v63  }
0x55: {  	_ =	swait.ge [sflag:s20], $0x80  }
0x56: {  	[sflag:s20] =	ssyncset.done $0x0  }
0x57: {  	[sflag:s20] =	ssyncadd.s32 $0xFFFFFF80  }
0x58: {  	[tilespmem:s19], [sflag:$0x1] =	stream.indirect.gather [hbm4b:s5+s21], $0x80, s4, s21, $0xb8;
	[tilespmem:$0x18100] =	vst v63  }
0x59: {  	_ =	swait.ge [sflag:s22], $0x4000  }
0x5a: {  	[sflag:s22] =	ssyncset.done $0x0  }
0x5b: {  	[sflag:s22] =	ssyncadd.s32 $0xFFFFC000  }
0x5c: {  	[spmem:s3] =	stream.indirect.scatter.add.f32 [tilespmem:s19], [sflag:$0x2], $0x80, s21, s21, $0xb8;
	[tilespmem:$0x18100] =	vst v63  }
0x5d: {  	_ =	swait.ge [sflag:s20], $0x4000  }
0x5e: {  	[sflag:s20] =	ssyncset.done $0x0  }
0x5f: {  	[sflag:s20] =	ssyncadd.s32 $0xFFFFC000  }
0x60: {  	[bflag:$0x0] =	sbarrier.arrive $0xFFFF  }
0x61: {  	[tilespmem:s19], [sflag:$0x2] =	stream.linear.gather [spmem:s6], $0x4000, $0x38;
	[tilespmem:$0x18100] =	vst v63  }
0x62: {  	_ =	swait.ge [sflag:s20], $0x4000  }
0x63: {  	[sflag:s20] =	ssyncset.done $0x0  }
0x64: {  	[sflag:s20] =	ssyncadd.s32 $0xFFFFC000  }
0x65: {  	[hbm4b:s11+s4] =	stream.linear.scatter [tilespmem:s19], [sflag:$0x2], $0x4000, $0x38;
	[tilespmem:$0x18100] =	vst v63  }
0x66: {  	_ =	swait.ge [sflag:s20], $0x4000  }
0x67: {  	[sflag:s20] =	ssyncset.done $0x0  }
0x68: {  	[sflag:s20] =	ssyncadd.s32 $0xFFFFC000  }
0x69: {  	[tilespmem:s19], [sflag:$0x2] =	stream.linear.gather [spmem:s7], $0x4000, $0x38;
	[tilespmem:$0x18100] =	vst v63  }
0x6a: {  	_ =	swait.ge [sflag:s20], $0x4000  }
0x6b: {  	[sflag:s20] =	ssyncset.done $0x0  }
0x6c: {  	[sflag:s20] =	ssyncadd.s32 $0xFFFFC000  }
0x6d: {  	[hbm4b:s12+s4] =	stream.linear.scatter [tilespmem:s19], [sflag:$0x2], $0x4000, $0x38;
	[tilespmem:$0x18100] =	vst v63  }
0x6e: {  	_ =	swait.ge [sflag:s20], $0x4000  }
0x6f: {  	[sflag:s20] =	ssyncset.done $0x0  }
0x70: {  	[sflag:s20] =	ssyncadd.s32 $0xFFFFC000  }
0x71: {  	[tilespmem:s19], [sflag:$0x2] =	stream.linear.gather [spmem:s8], $0x4000, $0x38;
	[tilespmem:$0x18100] =	vst v63  }
0x72: {  	_ =	swait.ge [sflag:s20], $0x4000  }
0x73: {  	[sflag:s20] =	ssyncset.done $0x0  }
0x74: {  	[sflag:s20] =	ssyncadd.s32 $0xFFFFC000  }
0x75: {  	[hbm4b:s13+s4] =	stream.linear.scatter [tilespmem:s19], [sflag:$0x2], $0x4000, $0x38;
	[tilespmem:$0x18100] =	vst v63  }
0x76: {  	_ =	swait.ge [sflag:s20], $0x4000  }
0x77: {  	[sflag:s20] =	ssyncset.done $0x0  }
0x78: {  	[sflag:s20] =	ssyncadd.s32 $0xFFFFC000  }
0x79: {  	[tilespmem:s19], [sflag:$0x2] =	stream.linear.gather [spmem:s9], $0x4000, $0x38;
	[tilespmem:$0x18100] =	vst v63  }
0x7a: {  	_ =	swait.ge [sflag:s20], $0x4000  }
0x7b: {  	[sflag:s20] =	ssyncset.done $0x0  }
0x7c: {  	[sflag:s20] =	ssyncadd.s32 $0xFFFFC000  }
0x7d: {  	[hbm4b:s14+s4] =	stream.linear.scatter [tilespmem:s19], [sflag:$0x2], $0x4000, $0x38;
	[tilespmem:$0x18100] =	vst v63  }
0x7e: {  	_ =	swait.ge [sflag:s20], $0x4000  }
0x7f: {  	[sflag:s20] =	ssyncset.done $0x0  }
0x80: {  	[sflag:s20] =	ssyncadd.s32 $0xFFFFC000  }
0x81: {  	[tilespmem:s19], [sflag:$0x2] =	stream.linear.gather [spmem:s10], $0x4000, $0x38;
	[tilespmem:$0x18100] =	vst v63  }
0x82: {  	s23 =	sadd.s32 $0x1, s23;
	_ =	swait.ge [sflag:s20], $0x4000  }
0x83: {  	p0 =	sne.s32 s23, s16;
	[sflag:s20] =	ssyncset.done $0x0  }
.Ltmp1:
0x84: {  	[sflag:s20] =	ssyncadd.s32 $0xFFFFC000;
	(pc) =	sbr.rel @p0 .LBB2_1-.Ltmp1, $4  }
0x85: {  	[hbm4b:s15+s4] =	stream.linear.scatter [tilespmem:s19], [sflag:$0x2], $0x4000, $0x38;
	[tilespmem:$0x18100] =	vst v63  }
0x86: {  	_ =	swait.ge [sflag:s20], $0x4000  }
0x87: {  	[sflag:s20] =	ssyncset.done $0x0  }
0x88: {  	[sflag:s20] =	ssyncadd.s32 $0xFFFFC000  }
0x89: {  	_ =	sfence.sel $0x180000  }
0x8a: {  	[bflag:$0x0] =	sbarrier.arrive $0xFFFF  }
0x8b: {  	p0 =	sne.s32 s2, $0x0;
	_ =	strace $0x9000004A  }
0x8c: {  	s0 =	sadd.s32 @!p0 $0x100000, s0;
	[bflag:$0x2] =	sbarrier.arrive $0xFFFF  }
0x8d: {  	[sflag:s0] =	ssyncadd.tile.s32 @!p0 $0x1;
	_ =	shalt  }
.Lfunc_end2:
_tile_overlayer_lowered:
.L_overlay_start_2:
0x8e: {  	(tag) =	ssettag $0x2  }
0x8f: {  	s0 =	rddreg [dreg:$0x0];
	s2 =	stileid.u32  }
0x90: {  	s1 =	rddreg [dreg:$0x1];
	p0 =	sne.s32 s2, $0x0  }
0x91: {  	s3 =	rddreg [dreg:$0x2];
	[bflag:$0x3] =	sbarrier.arrive $0xFFFF;
	s2 =	simm.s32 @!p0 $0x1C02  }
0x92: {  	[timem:s3], [sflag:s2] =	dma.local @!p0 [hbm:s0], s1  }
0x93: {  	s0 =	simm.s32 @!p0 $0x2  }
0x94: {  	_ =	swait.ge @!p0 [sflag:s0], s1  }
0x95: {  	s1 =	ssub.s32 @!p0 $0x0, s1;
	[sflag:s0] =	ssyncset.done @!p0 $0x0  }
0x96: {  	[sflag:s0] =	ssyncadd.s32 @!p0 s1  }
0x97: {  	[bflag:$0x3] =	sbarrier.arrive $0xFFFF  }
0x98: {  	_ =	shalt  }

// kernel: kernel.23.cloned.1.call-start
scs
__scs_entry_jumppad:
0x0: {  	(pc) =	sbr.rel $0x88, $3  }
0x1: {  	(tag) =	ssettag $0x0;
	lr =	simm.s32 $0x1  }
0x2: {  	[smem:$0x3F90] =	sst lr;
	_ =	strace $0xD0000000  }
0x3: {  	_ = 	snop  }
0x4: {  	_ = 	snop  }
0x5: {  	_ = 	snop  }
0x6: {  	_ = 	snop  }
0x7: {  	_ = 	snop  }
__scs_overlays_trampoline_lowered:
0x8: {  	[smem:$0x3F9F] =	sst s0  }
0x9: {  	[smem:$0x3FA0] =	sst s1  }
0xa: {  	[smem:$0x3FA1] =	sst s2  }
0xb: {  	[smem:$0x3FA2] =	sst s3  }
0xc: {  	[smem:$0x3FA3] =	sst s4  }
0xd: {  	[smem:$0x3FA4] =	sst s5  }
0xe: {  	[smem:$0x3FA5] =	sst s6  }
0xf: {  	[smem:$0x3FA6] =	sst s7  }
0x10: {  	[smem:$0x3FA7] =	sst s8  }
0x11: {  	[smem:$0x3FA8] =	sst s9;
	s0 =	simm.s32 @!p0 $0x0  }
0x12: {  	s1 =	sld [smem:$0x3F8E];
	s0 =	simm.s32 @p0 $0x1  }
0x13: {  	[smem:$0x3FA9] =	sst s0;
	s0 =	simm.s32 @!p1 $0x0  }
0x14: {  	s2 =	sld [smem:$0x3F8D];
	s0 =	simm.s32 @p1 $0x1  }
0x15: {  	[smem:$0x3FAA] =	sst s0;
	s0 =	simm.s32 @!p2 $0x0  }
0x16: {  	s3 =	sld [smem:$0x3FDB];
	s0 =	simm.s32 @p2 $0x1  }
0x17: {  	s4 =	simm.s32 $0x1BF5;
	[smem:$0x3FAC] =	sst s0  }
0x18: {  	s0 =	sld [smem:$0x3F8F];
	_ =	swait.ge [sflag:s4], $0x0  }
0x19: {  	s7 =	sld [smem:$0x3F90]  }
0x1a: {  	s8 =	sadd.s32 $0xFFFFE003, lr  }
0x1b: {  	s9 =	sadd.s32 $0xFFFFFEF7, lr;
	s5 =	simm.s32 $0xFFFFFFFF;
	p2 =	slt.u32 s8, $0xFFFFF086  }
0x1c: {  	p1 =	slt.u32 s9, $0xF7A;
	s5 =	simm.s32 @!p2 $0x0  }
0x1d: {  	s5 =	simm.s32 @p1 $0x1;
	p0 =	seq.s32 s7, s2  }
0x1e: {  	s7 =	smul.u32 @!p0 $0xF7A, s2;
	p2 =	seq.s32 @!p0 s5, $0x0  }
0x1f: {  	s9 =	smul.u32 $0xF7A, s1;
	s8 =	simm.s32 @!p0 $0x1BF5;
	p2 =	por !p2, p0  }
0x20: {  	[sflag:s8] =	ssyncset.s32 @!p0 $0xFFFFF086;
	s6 =	sadd.s32 @!p0 s3, s7;
	s7 =	simm.s32 @!p0 $0x108  }
0x21: {  	s3 =	sadd.s32 s3, s9;
	s6 =	sadd.s32 @!p0 $0x88, s6;
	s7 =	simm.s32 @p2 $0x1082  }
0x22: {  	[simem:s7], [sflag:s8] =	dma.local @!p0 [hbm:s6], $0xF7A  }
0x23: {  	s9 =	sor.u32 $0xD0000000, s2;
	s6 =	simm.s32 $0x108;
	_ =	swait.ge @!p0 [sflag:s8], $0x0  }
0x24: {  	s3 =	sadd.s32 $0x88, s3;
	s6 =	simm.s32 @!p1 $0x1082;
	[sflag:s4] =	ssyncset.s32 $0xFFFFF086  }
0x25: {  	[simem:s6], [sflag:s4] =	dma.local [hbm:s3], $0xF7A  }
0x26: {  	[smem:$0x3F90] =	sst s1;
	(tag) =	ssettag s2;
	_ =	strace s9  }
0x27: {  	s1 =	sld [smem:$0x3FA0]  }
0x28: {  	s2 =	sld [smem:$0x3FA1]  }
0x29: {  	s4 =	sld [smem:$0x3FA3]  }
0x2a: {  	p0 =	seq.s32 s5, $0x0;
	s5 =	sld [smem:$0x3FA4]  }
0x2b: {  	s6 =	sld [smem:$0x3FA5]  }
0x2c: {  	s7 =	sld [smem:$0x3FA6]  }
0x2d: {  	s3 =	simm.s32 $0x108;
	s8 =	sld [smem:$0x3FA7]  }
0x2e: {  	s3 =	simm.s32 @!p0 $0x1082;
	s9 =	sld [smem:$0x3FA8]  }
0x2f: {  	lr =	sadd.s32 s0, s3;
	s0 =	sld [smem:$0x3F9F]  }
0x30: {  	s3 =	sld [smem:$0x3FA2]  }
0x31: {  	[smem:$0x3FAB] =	sst s10  }
0x32: {  	s10 =	sld [smem:$0x3FA9];
	_ =	sdelay $0x3  }
0x33: {  	p0 =	seq.s32 s10, $0x1;
	s10 =	sld [smem:$0x3FAB];
	_ =	sdelay $0x3  }
0x34: {  	[smem:$0x3FAB] =	sst s10  }
0x35: {  	s10 =	sld [smem:$0x3FAA];
	_ =	sdelay $0x3  }
0x36: {  	p1 =	seq.s32 s10, $0x1;
	s10 =	sld [smem:$0x3FAB];
	_ =	sdelay $0x3  }
0x37: {  	[smem:$0x3FAB] =	sst s10  }
0x38: {  	s10 =	sld [smem:$0x3FAC]  }
0x39: {  	_ = 	snop;
	(pc) =	sbr.ind lr, $3  }
0x3a: {  	_ = 	snop  }
0x3b: {  	_ = 	snop  }
0x3c: {  	p2 =	seq.s32 s10, $0x1;
	s10 =	sld [smem:$0x3FAB]  }
0x3d: {  	_ =	shalt  }
0x3e: {  	_ =	shalt  }
0x3f: {  	_ =	shalt  }
0x40: {  	_ =	shalt  }
0x41: {  	_ =	shalt  }
0x42: {  	_ =	shalt  }
0x43: {  	_ =	shalt  }
0x44: {  	_ =	shalt  }
0x45: {  	_ =	shalt  }
0x46: {  	_ =	shalt  }
0x47: {  	_ =	shalt  }
0x48: {  	_ =	shalt  }
0x49: {  	_ =	shalt  }
0x4a: {  	_ =	shalt  }
0x4b: {  	_ =	shalt  }
0x4c: {  	_ =	shalt  }
0x4d: {  	_ =	shalt  }
0x4e: {  	_ =	shalt  }
0x4f: {  	_ =	shalt  }
0x50: {  	_ =	shalt  }
0x51: {  	_ =	shalt  }
0x52: {  	_ =	shalt  }
0x53: {  	_ =	shalt  }
0x54: {  	_ =	shalt  }
0x55: {  	_ =	shalt  }
0x56: {  	_ =	shalt  }
0x57: {  	_ =	shalt  }
0x58: {  	_ =	shalt  }
0x59: {  	_ =	shalt  }
0x5a: {  	_ =	shalt  }
0x5b: {  	_ =	shalt  }
0x5c: {  	_ =	shalt  }
0x5d: {  	_ =	shalt  }
0x5e: {  	_ =	shalt  }
0x5f: {  	_ =	shalt  }
0x60: {  	_ =	shalt  }
0x61: {  	_ =	shalt  }
0x62: {  	_ =	shalt  }
0x63: {  	_ =	shalt  }
0x64: {  	_ =	shalt  }
0x65: {  	_ =	shalt  }
0x66: {  	_ =	shalt  }
0x67: {  	_ =	shalt  }
0x68: {  	_ =	shalt  }
0x69: {  	_ =	shalt  }
0x6a: {  	_ =	shalt  }
0x6b: {  	_ =	shalt  }
0x6c: {  	_ =	shalt  }
0x6d: {  	_ =	shalt  }
0x6e: {  	_ =	shalt  }
0x6f: {  	_ =	shalt  }
0x70: {  	_ =	shalt  }
0x71: {  	_ =	shalt  }
0x72: {  	_ =	shalt  }
0x73: {  	_ =	shalt  }
0x74: {  	_ =	shalt  }
0x75: {  	_ =	shalt  }
0x76: {  	_ =	shalt  }
0x77: {  	_ =	shalt  }
0x78: {  	_ =	shalt  }
0x79: {  	_ =	shalt  }
0x7a: {  	_ =	shalt  }
0x7b: {  	_ =	shalt  }
0x7c: {  	_ =	shalt  }
0x7d: {  	_ =	shalt  }
0x7e: {  	_ =	shalt  }
0x7f: {  	_ =	shalt  }
0x80: {  	_ =	shalt  }
0x81: {  	_ =	shalt  }
0x82: {  	_ =	shalt  }
0x83: {  	_ =	shalt  }
0x84: {  	_ =	shalt  }
0x85: {  	_ =	shalt  }
0x86: {  	_ =	shalt  }
0x87: {  	_ =	shalt  }
.Lfunc_end0:
.L_simem_size_0:
called_computation.2_lowered:
.L_overlay_start_0:
0x88: {  	s2 =	sld [smem:$0x3FD9]  }
0x89: {  	s3 =	sld [smem:$0x3FFE];
	_ =	sdelay $0x1  }
0x8a: {  	s1 =	srdreg.scid  }
0x8b: {  	s0 =	sand.u32 $0x1, s1  }
0x8c: {  	s17 =	sshll.u32 s0, $0xA;
	s2 =	sadd.s32 s3, s2  }
0x8d: {  	s2 =	sadd.s32 s2, s17  }
0x8e: {  	[smem:$0x3FB7] =	sst s2  }
0x8f: {  	_ = 	snop  }
0x90: {  	s2 =	sld [smem:$0x3FD0];
	(tm) =	ssettm $0x1  }
0x91: {  	s18 =	sld [smem:$0x3FFB];
	_ =	sdelay $0x3  }
0x92: {  	_ =	strace s18  }
0x93: {  	s3 =	sld [smem:$0x3FFC];
	_ =	sdelay $0x3  }
0x94: {  	_ =	strace s3  }
0x95: {  	s3 =	sld [smem:$0x3FFD];
	_ =	sdelay $0x3  }
0x96: {  	_ =	strace s3  }
0x97: {  	_ =	strace $0x8FFFFFFF  }
0x98: {  	s19 =	sld [smem:$0x3FDB];
	_ =	sdelay $0x1  }
0x99: {  	s4 =	simm.s32 $_scs_section_size  }
0x9a: {  	s5 =	simm.s32 $_size__tile_overlayer_lowered;
	s6 =	simm.s32 $_tile_overlayer_lowered  }
0x9b: {  	s22 =	simm.s32 $0x1BFF;
	s21 =	sshll.u32 s6, $0x1;
	s3 =	sadd.s32 s4, s19  }
0x9c: {  	s7 =	simm.s32 $0x0;
	s20 =	sshll.u32 s5, $0x1;
	s5 =	sadd.s32 s21, s3  }
0x9d: {  	[timem:s7], [sflag:s22] =	dma.local [hbm:s5], s20  }
0x9e: {  	_ =	swait.ge [sflag:s22], s20  }
0x9f: {  	s4 =	ssub.s32 $0x0, s20;
	[sflag:s22] =	ssyncset.done $0x0  }
0xa0: {  	[sflag:s22] =	ssyncadd.s32 s4;
	_ =	sdelay $0x1  }
0xa1: {  	s23 =	simm.s32 $0x1B8B  }
0xa2: {  	_ =	swait.ge [sflag:s23], $0x1  }
0xa3: {  	[sflag:s23] =	ssyncset.done $0x0  }
0xa4: {  	s25 =	simm.s32 $0x1B8E;
	s24 =	sld [smem:$0x3FFE];
	[sflag:s23] =	ssyncadd.s32 $0xFFFFFFFF  }
0xa5: {  	s26 =	simm.s32 $execute0_lowered;
	[smem:$0x3FD2] =	sst s25  }
0xa6: {  	s5 =	sshll.u32 s26, $0x1;
	_ =	strace $0x8000004C;
	[dreg:$0x1] =	wrdreg $0xFFFFFFFF  }
0xa7: {  	s28 =	simm.s32 $_size_execute0_lowered;
	s3 =	sadd.s32 s3, s5;
	[dreg:$0x0] =	wrdreg $0x0  }
0xa8: {  	s5 =	sshll.u32 s28, $0x1;
	[dreg:$0x2] =	wrdreg s3  }
0xa9: {  	[dreg:$0x3] =	wrdreg s5  }
0xaa: {  	[dreg:$0x4] =	wrdreg $0xC0  }
0xab: {  	_ =	task [dreg:s7], $0x5FFFF  }
0xac: {  	[dreg:$0x1] =	wrdreg $0xFFFFFFFF  }
0xad: {  	[dreg:$0x0] =	wrdreg $0x60  }
0xae: {  	[dreg:$0x2] =	wrdreg s24  }
0xaf: {  	[dreg:$0x3] =	wrdreg s2  }
0xb0: {  	[dreg:$0x4] =	wrdreg $0x41000  }
0xb1: {  	[dreg:$0x5] =	wrdreg $0x9  }
0xb2: {  	_ =	task.clear_ibuf [dreg:s7], $0x6FFFF;
	_ =	strace $0x9000004C  }
0xb3: {  	s29 =	simm.s32 $0x9;
	_ =	strace $0x8000004E  }
0xb4: {  	_ =	swait.ge [sflag:s29], $0x1  }
0xb5: {  	[sflag:s29] =	ssyncadd.s32 $0xFFFFFFFF  }
0xb6: {  	_ =	strace $0x9000004E  }
0xb7: {  	_ =	sfence  }
0xb8: {  	s30 =	sld [smem:$0x0];
	_ =	sdelay $0x2  }
0xb9: {  	s31 =	sshll.u32 s1, $0xD;
	s1 =	sshrl.u32 s1, $0x2  }
0xba: {  	s3 =	sand.u32 $0x4000, s31;
	s1 =	sadd.s32 s1, s30  }
0xbb: {  	s0 =	sor.u32 s3, s0;
	s1 =	sshll.u32 s1, $0x11  }
0xbc: {  	s0 =	sor.u32 s1, s0  }
0xbd: {  	s0 =	sadd.s32 $0x8F2B, s0  }
0xbe: {  	[sflag:s0] =	ssyncadd.remote.s32 $0x1  }
0xbf: {  	_ =	sfence.sel $0xFFFF  }
0xc0: {  	[dreg:$0x0] =	wrdreg $0xFFFFFFFF;
	(pc) =	sbr.abs _section_cstart, $3  }
0xc1: {  	[dreg:$0x1] =	wrdreg $0xFFFFFFFF  }
0xc2: {  	_ =	task.clear_ibuf [dreg:s7], $0x2FFFF;
	_ =	strace $0x9FFFFFFF  }
0xc3: {  	(tm) =	ssettm $0x7FFFFFFF  }
tec
execute0_lowered:
.L_overlay_start_1:
0x0: {  	(tag) =	ssettag $0x1  }
0x1: {  	s6 =	rddreg [dreg:$0x0]  }
0x2: {  	s1 =	rddreg [dreg:$0x1]  }
0x3: {  	s3 =	rddreg [dreg:$0x2]  }
0x4: {  	s0 =	rddreg [dreg:$0x3]  }
0x5: {  	s4 =	simm.s32 $0x0;
	s2 =	stileid.u32;
	s8 =	srdreg.scid  }
0x6: {  	s22 =	simm.s32 $0x1;
	s23 =	simm.s32 $0x0;
	s7 =	smul.u32 $0x9E0, s2  }
0x7: {  	[smem:$0x7FF] =	sst s4;
	s5 =	sadd.s32 $0x19000, s6;
	s24 =	smul.u32 $0x50000, s2  }
0x8: {  	s13 =	sand.u32 $0x1, s8;
	s10 =	smul.u32 $0x14000, s2;
	s16 =	sadd.s32 $0x41000, s6  }
0x9: {  	_ =	strace $0x8000004D;
	s25 =	ssub.s32 $0x2, s13;
	s19 =	smul.u32 $0x140000, s13  }
0xa: {  	s28 =	smul.u32 $0x4F0, s13;
	s15 =	sadd.s32 s7, s6;
	s26 =	sshrl.u32 s25, $0x1  }
0xb: {  	s8 =	sshrl.u32 s24, $0x2;
	s11 =	sadd.s32 $0x4000, s10;
	s14 =	sadd.s32 $0x8000, s10  }
0xc: {  	s18 =	sadd.s32 $0xC000, s10;
	s20 =	sadd.s32 $0x10000, s10;
	s17 =	ssub.s32 s25, s26  }
0xd: {  	s6 =	sadd.s32 s8, s3;
	s7 =	sadd.s32 s11, s3;
	s8 =	sadd.s32 s14, s3  }
0xe: {  	s9 =	sadd.s32 s18, s3;
	s12 =	sadd.s32 s10, s19;
	s11 =	sadd.s32 s19, s11  }
0xf: {  	s10 =	sadd.s32 s20, s3;
	s14 =	sadd.s32 s19, s14;
	s18 =	sadd.s32 s19, s18  }
0x10: {  	s30 =	sadd.s32 s19, s20;
	s31 =	sadd.s32 s28, s15;
	s19 =	simm.s32 $0x100  }
0x11: {  	s20 =	simm.s32 $0x2;
	s12 =	sshrl.u32 s12, $0x3;
	s21 =	sshrl.u32 s11, $0x3  }
0x12: {  	s14 =	sshrl.u32 s14, $0x3;
	s29 =	sshrl.u32 s18, $0x3;
	s18 =	sshrl.u32 s30, $0x3  }
0x13: {  	s11 =	sadd.s32 s16, s12;
	s12 =	sadd.s32 s16, s21;
	s13 =	sadd.s32 s16, s14  }
0x14: {  	s14 =	sadd.s32 s16, s29;
	s15 =	sadd.s32 s16, s18;
	s16 =	smax.u32 s17, $0x1  }
0x15: {  	s17 =	sadd.s32 $0xF200, s31;
	s18 =	sadd.s32 $0x5400, s31;
	s21 =	simm.s32 $0x80  }
.LBB2_1:
0x16: {  	[tilespmem:s19], [sflag:$0x2] =	stream.linear.gather [hbm4b:s1+s4], $0x4000, $0x38;
	[tilespmem:$0x18100] =	vst v63  }
0x17: {  	_ =	swait.ge [sflag:s20], $0x4000  }
0x18: {  	[sflag:s20] =	ssyncset.done $0x0  }
0x19: {  	[sflag:s20] =	ssyncadd.s32 $0xFFFFC000  }
0x1a: {  	[spmem:s6] =	stream.linear.scatter [tilespmem:s19], [sflag:$0x2], $0x4000, $0x38;
	[tilespmem:$0x18100] =	vst v63  }
0x1b: {  	_ =	swait.ge [sflag:s20], $0x4000  }
0x1c: {  	[sflag:s20] =	ssyncset.done $0x0  }
0x1d: {  	[sflag:s20] =	ssyncadd.s32 $0xFFFFC000  }
0x1e: {  	[spmem:s7] =	stream.linear.scatter [tilespmem:s19], [sflag:$0x2], $0x4000, $0x38;
	[tilespmem:$0x18100] =	vst v63  }
0x1f: {  	_ =	swait.ge [sflag:s20], $0x4000  }
0x20: {  	[sflag:s20] =	ssyncset.done $0x0  }
0x21: {  	[sflag:s20] =	ssyncadd.s32 $0xFFFFC000  }
0x22: {  	[spmem:s8] =	stream.linear.scatter [tilespmem:s19], [sflag:$0x2], $0x4000, $0x38;
	[tilespmem:$0x18100] =	vst v63  }
0x23: {  	_ =	swait.ge [sflag:s20], $0x4000  }
0x24: {  	[sflag:s20] =	ssyncset.done $0x0  }
0x25: {  	[sflag:s20] =	ssyncadd.s32 $0xFFFFC000  }
0x26: {  	[spmem:s9] =	stream.linear.scatter [tilespmem:s19], [sflag:$0x2], $0x4000, $0x38;
	[tilespmem:$0x18100] =	vst v63  }
0x27: {  	_ =	swait.ge [sflag:s20], $0x4000  }
0x28: {  	[sflag:s20] =	ssyncset.done $0x0  }
0x29: {  	[sflag:s20] =	ssyncadd.s32 $0xFFFFC000  }
0x2a: {  	[spmem:s10] =	stream.linear.scatter [tilespmem:s19], [sflag:$0x2], $0x4000, $0x38;
	[tilespmem:$0x18100] =	vst v63  }
0x2b: {  	_ =	swait.ge [sflag:s20], $0x4000  }
0x2c: {  	[sflag:s20] =	ssyncset.done $0x0  }
0x2d: {  	[sflag:s20] =	ssyncadd.s32 $0xFFFFC000  }
0x2e: {  	s24 =	sadd.s32 $0x0, s18;
	[bflag:$0x0] =	sbarrier.arrive $0xFFFF  }
0x2f: {  	[tilespmem:s21], [sflag:$0x2] =	stream.linear.gather [hbm4b:s24+s4], $0x80, $0x38;
	[tilespmem:$0x18100] =	vst v63  }
0x30: {  	_ =	swait.ge [sflag:s20], $0x80  }
0x31: {  	[sflag:s20] =	ssyncset.done $0x0  }
0x32: {  	s31 =	sadd.s32 $0x0, s17;
	[sflag:s20] =	ssyncadd.s32 $0xFFFFFF80  }
0x33: {  	[tilespmem:s4], [sflag:$0x2] =	stream.linear.gather [hbm4b:s31+s4], $0x80, $0x38;
	[tilespmem:$0x18100] =	vst v63  }
0x34: {  	_ =	swait.ge [sflag:s20], $0x80  }
0x35: {  	[sflag:s20] =	ssyncset.done $0x0  }
0x36: {  	[sflag:s20] =	ssyncadd.s32 $0xFFFFFF80  }
0x37: {  	[tilespmem:s19], [sflag:$0x1] =	stream.indirect.gather [hbm4b:s5+s21], $0x80, s4, s21, $0xb8;
	[tilespmem:$0x18100] =	vst v63  }
0x38: {  	_ =	swait.ge [sflag:s22], $0x4000  }
0x39: {  	[sflag:s22] =	ssyncset.done $0x0  }
0x3a: {  	[sflag:s22] =	ssyncadd.s32 $0xFFFFC000  }
0x3b: {  	[spmem:s3] =	stream.indirect.scatter.add.f32 [tilespmem:s19], [sflag:$0x2], $0x80, s21, s21, $0xb8;
	[tilespmem:$0x18100] =	vst v63  }
0x3c: {  	_ =	swait.ge [sflag:s20], $0x4000  }
0x3d: {  	s25 =	simm.s32 $0x20;
	s24 =	simm.s32 $0x10;
	[sflag:s20] =	ssyncset.done $0x0  }
.LBB2_2:
0x3e: {  	s26 =	sadd.s32 s24, s18  }
0x3f: {  	[sflag:s20] =	ssyncadd.s32 $0xFFFFC000;
	s28 =	smov.u32 s25;
	s29 =	sadd.s32 $0x10, s25  }
0x40: {  	[tilespmem:s21], [sflag:$0x2] =	stream.linear.gather [hbm4b:s26+s4], $0x80, $0x38;
	[tilespmem:$0x18100] =	vst v63  }
0x41: {  	p0 =	sne.s32 s25, $0x4E0;
	_ =	swait.ge [sflag:s20], $0x80  }
0x42: {  	[sflag:s20] =	ssyncset.done $0x0  }
0x43: {  	s25 =	sadd.s32 s24, s17;
	s24 =	smov.u32 s28;
	[sflag:s20] =	ssyncadd.s32 $0xFFFFFF80  }
0x44: {  	[tilespmem:s4], [sflag:$0x2] =	stream.linear.gather [hbm4b:s25+s4], $0x80, $0x38;
	[tilespmem:$0x18100] =	vst v63  }
0x45: {  	_ =	swait.ge [sflag:s20], $0x80  }
0x46: {  	[sflag:s20] =	ssyncset.done $0x0  }
0x47: {  	[sflag:s20] =	ssyncadd.s32 $0xFFFFFF80  }
0x48: {  	[tilespmem:s19], [sflag:$0x1] =	stream.indirect.gather [hbm4b:s5+s21], $0x80, s4, s21, $0xb8;
	[tilespmem:$0x18100] =	vst v63  }
0x49: {  	_ =	swait.ge [sflag:s22], $0x4000  }
.Ltmp0:
0x4a: {  	[sflag:s22] =	ssyncset.done $0x0;
	(pc) =	sbr.rel @p0 .LBB2_2-.Ltmp0, $4  }
0x4b: {  	[sflag:s22] =	ssyncadd.s32 $0xFFFFC000  }
0x4c: {  	[spmem:s3] =	stream.indirect.scatter.add.f32 [tilespmem:s19], [sflag:$0x2], $0x80, s21, s21, $0xb8;
	[tilespmem:$0x18100] =	vst v63  }
0x4d: {  	_ =	swait.ge [sflag:s20], $0x4000  }
0x4e: {  	s25 =	smov.u32 s29;
	[sflag:s20] =	ssyncset.done $0x0  }
0x4f: {  	s25 =	sadd.s32 s24, s18;
	[sflag:s20] =	ssyncadd.s32 $0xFFFFC000  }
0x50: {  	[tilespmem:s21], [sflag:$0x2] =	stream.linear.gather [hbm4b:s25+s4], $0x80, $0x38;
	[tilespmem:$0x18100] =	vst v63  }
0x51: {  	_ =	swait.ge [sflag:s20], $0x80  }
0x52: {  	[sflag:s20] =	ssyncset.done $0x0  }
0x53: {  	s31 =	sadd.s32 s24, s17;
	[sflag:s20] =	ssyncadd.s32 $0xFFFFFF80  }
0x54: {  	[tilespmem:s4], [sflag:$0x2] =	stream.linear.gather [hbm4b:s31+s4], $0x80, $0x38;
	[tilespmem:$0x18100] =	vst v63  }
0x55: {  	_ =	swait.ge [sflag:s20], $0x80  }
0x56: {  	[sflag:s20] =	ssyncset.done $0x0  }
0x57: {  	[sflag:s20] =	ssyncadd.s32 $0xFFFFFF80  }
0x58: {  	[tilespmem:s19], [sflag:$0x1] =	stream.indirect.gather [hbm4b:s5+s21], $0x80, s4, s21, $0xb8;
	[tilespmem:$0x18100] =	vst v63  }
0x59: {  	_ =	swait.ge [sflag:s22], $0x4000  }
0x5a: {  	[sflag:s22] =	ssyncset.done $0x0  }
0x5b: {  	[sflag:s22] =	ssyncadd.s32 $0xFFFFC000  }
0x5c: {  	[spmem:s3] =	stream.indirect.scatter.add.f32 [tilespmem:s19], [sflag:$0x2], $0x80, s21, s21, $0xb8;
	[tilespmem:$0x18100] =	vst v63  }
0x5d: {  	_ =	swait.ge [sflag:s20], $0x4000  }
0x5e: {  	[sflag:s20] =	ssyncset.done $0x0  }
0x5f: {  	[sflag:s20] =	ssyncadd.s32 $0xFFFFC000  }
0x60: {  	[bflag:$0x0] =	sbarrier.arrive $0xFFFF  }
0x61: {  	[tilespmem:s19], [sflag:$0x2] =	stream.linear.gather [spmem:s6], $0x4000, $0x38;
	[tilespmem:$0x18100] =	vst v63  }
0x62: {  	_ =	swait.ge [sflag:s20], $0x4000  }
0x63: {  	[sflag:s20] =	ssyncset.done $0x0  }
0x64: {  	[sflag:s20] =	ssyncadd.s32 $0xFFFFC000  }
0x65: {  	[hbm4b:s11+s4] =	stream.linear.scatter [tilespmem:s19], [sflag:$0x2], $0x4000, $0x38;
	[tilespmem:$0x18100] =	vst v63  }
0x66: {  	_ =	swait.ge [sflag:s20], $0x4000  }
0x67: {  	[sflag:s20] =	ssyncset.done $0x0  }
0x68: {  	[sflag:s20] =	ssyncadd.s32 $0xFFFFC000  }
0x69: {  	[tilespmem:s19], [sflag:$0x2] =	stream.linear.gather [spmem:s7], $0x4000, $0x38;
	[tilespmem:$0x18100] =	vst v63  }
0x6a: {  	_ =	swait.ge [sflag:s20], $0x4000  }
0x6b: {  	[sflag:s20] =	ssyncset.done $0x0  }
0x6c: {  	[sflag:s20] =	ssyncadd.s32 $0xFFFFC000  }
0x6d: {  	[hbm4b:s12+s4] =	stream.linear.scatter [tilespmem:s19], [sflag:$0x2], $0x4000, $0x38;
	[tilespmem:$0x18100] =	vst v63  }
0x6e: {  	_ =	swait.ge [sflag:s20], $0x4000  }
0x6f: {  	[sflag:s20] =	ssyncset.done $0x0  }
0x70: {  	[sflag:s20] =	ssyncadd.s32 $0xFFFFC000  }
0x71: {  	[tilespmem:s19], [sflag:$0x2] =	stream.linear.gather [spmem:s8], $0x4000, $0x38;
	[tilespmem:$0x18100] =	vst v63  }
0x72: {  	_ =	swait.ge [sflag:s20], $0x4000  }
0x73: {  	[sflag:s20] =	ssyncset.done $0x0  }
0x74: {  	[sflag:s20] =	ssyncadd.s32 $0xFFFFC000  }
0x75: {  	[hbm4b:s13+s4] =	stream.linear.scatter [tilespmem:s19], [sflag:$0x2], $0x4000, $0x38;
	[tilespmem:$0x18100] =	vst v63  }
0x76: {  	_ =	swait.ge [sflag:s20], $0x4000  }
0x77: {  	[sflag:s20] =	ssyncset.done $0x0  }
0x78: {  	[sflag:s20] =	ssyncadd.s32 $0xFFFFC000  }
0x79: {  	[tilespmem:s19], [sflag:$0x2] =	stream.linear.gather [spmem:s9], $0x4000, $0x38;
	[tilespmem:$0x18100] =	vst v63  }
0x7a: {  	_ =	swait.ge [sflag:s20], $0x4000  }
0x7b: {  	[sflag:s20] =	ssyncset.done $0x0  }
0x7c: {  	[sflag:s20] =	ssyncadd.s32 $0xFFFFC000  }
0x7d: {  	[hbm4b:s14+s4] =	stream.linear.scatter [tilespmem:s19], [sflag:$0x2], $0x4000, $0x38;
	[tilespmem:$0x18100] =	vst v63  }
0x7e: {  	_ =	swait.ge [sflag:s20], $0x4000  }
0x7f: {  	[sflag:s20] =	ssyncset.done $0x0  }
0x80: {  	[sflag:s20] =	ssyncadd.s32 $0xFFFFC000  }
0x81: {  	[tilespmem:s19], [sflag:$0x2] =	stream.linear.gather [spmem:s10], $0x4000, $0x38;
	[tilespmem:$0x18100] =	vst v63  }
0x82: {  	s23 =	sadd.s32 $0x1, s23;
	_ =	swait.ge [sflag:s20], $0x4000  }
0x83: {  	p0 =	sne.s32 s23, s16;
	[sflag:s20] =	ssyncset.done $0x0  }
.Ltmp1:
0x84: {  	[sflag:s20] =	ssyncadd.s32 $0xFFFFC000;
	(pc) =	sbr.rel @p0 .LBB2_1-.Ltmp1, $4  }
0x85: {  	[hbm4b:s15+s4] =	stream.linear.scatter [tilespmem:s19], [sflag:$0x2], $0x4000, $0x38;
	[tilespmem:$0x18100] =	vst v63  }
0x86: {  	_ =	swait.ge [sflag:s20], $0x4000  }
0x87: {  	[sflag:s20] =	ssyncset.done $0x0  }
0x88: {  	[sflag:s20] =	ssyncadd.s32 $0xFFFFC000  }
0x89: {  	_ =	sfence.sel $0x180000  }
0x8a: {  	[bflag:$0x0] =	sbarrier.arrive $0xFFFF  }
0x8b: {  	p0 =	sne.s32 s2, $0x0;
	_ =	strace $0x9000004D  }
0x8c: {  	s0 =	sadd.s32 @!p0 $0x100000, s0;
	[bflag:$0x2] =	sbarrier.arrive $0xFFFF  }
0x8d: {  	[sflag:s0] =	ssyncadd.tile.s32 @!p0 $0x1;
	_ =	shalt  }
.Lfunc_end2:
_tile_overlayer_lowered:
.L_overlay_start_2:
0x8e: {  	(tag) =	ssettag $0x2  }
0x8f: {  	s0 =	rddreg [dreg:$0x0];
	s2 =	stileid.u32  }
0x90: {  	s1 =	rddreg [dreg:$0x1];
	p0 =	sne.s32 s2, $0x0  }
0x91: {  	s3 =	rddreg [dreg:$0x2];
	[bflag:$0x3] =	sbarrier.arrive $0xFFFF;
	s2 =	simm.s32 @!p0 $0x1C02  }
0x92: {  	[timem:s3], [sflag:s2] =	dma.local @!p0 [hbm:s0], s1  }
0x93: {  	s0 =	simm.s32 @!p0 $0x2  }
0x94: {  	_ =	swait.ge @!p0 [sflag:s0], s1  }
0x95: {  	s1 =	ssub.s32 @!p0 $0x0, s1;
	[sflag:s0] =	ssyncset.done @!p0 $0x0  }
0x96: {  	[sflag:s0] =	ssyncadd.s32 @!p0 s1  }
0x97: {  	[bflag:$0x3] =	sbarrier.arrive $0xFFFF  }
0x98: {  	_ =	shalt  }

// kernel: kernel.26.cloned.1.call-start
scs
__scs_entry_jumppad:
0x0: {  	(pc) =	sbr.rel $0x88, $3  }
0x1: {  	(tag) =	ssettag $0x0;
	lr =	simm.s32 $0x1  }
0x2: {  	[smem:$0x3F90] =	sst lr;
	_ =	strace $0xD0000000  }
0x3: {  	_ = 	snop  }
0x4: {  	_ = 	snop  }
0x5: {  	_ = 	snop  }
0x6: {  	_ = 	snop  }
0x7: {  	_ = 	snop  }
__scs_overlays_trampoline_lowered:
0x8: {  	[smem:$0x3F9F] =	sst s0  }
0x9: {  	[smem:$0x3FA0] =	sst s1  }
0xa: {  	[smem:$0x3FA1] =	sst s2  }
0xb: {  	[smem:$0x3FA2] =	sst s3  }
0xc: {  	[smem:$0x3FA3] =	sst s4  }
0xd: {  	[smem:$0x3FA4] =	sst s5  }
0xe: {  	[smem:$0x3FA5] =	sst s6  }
0xf: {  	[smem:$0x3FA6] =	sst s7  }
0x10: {  	[smem:$0x3FA7] =	sst s8  }
0x11: {  	[smem:$0x3FA8] =	sst s9;
	s0 =	simm.s32 @!p0 $0x0  }
0x12: {  	s1 =	sld [smem:$0x3F8E];
	s0 =	simm.s32 @p0 $0x1  }
0x13: {  	[smem:$0x3FA9] =	sst s0;
	s0 =	simm.s32 @!p1 $0x0  }
0x14: {  	s2 =	sld [smem:$0x3F8D];
	s0 =	simm.s32 @p1 $0x1  }
0x15: {  	[smem:$0x3FAA] =	sst s0;
	s0 =	simm.s32 @!p2 $0x0  }
0x16: {  	s3 =	sld [smem:$0x3FDB];
	s0 =	simm.s32 @p2 $0x1  }
0x17: {  	s4 =	simm.s32 $0x1BF5;
	[smem:$0x3FAC] =	sst s0  }
0x18: {  	s0 =	sld [smem:$0x3F8F];
	_ =	swait.ge [sflag:s4], $0x0  }
0x19: {  	s7 =	sld [smem:$0x3F90]  }
0x1a: {  	s8 =	sadd.s32 $0xFFFFE003, lr  }
0x1b: {  	s9 =	sadd.s32 $0xFFFFFEF7, lr;
	s5 =	simm.s32 $0xFFFFFFFF;
	p2 =	slt.u32 s8, $0xFFFFF086  }
0x1c: {  	p1 =	slt.u32 s9, $0xF7A;
	s5 =	simm.s32 @!p2 $0x0  }
0x1d: {  	s5 =	simm.s32 @p1 $0x1;
	p0 =	seq.s32 s7, s2  }
0x1e: {  	s7 =	smul.u32 @!p0 $0xF7A, s2;
	p2 =	seq.s32 @!p0 s5, $0x0  }
0x1f: {  	s9 =	smul.u32 $0xF7A, s1;
	s8 =	simm.s32 @!p0 $0x1BF5;
	p2 =	por !p2, p0  }
0x20: {  	[sflag:s8] =	ssyncset.s32 @!p0 $0xFFFFF086;
	s6 =	sadd.s32 @!p0 s3, s7;
	s7 =	simm.s32 @!p0 $0x108  }
0x21: {  	s3 =	sadd.s32 s3, s9;
	s6 =	sadd.s32 @!p0 $0x88, s6;
	s7 =	simm.s32 @p2 $0x1082  }
0x22: {  	[simem:s7], [sflag:s8] =	dma.local @!p0 [hbm:s6], $0xF7A  }
0x23: {  	s9 =	sor.u32 $0xD0000000, s2;
	s6 =	simm.s32 $0x108;
	_ =	swait.ge @!p0 [sflag:s8], $0x0  }
0x24: {  	s3 =	sadd.s32 $0x88, s3;
	s6 =	simm.s32 @!p1 $0x1082;
	[sflag:s4] =	ssyncset.s32 $0xFFFFF086  }
0x25: {  	[simem:s6], [sflag:s4] =	dma.local [hbm:s3], $0xF7A  }
0x26: {  	[smem:$0x3F90] =	sst s1;
	(tag) =	ssettag s2;
	_ =	strace s9  }
0x27: {  	s1 =	sld [smem:$0x3FA0]  }
0x28: {  	s2 =	sld [smem:$0x3FA1]  }
0x29: {  	s4 =	sld [smem:$0x3FA3]  }
0x2a: {  	p0 =	seq.s32 s5, $0x0;
	s5 =	sld [smem:$0x3FA4]  }
0x2b: {  	s6 =	sld [smem:$0x3FA5]  }
0x2c: {  	s7 =	sld [smem:$0x3FA6]  }
0x2d: {  	s3 =	simm.s32 $0x108;
	s8 =	sld [smem:$0x3FA7]  }
0x2e: {  	s3 =	simm.s32 @!p0 $0x1082;
	s9 =	sld [smem:$0x3FA8]  }
0x2f: {  	lr =	sadd.s32 s0, s3;
	s0 =	sld [smem:$0x3F9F]  }
0x30: {  	s3 =	sld [smem:$0x3FA2]  }
0x31: {  	[smem:$0x3FAB] =	sst s10  }
0x32: {  	s10 =	sld [smem:$0x3FA9];
	_ =	sdelay $0x3  }
0x33: {  	p0 =	seq.s32 s10, $0x1;
	s10 =	sld [smem:$0x3FAB];
	_ =	sdelay $0x3  }
0x34: {  	[smem:$0x3FAB] =	sst s10  }
0x35: {  	s10 =	sld [smem:$0x3FAA];
	_ =	sdelay $0x3  }
0x36: {  	p1 =	seq.s32 s10, $0x1;
	s10 =	sld [smem:$0x3FAB];
	_ =	sdelay $0x3  }
0x37: {  	[smem:$0x3FAB] =	sst s10  }
0x38: {  	s10 =	sld [smem:$0x3FAC]  }
0x39: {  	_ = 	snop;
	(pc) =	sbr.ind lr, $3  }
0x3a: {  	_ = 	snop  }
0x3b: {  	_ = 	snop  }
0x3c: {  	p2 =	seq.s32 s10, $0x1;
	s10 =	sld [smem:$0x3FAB]  }
0x3d: {  	_ =	shalt  }
0x3e: {  	_ =	shalt  }
0x3f: {  	_ =	shalt  }
0x40: {  	_ =	shalt  }
0x41: {  	_ =	shalt  }
0x42: {  	_ =	shalt  }
0x43: {  	_ =	shalt  }
0x44: {  	_ =	shalt  }
0x45: {  	_ =	shalt  }
0x46: {  	_ =	shalt  }
0x47: {  	_ =	shalt  }
0x48: {  	_ =	shalt  }
0x49: {  	_ =	shalt  }
0x4a: {  	_ =	shalt  }
0x4b: {  	_ =	shalt  }
0x4c: {  	_ =	shalt  }
0x4d: {  	_ =	shalt  }
0x4e: {  	_ =	shalt  }
0x4f: {  	_ =	shalt  }
0x50: {  	_ =	shalt  }
0x51: {  	_ =	shalt  }
0x52: {  	_ =	shalt  }
0x53: {  	_ =	shalt  }
0x54: {  	_ =	shalt  }
0x55: {  	_ =	shalt  }
0x56: {  	_ =	shalt  }
0x57: {  	_ =	shalt  }
0x58: {  	_ =	shalt  }
0x59: {  	_ =	shalt  }
0x5a: {  	_ =	shalt  }
0x5b: {  	_ =	shalt  }
0x5c: {  	_ =	shalt  }
0x5d: {  	_ =	shalt  }
0x5e: {  	_ =	shalt  }
0x5f: {  	_ =	shalt  }
0x60: {  	_ =	shalt  }
0x61: {  	_ =	shalt  }
0x62: {  	_ =	shalt  }
0x63: {  	_ =	shalt  }
0x64: {  	_ =	shalt  }
0x65: {  	_ =	shalt  }
0x66: {  	_ =	shalt  }
0x67: {  	_ =	shalt  }
0x68: {  	_ =	shalt  }
0x69: {  	_ =	shalt  }
0x6a: {  	_ =	shalt  }
0x6b: {  	_ =	shalt  }
0x6c: {  	_ =	shalt  }
0x6d: {  	_ =	shalt  }
0x6e: {  	_ =	shalt  }
0x6f: {  	_ =	shalt  }
0x70: {  	_ =	shalt  }
0x71: {  	_ =	shalt  }
0x72: {  	_ =	shalt  }
0x73: {  	_ =	shalt  }
0x74: {  	_ =	shalt  }
0x75: {  	_ =	shalt  }
0x76: {  	_ =	shalt  }
0x77: {  	_ =	shalt  }
0x78: {  	_ =	shalt  }
0x79: {  	_ =	shalt  }
0x7a: {  	_ =	shalt  }
0x7b: {  	_ =	shalt  }
0x7c: {  	_ =	shalt  }
0x7d: {  	_ =	shalt  }
0x7e: {  	_ =	shalt  }
0x7f: {  	_ =	shalt  }
0x80: {  	_ =	shalt  }
0x81: {  	_ =	shalt  }
0x82: {  	_ =	shalt  }
0x83: {  	_ =	shalt  }
0x84: {  	_ =	shalt  }
0x85: {  	_ =	shalt  }
0x86: {  	_ =	shalt  }
0x87: {  	_ =	shalt  }
.Lfunc_end0:
.L_simem_size_0:
called_computation.3_lowered:
.L_overlay_start_0:
0x88: {  	s2 =	sld [smem:$0x3FD9]  }
0x89: {  	s3 =	sld [smem:$0x3FFE];
	_ =	sdelay $0x1  }
0x8a: {  	s1 =	srdreg.scid  }
0x8b: {  	s0 =	sand.u32 $0x1, s1  }
0x8c: {  	s17 =	sshll.u32 s0, $0xA;
	s2 =	sadd.s32 s3, s2  }
0x8d: {  	s2 =	sadd.s32 s2, s17  }
0x8e: {  	[smem:$0x3FB7] =	sst s2  }
0x8f: {  	_ = 	snop  }
0x90: {  	s2 =	sld [smem:$0x3FD0];
	(tm) =	ssettm $0x1  }
0x91: {  	s18 =	sld [smem:$0x3FFB];
	_ =	sdelay $0x3  }
0x92: {  	_ =	strace s18  }
0x93: {  	s3 =	sld [smem:$0x3FFC];
	_ =	sdelay $0x3  }
0x94: {  	_ =	strace s3  }
0x95: {  	s3 =	sld [smem:$0x3FFD];
	_ =	sdelay $0x3  }
0x96: {  	_ =	strace s3  }
0x97: {  	_ =	strace $0x8FFFFFFF  }
0x98: {  	s19 =	sld [smem:$0x3FDB];
	_ =	sdelay $0x1  }
0x99: {  	s4 =	simm.s32 $_scs_section_size  }
0x9a: {  	s5 =	simm.s32 $_size__tile_overlayer_lowered;
	s6 =	simm.s32 $_tile_overlayer_lowered  }
0x9b: {  	s22 =	simm.s32 $0x1BFF;
	s21 =	sshll.u32 s6, $0x1;
	s3 =	sadd.s32 s4, s19  }
0x9c: {  	s7 =	simm.s32 $0x0;
	s20 =	sshll.u32 s5, $0x1;
	s5 =	sadd.s32 s21, s3  }
0x9d: {  	[timem:s7], [sflag:s22] =	dma.local [hbm:s5], s20  }
0x9e: {  	_ =	swait.ge [sflag:s22], s20  }
0x9f: {  	s4 =	ssub.s32 $0x0, s20;
	[sflag:s22] =	ssyncset.done $0x0  }
0xa0: {  	[sflag:s22] =	ssyncadd.s32 s4;
	_ =	sdelay $0x1  }
0xa1: {  	s23 =	simm.s32 $0x1B8B  }
0xa2: {  	_ =	swait.ge [sflag:s23], $0x1  }
0xa3: {  	[sflag:s23] =	ssyncset.done $0x0  }
0xa4: {  	s25 =	simm.s32 $0x1B8E;
	s24 =	sld [smem:$0x3FFE];
	[sflag:s23] =	ssyncadd.s32 $0xFFFFFFFF  }
0xa5: {  	s26 =	simm.s32 $execute0_lowered;
	[smem:$0x3FD2] =	sst s25  }
0xa6: {  	s5 =	sshll.u32 s26, $0x1;
	_ =	strace $0x8000004F;
	[dreg:$0x1] =	wrdreg $0xFFFFFFFF  }
0xa7: {  	s28 =	simm.s32 $_size_execute0_lowered;
	s3 =	sadd.s32 s3, s5;
	[dreg:$0x0] =	wrdreg $0x0  }
0xa8: {  	s5 =	sshll.u32 s28, $0x1;
	[dreg:$0x2] =	wrdreg s3  }
0xa9: {  	[dreg:$0x3] =	wrdreg s5  }
0xaa: {  	[dreg:$0x4] =	wrdreg $0xC0  }
0xab: {  	_ =	task [dreg:s7], $0x5FFFF  }
0xac: {  	[dreg:$0x1] =	wrdreg $0xFFFFFFFF  }
0xad: {  	[dreg:$0x0] =	wrdreg $0x60  }
0xae: {  	[dreg:$0x2] =	wrdreg s24  }
0xaf: {  	[dreg:$0x3] =	wrdreg s2  }
0xb0: {  	[dreg:$0x4] =	wrdreg $0x41000  }
0xb1: {  	[dreg:$0x5] =	wrdreg $0x9  }
0xb2: {  	_ =	task.clear_ibuf [dreg:s7], $0x6FFFF;
	_ =	strace $0x9000004F  }
0xb3: {  	s29 =	simm.s32 $0x9;
	_ =	strace $0x80000051  }
0xb4: {  	_ =	swait.ge [sflag:s29], $0x1  }
0xb5: {  	[sflag:s29] =	ssyncadd.s32 $0xFFFFFFFF  }
0xb6: {  	_ =	strace $0x90000051  }
0xb7: {  	_ =	sfence  }
0xb8: {  	s30 =	sld [smem:$0x0];
	_ =	sdelay $0x2  }
0xb9: {  	s31 =	sshll.u32 s1, $0xD;
	s1 =	sshrl.u32 s1, $0x2  }
0xba: {  	s3 =	sand.u32 $0x4000, s31;
	s1 =	sadd.s32 s1, s30  }
0xbb: {  	s0 =	sor.u32 s3, s0;
	s1 =	sshll.u32 s1, $0x11  }
0xbc: {  	s0 =	sor.u32 s1, s0  }
0xbd: {  	s0 =	sadd.s32 $0x8F2B, s0  }
0xbe: {  	[sflag:s0] =	ssyncadd.remote.s32 $0x1  }
0xbf: {  	_ =	sfence.sel $0xFFFF  }
0xc0: {  	[dreg:$0x0] =	wrdreg $0xFFFFFFFF;
	(pc) =	sbr.abs _section_cstart, $3  }
0xc1: {  	[dreg:$0x1] =	wrdreg $0xFFFFFFFF  }
0xc2: {  	_ =	task.clear_ibuf [dreg:s7], $0x2FFFF;
	_ =	strace $0x9FFFFFFF  }
0xc3: {  	(tm) =	ssettm $0x7FFFFFFF  }
tec
execute0_lowered:
.L_overlay_start_1:
0x0: {  	(tag) =	ssettag $0x1  }
0x1: {  	s6 =	rddreg [dreg:$0x0]  }
0x2: {  	s1 =	rddreg [dreg:$0x1]  }
0x3: {  	s3 =	rddreg [dreg:$0x2]  }
0x4: {  	s0 =	rddreg [dreg:$0x3]  }
0x5: {  	s4 =	simm.s32 $0x0;
	s2 =	stileid.u32;
	s8 =	srdreg.scid  }
0x6: {  	s22 =	simm.s32 $0x1;
	s23 =	simm.s32 $0x0;
	s7 =	smul.u32 $0x9E0, s2  }
0x7: {  	[smem:$0x7FF] =	sst s4;
	s5 =	sadd.s32 $0x19000, s6;
	s24 =	smul.u32 $0x50000, s2  }
0x8: {  	s13 =	sand.u32 $0x1, s8;
	s10 =	smul.u32 $0x14000, s2;
	s16 =	sadd.s32 $0x41000, s6  }
0x9: {  	_ =	strace $0x80000050;
	s25 =	ssub.s32 $0x2, s13;
	s19 =	smul.u32 $0x140000, s13  }
0xa: {  	s28 =	smul.u32 $0x4F0, s13;
	s15 =	sadd.s32 s7, s6;
	s26 =	sshrl.u32 s25, $0x1  }
0xb: {  	s8 =	sshrl.u32 s24, $0x2;
	s11 =	sadd.s32 $0x4000, s10;
	s14 =	sadd.s32 $0x8000, s10  }
0xc: {  	s18 =	sadd.s32 $0xC000, s10;
	s20 =	sadd.s32 $0x10000, s10;
	s17 =	ssub.s32 s25, s26  }
0xd: {  	s6 =	sadd.s32 s8, s3;
	s7 =	sadd.s32 s11, s3;
	s8 =	sadd.s32 s14, s3  }
0xe: {  	s9 =	sadd.s32 s18, s3;
	s12 =	sadd.s32 s10, s19;
	s11 =	sadd.s32 s19, s11  }
0xf: {  	s10 =	sadd.s32 s20, s3;
	s14 =	sadd.s32 s19, s14;
	s18 =	sadd.s32 s19, s18  }
0x10: {  	s30 =	sadd.s32 s19, s20;
	s31 =	sadd.s32 s28, s15;
	s19 =	simm.s32 $0x100  }
0x11: {  	s20 =	simm.s32 $0x2;
	s12 =	sshrl.u32 s12, $0x3;
	s21 =	sshrl.u32 s11, $0x3  }
0x12: {  	s14 =	sshrl.u32 s14, $0x3;
	s29 =	sshrl.u32 s18, $0x3;
	s18 =	sshrl.u32 s30, $0x3  }
0x13: {  	s11 =	sadd.s32 s16, s12;
	s12 =	sadd.s32 s16, s21;
	s13 =	sadd.s32 s16, s14  }
0x14: {  	s14 =	sadd.s32 s16, s29;
	s15 =	sadd.s32 s16, s18;
	s16 =	smax.u32 s17, $0x1  }
0x15: {  	s17 =	sadd.s32 $0xF200, s31;
	s18 =	sadd.s32 $0x5400, s31;
	s21 =	simm.s32 $0x80  }
.LBB2_1:
0x16: {  	[tilespmem:s19], [sflag:$0x2] =	stream.linear.gather [hbm4b:s1+s4], $0x4000, $0x38;
	[tilespmem:$0x18100] =	vst v63  }
0x17: {  	_ =	swait.ge [sflag:s20], $0x4000  }
0x18: {  	[sflag:s20] =	ssyncset.done $0x0  }
0x19: {  	[sflag:s20] =	ssyncadd.s32 $0xFFFFC000  }
0x1a: {  	[spmem:s6] =	stream.linear.scatter [tilespmem:s19], [sflag:$0x2], $0x4000, $0x38;
	[tilespmem:$0x18100] =	vst v63  }
0x1b: {  	_ =	swait.ge [sflag:s20], $0x4000  }
0x1c: {  	[sflag:s20] =	ssyncset.done $0x0  }
0x1d: {  	[sflag:s20] =	ssyncadd.s32 $0xFFFFC000  }
0x1e: {  	[spmem:s7] =	stream.linear.scatter [tilespmem:s19], [sflag:$0x2], $0x4000, $0x38;
	[tilespmem:$0x18100] =	vst v63  }
0x1f: {  	_ =	swait.ge [sflag:s20], $0x4000  }
0x20: {  	[sflag:s20] =	ssyncset.done $0x0  }
0x21: {  	[sflag:s20] =	ssyncadd.s32 $0xFFFFC000  }
0x22: {  	[spmem:s8] =	stream.linear.scatter [tilespmem:s19], [sflag:$0x2], $0x4000, $0x38;
	[tilespmem:$0x18100] =	vst v63  }
0x23: {  	_ =	swait.ge [sflag:s20], $0x4000  }
0x24: {  	[sflag:s20] =	ssyncset.done $0x0  }
0x25: {  	[sflag:s20] =	ssyncadd.s32 $0xFFFFC000  }
0x26: {  	[spmem:s9] =	stream.linear.scatter [tilespmem:s19], [sflag:$0x2], $0x4000, $0x38;
	[tilespmem:$0x18100] =	vst v63  }
0x27: {  	_ =	swait.ge [sflag:s20], $0x4000  }
0x28: {  	[sflag:s20] =	ssyncset.done $0x0  }
0x29: {  	[sflag:s20] =	ssyncadd.s32 $0xFFFFC000  }
0x2a: {  	[spmem:s10] =	stream.linear.scatter [tilespmem:s19], [sflag:$0x2], $0x4000, $0x38;
	[tilespmem:$0x18100] =	vst v63  }
0x2b: {  	_ =	swait.ge [sflag:s20], $0x4000  }
0x2c: {  	[sflag:s20] =	ssyncset.done $0x0  }
0x2d: {  	[sflag:s20] =	ssyncadd.s32 $0xFFFFC000  }
0x2e: {  	s24 =	sadd.s32 $0x0, s18;
	[bflag:$0x0] =	sbarrier.arrive $0xFFFF  }
0x2f: {  	[tilespmem:s21], [sflag:$0x2] =	stream.linear.gather [hbm4b:s24+s4], $0x80, $0x38;
	[tilespmem:$0x18100] =	vst v63  }
0x30: {  	_ =	swait.ge [sflag:s20], $0x80  }
0x31: {  	[sflag:s20] =	ssyncset.done $0x0  }
0x32: {  	s31 =	sadd.s32 $0x0, s17;
	[sflag:s20] =	ssyncadd.s32 $0xFFFFFF80  }
0x33: {  	[tilespmem:s4], [sflag:$0x2] =	stream.linear.gather [hbm4b:s31+s4], $0x80, $0x38;
	[tilespmem:$0x18100] =	vst v63  }
0x34: {  	_ =	swait.ge [sflag:s20], $0x80  }
0x35: {  	[sflag:s20] =	ssyncset.done $0x0  }
0x36: {  	[sflag:s20] =	ssyncadd.s32 $0xFFFFFF80  }
0x37: {  	[tilespmem:s19], [sflag:$0x1] =	stream.indirect.gather [hbm4b:s5+s21], $0x80, s4, s21, $0xb8;
	[tilespmem:$0x18100] =	vst v63  }
0x38: {  	_ =	swait.ge [sflag:s22], $0x4000  }
0x39: {  	[sflag:s22] =	ssyncset.done $0x0  }
0x3a: {  	[sflag:s22] =	ssyncadd.s32 $0xFFFFC000  }
0x3b: {  	[spmem:s3] =	stream.indirect.scatter.add.f32 [tilespmem:s19], [sflag:$0x2], $0x80, s21, s21, $0xb8;
	[tilespmem:$0x18100] =	vst v63  }
0x3c: {  	_ =	swait.ge [sflag:s20], $0x4000  }
0x3d: {  	s25 =	simm.s32 $0x20;
	s24 =	simm.s32 $0x10;
	[sflag:s20] =	ssyncset.done $0x0  }
.LBB2_2:
0x3e: {  	s26 =	sadd.s32 s24, s18  }
0x3f: {  	[sflag:s20] =	ssyncadd.s32 $0xFFFFC000;
	s28 =	smov.u32 s25;
	s29 =	sadd.s32 $0x10, s25  }
0x40: {  	[tilespmem:s21], [sflag:$0x2] =	stream.linear.gather [hbm4b:s26+s4], $0x80, $0x38;
	[tilespmem:$0x18100] =	vst v63  }
0x41: {  	p0 =	sne.s32 s25, $0x4E0;
	_ =	swait.ge [sflag:s20], $0x80  }
0x42: {  	[sflag:s20] =	ssyncset.done $0x0  }
0x43: {  	s25 =	sadd.s32 s24, s17;
	s24 =	smov.u32 s28;
	[sflag:s20] =	ssyncadd.s32 $0xFFFFFF80  }
0x44: {  	[tilespmem:s4], [sflag:$0x2] =	stream.linear.gather [hbm4b:s25+s4], $0x80, $0x38;
	[tilespmem:$0x18100] =	vst v63  }
0x45: {  	_ =	swait.ge [sflag:s20], $0x80  }
0x46: {  	[sflag:s20] =	ssyncset.done $0x0  }
0x47: {  	[sflag:s20] =	ssyncadd.s32 $0xFFFFFF80  }
0x48: {  	[tilespmem:s19], [sflag:$0x1] =	stream.indirect.gather [hbm4b:s5+s21], $0x80, s4, s21, $0xb8;
	[tilespmem:$0x18100] =	vst v63  }
0x49: {  	_ =	swait.ge [sflag:s22], $0x4000  }
.Ltmp0:
0x4a: {  	[sflag:s22] =	ssyncset.done $0x0;
	(pc) =	sbr.rel @p0 .LBB2_2-.Ltmp0, $4  }
0x4b: {  	[sflag:s22] =	ssyncadd.s32 $0xFFFFC000  }
0x4c: {  	[spmem:s3] =	stream.indirect.scatter.add.f32 [tilespmem:s19], [sflag:$0x2], $0x80, s21, s21, $0xb8;
	[tilespmem:$0x18100] =	vst v63  }
0x4d: {  	_ =	swait.ge [sflag:s20], $0x4000  }
0x4e: {  	s25 =	smov.u32 s29;
	[sflag:s20] =	ssyncset.done $0x0  }
0x4f: {  	s25 =	sadd.s32 s24, s18;
	[sflag:s20] =	ssyncadd.s32 $0xFFFFC000  }
0x50: {  	[tilespmem:s21], [sflag:$0x2] =	stream.linear.gather [hbm4b:s25+s4], $0x80, $0x38;
	[tilespmem:$0x18100] =	vst v63  }
0x51: {  	_ =	swait.ge [sflag:s20], $0x80  }
0x52: {  	[sflag:s20] =	ssyncset.done $0x0  }
0x53: {  	s31 =	sadd.s32 s24, s17;
	[sflag:s20] =	ssyncadd.s32 $0xFFFFFF80  }
0x54: {  	[tilespmem:s4], [sflag:$0x2] =	stream.linear.gather [hbm4b:s31+s4], $0x80, $0x38;
	[tilespmem:$0x18100] =	vst v63  }
0x55: {  	_ =	swait.ge [sflag:s20], $0x80  }
0x56: {  	[sflag:s20] =	ssyncset.done $0x0  }
0x57: {  	[sflag:s20] =	ssyncadd.s32 $0xFFFFFF80  }
0x58: {  	[tilespmem:s19], [sflag:$0x1] =	stream.indirect.gather [hbm4b:s5+s21], $0x80, s4, s21, $0xb8;
	[tilespmem:$0x18100] =	vst v63  }
0x59: {  	_ =	swait.ge [sflag:s22], $0x4000  }
0x5a: {  	[sflag:s22] =	ssyncset.done $0x0  }
0x5b: {  	[sflag:s22] =	ssyncadd.s32 $0xFFFFC000  }
0x5c: {  	[spmem:s3] =	stream.indirect.scatter.add.f32 [tilespmem:s19], [sflag:$0x2], $0x80, s21, s21, $0xb8;
	[tilespmem:$0x18100] =	vst v63  }
0x5d: {  	_ =	swait.ge [sflag:s20], $0x4000  }
0x5e: {  	[sflag:s20] =	ssyncset.done $0x0  }
0x5f: {  	[sflag:s20] =	ssyncadd.s32 $0xFFFFC000  }
0x60: {  	[bflag:$0x0] =	sbarrier.arrive $0xFFFF  }
0x61: {  	[tilespmem:s19], [sflag:$0x2] =	stream.linear.gather [spmem:s6], $0x4000, $0x38;
	[tilespmem:$0x18100] =	vst v63  }
0x62: {  	_ =	swait.ge [sflag:s20], $0x4000  }
0x63: {  	[sflag:s20] =	ssyncset.done $0x0  }
0x64: {  	[sflag:s20] =	ssyncadd.s32 $0xFFFFC000  }
0x65: {  	[hbm4b:s11+s4] =	stream.linear.scatter [tilespmem:s19], [sflag:$0x2], $0x4000, $0x38;
	[tilespmem:$0x18100] =	vst v63  }
0x66: {  	_ =	swait.ge [sflag:s20], $0x4000  }
0x67: {  	[sflag:s20] =	ssyncset.done $0x0  }
0x68: {  	[sflag:s20] =	ssyncadd.s32 $0xFFFFC000  }
0x69: {  	[tilespmem:s19], [sflag:$0x2] =	stream.linear.gather [spmem:s7], $0x4000, $0x38;
	[tilespmem:$0x18100] =	vst v63  }
0x6a: {  	_ =	swait.ge [sflag:s20], $0x4000  }
0x6b: {  	[sflag:s20] =	ssyncset.done $0x0  }
0x6c: {  	[sflag:s20] =	ssyncadd.s32 $0xFFFFC000  }
0x6d: {  	[hbm4b:s12+s4] =	stream.linear.scatter [tilespmem:s19], [sflag:$0x2], $0x4000, $0x38;
	[tilespmem:$0x18100] =	vst v63  }
0x6e: {  	_ =	swait.ge [sflag:s20], $0x4000  }
0x6f: {  	[sflag:s20] =	ssyncset.done $0x0  }
0x70: {  	[sflag:s20] =	ssyncadd.s32 $0xFFFFC000  }
0x71: {  	[tilespmem:s19], [sflag:$0x2] =	stream.linear.gather [spmem:s8], $0x4000, $0x38;
	[tilespmem:$0x18100] =	vst v63  }
0x72: {  	_ =	swait.ge [sflag:s20], $0x4000  }
0x73: {  	[sflag:s20] =	ssyncset.done $0x0  }
0x74: {  	[sflag:s20] =	ssyncadd.s32 $0xFFFFC000  }
0x75: {  	[hbm4b:s13+s4] =	stream.linear.scatter [tilespmem:s19], [sflag:$0x2], $0x4000, $0x38;
	[tilespmem:$0x18100] =	vst v63  }
0x76: {  	_ =	swait.ge [sflag:s20], $0x4000  }
0x77: {  	[sflag:s20] =	ssyncset.done $0x0  }
0x78: {  	[sflag:s20] =	ssyncadd.s32 $0xFFFFC000  }
0x79: {  	[tilespmem:s19], [sflag:$0x2] =	stream.linear.gather [spmem:s9], $0x4000, $0x38;
	[tilespmem:$0x18100] =	vst v63  }
0x7a: {  	_ =	swait.ge [sflag:s20], $0x4000  }
0x7b: {  	[sflag:s20] =	ssyncset.done $0x0  }
0x7c: {  	[sflag:s20] =	ssyncadd.s32 $0xFFFFC000  }
0x7d: {  	[hbm4b:s14+s4] =	stream.linear.scatter [tilespmem:s19], [sflag:$0x2], $0x4000, $0x38;
	[tilespmem:$0x18100] =	vst v63  }
0x7e: {  	_ =	swait.ge [sflag:s20], $0x4000  }
0x7f: {  	[sflag:s20] =	ssyncset.done $0x0  }
0x80: {  	[sflag:s20] =	ssyncadd.s32 $0xFFFFC000  }
0x81: {  	[tilespmem:s19], [sflag:$0x2] =	stream.linear.gather [spmem:s10], $0x4000, $0x38;
	[tilespmem:$0x18100] =	vst v63  }
0x82: {  	s23 =	sadd.s32 $0x1, s23;
	_ =	swait.ge [sflag:s20], $0x4000  }
0x83: {  	p0 =	sne.s32 s23, s16;
	[sflag:s20] =	ssyncset.done $0x0  }
.Ltmp1:
0x84: {  	[sflag:s20] =	ssyncadd.s32 $0xFFFFC000;
	(pc) =	sbr.rel @p0 .LBB2_1-.Ltmp1, $4  }
0x85: {  	[hbm4b:s15+s4] =	stream.linear.scatter [tilespmem:s19], [sflag:$0x2], $0x4000, $0x38;
	[tilespmem:$0x18100] =	vst v63  }
0x86: {  	_ =	swait.ge [sflag:s20], $0x4000  }
0x87: {  	[sflag:s20] =	ssyncset.done $0x0  }
0x88: {  	[sflag:s20] =	ssyncadd.s32 $0xFFFFC000  }
0x89: {  	_ =	sfence.sel $0x180000  }
0x8a: {  	[bflag:$0x0] =	sbarrier.arrive $0xFFFF  }
0x8b: {  	p0 =	sne.s32 s2, $0x0;
	_ =	strace $0x90000050  }
0x8c: {  	s0 =	sadd.s32 @!p0 $0x100000, s0;
	[bflag:$0x2] =	sbarrier.arrive $0xFFFF  }
0x8d: {  	[sflag:s0] =	ssyncadd.tile.s32 @!p0 $0x1;
	_ =	shalt  }
.Lfunc_end2:
_tile_overlayer_lowered:
.L_overlay_start_2:
0x8e: {  	(tag) =	ssettag $0x2  }
0x8f: {  	s0 =	rddreg [dreg:$0x0];
	s2 =	stileid.u32  }
0x90: {  	s1 =	rddreg [dreg:$0x1];
	p0 =	sne.s32 s2, $0x0  }
0x91: {  	s3 =	rddreg [dreg:$0x2];
	[bflag:$0x3] =	sbarrier.arrive $0xFFFF;
	s2 =	simm.s32 @!p0 $0x1C02  }
0x92: {  	[timem:s3], [sflag:s2] =	dma.local @!p0 [hbm:s0], s1  }
0x93: {  	s0 =	simm.s32 @!p0 $0x2  }
0x94: {  	_ =	swait.ge @!p0 [sflag:s0], s1  }
0x95: {  	s1 =	ssub.s32 @!p0 $0x0, s1;
	[sflag:s0] =	ssyncset.done @!p0 $0x0  }
0x96: {  	[sflag:s0] =	ssyncadd.s32 @!p0 s1  }
0x97: {  	[bflag:$0x3] =	sbarrier.arrive $0xFFFF  }
0x98: {  	_ =	shalt  }

// kernel: kernel.29.cloned.1.call-start
scs
__scs_entry_jumppad:
0x0: {  	(pc) =	sbr.rel $0x88, $3  }
0x1: {  	(tag) =	ssettag $0x0;
	lr =	simm.s32 $0x1  }
0x2: {  	[smem:$0x3F90] =	sst lr;
	_ =	strace $0xD0000000  }
0x3: {  	_ = 	snop  }
0x4: {  	_ = 	snop  }
0x5: {  	_ = 	snop  }
0x6: {  	_ = 	snop  }
0x7: {  	_ = 	snop  }
__scs_overlays_trampoline_lowered:
0x8: {  	[smem:$0x3F9F] =	sst s0  }
0x9: {  	[smem:$0x3FA0] =	sst s1  }
0xa: {  	[smem:$0x3FA1] =	sst s2  }
0xb: {  	[smem:$0x3FA2] =	sst s3  }
0xc: {  	[smem:$0x3FA3] =	sst s4  }
0xd: {  	[smem:$0x3FA4] =	sst s5  }
0xe: {  	[smem:$0x3FA5] =	sst s6  }
0xf: {  	[smem:$0x3FA6] =	sst s7  }
0x10: {  	[smem:$0x3FA7] =	sst s8  }
0x11: {  	[smem:$0x3FA8] =	sst s9;
	s0 =	simm.s32 @!p0 $0x0  }
0x12: {  	s1 =	sld [smem:$0x3F8E];
	s0 =	simm.s32 @p0 $0x1  }
0x13: {  	[smem:$0x3FA9] =	sst s0;
	s0 =	simm.s32 @!p1 $0x0  }
0x14: {  	s2 =	sld [smem:$0x3F8D];
	s0 =	simm.s32 @p1 $0x1  }
0x15: {  	[smem:$0x3FAA] =	sst s0;
	s0 =	simm.s32 @!p2 $0x0  }
0x16: {  	s3 =	sld [smem:$0x3FDB];
	s0 =	simm.s32 @p2 $0x1  }
0x17: {  	s4 =	simm.s32 $0x1BF5;
	[smem:$0x3FAC] =	sst s0  }
0x18: {  	s0 =	sld [smem:$0x3F8F];
	_ =	swait.ge [sflag:s4], $0x0  }
0x19: {  	s7 =	sld [smem:$0x3F90]  }
0x1a: {  	s8 =	sadd.s32 $0xFFFFE003, lr  }
0x1b: {  	s9 =	sadd.s32 $0xFFFFFEF7, lr;
	s5 =	simm.s32 $0xFFFFFFFF;
	p2 =	slt.u32 s8, $0xFFFFF086  }
0x1c: {  	p1 =	slt.u32 s9, $0xF7A;
	s5 =	simm.s32 @!p2 $0x0  }
0x1d: {  	s5 =	simm.s32 @p1 $0x1;
	p0 =	seq.s32 s7, s2  }
0x1e: {  	s7 =	smul.u32 @!p0 $0xF7A, s2;
	p2 =	seq.s32 @!p0 s5, $0x0  }
0x1f: {  	s9 =	smul.u32 $0xF7A, s1;
	s8 =	simm.s32 @!p0 $0x1BF5;
	p2 =	por !p2, p0  }
0x20: {  	[sflag:s8] =	ssyncset.s32 @!p0 $0xFFFFF086;
	s6 =	sadd.s32 @!p0 s3, s7;
	s7 =	simm.s32 @!p0 $0x108  }
0x21: {  	s3 =	sadd.s32 s3, s9;
	s6 =	sadd.s32 @!p0 $0x88, s6;
	s7 =	simm.s32 @p2 $0x1082  }
0x22: {  	[simem:s7], [sflag:s8] =	dma.local @!p0 [hbm:s6], $0xF7A  }
0x23: {  	s9 =	sor.u32 $0xD0000000, s2;
	s6 =	simm.s32 $0x108;
	_ =	swait.ge @!p0 [sflag:s8], $0x0  }
0x24: {  	s3 =	sadd.s32 $0x88, s3;
	s6 =	simm.s32 @!p1 $0x1082;
	[sflag:s4] =	ssyncset.s32 $0xFFFFF086  }
0x25: {  	[simem:s6], [sflag:s4] =	dma.local [hbm:s3], $0xF7A  }
0x26: {  	[smem:$0x3F90] =	sst s1;
	(tag) =	ssettag s2;
	_ =	strace s9  }
0x27: {  	s1 =	sld [smem:$0x3FA0]  }
0x28: {  	s2 =	sld [smem:$0x3FA1]  }
0x29: {  	s4 =	sld [smem:$0x3FA3]  }
0x2a: {  	p0 =	seq.s32 s5, $0x0;
	s5 =	sld [smem:$0x3FA4]  }
0x2b: {  	s6 =	sld [smem:$0x3FA5]  }
0x2c: {  	s7 =	sld [smem:$0x3FA6]  }
0x2d: {  	s3 =	simm.s32 $0x108;
	s8 =	sld [smem:$0x3FA7]  }
0x2e: {  	s3 =	simm.s32 @!p0 $0x1082;
	s9 =	sld [smem:$0x3FA8]  }
0x2f: {  	lr =	sadd.s32 s0, s3;
	s0 =	sld [smem:$0x3F9F]  }
0x30: {  	s3 =	sld [smem:$0x3FA2]  }
0x31: {  	[smem:$0x3FAB] =	sst s10  }
0x32: {  	s10 =	sld [smem:$0x3FA9];
	_ =	sdelay $0x3  }
0x33: {  	p0 =	seq.s32 s10, $0x1;
	s10 =	sld [smem:$0x3FAB];
	_ =	sdelay $0x3  }
0x34: {  	[smem:$0x3FAB] =	sst s10  }
0x35: {  	s10 =	sld [smem:$0x3FAA];
	_ =	sdelay $0x3  }
0x36: {  	p1 =	seq.s32 s10, $0x1;
	s10 =	sld [smem:$0x3FAB];
	_ =	sdelay $0x3  }
0x37: {  	[smem:$0x3FAB] =	sst s10  }
0x38: {  	s10 =	sld [smem:$0x3FAC]  }
0x39: {  	_ = 	snop;
	(pc) =	sbr.ind lr, $3  }
0x3a: {  	_ = 	snop  }
0x3b: {  	_ = 	snop  }
0x3c: {  	p2 =	seq.s32 s10, $0x1;
	s10 =	sld [smem:$0x3FAB]  }
0x3d: {  	_ =	shalt  }
0x3e: {  	_ =	shalt  }
0x3f: {  	_ =	shalt  }
0x40: {  	_ =	shalt  }
0x41: {  	_ =	shalt  }
0x42: {  	_ =	shalt  }
0x43: {  	_ =	shalt  }
0x44: {  	_ =	shalt  }
0x45: {  	_ =	shalt  }
0x46: {  	_ =	shalt  }
0x47: {  	_ =	shalt  }
0x48: {  	_ =	shalt  }
0x49: {  	_ =	shalt  }
0x4a: {  	_ =	shalt  }
0x4b: {  	_ =	shalt  }
0x4c: {  	_ =	shalt  }
0x4d: {  	_ =	shalt  }
0x4e: {  	_ =	shalt  }
0x4f: {  	_ =	shalt  }
0x50: {  	_ =	shalt  }
0x51: {  	_ =	shalt  }
0x52: {  	_ =	shalt  }
0x53: {  	_ =	shalt  }
0x54: {  	_ =	shalt  }
0x55: {  	_ =	shalt  }
0x56: {  	_ =	shalt  }
0x57: {  	_ =	shalt  }
0x58: {  	_ =	shalt  }
0x59: {  	_ =	shalt  }
0x5a: {  	_ =	shalt  }
0x5b: {  	_ =	shalt  }
0x5c: {  	_ =	shalt  }
0x5d: {  	_ =	shalt  }
0x5e: {  	_ =	shalt  }
0x5f: {  	_ =	shalt  }
0x60: {  	_ =	shalt  }
0x61: {  	_ =	shalt  }
0x62: {  	_ =	shalt  }
0x63: {  	_ =	shalt  }
0x64: {  	_ =	shalt  }
0x65: {  	_ =	shalt  }
0x66: {  	_ =	shalt  }
0x67: {  	_ =	shalt  }
0x68: {  	_ =	shalt  }
0x69: {  	_ =	shalt  }
0x6a: {  	_ =	shalt  }
0x6b: {  	_ =	shalt  }
0x6c: {  	_ =	shalt  }
0x6d: {  	_ =	shalt  }
0x6e: {  	_ =	shalt  }
0x6f: {  	_ =	shalt  }
0x70: {  	_ =	shalt  }
0x71: {  	_ =	shalt  }
0x72: {  	_ =	shalt  }
0x73: {  	_ =	shalt  }
0x74: {  	_ =	shalt  }
0x75: {  	_ =	shalt  }
0x76: {  	_ =	shalt  }
0x77: {  	_ =	shalt  }
0x78: {  	_ =	shalt  }
0x79: {  	_ =	shalt  }
0x7a: {  	_ =	shalt  }
0x7b: {  	_ =	shalt  }
0x7c: {  	_ =	shalt  }
0x7d: {  	_ =	shalt  }
0x7e: {  	_ =	shalt  }
0x7f: {  	_ =	shalt  }
0x80: {  	_ =	shalt  }
0x81: {  	_ =	shalt  }
0x82: {  	_ =	shalt  }
0x83: {  	_ =	shalt  }
0x84: {  	_ =	shalt  }
0x85: {  	_ =	shalt  }
0x86: {  	_ =	shalt  }
0x87: {  	_ =	shalt  }
.Lfunc_end0:
.L_simem_size_0:
called_computation.4_lowered:
.L_overlay_start_0:
0x88: {  	s2 =	sld [smem:$0x3FD9]  }
0x89: {  	s3 =	sld [smem:$0x3FFE];
	_ =	sdelay $0x1  }
0x8a: {  	s1 =	srdreg.scid  }
0x8b: {  	s0 =	sand.u32 $0x1, s1  }
0x8c: {  	s17 =	sshll.u32 s0, $0xA;
	s2 =	sadd.s32 s3, s2  }
0x8d: {  	s2 =	sadd.s32 s2, s17  }
0x8e: {  	[smem:$0x3FB7] =	sst s2  }
0x8f: {  	_ = 	snop  }
0x90: {  	s2 =	sld [smem:$0x3FD0];
	(tm) =	ssettm $0x1  }
0x91: {  	s18 =	sld [smem:$0x3FFB];
	_ =	sdelay $0x3  }
0x92: {  	_ =	strace s18  }
0x93: {  	s3 =	sld [smem:$0x3FFC];
	_ =	sdelay $0x3  }
0x94: {  	_ =	strace s3  }
0x95: {  	s3 =	sld [smem:$0x3FFD];
	_ =	sdelay $0x3  }
0x96: {  	_ =	strace s3  }
0x97: {  	_ =	strace $0x8FFFFFFF  }
0x98: {  	s19 =	sld [smem:$0x3FDB];
	_ =	sdelay $0x1  }
0x99: {  	s4 =	simm.s32 $_scs_section_size  }
0x9a: {  	s5 =	simm.s32 $_size__tile_overlayer_lowered;
	s6 =	simm.s32 $_tile_overlayer_lowered  }
0x9b: {  	s22 =	simm.s32 $0x1BFF;
	s21 =	sshll.u32 s6, $0x1;
	s3 =	sadd.s32 s4, s19  }
0x9c: {  	s7 =	simm.s32 $0x0;
	s20 =	sshll.u32 s5, $0x1;
	s5 =	sadd.s32 s21, s3  }
0x9d: {  	[timem:s7], [sflag:s22] =	dma.local [hbm:s5], s20  }
0x9e: {  	_ =	swait.ge [sflag:s22], s20  }
0x9f: {  	s4 =	ssub.s32 $0x0, s20;
	[sflag:s22] =	ssyncset.done $0x0  }
0xa0: {  	[sflag:s22] =	ssyncadd.s32 s4;
	_ =	sdelay $0x1  }
0xa1: {  	s23 =	simm.s32 $0x1B8B  }
0xa2: {  	_ =	swait.ge [sflag:s23], $0x1  }
0xa3: {  	[sflag:s23] =	ssyncset.done $0x0  }
0xa4: {  	s25 =	simm.s32 $0x1B8E;
	s24 =	sld [smem:$0x3FFE];
	[sflag:s23] =	ssyncadd.s32 $0xFFFFFFFF  }
0xa5: {  	s26 =	simm.s32 $execute0_lowered;
	[smem:$0x3FD2] =	sst s25  }
0xa6: {  	s5 =	sshll.u32 s26, $0x1;
	_ =	strace $0x80000052;
	[dreg:$0x1] =	wrdreg $0xFFFFFFFF  }
0xa7: {  	s28 =	simm.s32 $_size_execute0_lowered;
	s3 =	sadd.s32 s3, s5;
	[dreg:$0x0] =	wrdreg $0x0  }
0xa8: {  	s5 =	sshll.u32 s28, $0x1;
	[dreg:$0x2] =	wrdreg s3  }
0xa9: {  	[dreg:$0x3] =	wrdreg s5  }
0xaa: {  	[dreg:$0x4] =	wrdreg $0xC0  }
0xab: {  	_ =	task [dreg:s7], $0x5FFFF  }
0xac: {  	[dreg:$0x1] =	wrdreg $0xFFFFFFFF  }
0xad: {  	[dreg:$0x0] =	wrdreg $0x60  }
0xae: {  	[dreg:$0x2] =	wrdreg s24  }
0xaf: {  	[dreg:$0x3] =	wrdreg s2  }
0xb0: {  	[dreg:$0x4] =	wrdreg $0x41000  }
0xb1: {  	[dreg:$0x5] =	wrdreg $0x9  }
0xb2: {  	_ =	task.clear_ibuf [dreg:s7], $0x6FFFF;
	_ =	strace $0x90000052  }
0xb3: {  	s29 =	simm.s32 $0x9;
	_ =	strace $0x80000054  }
0xb4: {  	_ =	swait.ge [sflag:s29], $0x1  }
0xb5: {  	[sflag:s29] =	ssyncadd.s32 $0xFFFFFFFF  }
0xb6: {  	_ =	strace $0x90000054  }
0xb7: {  	_ =	sfence  }
0xb8: {  	s30 =	sld [smem:$0x0];
	_ =	sdelay $0x2  }
0xb9: {  	s31 =	sshll.u32 s1, $0xD;
	s1 =	sshrl.u32 s1, $0x2  }
0xba: {  	s3 =	sand.u32 $0x4000, s31;
	s1 =	sadd.s32 s1, s30  }
0xbb: {  	s0 =	sor.u32 s3, s0;
	s1 =	sshll.u32 s1, $0x11  }
0xbc: {  	s0 =	sor.u32 s1, s0  }
0xbd: {  	s0 =	sadd.s32 $0x8F2B, s0  }
0xbe: {  	[sflag:s0] =	ssyncadd.remote.s32 $0x1  }
0xbf: {  	_ =	sfence.sel $0xFFFF  }
0xc0: {  	[dreg:$0x0] =	wrdreg $0xFFFFFFFF;
	(pc) =	sbr.abs _section_cstart, $3  }
0xc1: {  	[dreg:$0x1] =	wrdreg $0xFFFFFFFF  }
0xc2: {  	_ =	task.clear_ibuf [dreg:s7], $0x2FFFF;
	_ =	strace $0x9FFFFFFF  }
0xc3: {  	(tm) =	ssettm $0x7FFFFFFF  }
tec
execute0_lowered:
.L_overlay_start_1:
0x0: {  	(tag) =	ssettag $0x1  }
0x1: {  	s6 =	rddreg [dreg:$0x0]  }
0x2: {  	s1 =	rddreg [dreg:$0x1]  }
0x3: {  	s3 =	rddreg [dreg:$0x2]  }
0x4: {  	s0 =	rddreg [dreg:$0x3]  }
0x5: {  	s4 =	simm.s32 $0x0;
	s2 =	stileid.u32;
	s8 =	srdreg.scid  }
0x6: {  	s22 =	simm.s32 $0x1;
	s23 =	simm.s32 $0x0;
	s7 =	smul.u32 $0x9E0, s2  }
0x7: {  	[smem:$0x7FF] =	sst s4;
	s5 =	sadd.s32 $0x19000, s6;
	s24 =	smul.u32 $0x50000, s2  }
0x8: {  	s13 =	sand.u32 $0x1, s8;
	s10 =	smul.u32 $0x14000, s2;
	s16 =	sadd.s32 $0x41000, s6  }
0x9: {  	_ =	strace $0x80000053;
	s25 =	ssub.s32 $0x2, s13;
	s19 =	smul.u32 $0x140000, s13  }
0xa: {  	s28 =	smul.u32 $0x4F0, s13;
	s15 =	sadd.s32 s7, s6;
	s26 =	sshrl.u32 s25, $0x1  }
0xb: {  	s8 =	sshrl.u32 s24, $0x2;
	s11 =	sadd.s32 $0x4000, s10;
	s14 =	sadd.s32 $0x8000, s10  }
0xc: {  	s18 =	sadd.s32 $0xC000, s10;
	s20 =	sadd.s32 $0x10000, s10;
	s17 =	ssub.s32 s25, s26  }
0xd: {  	s6 =	sadd.s32 s8, s3;
	s7 =	sadd.s32 s11, s3;
	s8 =	sadd.s32 s14, s3  }
0xe: {  	s9 =	sadd.s32 s18, s3;
	s12 =	sadd.s32 s10, s19;
	s11 =	sadd.s32 s19, s11  }
0xf: {  	s10 =	sadd.s32 s20, s3;
	s14 =	sadd.s32 s19, s14;
	s18 =	sadd.s32 s19, s18  }
0x10: {  	s30 =	sadd.s32 s19, s20;
	s31 =	sadd.s32 s28, s15;
	s19 =	simm.s32 $0x100  }
0x11: {  	s20 =	simm.s32 $0x2;
	s12 =	sshrl.u32 s12, $0x3;
	s21 =	sshrl.u32 s11, $0x3  }
0x12: {  	s14 =	sshrl.u32 s14, $0x3;
	s29 =	sshrl.u32 s18, $0x3;
	s18 =	sshrl.u32 s30, $0x3  }
0x13: {  	s11 =	sadd.s32 s16, s12;
	s12 =	sadd.s32 s16, s21;
	s13 =	sadd.s32 s16, s14  }
0x14: {  	s14 =	sadd.s32 s16, s29;
	s15 =	sadd.s32 s16, s18;
	s16 =	smax.u32 s17, $0x1  }
0x15: {  	s17 =	sadd.s32 $0xF200, s31;
	s18 =	sadd.s32 $0x5400, s31;
	s21 =	simm.s32 $0x80  }
.LBB2_1:
0x16: {  	[tilespmem:s19], [sflag:$0x2] =	stream.linear.gather [hbm4b:s1+s4], $0x4000, $0x38;
	[tilespmem:$0x18100] =	vst v63  }
0x17: {  	_ =	swait.ge [sflag:s20], $0x4000  }
0x18: {  	[sflag:s20] =	ssyncset.done $0x0  }
0x19: {  	[sflag:s20] =	ssyncadd.s32 $0xFFFFC000  }
0x1a: {  	[spmem:s6] =	stream.linear.scatter [tilespmem:s19], [sflag:$0x2], $0x4000, $0x38;
	[tilespmem:$0x18100] =	vst v63  }
0x1b: {  	_ =	swait.ge [sflag:s20], $0x4000  }
0x1c: {  	[sflag:s20] =	ssyncset.done $0x0  }
0x1d: {  	[sflag:s20] =	ssyncadd.s32 $0xFFFFC000  }
0x1e: {  	[spmem:s7] =	stream.linear.scatter [tilespmem:s19], [sflag:$0x2], $0x4000, $0x38;
	[tilespmem:$0x18100] =	vst v63  }
0x1f: {  	_ =	swait.ge [sflag:s20], $0x4000  }
0x20: {  	[sflag:s20] =	ssyncset.done $0x0  }
0x21: {  	[sflag:s20] =	ssyncadd.s32 $0xFFFFC000  }
0x22: {  	[spmem:s8] =	stream.linear.scatter [tilespmem:s19], [sflag:$0x2], $0x4000, $0x38;
	[tilespmem:$0x18100] =	vst v63  }
0x23: {  	_ =	swait.ge [sflag:s20], $0x4000  }
0x24: {  	[sflag:s20] =	ssyncset.done $0x0  }
0x25: {  	[sflag:s20] =	ssyncadd.s32 $0xFFFFC000  }
0x26: {  	[spmem:s9] =	stream.linear.scatter [tilespmem:s19], [sflag:$0x2], $0x4000, $0x38;
	[tilespmem:$0x18100] =	vst v63  }
0x27: {  	_ =	swait.ge [sflag:s20], $0x4000  }
0x28: {  	[sflag:s20] =	ssyncset.done $0x0  }
0x29: {  	[sflag:s20] =	ssyncadd.s32 $0xFFFFC000  }
0x2a: {  	[spmem:s10] =	stream.linear.scatter [tilespmem:s19], [sflag:$0x2], $0x4000, $0x38;
	[tilespmem:$0x18100] =	vst v63  }
0x2b: {  	_ =	swait.ge [sflag:s20], $0x4000  }
0x2c: {  	[sflag:s20] =	ssyncset.done $0x0  }
0x2d: {  	[sflag:s20] =	ssyncadd.s32 $0xFFFFC000  }
0x2e: {  	s24 =	sadd.s32 $0x0, s18;
	[bflag:$0x0] =	sbarrier.arrive $0xFFFF  }
0x2f: {  	[tilespmem:s21], [sflag:$0x2] =	stream.linear.gather [hbm4b:s24+s4], $0x80, $0x38;
	[tilespmem:$0x18100] =	vst v63  }
0x30: {  	_ =	swait.ge [sflag:s20], $0x80  }
0x31: {  	[sflag:s20] =	ssyncset.done $0x0  }
0x32: {  	s31 =	sadd.s32 $0x0, s17;
	[sflag:s20] =	ssyncadd.s32 $0xFFFFFF80  }
0x33: {  	[tilespmem:s4], [sflag:$0x2] =	stream.linear.gather [hbm4b:s31+s4], $0x80, $0x38;
	[tilespmem:$0x18100] =	vst v63  }
0x34: {  	_ =	swait.ge [sflag:s20], $0x80  }
0x35: {  	[sflag:s20] =	ssyncset.done $0x0  }
0x36: {  	[sflag:s20] =	ssyncadd.s32 $0xFFFFFF80  }
0x37: {  	[tilespmem:s19], [sflag:$0x1] =	stream.indirect.gather [hbm4b:s5+s21], $0x80, s4, s21, $0xb8;
	[tilespmem:$0x18100] =	vst v63  }
0x38: {  	_ =	swait.ge [sflag:s22], $0x4000  }
0x39: {  	[sflag:s22] =	ssyncset.done $0x0  }
0x3a: {  	[sflag:s22] =	ssyncadd.s32 $0xFFFFC000  }
0x3b: {  	[spmem:s3] =	stream.indirect.scatter.add.f32 [tilespmem:s19], [sflag:$0x2], $0x80, s21, s21, $0xb8;
	[tilespmem:$0x18100] =	vst v63  }
0x3c: {  	_ =	swait.ge [sflag:s20], $0x4000  }
0x3d: {  	s25 =	simm.s32 $0x20;
	s24 =	simm.s32 $0x10;
	[sflag:s20] =	ssyncset.done $0x0  }
.LBB2_2:
0x3e: {  	s26 =	sadd.s32 s24, s18  }
0x3f: {  	[sflag:s20] =	ssyncadd.s32 $0xFFFFC000;
	s28 =	smov.u32 s25;
	s29 =	sadd.s32 $0x10, s25  }
0x40: {  	[tilespmem:s21], [sflag:$0x2] =	stream.linear.gather [hbm4b:s26+s4], $0x80, $0x38;
	[tilespmem:$0x18100] =	vst v63  }
0x41: {  	p0 =	sne.s32 s25, $0x4E0;
	_ =	swait.ge [sflag:s20], $0x80  }
0x42: {  	[sflag:s20] =	ssyncset.done $0x0  }
0x43: {  	s25 =	sadd.s32 s24, s17;
	s24 =	smov.u32 s28;
	[sflag:s20] =	ssyncadd.s32 $0xFFFFFF80  }
0x44: {  	[tilespmem:s4], [sflag:$0x2] =	stream.linear.gather [hbm4b:s25+s4], $0x80, $0x38;
	[tilespmem:$0x18100] =	vst v63  }
0x45: {  	_ =	swait.ge [sflag:s20], $0x80  }
0x46: {  	[sflag:s20] =	ssyncset.done $0x0  }
0x47: {  	[sflag:s20] =	ssyncadd.s32 $0xFFFFFF80  }
0x48: {  	[tilespmem:s19], [sflag:$0x1] =	stream.indirect.gather [hbm4b:s5+s21], $0x80, s4, s21, $0xb8;
	[tilespmem:$0x18100] =	vst v63  }
0x49: {  	_ =	swait.ge [sflag:s22], $0x4000  }
.Ltmp0:
0x4a: {  	[sflag:s22] =	ssyncset.done $0x0;
	(pc) =	sbr.rel @p0 .LBB2_2-.Ltmp0, $4  }
0x4b: {  	[sflag:s22] =	ssyncadd.s32 $0xFFFFC000  }
0x4c: {  	[spmem:s3] =	stream.indirect.scatter.add.f32 [tilespmem:s19], [sflag:$0x2], $0x80, s21, s21, $0xb8;
	[tilespmem:$0x18100] =	vst v63  }
0x4d: {  	_ =	swait.ge [sflag:s20], $0x4000  }
0x4e: {  	s25 =	smov.u32 s29;
	[sflag:s20] =	ssyncset.done $0x0  }
0x4f: {  	s25 =	sadd.s32 s24, s18;
	[sflag:s20] =	ssyncadd.s32 $0xFFFFC000  }
0x50: {  	[tilespmem:s21], [sflag:$0x2] =	stream.linear.gather [hbm4b:s25+s4], $0x80, $0x38;
	[tilespmem:$0x18100] =	vst v63  }
0x51: {  	_ =	swait.ge [sflag:s20], $0x80  }
0x52: {  	[sflag:s20] =	ssyncset.done $0x0  }
0x53: {  	s31 =	sadd.s32 s24, s17;
	[sflag:s20] =	ssyncadd.s32 $0xFFFFFF80  }
0x54: {  	[tilespmem:s4], [sflag:$0x2] =	stream.linear.gather [hbm4b:s31+s4], $0x80, $0x38;
	[tilespmem:$0x18100] =	vst v63  }
0x55: {  	_ =	swait.ge [sflag:s20], $0x80  }
0x56: {  	[sflag:s20] =	ssyncset.done $0x0  }
0x57: {  	[sflag:s20] =	ssyncadd.s32 $0xFFFFFF80  }
0x58: {  	[tilespmem:s19], [sflag:$0x1] =	stream.indirect.gather [hbm4b:s5+s21], $0x80, s4, s21, $0xb8;
	[tilespmem:$0x18100] =	vst v63  }
0x59: {  	_ =	swait.ge [sflag:s22], $0x4000  }
0x5a: {  	[sflag:s22] =	ssyncset.done $0x0  }
0x5b: {  	[sflag:s22] =	ssyncadd.s32 $0xFFFFC000  }
0x5c: {  	[spmem:s3] =	stream.indirect.scatter.add.f32 [tilespmem:s19], [sflag:$0x2], $0x80, s21, s21, $0xb8;
	[tilespmem:$0x18100] =	vst v63  }
0x5d: {  	_ =	swait.ge [sflag:s20], $0x4000  }
0x5e: {  	[sflag:s20] =	ssyncset.done $0x0  }
0x5f: {  	[sflag:s20] =	ssyncadd.s32 $0xFFFFC000  }
0x60: {  	[bflag:$0x0] =	sbarrier.arrive $0xFFFF  }
0x61: {  	[tilespmem:s19], [sflag:$0x2] =	stream.linear.gather [spmem:s6], $0x4000, $0x38;
	[tilespmem:$0x18100] =	vst v63  }
0x62: {  	_ =	swait.ge [sflag:s20], $0x4000  }
0x63: {  	[sflag:s20] =	ssyncset.done $0x0  }
0x64: {  	[sflag:s20] =	ssyncadd.s32 $0xFFFFC000  }
0x65: {  	[hbm4b:s11+s4] =	stream.linear.scatter [tilespmem:s19], [sflag:$0x2], $0x4000, $0x38;
	[tilespmem:$0x18100] =	vst v63  }
0x66: {  	_ =	swait.ge [sflag:s20], $0x4000  }
0x67: {  	[sflag:s20] =	ssyncset.done $0x0  }
0x68: {  	[sflag:s20] =	ssyncadd.s32 $0xFFFFC000  }
0x69: {  	[tilespmem:s19], [sflag:$0x2] =	stream.linear.gather [spmem:s7], $0x4000, $0x38;
	[tilespmem:$0x18100] =	vst v63  }
0x6a: {  	_ =	swait.ge [sflag:s20], $0x4000  }
0x6b: {  	[sflag:s20] =	ssyncset.done $0x0  }
0x6c: {  	[sflag:s20] =	ssyncadd.s32 $0xFFFFC000  }
0x6d: {  	[hbm4b:s12+s4] =	stream.linear.scatter [tilespmem:s19], [sflag:$0x2], $0x4000, $0x38;
	[tilespmem:$0x18100] =	vst v63  }
0x6e: {  	_ =	swait.ge [sflag:s20], $0x4000  }
0x6f: {  	[sflag:s20] =	ssyncset.done $0x0  }
0x70: {  	[sflag:s20] =	ssyncadd.s32 $0xFFFFC000  }
0x71: {  	[tilespmem:s19], [sflag:$0x2] =	stream.linear.gather [spmem:s8], $0x4000, $0x38;
	[tilespmem:$0x18100] =	vst v63  }
0x72: {  	_ =	swait.ge [sflag:s20], $0x4000  }
0x73: {  	[sflag:s20] =	ssyncset.done $0x0  }
0x74: {  	[sflag:s20] =	ssyncadd.s32 $0xFFFFC000  }
0x75: {  	[hbm4b:s13+s4] =	stream.linear.scatter [tilespmem:s19], [sflag:$0x2], $0x4000, $0x38;
	[tilespmem:$0x18100] =	vst v63  }
0x76: {  	_ =	swait.ge [sflag:s20], $0x4000  }
0x77: {  	[sflag:s20] =	ssyncset.done $0x0  }
0x78: {  	[sflag:s20] =	ssyncadd.s32 $0xFFFFC000  }
0x79: {  	[tilespmem:s19], [sflag:$0x2] =	stream.linear.gather [spmem:s9], $0x4000, $0x38;
	[tilespmem:$0x18100] =	vst v63  }
0x7a: {  	_ =	swait.ge [sflag:s20], $0x4000  }
0x7b: {  	[sflag:s20] =	ssyncset.done $0x0  }
0x7c: {  	[sflag:s20] =	ssyncadd.s32 $0xFFFFC000  }
0x7d: {  	[hbm4b:s14+s4] =	stream.linear.scatter [tilespmem:s19], [sflag:$0x2], $0x4000, $0x38;
	[tilespmem:$0x18100] =	vst v63  }
0x7e: {  	_ =	swait.ge [sflag:s20], $0x4000  }
0x7f: {  	[sflag:s20] =	ssyncset.done $0x0  }
0x80: {  	[sflag:s20] =	ssyncadd.s32 $0xFFFFC000  }
0x81: {  	[tilespmem:s19], [sflag:$0x2] =	stream.linear.gather [spmem:s10], $0x4000, $0x38;
	[tilespmem:$0x18100] =	vst v63  }
0x82: {  	s23 =	sadd.s32 $0x1, s23;
	_ =	swait.ge [sflag:s20], $0x4000  }
0x83: {  	p0 =	sne.s32 s23, s16;
	[sflag:s20] =	ssyncset.done $0x0  }
.Ltmp1:
0x84: {  	[sflag:s20] =	ssyncadd.s32 $0xFFFFC000;
	(pc) =	sbr.rel @p0 .LBB2_1-.Ltmp1, $4  }
0x85: {  	[hbm4b:s15+s4] =	stream.linear.scatter [tilespmem:s19], [sflag:$0x2], $0x4000, $0x38;
	[tilespmem:$0x18100] =	vst v63  }
0x86: {  	_ =	swait.ge [sflag:s20], $0x4000  }
0x87: {  	[sflag:s20] =	ssyncset.done $0x0  }
0x88: {  	[sflag:s20] =	ssyncadd.s32 $0xFFFFC000  }
0x89: {  	_ =	sfence.sel $0x180000  }
0x8a: {  	[bflag:$0x0] =	sbarrier.arrive $0xFFFF  }
0x8b: {  	p0 =	sne.s32 s2, $0x0;
	_ =	strace $0x90000053  }
0x8c: {  	s0 =	sadd.s32 @!p0 $0x100000, s0;
	[bflag:$0x2] =	sbarrier.arrive $0xFFFF  }
0x8d: {  	[sflag:s0] =	ssyncadd.tile.s32 @!p0 $0x1;
	_ =	shalt  }
.Lfunc_end2:
_tile_overlayer_lowered:
.L_overlay_start_2:
0x8e: {  	(tag) =	ssettag $0x2  }
0x8f: {  	s0 =	rddreg [dreg:$0x0];
	s2 =	stileid.u32  }
0x90: {  	s1 =	rddreg [dreg:$0x1];
	p0 =	sne.s32 s2, $0x0  }
0x91: {  	s3 =	rddreg [dreg:$0x2];
	[bflag:$0x3] =	sbarrier.arrive $0xFFFF;
	s2 =	simm.s32 @!p0 $0x1C02  }
0x92: {  	[timem:s3], [sflag:s2] =	dma.local @!p0 [hbm:s0], s1  }
0x93: {  	s0 =	simm.s32 @!p0 $0x2  }
0x94: {  	_ =	swait.ge @!p0 [sflag:s0], s1  }
0x95: {  	s1 =	ssub.s32 @!p0 $0x0, s1;
	[sflag:s0] =	ssyncset.done @!p0 $0x0  }
0x96: {  	[sflag:s0] =	ssyncadd.s32 @!p0 s1  }
0x97: {  	[bflag:$0x3] =	sbarrier.arrive $0xFFFF  }
0x98: {  	_ =	shalt  }

// kernel: kernel.32.cloned.1.call-start
scs
__scs_entry_jumppad:
0x0: {  	(pc) =	sbr.rel $0x88, $3  }
0x1: {  	(tag) =	ssettag $0x0;
	lr =	simm.s32 $0x1  }
0x2: {  	[smem:$0x3F90] =	sst lr;
	_ =	strace $0xD0000000  }
0x3: {  	_ = 	snop  }
0x4: {  	_ = 	snop  }
0x5: {  	_ = 	snop  }
0x6: {  	_ = 	snop  }
0x7: {  	_ = 	snop  }
__scs_overlays_trampoline_lowered:
0x8: {  	[smem:$0x3F9F] =	sst s0  }
0x9: {  	[smem:$0x3FA0] =	sst s1  }
0xa: {  	[smem:$0x3FA1] =	sst s2  }
0xb: {  	[smem:$0x3FA2] =	sst s3  }
0xc: {  	[smem:$0x3FA3] =	sst s4  }
0xd: {  	[smem:$0x3FA4] =	sst s5  }
0xe: {  	[smem:$0x3FA5] =	sst s6  }
0xf: {  	[smem:$0x3FA6] =	sst s7  }
0x10: {  	[smem:$0x3FA7] =	sst s8  }
0x11: {  	[smem:$0x3FA8] =	sst s9;
	s0 =	simm.s32 @!p0 $0x0  }
0x12: {  	s1 =	sld [smem:$0x3F8E];
	s0 =	simm.s32 @p0 $0x1  }
0x13: {  	[smem:$0x3FA9] =	sst s0;
	s0 =	simm.s32 @!p1 $0x0  }
0x14: {  	s2 =	sld [smem:$0x3F8D];
	s0 =	simm.s32 @p1 $0x1  }
0x15: {  	[smem:$0x3FAA] =	sst s0;
	s0 =	simm.s32 @!p2 $0x0  }
0x16: {  	s3 =	sld [smem:$0x3FDB];
	s0 =	simm.s32 @p2 $0x1  }
0x17: {  	s4 =	simm.s32 $0x1BF5;
	[smem:$0x3FAC] =	sst s0  }
0x18: {  	s0 =	sld [smem:$0x3F8F];
	_ =	swait.ge [sflag:s4], $0x0  }
0x19: {  	s7 =	sld [smem:$0x3F90]  }
0x1a: {  	s8 =	sadd.s32 $0xFFFFE003, lr  }
0x1b: {  	s9 =	sadd.s32 $0xFFFFFEF7, lr;
	s5 =	simm.s32 $0xFFFFFFFF;
	p2 =	slt.u32 s8, $0xFFFFF086  }
0x1c: {  	p1 =	slt.u32 s9, $0xF7A;
	s5 =	simm.s32 @!p2 $0x0  }
0x1d: {  	s5 =	simm.s32 @p1 $0x1;
	p0 =	seq.s32 s7, s2  }
0x1e: {  	s7 =	smul.u32 @!p0 $0xF7A, s2;
	p2 =	seq.s32 @!p0 s5, $0x0  }
0x1f: {  	s9 =	smul.u32 $0xF7A, s1;
	s8 =	simm.s32 @!p0 $0x1BF5;
	p2 =	por !p2, p0  }
0x20: {  	[sflag:s8] =	ssyncset.s32 @!p0 $0xFFFFF086;
	s6 =	sadd.s32 @!p0 s3, s7;
	s7 =	simm.s32 @!p0 $0x108  }
0x21: {  	s3 =	sadd.s32 s3, s9;
	s6 =	sadd.s32 @!p0 $0x88, s6;
	s7 =	simm.s32 @p2 $0x1082  }
0x22: {  	[simem:s7], [sflag:s8] =	dma.local @!p0 [hbm:s6], $0xF7A  }
0x23: {  	s9 =	sor.u32 $0xD0000000, s2;
	s6 =	simm.s32 $0x108;
	_ =	swait.ge @!p0 [sflag:s8], $0x0  }
0x24: {  	s3 =	sadd.s32 $0x88, s3;
	s6 =	simm.s32 @!p1 $0x1082;
	[sflag:s4] =	ssyncset.s32 $0xFFFFF086  }
0x25: {  	[simem:s6], [sflag:s4] =	dma.local [hbm:s3], $0xF7A  }
0x26: {  	[smem:$0x3F90] =	sst s1;
	(tag) =	ssettag s2;
	_ =	strace s9  }
0x27: {  	s1 =	sld [smem:$0x3FA0]  }
0x28: {  	s2 =	sld [smem:$0x3FA1]  }
0x29: {  	s4 =	sld [smem:$0x3FA3]  }
0x2a: {  	p0 =	seq.s32 s5, $0x0;
	s5 =	sld [smem:$0x3FA4]  }
0x2b: {  	s6 =	sld [smem:$0x3FA5]  }
0x2c: {  	s7 =	sld [smem:$0x3FA6]  }
0x2d: {  	s3 =	simm.s32 $0x108;
	s8 =	sld [smem:$0x3FA7]  }
0x2e: {  	s3 =	simm.s32 @!p0 $0x1082;
	s9 =	sld [smem:$0x3FA8]  }
0x2f: {  	lr =	sadd.s32 s0, s3;
	s0 =	sld [smem:$0x3F9F]  }
0x30: {  	s3 =	sld [smem:$0x3FA2]  }
0x31: {  	[smem:$0x3FAB] =	sst s10  }
0x32: {  	s10 =	sld [smem:$0x3FA9];
	_ =	sdelay $0x3  }
0x33: {  	p0 =	seq.s32 s10, $0x1;
	s10 =	sld [smem:$0x3FAB];
	_ =	sdelay $0x3  }
0x34: {  	[smem:$0x3FAB] =	sst s10  }
0x35: {  	s10 =	sld [smem:$0x3FAA];
	_ =	sdelay $0x3  }
0x36: {  	p1 =	seq.s32 s10, $0x1;
	s10 =	sld [smem:$0x3FAB];
	_ =	sdelay $0x3  }
0x37: {  	[smem:$0x3FAB] =	sst s10  }
0x38: {  	s10 =	sld [smem:$0x3FAC]  }
0x39: {  	_ = 	snop;
	(pc) =	sbr.ind lr, $3  }
0x3a: {  	_ = 	snop  }
0x3b: {  	_ = 	snop  }
0x3c: {  	p2 =	seq.s32 s10, $0x1;
	s10 =	sld [smem:$0x3FAB]  }
0x3d: {  	_ =	shalt  }
0x3e: {  	_ =	shalt  }
0x3f: {  	_ =	shalt  }
0x40: {  	_ =	shalt  }
0x41: {  	_ =	shalt  }
0x42: {  	_ =	shalt  }
0x43: {  	_ =	shalt  }
0x44: {  	_ =	shalt  }
0x45: {  	_ =	shalt  }
0x46: {  	_ =	shalt  }
0x47: {  	_ =	shalt  }
0x48: {  	_ =	shalt  }
0x49: {  	_ =	shalt  }
0x4a: {  	_ =	shalt  }
0x4b: {  	_ =	shalt  }
0x4c: {  	_ =	shalt  }
0x4d: {  	_ =	shalt  }
0x4e: {  	_ =	shalt  }
0x4f: {  	_ =	shalt  }
0x50: {  	_ =	shalt  }
0x51: {  	_ =	shalt  }
0x52: {  	_ =	shalt  }
0x53: {  	_ =	shalt  }
0x54: {  	_ =	shalt  }
0x55: {  	_ =	shalt  }
0x56: {  	_ =	shalt  }
0x57: {  	_ =	shalt  }
0x58: {  	_ =	shalt  }
0x59: {  	_ =	shalt  }
0x5a: {  	_ =	shalt  }
0x5b: {  	_ =	shalt  }
0x5c: {  	_ =	shalt  }
0x5d: {  	_ =	shalt  }
0x5e: {  	_ =	shalt  }
0x5f: {  	_ =	shalt  }
0x60: {  	_ =	shalt  }
0x61: {  	_ =	shalt  }
0x62: {  	_ =	shalt  }
0x63: {  	_ =	shalt  }
0x64: {  	_ =	shalt  }
0x65: {  	_ =	shalt  }
0x66: {  	_ =	shalt  }
0x67: {  	_ =	shalt  }
0x68: {  	_ =	shalt  }
0x69: {  	_ =	shalt  }
0x6a: {  	_ =	shalt  }
0x6b: {  	_ =	shalt  }
0x6c: {  	_ =	shalt  }
0x6d: {  	_ =	shalt  }
0x6e: {  	_ =	shalt  }
0x6f: {  	_ =	shalt  }
0x70: {  	_ =	shalt  }
0x71: {  	_ =	shalt  }
0x72: {  	_ =	shalt  }
0x73: {  	_ =	shalt  }
0x74: {  	_ =	shalt  }
0x75: {  	_ =	shalt  }
0x76: {  	_ =	shalt  }
0x77: {  	_ =	shalt  }
0x78: {  	_ =	shalt  }
0x79: {  	_ =	shalt  }
0x7a: {  	_ =	shalt  }
0x7b: {  	_ =	shalt  }
0x7c: {  	_ =	shalt  }
0x7d: {  	_ =	shalt  }
0x7e: {  	_ =	shalt  }
0x7f: {  	_ =	shalt  }
0x80: {  	_ =	shalt  }
0x81: {  	_ =	shalt  }
0x82: {  	_ =	shalt  }
0x83: {  	_ =	shalt  }
0x84: {  	_ =	shalt  }
0x85: {  	_ =	shalt  }
0x86: {  	_ =	shalt  }
0x87: {  	_ =	shalt  }
.Lfunc_end0:
.L_simem_size_0:
called_computation.5_lowered:
.L_overlay_start_0:
0x88: {  	s2 =	sld [smem:$0x3FD9]  }
0x89: {  	s3 =	sld [smem:$0x3FFE];
	_ =	sdelay $0x1  }
0x8a: {  	s1 =	srdreg.scid  }
0x8b: {  	s0 =	sand.u32 $0x1, s1  }
0x8c: {  	s17 =	sshll.u32 s0, $0xA;
	s2 =	sadd.s32 s3, s2  }
0x8d: {  	s2 =	sadd.s32 s2, s17  }
0x8e: {  	[smem:$0x3FB7] =	sst s2  }
0x8f: {  	_ = 	snop  }
0x90: {  	s2 =	sld [smem:$0x3FD0];
	(tm) =	ssettm $0x1  }
0x91: {  	s18 =	sld [smem:$0x3FFB];
	_ =	sdelay $0x3  }
0x92: {  	_ =	strace s18  }
0x93: {  	s3 =	sld [smem:$0x3FFC];
	_ =	sdelay $0x3  }
0x94: {  	_ =	strace s3  }
0x95: {  	s3 =	sld [smem:$0x3FFD];
	_ =	sdelay $0x3  }
0x96: {  	_ =	strace s3  }
0x97: {  	_ =	strace $0x8FFFFFFF  }
0x98: {  	s19 =	sld [smem:$0x3FDB];
	_ =	sdelay $0x1  }
0x99: {  	s4 =	simm.s32 $_scs_section_size  }
0x9a: {  	s5 =	simm.s32 $_size__tile_overlayer_lowered;
	s6 =	simm.s32 $_tile_overlayer_lowered  }
0x9b: {  	s22 =	simm.s32 $0x1BFF;
	s21 =	sshll.u32 s6, $0x1;
	s3 =	sadd.s32 s4, s19  }
0x9c: {  	s7 =	simm.s32 $0x0;
	s20 =	sshll.u32 s5, $0x1;
	s5 =	sadd.s32 s21, s3  }
0x9d: {  	[timem:s7], [sflag:s22] =	dma.local [hbm:s5], s20  }
0x9e: {  	_ =	swait.ge [sflag:s22], s20  }
0x9f: {  	s4 =	ssub.s32 $0x0, s20;
	[sflag:s22] =	ssyncset.done $0x0  }
0xa0: {  	[sflag:s22] =	ssyncadd.s32 s4;
	_ =	sdelay $0x1  }
0xa1: {  	s23 =	simm.s32 $0x1B8B  }
0xa2: {  	_ =	swait.ge [sflag:s23], $0x1  }
0xa3: {  	[sflag:s23] =	ssyncset.done $0x0  }
0xa4: {  	s25 =	simm.s32 $0x1B8E;
	s24 =	sld [smem:$0x3FFE];
	[sflag:s23] =	ssyncadd.s32 $0xFFFFFFFF  }
0xa5: {  	s26 =	simm.s32 $execute0_lowered;
	[smem:$0x3FD2] =	sst s25  }
0xa6: {  	s5 =	sshll.u32 s26, $0x1;
	_ =	strace $0x80000055;
	[dreg:$0x1] =	wrdreg $0xFFFFFFFF  }
0xa7: {  	s28 =	simm.s32 $_size_execute0_lowered;
	s3 =	sadd.s32 s3, s5;
	[dreg:$0x0] =	wrdreg $0x0  }
0xa8: {  	s5 =	sshll.u32 s28, $0x1;
	[dreg:$0x2] =	wrdreg s3  }
0xa9: {  	[dreg:$0x3] =	wrdreg s5  }
0xaa: {  	[dreg:$0x4] =	wrdreg $0xC0  }
0xab: {  	_ =	task [dreg:s7], $0x5FFFF  }
0xac: {  	[dreg:$0x1] =	wrdreg $0xFFFFFFFF  }
0xad: {  	[dreg:$0x0] =	wrdreg $0x60  }
0xae: {  	[dreg:$0x2] =	wrdreg s24  }
0xaf: {  	[dreg:$0x3] =	wrdreg s2  }
0xb0: {  	[dreg:$0x4] =	wrdreg $0x41000  }
0xb1: {  	[dreg:$0x5] =	wrdreg $0x9  }
0xb2: {  	_ =	task.clear_ibuf [dreg:s7], $0x6FFFF;
	_ =	strace $0x90000055  }
0xb3: {  	s29 =	simm.s32 $0x9;
	_ =	strace $0x80000057  }
0xb4: {  	_ =	swait.ge [sflag:s29], $0x1  }
0xb5: {  	[sflag:s29] =	ssyncadd.s32 $0xFFFFFFFF  }
0xb6: {  	_ =	strace $0x90000057  }
0xb7: {  	_ =	sfence  }
0xb8: {  	s30 =	sld [smem:$0x0];
	_ =	sdelay $0x2  }
0xb9: {  	s31 =	sshll.u32 s1, $0xD;
	s1 =	sshrl.u32 s1, $0x2  }
0xba: {  	s3 =	sand.u32 $0x4000, s31;
	s1 =	sadd.s32 s1, s30  }
0xbb: {  	s0 =	sor.u32 s3, s0;
	s1 =	sshll.u32 s1, $0x11  }
0xbc: {  	s0 =	sor.u32 s1, s0  }
0xbd: {  	s0 =	sadd.s32 $0x8F2B, s0  }
0xbe: {  	[sflag:s0] =	ssyncadd.remote.s32 $0x1  }
0xbf: {  	_ =	sfence.sel $0xFFFF  }
0xc0: {  	[dreg:$0x0] =	wrdreg $0xFFFFFFFF;
	(pc) =	sbr.abs _section_cstart, $3  }
0xc1: {  	[dreg:$0x1] =	wrdreg $0xFFFFFFFF  }
0xc2: {  	_ =	task.clear_ibuf [dreg:s7], $0x2FFFF;
	_ =	strace $0x9FFFFFFF  }
0xc3: {  	(tm) =	ssettm $0x7FFFFFFF  }
tec
execute0_lowered:
.L_overlay_start_1:
0x0: {  	(tag) =	ssettag $0x1  }
0x1: {  	s6 =	rddreg [dreg:$0x0]  }
0x2: {  	s1 =	rddreg [dreg:$0x1]  }
0x3: {  	s3 =	rddreg [dreg:$0x2]  }
0x4: {  	s0 =	rddreg [dreg:$0x3]  }
0x5: {  	s4 =	simm.s32 $0x0;
	s2 =	stileid.u32;
	s8 =	srdreg.scid  }
0x6: {  	s22 =	simm.s32 $0x1;
	s23 =	simm.s32 $0x0;
	s7 =	smul.u32 $0x9E0, s2  }
0x7: {  	[smem:$0x7FF] =	sst s4;
	s5 =	sadd.s32 $0x19000, s6;
	s24 =	smul.u32 $0x50000, s2  }
0x8: {  	s13 =	sand.u32 $0x1, s8;
	s10 =	smul.u32 $0x14000, s2;
	s16 =	sadd.s32 $0x41000, s6  }
0x9: {  	_ =	strace $0x80000056;
	s25 =	ssub.s32 $0x2, s13;
	s19 =	smul.u32 $0x140000, s13  }
0xa: {  	s28 =	smul.u32 $0x4F0, s13;
	s15 =	sadd.s32 s7, s6;
	s26 =	sshrl.u32 s25, $0x1  }
0xb: {  	s8 =	sshrl.u32 s24, $0x2;
	s11 =	sadd.s32 $0x4000, s10;
	s14 =	sadd.s32 $0x8000, s10  }
0xc: {  	s18 =	sadd.s32 $0xC000, s10;
	s20 =	sadd.s32 $0x10000, s10;
	s17 =	ssub.s32 s25, s26  }
0xd: {  	s6 =	sadd.s32 s8, s3;
	s7 =	sadd.s32 s11, s3;
	s8 =	sadd.s32 s14, s3  }
0xe: {  	s9 =	sadd.s32 s18, s3;
	s12 =	sadd.s32 s10, s19;
	s11 =	sadd.s32 s19, s11  }
0xf: {  	s10 =	sadd.s32 s20, s3;
	s14 =	sadd.s32 s19, s14;
	s18 =	sadd.s32 s19, s18  }
0x10: {  	s30 =	sadd.s32 s19, s20;
	s31 =	sadd.s32 s28, s15;
	s19 =	simm.s32 $0x100  }
0x11: {  	s20 =	simm.s32 $0x2;
	s12 =	sshrl.u32 s12, $0x3;
	s21 =	sshrl.u32 s11, $0x3  }
0x12: {  	s14 =	sshrl.u32 s14, $0x3;
	s29 =	sshrl.u32 s18, $0x3;
	s18 =	sshrl.u32 s30, $0x3  }
0x13: {  	s11 =	sadd.s32 s16, s12;
	s12 =	sadd.s32 s16, s21;
	s13 =	sadd.s32 s16, s14  }
0x14: {  	s14 =	sadd.s32 s16, s29;
	s15 =	sadd.s32 s16, s18;
	s16 =	smax.u32 s17, $0x1  }
0x15: {  	s17 =	sadd.s32 $0xF200, s31;
	s18 =	sadd.s32 $0x5400, s31;
	s21 =	simm.s32 $0x80  }
.LBB2_1:
0x16: {  	[tilespmem:s19], [sflag:$0x2] =	stream.linear.gather [hbm4b:s1+s4], $0x4000, $0x38;
	[tilespmem:$0x18100] =	vst v63  }
0x17: {  	_ =	swait.ge [sflag:s20], $0x4000  }
0x18: {  	[sflag:s20] =	ssyncset.done $0x0  }
0x19: {  	[sflag:s20] =	ssyncadd.s32 $0xFFFFC000  }
0x1a: {  	[spmem:s6] =	stream.linear.scatter [tilespmem:s19], [sflag:$0x2], $0x4000, $0x38;
	[tilespmem:$0x18100] =	vst v63  }
0x1b: {  	_ =	swait.ge [sflag:s20], $0x4000  }
0x1c: {  	[sflag:s20] =	ssyncset.done $0x0  }
0x1d: {  	[sflag:s20] =	ssyncadd.s32 $0xFFFFC000  }
0x1e: {  	[spmem:s7] =	stream.linear.scatter [tilespmem:s19], [sflag:$0x2], $0x4000, $0x38;
	[tilespmem:$0x18100] =	vst v63  }
0x1f: {  	_ =	swait.ge [sflag:s20], $0x4000  }
0x20: {  	[sflag:s20] =	ssyncset.done $0x0  }
0x21: {  	[sflag:s20] =	ssyncadd.s32 $0xFFFFC000  }
0x22: {  	[spmem:s8] =	stream.linear.scatter [tilespmem:s19], [sflag:$0x2], $0x4000, $0x38;
	[tilespmem:$0x18100] =	vst v63  }
0x23: {  	_ =	swait.ge [sflag:s20], $0x4000  }
0x24: {  	[sflag:s20] =	ssyncset.done $0x0  }
0x25: {  	[sflag:s20] =	ssyncadd.s32 $0xFFFFC000  }
0x26: {  	[spmem:s9] =	stream.linear.scatter [tilespmem:s19], [sflag:$0x2], $0x4000, $0x38;
	[tilespmem:$0x18100] =	vst v63  }
0x27: {  	_ =	swait.ge [sflag:s20], $0x4000  }
0x28: {  	[sflag:s20] =	ssyncset.done $0x0  }
0x29: {  	[sflag:s20] =	ssyncadd.s32 $0xFFFFC000  }
0x2a: {  	[spmem:s10] =	stream.linear.scatter [tilespmem:s19], [sflag:$0x2], $0x4000, $0x38;
	[tilespmem:$0x18100] =	vst v63  }
0x2b: {  	_ =	swait.ge [sflag:s20], $0x4000  }
0x2c: {  	[sflag:s20] =	ssyncset.done $0x0  }
0x2d: {  	[sflag:s20] =	ssyncadd.s32 $0xFFFFC000  }
0x2e: {  	s24 =	sadd.s32 $0x0, s18;
	[bflag:$0x0] =	sbarrier.arrive $0xFFFF  }
0x2f: {  	[tilespmem:s21], [sflag:$0x2] =	stream.linear.gather [hbm4b:s24+s4], $0x80, $0x38;
	[tilespmem:$0x18100] =	vst v63  }
0x30: {  	_ =	swait.ge [sflag:s20], $0x80  }
0x31: {  	[sflag:s20] =	ssyncset.done $0x0  }
0x32: {  	s31 =	sadd.s32 $0x0, s17;
	[sflag:s20] =	ssyncadd.s32 $0xFFFFFF80  }
0x33: {  	[tilespmem:s4], [sflag:$0x2] =	stream.linear.gather [hbm4b:s31+s4], $0x80, $0x38;
	[tilespmem:$0x18100] =	vst v63  }
0x34: {  	_ =	swait.ge [sflag:s20], $0x80  }
0x35: {  	[sflag:s20] =	ssyncset.done $0x0  }
0x36: {  	[sflag:s20] =	ssyncadd.s32 $0xFFFFFF80  }
0x37: {  	[tilespmem:s19], [sflag:$0x1] =	stream.indirect.gather [hbm4b:s5+s21], $0x80, s4, s21, $0xb8;
	[tilespmem:$0x18100] =	vst v63  }
0x38: {  	_ =	swait.ge [sflag:s22], $0x4000  }
0x39: {  	[sflag:s22] =	ssyncset.done $0x0  }
0x3a: {  	[sflag:s22] =	ssyncadd.s32 $0xFFFFC000  }
0x3b: {  	[spmem:s3] =	stream.indirect.scatter.add.f32 [tilespmem:s19], [sflag:$0x2], $0x80, s21, s21, $0xb8;
	[tilespmem:$0x18100] =	vst v63  }
0x3c: {  	_ =	swait.ge [sflag:s20], $0x4000  }
0x3d: {  	s25 =	simm.s32 $0x20;
	s24 =	simm.s32 $0x10;
	[sflag:s20] =	ssyncset.done $0x0  }
.LBB2_2:
0x3e: {  	s26 =	sadd.s32 s24, s18  }
0x3f: {  	[sflag:s20] =	ssyncadd.s32 $0xFFFFC000;
	s28 =	smov.u32 s25;
	s29 =	sadd.s32 $0x10, s25  }
0x40: {  	[tilespmem:s21], [sflag:$0x2] =	stream.linear.gather [hbm4b:s26+s4], $0x80, $0x38;
	[tilespmem:$0x18100] =	vst v63  }
0x41: {  	p0 =	sne.s32 s25, $0x4E0;
	_ =	swait.ge [sflag:s20], $0x80  }
0x42: {  	[sflag:s20] =	ssyncset.done $0x0  }
0x43: {  	s25 =	sadd.s32 s24, s17;
	s24 =	smov.u32 s28;
	[sflag:s20] =	ssyncadd.s32 $0xFFFFFF80  }
0x44: {  	[tilespmem:s4], [sflag:$0x2] =	stream.linear.gather [hbm4b:s25+s4], $0x80, $0x38;
	[tilespmem:$0x18100] =	vst v63  }
0x45: {  	_ =	swait.ge [sflag:s20], $0x80  }
0x46: {  	[sflag:s20] =	ssyncset.done $0x0  }
0x47: {  	[sflag:s20] =	ssyncadd.s32 $0xFFFFFF80  }
0x48: {  	[tilespmem:s19], [sflag:$0x1] =	stream.indirect.gather [hbm4b:s5+s21], $0x80, s4, s21, $0xb8;
	[tilespmem:$0x18100] =	vst v63  }
0x49: {  	_ =	swait.ge [sflag:s22], $0x4000  }
.Ltmp0:
0x4a: {  	[sflag:s22] =	ssyncset.done $0x0;
	(pc) =	sbr.rel @p0 .LBB2_2-.Ltmp0, $4  }
0x4b: {  	[sflag:s22] =	ssyncadd.s32 $0xFFFFC000  }
0x4c: {  	[spmem:s3] =	stream.indirect.scatter.add.f32 [tilespmem:s19], [sflag:$0x2], $0x80, s21, s21, $0xb8;
	[tilespmem:$0x18100] =	vst v63  }
0x4d: {  	_ =	swait.ge [sflag:s20], $0x4000  }
0x4e: {  	s25 =	smov.u32 s29;
	[sflag:s20] =	ssyncset.done $0x0  }
0x4f: {  	s25 =	sadd.s32 s24, s18;
	[sflag:s20] =	ssyncadd.s32 $0xFFFFC000  }
0x50: {  	[tilespmem:s21], [sflag:$0x2] =	stream.linear.gather [hbm4b:s25+s4], $0x80, $0x38;
	[tilespmem:$0x18100] =	vst v63  }
0x51: {  	_ =	swait.ge [sflag:s20], $0x80  }
0x52: {  	[sflag:s20] =	ssyncset.done $0x0  }
0x53: {  	s31 =	sadd.s32 s24, s17;
	[sflag:s20] =	ssyncadd.s32 $0xFFFFFF80  }
0x54: {  	[tilespmem:s4], [sflag:$0x2] =	stream.linear.gather [hbm4b:s31+s4], $0x80, $0x38;
	[tilespmem:$0x18100] =	vst v63  }
0x55: {  	_ =	swait.ge [sflag:s20], $0x80  }
0x56: {  	[sflag:s20] =	ssyncset.done $0x0  }
0x57: {  	[sflag:s20] =	ssyncadd.s32 $0xFFFFFF80  }
0x58: {  	[tilespmem:s19], [sflag:$0x1] =	stream.indirect.gather [hbm4b:s5+s21], $0x80, s4, s21, $0xb8;
	[tilespmem:$0x18100] =	vst v63  }
0x59: {  	_ =	swait.ge [sflag:s22], $0x4000  }
0x5a: {  	[sflag:s22] =	ssyncset.done $0x0  }
0x5b: {  	[sflag:s22] =	ssyncadd.s32 $0xFFFFC000  }
0x5c: {  	[spmem:s3] =	stream.indirect.scatter.add.f32 [tilespmem:s19], [sflag:$0x2], $0x80, s21, s21, $0xb8;
	[tilespmem:$0x18100] =	vst v63  }
0x5d: {  	_ =	swait.ge [sflag:s20], $0x4000  }
0x5e: {  	[sflag:s20] =	ssyncset.done $0x0  }
0x5f: {  	[sflag:s20] =	ssyncadd.s32 $0xFFFFC000  }
0x60: {  	[bflag:$0x0] =	sbarrier.arrive $0xFFFF  }
0x61: {  	[tilespmem:s19], [sflag:$0x2] =	stream.linear.gather [spmem:s6], $0x4000, $0x38;
	[tilespmem:$0x18100] =	vst v63  }
0x62: {  	_ =	swait.ge [sflag:s20], $0x4000  }
0x63: {  	[sflag:s20] =	ssyncset.done $0x0  }
0x64: {  	[sflag:s20] =	ssyncadd.s32 $0xFFFFC000  }
0x65: {  	[hbm4b:s11+s4] =	stream.linear.scatter [tilespmem:s19], [sflag:$0x2], $0x4000, $0x38;
	[tilespmem:$0x18100] =	vst v63  }
0x66: {  	_ =	swait.ge [sflag:s20], $0x4000  }
0x67: {  	[sflag:s20] =	ssyncset.done $0x0  }
0x68: {  	[sflag:s20] =	ssyncadd.s32 $0xFFFFC000  }
0x69: {  	[tilespmem:s19], [sflag:$0x2] =	stream.linear.gather [spmem:s7], $0x4000, $0x38;
	[tilespmem:$0x18100] =	vst v63  }
0x6a: {  	_ =	swait.ge [sflag:s20], $0x4000  }
0x6b: {  	[sflag:s20] =	ssyncset.done $0x0  }
0x6c: {  	[sflag:s20] =	ssyncadd.s32 $0xFFFFC000  }
0x6d: {  	[hbm4b:s12+s4] =	stream.linear.scatter [tilespmem:s19], [sflag:$0x2], $0x4000, $0x38;
	[tilespmem:$0x18100] =	vst v63  }
0x6e: {  	_ =	swait.ge [sflag:s20], $0x4000  }
0x6f: {  	[sflag:s20] =	ssyncset.done $0x0  }
0x70: {  	[sflag:s20] =	ssyncadd.s32 $0xFFFFC000  }
0x71: {  	[tilespmem:s19], [sflag:$0x2] =	stream.linear.gather [spmem:s8], $0x4000, $0x38;
	[tilespmem:$0x18100] =	vst v63  }
0x72: {  	_ =	swait.ge [sflag:s20], $0x4000  }
0x73: {  	[sflag:s20] =	ssyncset.done $0x0  }
0x74: {  	[sflag:s20] =	ssyncadd.s32 $0xFFFFC000  }
0x75: {  	[hbm4b:s13+s4] =	stream.linear.scatter [tilespmem:s19], [sflag:$0x2], $0x4000, $0x38;
	[tilespmem:$0x18100] =	vst v63  }
0x76: {  	_ =	swait.ge [sflag:s20], $0x4000  }
0x77: {  	[sflag:s20] =	ssyncset.done $0x0  }
0x78: {  	[sflag:s20] =	ssyncadd.s32 $0xFFFFC000  }
0x79: {  	[tilespmem:s19], [sflag:$0x2] =	stream.linear.gather [spmem:s9], $0x4000, $0x38;
	[tilespmem:$0x18100] =	vst v63  }
0x7a: {  	_ =	swait.ge [sflag:s20], $0x4000  }
0x7b: {  	[sflag:s20] =	ssyncset.done $0x0  }
0x7c: {  	[sflag:s20] =	ssyncadd.s32 $0xFFFFC000  }
0x7d: {  	[hbm4b:s14+s4] =	stream.linear.scatter [tilespmem:s19], [sflag:$0x2], $0x4000, $0x38;
	[tilespmem:$0x18100] =	vst v63  }
0x7e: {  	_ =	swait.ge [sflag:s20], $0x4000  }
0x7f: {  	[sflag:s20] =	ssyncset.done $0x0  }
0x80: {  	[sflag:s20] =	ssyncadd.s32 $0xFFFFC000  }
0x81: {  	[tilespmem:s19], [sflag:$0x2] =	stream.linear.gather [spmem:s10], $0x4000, $0x38;
	[tilespmem:$0x18100] =	vst v63  }
0x82: {  	s23 =	sadd.s32 $0x1, s23;
	_ =	swait.ge [sflag:s20], $0x4000  }
0x83: {  	p0 =	sne.s32 s23, s16;
	[sflag:s20] =	ssyncset.done $0x0  }
.Ltmp1:
0x84: {  	[sflag:s20] =	ssyncadd.s32 $0xFFFFC000;
	(pc) =	sbr.rel @p0 .LBB2_1-.Ltmp1, $4  }
0x85: {  	[hbm4b:s15+s4] =	stream.linear.scatter [tilespmem:s19], [sflag:$0x2], $0x4000, $0x38;
	[tilespmem:$0x18100] =	vst v63  }
0x86: {  	_ =	swait.ge [sflag:s20], $0x4000  }
0x87: {  	[sflag:s20] =	ssyncset.done $0x0  }
0x88: {  	[sflag:s20] =	ssyncadd.s32 $0xFFFFC000  }
0x89: {  	_ =	sfence.sel $0x180000  }
0x8a: {  	[bflag:$0x0] =	sbarrier.arrive $0xFFFF  }
0x8b: {  	p0 =	sne.s32 s2, $0x0;
	_ =	strace $0x90000056  }
0x8c: {  	s0 =	sadd.s32 @!p0 $0x100000, s0;
	[bflag:$0x2] =	sbarrier.arrive $0xFFFF  }
0x8d: {  	[sflag:s0] =	ssyncadd.tile.s32 @!p0 $0x1;
	_ =	shalt  }
.Lfunc_end2:
_tile_overlayer_lowered:
.L_overlay_start_2:
0x8e: {  	(tag) =	ssettag $0x2  }
0x8f: {  	s0 =	rddreg [dreg:$0x0];
	s2 =	stileid.u32  }
0x90: {  	s1 =	rddreg [dreg:$0x1];
	p0 =	sne.s32 s2, $0x0  }
0x91: {  	s3 =	rddreg [dreg:$0x2];
	[bflag:$0x3] =	sbarrier.arrive $0xFFFF;
	s2 =	simm.s32 @!p0 $0x1C02  }
0x92: {  	[timem:s3], [sflag:s2] =	dma.local @!p0 [hbm:s0], s1  }
0x93: {  	s0 =	simm.s32 @!p0 $0x2  }
0x94: {  	_ =	swait.ge @!p0 [sflag:s0], s1  }
0x95: {  	s1 =	ssub.s32 @!p0 $0x0, s1;
	[sflag:s0] =	ssyncset.done @!p0 $0x0  }
0x96: {  	[sflag:s0] =	ssyncadd.s32 @!p0 s1  }
0x97: {  	[bflag:$0x3] =	sbarrier.arrive $0xFFFF  }
0x98: {  	_ =	shalt  }

// kernel: kernel.35.cloned.1.call-start
scs
__scs_entry_jumppad:
0x0: {  	(pc) =	sbr.rel $0x88, $3  }
0x1: {  	(tag) =	ssettag $0x0;
	lr =	simm.s32 $0x1  }
0x2: {  	[smem:$0x3F90] =	sst lr;
	_ =	strace $0xD0000000  }
0x3: {  	_ = 	snop  }
0x4: {  	_ = 	snop  }
0x5: {  	_ = 	snop  }
0x6: {  	_ = 	snop  }
0x7: {  	_ = 	snop  }
__scs_overlays_trampoline_lowered:
0x8: {  	[smem:$0x3F9F] =	sst s0  }
0x9: {  	[smem:$0x3FA0] =	sst s1  }
0xa: {  	[smem:$0x3FA1] =	sst s2  }
0xb: {  	[smem:$0x3FA2] =	sst s3  }
0xc: {  	[smem:$0x3FA3] =	sst s4  }
0xd: {  	[smem:$0x3FA4] =	sst s5  }
0xe: {  	[smem:$0x3FA5] =	sst s6  }
0xf: {  	[smem:$0x3FA6] =	sst s7  }
0x10: {  	[smem:$0x3FA7] =	sst s8  }
0x11: {  	[smem:$0x3FA8] =	sst s9;
	s0 =	simm.s32 @!p0 $0x0  }
0x12: {  	s1 =	sld [smem:$0x3F8E];
	s0 =	simm.s32 @p0 $0x1  }
0x13: {  	[smem:$0x3FA9] =	sst s0;
	s0 =	simm.s32 @!p1 $0x0  }
0x14: {  	s2 =	sld [smem:$0x3F8D];
	s0 =	simm.s32 @p1 $0x1  }
0x15: {  	[smem:$0x3FAA] =	sst s0;
	s0 =	simm.s32 @!p2 $0x0  }
0x16: {  	s3 =	sld [smem:$0x3FDB];
	s0 =	simm.s32 @p2 $0x1  }
0x17: {  	s4 =	simm.s32 $0x1BF5;
	[smem:$0x3FAC] =	sst s0  }
0x18: {  	s0 =	sld [smem:$0x3F8F];
	_ =	swait.ge [sflag:s4], $0x0  }
0x19: {  	s7 =	sld [smem:$0x3F90]  }
0x1a: {  	s8 =	sadd.s32 $0xFFFFE003, lr  }
0x1b: {  	s9 =	sadd.s32 $0xFFFFFEF7, lr;
	s5 =	simm.s32 $0xFFFFFFFF;
	p2 =	slt.u32 s8, $0xFFFFF086  }
0x1c: {  	p1 =	slt.u32 s9, $0xF7A;
	s5 =	simm.s32 @!p2 $0x0  }
0x1d: {  	s5 =	simm.s32 @p1 $0x1;
	p0 =	seq.s32 s7, s2  }
0x1e: {  	s7 =	smul.u32 @!p0 $0xF7A, s2;
	p2 =	seq.s32 @!p0 s5, $0x0  }
0x1f: {  	s9 =	smul.u32 $0xF7A, s1;
	s8 =	simm.s32 @!p0 $0x1BF5;
	p2 =	por !p2, p0  }
0x20: {  	[sflag:s8] =	ssyncset.s32 @!p0 $0xFFFFF086;
	s6 =	sadd.s32 @!p0 s3, s7;
	s7 =	simm.s32 @!p0 $0x108  }
0x21: {  	s3 =	sadd.s32 s3, s9;
	s6 =	sadd.s32 @!p0 $0x88, s6;
	s7 =	simm.s32 @p2 $0x1082  }
0x22: {  	[simem:s7], [sflag:s8] =	dma.local @!p0 [hbm:s6], $0xF7A  }
0x23: {  	s9 =	sor.u32 $0xD0000000, s2;
	s6 =	simm.s32 $0x108;
	_ =	swait.ge @!p0 [sflag:s8], $0x0  }
0x24: {  	s3 =	sadd.s32 $0x88, s3;
	s6 =	simm.s32 @!p1 $0x1082;
	[sflag:s4] =	ssyncset.s32 $0xFFFFF086  }
0x25: {  	[simem:s6], [sflag:s4] =	dma.local [hbm:s3], $0xF7A  }
0x26: {  	[smem:$0x3F90] =	sst s1;
	(tag) =	ssettag s2;
	_ =	strace s9  }
0x27: {  	s1 =	sld [smem:$0x3FA0]  }
0x28: {  	s2 =	sld [smem:$0x3FA1]  }
0x29: {  	s4 =	sld [smem:$0x3FA3]  }
0x2a: {  	p0 =	seq.s32 s5, $0x0;
	s5 =	sld [smem:$0x3FA4]  }
0x2b: {  	s6 =	sld [smem:$0x3FA5]  }
0x2c: {  	s7 =	sld [smem:$0x3FA6]  }
0x2d: {  	s3 =	simm.s32 $0x108;
	s8 =	sld [smem:$0x3FA7]  }
0x2e: {  	s3 =	simm.s32 @!p0 $0x1082;
	s9 =	sld [smem:$0x3FA8]  }
0x2f: {  	lr =	sadd.s32 s0, s3;
	s0 =	sld [smem:$0x3F9F]  }
0x30: {  	s3 =	sld [smem:$0x3FA2]  }
0x31: {  	[smem:$0x3FAB] =	sst s10  }
0x32: {  	s10 =	sld [smem:$0x3FA9];
	_ =	sdelay $0x3  }
0x33: {  	p0 =	seq.s32 s10, $0x1;
	s10 =	sld [smem:$0x3FAB];
	_ =	sdelay $0x3  }
0x34: {  	[smem:$0x3FAB] =	sst s10  }
0x35: {  	s10 =	sld [smem:$0x3FAA];
	_ =	sdelay $0x3  }
0x36: {  	p1 =	seq.s32 s10, $0x1;
	s10 =	sld [smem:$0x3FAB];
	_ =	sdelay $0x3  }
0x37: {  	[smem:$0x3FAB] =	sst s10  }
0x38: {  	s10 =	sld [smem:$0x3FAC]  }
0x39: {  	_ = 	snop;
	(pc) =	sbr.ind lr, $3  }
0x3a: {  	_ = 	snop  }
0x3b: {  	_ = 	snop  }
0x3c: {  	p2 =	seq.s32 s10, $0x1;
	s10 =	sld [smem:$0x3FAB]  }
0x3d: {  	_ =	shalt  }
0x3e: {  	_ =	shalt  }
0x3f: {  	_ =	shalt  }
0x40: {  	_ =	shalt  }
0x41: {  	_ =	shalt  }
0x42: {  	_ =	shalt  }
0x43: {  	_ =	shalt  }
0x44: {  	_ =	shalt  }
0x45: {  	_ =	shalt  }
0x46: {  	_ =	shalt  }
0x47: {  	_ =	shalt  }
0x48: {  	_ =	shalt  }
0x49: {  	_ =	shalt  }
0x4a: {  	_ =	shalt  }
0x4b: {  	_ =	shalt  }
0x4c: {  	_ =	shalt  }
0x4d: {  	_ =	shalt  }
0x4e: {  	_ =	shalt  }
0x4f: {  	_ =	shalt  }
0x50: {  	_ =	shalt  }
0x51: {  	_ =	shalt  }
0x52: {  	_ =	shalt  }
0x53: {  	_ =	shalt  }
0x54: {  	_ =	shalt  }
0x55: {  	_ =	shalt  }
0x56: {  	_ =	shalt  }
0x57: {  	_ =	shalt  }
0x58: {  	_ =	shalt  }
0x59: {  	_ =	shalt  }
0x5a: {  	_ =	shalt  }
0x5b: {  	_ =	shalt  }
0x5c: {  	_ =	shalt  }
0x5d: {  	_ =	shalt  }
0x5e: {  	_ =	shalt  }
0x5f: {  	_ =	shalt  }
0x60: {  	_ =	shalt  }
0x61: {  	_ =	shalt  }
0x62: {  	_ =	shalt  }
0x63: {  	_ =	shalt  }
0x64: {  	_ =	shalt  }
0x65: {  	_ =	shalt  }
0x66: {  	_ =	shalt  }
0x67: {  	_ =	shalt  }
0x68: {  	_ =	shalt  }
0x69: {  	_ =	shalt  }
0x6a: {  	_ =	shalt  }
0x6b: {  	_ =	shalt  }
0x6c: {  	_ =	shalt  }
0x6d: {  	_ =	shalt  }
0x6e: {  	_ =	shalt  }
0x6f: {  	_ =	shalt  }
0x70: {  	_ =	shalt  }
0x71: {  	_ =	shalt  }
0x72: {  	_ =	shalt  }
0x73: {  	_ =	shalt  }
0x74: {  	_ =	shalt  }
0x75: {  	_ =	shalt  }
0x76: {  	_ =	shalt  }
0x77: {  	_ =	shalt  }
0x78: {  	_ =	shalt  }
0x79: {  	_ =	shalt  }
0x7a: {  	_ =	shalt  }
0x7b: {  	_ =	shalt  }
0x7c: {  	_ =	shalt  }
0x7d: {  	_ =	shalt  }
0x7e: {  	_ =	shalt  }
0x7f: {  	_ =	shalt  }
0x80: {  	_ =	shalt  }
0x81: {  	_ =	shalt  }
0x82: {  	_ =	shalt  }
0x83: {  	_ =	shalt  }
0x84: {  	_ =	shalt  }
0x85: {  	_ =	shalt  }
0x86: {  	_ =	shalt  }
0x87: {  	_ =	shalt  }
.Lfunc_end0:
.L_simem_size_0:
called_computation.6_lowered:
.L_overlay_start_0:
0x88: {  	s2 =	sld [smem:$0x3FD9]  }
0x89: {  	s3 =	sld [smem:$0x3FFE];
	_ =	sdelay $0x1  }
0x8a: {  	s1 =	srdreg.scid  }
0x8b: {  	s0 =	sand.u32 $0x1, s1  }
0x8c: {  	s17 =	sshll.u32 s0, $0xA;
	s2 =	sadd.s32 s3, s2  }
0x8d: {  	s2 =	sadd.s32 s2, s17  }
0x8e: {  	[smem:$0x3FB7] =	sst s2  }
0x8f: {  	_ = 	snop  }
0x90: {  	s2 =	sld [smem:$0x3FD0];
	(tm) =	ssettm $0x1  }
0x91: {  	s18 =	sld [smem:$0x3FFB];
	_ =	sdelay $0x3  }
0x92: {  	_ =	strace s18  }
0x93: {  	s3 =	sld [smem:$0x3FFC];
	_ =	sdelay $0x3  }
0x94: {  	_ =	strace s3  }
0x95: {  	s3 =	sld [smem:$0x3FFD];
	_ =	sdelay $0x3  }
0x96: {  	_ =	strace s3  }
0x97: {  	_ =	strace $0x8FFFFFFF  }
0x98: {  	s19 =	sld [smem:$0x3FDB];
	_ =	sdelay $0x1  }
0x99: {  	s4 =	simm.s32 $_scs_section_size  }
0x9a: {  	s5 =	simm.s32 $_size__tile_overlayer_lowered;
	s6 =	simm.s32 $_tile_overlayer_lowered  }
0x9b: {  	s22 =	simm.s32 $0x1BFF;
	s21 =	sshll.u32 s6, $0x1;
	s3 =	sadd.s32 s4, s19  }
0x9c: {  	s7 =	simm.s32 $0x0;
	s20 =	sshll.u32 s5, $0x1;
	s5 =	sadd.s32 s21, s3  }
0x9d: {  	[timem:s7], [sflag:s22] =	dma.local [hbm:s5], s20  }
0x9e: {  	_ =	swait.ge [sflag:s22], s20  }
0x9f: {  	s4 =	ssub.s32 $0x0, s20;
	[sflag:s22] =	ssyncset.done $0x0  }
0xa0: {  	[sflag:s22] =	ssyncadd.s32 s4;
	_ =	sdelay $0x1  }
0xa1: {  	s23 =	simm.s32 $0x1B8B  }
0xa2: {  	_ =	swait.ge [sflag:s23], $0x1  }
0xa3: {  	[sflag:s23] =	ssyncset.done $0x0  }
0xa4: {  	s25 =	simm.s32 $0x1B8E;
	s24 =	sld [smem:$0x3FFE];
	[sflag:s23] =	ssyncadd.s32 $0xFFFFFFFF  }
0xa5: {  	s26 =	simm.s32 $execute0_lowered;
	[smem:$0x3FD2] =	sst s25  }
0xa6: {  	s5 =	sshll.u32 s26, $0x1;
	_ =	strace $0x80000058;
	[dreg:$0x1] =	wrdreg $0xFFFFFFFF  }
0xa7: {  	s28 =	simm.s32 $_size_execute0_lowered;
	s3 =	sadd.s32 s3, s5;
	[dreg:$0x0] =	wrdreg $0x0  }
0xa8: {  	s5 =	sshll.u32 s28, $0x1;
	[dreg:$0x2] =	wrdreg s3  }
0xa9: {  	[dreg:$0x3] =	wrdreg s5  }
0xaa: {  	[dreg:$0x4] =	wrdreg $0xC0  }
0xab: {  	_ =	task [dreg:s7], $0x5FFFF  }
0xac: {  	[dreg:$0x1] =	wrdreg $0xFFFFFFFF  }
0xad: {  	[dreg:$0x0] =	wrdreg $0x60  }
0xae: {  	[dreg:$0x2] =	wrdreg s24  }
0xaf: {  	[dreg:$0x3] =	wrdreg s2  }
0xb0: {  	[dreg:$0x4] =	wrdreg $0x41000  }
0xb1: {  	[dreg:$0x5] =	wrdreg $0x9  }
0xb2: {  	_ =	task.clear_ibuf [dreg:s7], $0x6FFFF;
	_ =	strace $0x90000058  }
0xb3: {  	s29 =	simm.s32 $0x9;
	_ =	strace $0x8000005A  }
0xb4: {  	_ =	swait.ge [sflag:s29], $0x1  }
0xb5: {  	[sflag:s29] =	ssyncadd.s32 $0xFFFFFFFF  }
0xb6: {  	_ =	strace $0x9000005A  }
0xb7: {  	_ =	sfence  }
0xb8: {  	s30 =	sld [smem:$0x0];
	_ =	sdelay $0x2  }
0xb9: {  	s31 =	sshll.u32 s1, $0xD;
	s1 =	sshrl.u32 s1, $0x2  }
0xba: {  	s3 =	sand.u32 $0x4000, s31;
	s1 =	sadd.s32 s1, s30  }
0xbb: {  	s0 =	sor.u32 s3, s0;
	s1 =	sshll.u32 s1, $0x11  }
0xbc: {  	s0 =	sor.u32 s1, s0  }
0xbd: {  	s0 =	sadd.s32 $0x8F2B, s0  }
0xbe: {  	[sflag:s0] =	ssyncadd.remote.s32 $0x1  }
0xbf: {  	_ =	sfence.sel $0xFFFF  }
0xc0: {  	[dreg:$0x0] =	wrdreg $0xFFFFFFFF;
	(pc) =	sbr.abs _section_cstart, $3  }
0xc1: {  	[dreg:$0x1] =	wrdreg $0xFFFFFFFF  }
0xc2: {  	_ =	task.clear_ibuf [dreg:s7], $0x2FFFF;
	_ =	strace $0x9FFFFFFF  }
0xc3: {  	(tm) =	ssettm $0x7FFFFFFF  }
tec
execute0_lowered:
.L_overlay_start_1:
0x0: {  	(tag) =	ssettag $0x1  }
0x1: {  	s6 =	rddreg [dreg:$0x0]  }
0x2: {  	s1 =	rddreg [dreg:$0x1]  }
0x3: {  	s3 =	rddreg [dreg:$0x2]  }
0x4: {  	s0 =	rddreg [dreg:$0x3]  }
0x5: {  	s4 =	simm.s32 $0x0;
	s2 =	stileid.u32;
	s8 =	srdreg.scid  }
0x6: {  	s22 =	simm.s32 $0x1;
	s23 =	simm.s32 $0x0;
	s7 =	smul.u32 $0x9E0, s2  }
0x7: {  	[smem:$0x7FF] =	sst s4;
	s5 =	sadd.s32 $0x19000, s6;
	s24 =	smul.u32 $0x50000, s2  }
0x8: {  	s13 =	sand.u32 $0x1, s8;
	s10 =	smul.u32 $0x14000, s2;
	s16 =	sadd.s32 $0x41000, s6  }
0x9: {  	_ =	strace $0x80000059;
	s25 =	ssub.s32 $0x2, s13;
	s19 =	smul.u32 $0x140000, s13  }
0xa: {  	s28 =	smul.u32 $0x4F0, s13;
	s15 =	sadd.s32 s7, s6;
	s26 =	sshrl.u32 s25, $0x1  }
0xb: {  	s8 =	sshrl.u32 s24, $0x2;
	s11 =	sadd.s32 $0x4000, s10;
	s14 =	sadd.s32 $0x8000, s10  }
0xc: {  	s18 =	sadd.s32 $0xC000, s10;
	s20 =	sadd.s32 $0x10000, s10;
	s17 =	ssub.s32 s25, s26  }
0xd: {  	s6 =	sadd.s32 s8, s3;
	s7 =	sadd.s32 s11, s3;
	s8 =	sadd.s32 s14, s3  }
0xe: {  	s9 =	sadd.s32 s18, s3;
	s12 =	sadd.s32 s10, s19;
	s11 =	sadd.s32 s19, s11  }
0xf: {  	s10 =	sadd.s32 s20, s3;
	s14 =	sadd.s32 s19, s14;
	s18 =	sadd.s32 s19, s18  }
0x10: {  	s30 =	sadd.s32 s19, s20;
	s31 =	sadd.s32 s28, s15;
	s19 =	simm.s32 $0x100  }
0x11: {  	s20 =	simm.s32 $0x2;
	s12 =	sshrl.u32 s12, $0x3;
	s21 =	sshrl.u32 s11, $0x3  }
0x12: {  	s14 =	sshrl.u32 s14, $0x3;
	s29 =	sshrl.u32 s18, $0x3;
	s18 =	sshrl.u32 s30, $0x3  }
0x13: {  	s11 =	sadd.s32 s16, s12;
	s12 =	sadd.s32 s16, s21;
	s13 =	sadd.s32 s16, s14  }
0x14: {  	s14 =	sadd.s32 s16, s29;
	s15 =	sadd.s32 s16, s18;
	s16 =	smax.u32 s17, $0x1  }
0x15: {  	s17 =	sadd.s32 $0xF200, s31;
	s18 =	sadd.s32 $0x5400, s31;
	s21 =	simm.s32 $0x80  }
.LBB2_1:
0x16: {  	[tilespmem:s19], [sflag:$0x2] =	stream.linear.gather [hbm4b:s1+s4], $0x4000, $0x38;
	[tilespmem:$0x18100] =	vst v63  }
0x17: {  	_ =	swait.ge [sflag:s20], $0x4000  }
0x18: {  	[sflag:s20] =	ssyncset.done $0x0  }
0x19: {  	[sflag:s20] =	ssyncadd.s32 $0xFFFFC000  }
0x1a: {  	[spmem:s6] =	stream.linear.scatter [tilespmem:s19], [sflag:$0x2], $0x4000, $0x38;
	[tilespmem:$0x18100] =	vst v63  }
0x1b: {  	_ =	swait.ge [sflag:s20], $0x4000  }
0x1c: {  	[sflag:s20] =	ssyncset.done $0x0  }
0x1d: {  	[sflag:s20] =	ssyncadd.s32 $0xFFFFC000  }
0x1e: {  	[spmem:s7] =	stream.linear.scatter [tilespmem:s19], [sflag:$0x2], $0x4000, $0x38;
	[tilespmem:$0x18100] =	vst v63  }
0x1f: {  	_ =	swait.ge [sflag:s20], $0x4000  }
0x20: {  	[sflag:s20] =	ssyncset.done $0x0  }
0x21: {  	[sflag:s20] =	ssyncadd.s32 $0xFFFFC000  }
0x22: {  	[spmem:s8] =	stream.linear.scatter [tilespmem:s19], [sflag:$0x2], $0x4000, $0x38;
	[tilespmem:$0x18100] =	vst v63  }
0x23: {  	_ =	swait.ge [sflag:s20], $0x4000  }
0x24: {  	[sflag:s20] =	ssyncset.done $0x0  }
0x25: {  	[sflag:s20] =	ssyncadd.s32 $0xFFFFC000  }
0x26: {  	[spmem:s9] =	stream.linear.scatter [tilespmem:s19], [sflag:$0x2], $0x4000, $0x38;
	[tilespmem:$0x18100] =	vst v63  }
0x27: {  	_ =	swait.ge [sflag:s20], $0x4000  }
0x28: {  	[sflag:s20] =	ssyncset.done $0x0  }
0x29: {  	[sflag:s20] =	ssyncadd.s32 $0xFFFFC000  }
0x2a: {  	[spmem:s10] =	stream.linear.scatter [tilespmem:s19], [sflag:$0x2], $0x4000, $0x38;
	[tilespmem:$0x18100] =	vst v63  }
0x2b: {  	_ =	swait.ge [sflag:s20], $0x4000  }
0x2c: {  	[sflag:s20] =	ssyncset.done $0x0  }
0x2d: {  	[sflag:s20] =	ssyncadd.s32 $0xFFFFC000  }
0x2e: {  	s24 =	sadd.s32 $0x0, s18;
	[bflag:$0x0] =	sbarrier.arrive $0xFFFF  }
0x2f: {  	[tilespmem:s21], [sflag:$0x2] =	stream.linear.gather [hbm4b:s24+s4], $0x80, $0x38;
	[tilespmem:$0x18100] =	vst v63  }
0x30: {  	_ =	swait.ge [sflag:s20], $0x80  }
0x31: {  	[sflag:s20] =	ssyncset.done $0x0  }
0x32: {  	s31 =	sadd.s32 $0x0, s17;
	[sflag:s20] =	ssyncadd.s32 $0xFFFFFF80  }
0x33: {  	[tilespmem:s4], [sflag:$0x2] =	stream.linear.gather [hbm4b:s31+s4], $0x80, $0x38;
	[tilespmem:$0x18100] =	vst v63  }
0x34: {  	_ =	swait.ge [sflag:s20], $0x80  }
0x35: {  	[sflag:s20] =	ssyncset.done $0x0  }
0x36: {  	[sflag:s20] =	ssyncadd.s32 $0xFFFFFF80  }
0x37: {  	[tilespmem:s19], [sflag:$0x1] =	stream.indirect.gather [hbm4b:s5+s21], $0x80, s4, s21, $0xb8;
	[tilespmem:$0x18100] =	vst v63  }
0x38: {  	_ =	swait.ge [sflag:s22], $0x4000  }
0x39: {  	[sflag:s22] =	ssyncset.done $0x0  }
0x3a: {  	[sflag:s22] =	ssyncadd.s32 $0xFFFFC000  }
0x3b: {  	[spmem:s3] =	stream.indirect.scatter.add.f32 [tilespmem:s19], [sflag:$0x2], $0x80, s21, s21, $0xb8;
	[tilespmem:$0x18100] =	vst v63  }
0x3c: {  	_ =	swait.ge [sflag:s20], $0x4000  }
0x3d: {  	s25 =	simm.s32 $0x20;
	s24 =	simm.s32 $0x10;
	[sflag:s20] =	ssyncset.done $0x0  }
.LBB2_2:
0x3e: {  	s26 =	sadd.s32 s24, s18  }
0x3f: {  	[sflag:s20] =	ssyncadd.s32 $0xFFFFC000;
	s28 =	smov.u32 s25;
	s29 =	sadd.s32 $0x10, s25  }
0x40: {  	[tilespmem:s21], [sflag:$0x2] =	stream.linear.gather [hbm4b:s26+s4], $0x80, $0x38;
	[tilespmem:$0x18100] =	vst v63  }
0x41: {  	p0 =	sne.s32 s25, $0x4E0;
	_ =	swait.ge [sflag:s20], $0x80  }
0x42: {  	[sflag:s20] =	ssyncset.done $0x0  }
0x43: {  	s25 =	sadd.s32 s24, s17;
	s24 =	smov.u32 s28;
	[sflag:s20] =	ssyncadd.s32 $0xFFFFFF80  }
0x44: {  	[tilespmem:s4], [sflag:$0x2] =	stream.linear.gather [hbm4b:s25+s4], $0x80, $0x38;
	[tilespmem:$0x18100] =	vst v63  }
0x45: {  	_ =	swait.ge [sflag:s20], $0x80  }
0x46: {  	[sflag:s20] =	ssyncset.done $0x0  }
0x47: {  	[sflag:s20] =	ssyncadd.s32 $0xFFFFFF80  }
0x48: {  	[tilespmem:s19], [sflag:$0x1] =	stream.indirect.gather [hbm4b:s5+s21], $0x80, s4, s21, $0xb8;
	[tilespmem:$0x18100] =	vst v63  }
0x49: {  	_ =	swait.ge [sflag:s22], $0x4000  }
.Ltmp0:
0x4a: {  	[sflag:s22] =	ssyncset.done $0x0;
	(pc) =	sbr.rel @p0 .LBB2_2-.Ltmp0, $4  }
0x4b: {  	[sflag:s22] =	ssyncadd.s32 $0xFFFFC000  }
0x4c: {  	[spmem:s3] =	stream.indirect.scatter.add.f32 [tilespmem:s19], [sflag:$0x2], $0x80, s21, s21, $0xb8;
	[tilespmem:$0x18100] =	vst v63  }
0x4d: {  	_ =	swait.ge [sflag:s20], $0x4000  }
0x4e: {  	s25 =	smov.u32 s29;
	[sflag:s20] =	ssyncset.done $0x0  }
0x4f: {  	s25 =	sadd.s32 s24, s18;
	[sflag:s20] =	ssyncadd.s32 $0xFFFFC000  }
0x50: {  	[tilespmem:s21], [sflag:$0x2] =	stream.linear.gather [hbm4b:s25+s4], $0x80, $0x38;
	[tilespmem:$0x18100] =	vst v63  }
0x51: {  	_ =	swait.ge [sflag:s20], $0x80  }
0x52: {  	[sflag:s20] =	ssyncset.done $0x0  }
0x53: {  	s31 =	sadd.s32 s24, s17;
	[sflag:s20] =	ssyncadd.s32 $0xFFFFFF80  }
0x54: {  	[tilespmem:s4], [sflag:$0x2] =	stream.linear.gather [hbm4b:s31+s4], $0x80, $0x38;
	[tilespmem:$0x18100] =	vst v63  }
0x55: {  	_ =	swait.ge [sflag:s20], $0x80  }
0x56: {  	[sflag:s20] =	ssyncset.done $0x0  }
0x57: {  	[sflag:s20] =	ssyncadd.s32 $0xFFFFFF80  }
0x58: {  	[tilespmem:s19], [sflag:$0x1] =	stream.indirect.gather [hbm4b:s5+s21], $0x80, s4, s21, $0xb8;
	[tilespmem:$0x18100] =	vst v63  }
0x59: {  	_ =	swait.ge [sflag:s22], $0x4000  }
0x5a: {  	[sflag:s22] =	ssyncset.done $0x0  }
0x5b: {  	[sflag:s22] =	ssyncadd.s32 $0xFFFFC000  }
0x5c: {  	[spmem:s3] =	stream.indirect.scatter.add.f32 [tilespmem:s19], [sflag:$0x2], $0x80, s21, s21, $0xb8;
	[tilespmem:$0x18100] =	vst v63  }
0x5d: {  	_ =	swait.ge [sflag:s20], $0x4000  }
0x5e: {  	[sflag:s20] =	ssyncset.done $0x0  }
0x5f: {  	[sflag:s20] =	ssyncadd.s32 $0xFFFFC000  }
0x60: {  	[bflag:$0x0] =	sbarrier.arrive $0xFFFF  }
0x61: {  	[tilespmem:s19], [sflag:$0x2] =	stream.linear.gather [spmem:s6], $0x4000, $0x38;
	[tilespmem:$0x18100] =	vst v63  }
0x62: {  	_ =	swait.ge [sflag:s20], $0x4000  }
0x63: {  	[sflag:s20] =	ssyncset.done $0x0  }
0x64: {  	[sflag:s20] =	ssyncadd.s32 $0xFFFFC000  }
0x65: {  	[hbm4b:s11+s4] =	stream.linear.scatter [tilespmem:s19], [sflag:$0x2], $0x4000, $0x38;
	[tilespmem:$0x18100] =	vst v63  }
0x66: {  	_ =	swait.ge [sflag:s20], $0x4000  }
0x67: {  	[sflag:s20] =	ssyncset.done $0x0  }
0x68: {  	[sflag:s20] =	ssyncadd.s32 $0xFFFFC000  }
0x69: {  	[tilespmem:s19], [sflag:$0x2] =	stream.linear.gather [spmem:s7], $0x4000, $0x38;
	[tilespmem:$0x18100] =	vst v63  }
0x6a: {  	_ =	swait.ge [sflag:s20], $0x4000  }
0x6b: {  	[sflag:s20] =	ssyncset.done $0x0  }
0x6c: {  	[sflag:s20] =	ssyncadd.s32 $0xFFFFC000  }
0x6d: {  	[hbm4b:s12+s4] =	stream.linear.scatter [tilespmem:s19], [sflag:$0x2], $0x4000, $0x38;
	[tilespmem:$0x18100] =	vst v63  }
0x6e: {  	_ =	swait.ge [sflag:s20], $0x4000  }
0x6f: {  	[sflag:s20] =	ssyncset.done $0x0  }
0x70: {  	[sflag:s20] =	ssyncadd.s32 $0xFFFFC000  }
0x71: {  	[tilespmem:s19], [sflag:$0x2] =	stream.linear.gather [spmem:s8], $0x4000, $0x38;
	[tilespmem:$0x18100] =	vst v63  }
0x72: {  	_ =	swait.ge [sflag:s20], $0x4000  }
0x73: {  	[sflag:s20] =	ssyncset.done $0x0  }
0x74: {  	[sflag:s20] =	ssyncadd.s32 $0xFFFFC000  }
0x75: {  	[hbm4b:s13+s4] =	stream.linear.scatter [tilespmem:s19], [sflag:$0x2], $0x4000, $0x38;
	[tilespmem:$0x18100] =	vst v63  }
0x76: {  	_ =	swait.ge [sflag:s20], $0x4000  }
0x77: {  	[sflag:s20] =	ssyncset.done $0x0  }
0x78: {  	[sflag:s20] =	ssyncadd.s32 $0xFFFFC000  }
0x79: {  	[tilespmem:s19], [sflag:$0x2] =	stream.linear.gather [spmem:s9], $0x4000, $0x38;
	[tilespmem:$0x18100] =	vst v63  }
0x7a: {  	_ =	swait.ge [sflag:s20], $0x4000  }
0x7b: {  	[sflag:s20] =	ssyncset.done $0x0  }
0x7c: {  	[sflag:s20] =	ssyncadd.s32 $0xFFFFC000  }
0x7d: {  	[hbm4b:s14+s4] =	stream.linear.scatter [tilespmem:s19], [sflag:$0x2], $0x4000, $0x38;
	[tilespmem:$0x18100] =	vst v63  }
0x7e: {  	_ =	swait.ge [sflag:s20], $0x4000  }
0x7f: {  	[sflag:s20] =	ssyncset.done $0x0  }
0x80: {  	[sflag:s20] =	ssyncadd.s32 $0xFFFFC000  }
0x81: {  	[tilespmem:s19], [sflag:$0x2] =	stream.linear.gather [spmem:s10], $0x4000, $0x38;
	[tilespmem:$0x18100] =	vst v63  }
0x82: {  	s23 =	sadd.s32 $0x1, s23;
	_ =	swait.ge [sflag:s20], $0x4000  }
0x83: {  	p0 =	sne.s32 s23, s16;
	[sflag:s20] =	ssyncset.done $0x0  }
.Ltmp1:
0x84: {  	[sflag:s20] =	ssyncadd.s32 $0xFFFFC000;
	(pc) =	sbr.rel @p0 .LBB2_1-.Ltmp1, $4  }
0x85: {  	[hbm4b:s15+s4] =	stream.linear.scatter [tilespmem:s19], [sflag:$0x2], $0x4000, $0x38;
	[tilespmem:$0x18100] =	vst v63  }
0x86: {  	_ =	swait.ge [sflag:s20], $0x4000  }
0x87: {  	[sflag:s20] =	ssyncset.done $0x0  }
0x88: {  	[sflag:s20] =	ssyncadd.s32 $0xFFFFC000  }
0x89: {  	_ =	sfence.sel $0x180000  }
0x8a: {  	[bflag:$0x0] =	sbarrier.arrive $0xFFFF  }
0x8b: {  	p0 =	sne.s32 s2, $0x0;
	_ =	strace $0x90000059  }
0x8c: {  	s0 =	sadd.s32 @!p0 $0x100000, s0;
	[bflag:$0x2] =	sbarrier.arrive $0xFFFF  }
0x8d: {  	[sflag:s0] =	ssyncadd.tile.s32 @!p0 $0x1;
	_ =	shalt  }
.Lfunc_end2:
_tile_overlayer_lowered:
.L_overlay_start_2:
0x8e: {  	(tag) =	ssettag $0x2  }
0x8f: {  	s0 =	rddreg [dreg:$0x0];
	s2 =	stileid.u32  }
0x90: {  	s1 =	rddreg [dreg:$0x1];
	p0 =	sne.s32 s2, $0x0  }
0x91: {  	s3 =	rddreg [dreg:$0x2];
	[bflag:$0x3] =	sbarrier.arrive $0xFFFF;
	s2 =	simm.s32 @!p0 $0x1C02  }
0x92: {  	[timem:s3], [sflag:s2] =	dma.local @!p0 [hbm:s0], s1  }
0x93: {  	s0 =	simm.s32 @!p0 $0x2  }
0x94: {  	_ =	swait.ge @!p0 [sflag:s0], s1  }
0x95: {  	s1 =	ssub.s32 @!p0 $0x0, s1;
	[sflag:s0] =	ssyncset.done @!p0 $0x0  }
0x96: {  	[sflag:s0] =	ssyncadd.s32 @!p0 s1  }
0x97: {  	[bflag:$0x3] =	sbarrier.arrive $0xFFFF  }
0x98: {  	_ =	shalt  }

</sc_bundles>
